<compile_context>
chip_gen: v7x
topology: tpu7x:2x2x1
jax: 0.10.2.dev20260603
libtpu: 0.0.44.dev20260713+nightly
codegen_flags: <defaults>
</compile_context>

<pallas_src>
import jax
import jax.numpy as jnp
from jax import lax
from jax.experimental import pallas as pl
from jax.experimental.pallas import tpu as pltpu
from jax.experimental.pallas import tpu_sc as plsc

VOCAB = 1000000
DIM = 64
B = 16384
L = 50

N = B * L
NC, NS = 2, 16
NW = NC * NS
N_PER_W = N // NW
CH = 2 * L
N_CHUNKS = N_PER_W // CH
PH = 2
CPP = N_CHUNKS // PH
K = 4
D = 2 * K
LP = 56
R_TOT = B * LP
RPW = R_TOT // NW


def _emb_body(idx_hbm, table_hbm, out_hbm, idx_v, rows_v, *sems):
    gsem = sems[:D]
    osem = sems[D:]
    cid = lax.axis_index("c")
    sid = lax.axis_index("s")
    wid = sid * NC + cid
    rbase = wid * RPW

    def gather_fire(mloc, b):
        pltpu.async_copy(table_hbm.at[idx_v.at[mloc]], rows_v.at[b], gsem[b])

    def gather_wait(b):
        pltpu.make_async_copy(
            table_hbm.at[pl.ds(0, CH)], rows_v.at[b], gsem[b]
        ).wait()

    def out_fire(ph, mloc, b):
        ro = rbase + (ph * CPP + mloc) * (2 * LP)
        pltpu.async_copy(
            rows_v.at[b, pl.ds(0, L), pl.ds(0, DIM)],
            out_hbm.at[pl.ds(ro, L), pl.ds(0, DIM)],
            osem[b],
        )
        pltpu.async_copy(
            rows_v.at[b, pl.ds(L, L), pl.ds(0, DIM)],
            out_hbm.at[pl.ds(ro + LP, L), pl.ds(0, DIM)],
            osem[b],
        )

    def out_wait(b):
        for _ in range(2):
            pltpu.make_async_copy(
                rows_v.at[b, pl.ds(0, L), pl.ds(0, DIM)],
                out_hbm.at[pl.ds(0, L), pl.ds(0, DIM)],
                osem[b],
            ).wait()

    for ph in range(PH):
        pltpu.sync_copy(idx_hbm.at[wid, pl.ds(ph * CPP, CPP)], idx_v)

        for b in range(K):
            gather_fire(b, b)
        for j in range(K):
            gather_fire(j + K, j + K)
            gather_wait(j % D)
            out_fire(ph, j, j % D)

        def group(g, carry):
            j0 = K + g * D
            for i in range(D):
                b = (K + i) % D
                bf = (K + i + K) % D
                j = j0 + i
                out_wait(bf)
                gather_fire(j + K, bf)
                gather_wait(b)
                out_fire(ph, j, b)
            return carry

        lax.fori_loop(0, (CPP - 2 * K) // D, group, 0)

        for i in range(K):
            j = CPP - K + i
            b = j % D
            out_wait((j + K) % D)
            gather_wait(b)
            out_fire(ph, j, b)
        for i in range(K):
            j = CPP - K + i
            out_wait(j % D)


@jax.jit
def _emb_lookup(idx, emb_weight):
    idxg = idx.reshape(NW, N_CHUNKS, CH).astype(jnp.int32)
    wp = jnp.pad(emb_weight, ((0, 0), (0, 128 - DIM)))
    mesh = plsc.VectorSubcoreMesh(core_axis_name="c", subcore_axis_name="s")
    run = pl.kernel(
        _emb_body,
        out_type=jax.ShapeDtypeStruct((R_TOT, 128), jnp.float32),
        mesh=mesh,
        scratch_types=[
            pltpu.VMEM((CPP, CH), jnp.int32),
            pltpu.VMEM((D, CH, 128), jnp.float32),
        ] + [pltpu.SemaphoreType.DMA] * (2 * D),
        compiler_params=pltpu.CompilerParams(use_tc_tiling_on_sc=False),
    )
    op = run(idxg, wp)
    return op.reshape(B, LP, 128)[:, :L, :DIM]


def kernel(idx, emb_weight):
    return _emb_lookup(idx, emb_weight)

# --- scband reference (transcript-rebuilt; emitter-appended) ---
"""Pipeline reference for scband-material-embedding-53395033424426 (READ-ONLY COPY).

The authoritative reference and input builder live on the scoring server;
editing this copy changes nothing except your own understanding.
"""

import jax, jax.numpy as jnp
import numpy as np

VOCAB = 1000000
DIM = 64
B = 16384
L = 50

def setup_inputs(seed: int = 0) -> dict:
    key = jax.random.key(seed)
    k_idx, k_emb = jax.random.split(key)
    idx = jax.random.randint(k_idx, (B, L), 0, VOCAB, dtype=jnp.int64 if jax.config.jax_enable_x64 else jnp.int32)
    emb_weight = jax.random.normal(k_emb, (VOCAB, DIM), dtype=jnp.float32)
    return {"idx": idx, "emb_weight": emb_weight}

def reference(idx, emb_weight):
    # torch.nn.Embedding forward: row gather from the embedding table
    return jnp.take(emb_weight, idx, axis=0)

if __name__ == "__main__":
    import jax
    _d = setup_inputs()
    print(jax.jit(kernel)(*tuple(_d.values())))

</pallas_src>

<mosaic_0001>
#map = affine_map<(d0, d1) -> (0, 0, 0)>
#map1 = affine_map<(d0, d1) -> (0, 0)>
module attributes {stable_mosaic.version = 14 : i64} {
  func.func @_emb_body(%arg0: i32, %arg1: i32, %arg2: memref<32x256x100xi32, #tpu.memory_space<hbm>>, %arg3: memref<1000000x128xf32, #tpu.memory_space<hbm>>, %arg4: memref<917504x128xf32, #tpu.memory_space<hbm>>, %arg5: memref<128x100xi32, #tpu.memory_space<vmem>>, %arg6: memref<8x100x128xf32, #tpu.memory_space<vmem>>, %arg7: memref<!tpu.dma_semaphore, #tpu.memory_space<semaphore_mem>>, %arg8: memref<!tpu.dma_semaphore, #tpu.memory_space<semaphore_mem>>, %arg9: memref<!tpu.dma_semaphore, #tpu.memory_space<semaphore_mem>>, %arg10: memref<!tpu.dma_semaphore, #tpu.memory_space<semaphore_mem>>, %arg11: memref<!tpu.dma_semaphore, #tpu.memory_space<semaphore_mem>>, %arg12: memref<!tpu.dma_semaphore, #tpu.memory_space<semaphore_mem>>, %arg13: memref<!tpu.dma_semaphore, #tpu.memory_space<semaphore_mem>>, %arg14: memref<!tpu.dma_semaphore, #tpu.memory_space<semaphore_mem>>, %arg15: memref<!tpu.dma_semaphore, #tpu.memory_space<semaphore_mem>>, %arg16: memref<!tpu.dma_semaphore, #tpu.memory_space<semaphore_mem>>, %arg17: memref<!tpu.dma_semaphore, #tpu.memory_space<semaphore_mem>>, %arg18: memref<!tpu.dma_semaphore, #tpu.memory_space<semaphore_mem>>, %arg19: memref<!tpu.dma_semaphore, #tpu.memory_space<semaphore_mem>>, %arg20: memref<!tpu.dma_semaphore, #tpu.memory_space<semaphore_mem>>, %arg21: memref<!tpu.dma_semaphore, #tpu.memory_space<semaphore_mem>>, %arg22: memref<!tpu.dma_semaphore, #tpu.memory_space<semaphore_mem>>) attributes {dimension_semantics = [#tpu.dimension_semantics<core_parallel>, #tpu.dimension_semantics<subcore_parallel>], iteration_bounds = array<i64: 2, 16>, scalar_prefetch = 0 : i64, scratch_operands = 18 : i64, tpu.core_type = #tpu.core_type<sc_vector_subcore>, window_params = [{transform_indices = #map}, {transform_indices = #map1}, {transform_indices = #map1}]} {
    %mul3A = arith.constant 2 : i32
    %mul3A_0 = arith.muli %arg1, %mul3A : i32
    %add3A = arith.addi %mul3A_0, %arg0 : i32
    %mul3A_1 = arith.constant 28672 : i32
    %mul3A_2 = arith.muli %add3A, %mul3A_1 : i32
    "tpu.region"() ({
      %run_scoped3A = tpu.sem_alloc : memref<!tpu.dma_semaphore, #tpu.memory_space<semaphore_mem>>
      %dma_start3A_1404 = arith.constant 0 : i32
      %dma_start3A_1405 = arith.constant 0 : i32
      %dma_start3A_1406 = tpu.memref_slice %arg2[%add3A, %dma_start3A_1404, %dma_start3A_1405] : memref<32x256x100xi32, #tpu.memory_space<hbm>> -> memref<1x128x100xi32, #tpu.memory_space<hbm>>
      %dma_start3A_1407 = tpu.memref_squeeze %dma_start3A_1406 : memref<1x128x100xi32, #tpu.memory_space<hbm>> -> memref<128x100xi32, #tpu.memory_space<hbm>>
      %dma_start3A_1408 = arith.constant 0 : i32
      %dma_start3A_1409 = arith.constant 0 : i32
      %dma_start3A_1410 = tpu.memref_slice %arg2[%add3A, %dma_start3A_1408, %dma_start3A_1409] : memref<32x256x100xi32, #tpu.memory_space<hbm>> -> memref<1x128x100xi32, #tpu.memory_space<hbm>>
      %dma_start3A_1411 = tpu.memref_squeeze %dma_start3A_1410 : memref<1x128x100xi32, #tpu.memory_space<hbm>> -> memref<128x100xi32, #tpu.memory_space<hbm>>
      tpu.enqueue_dma source(%dma_start3A_1411 : memref<128x100xi32, #tpu.memory_space<hbm>>) target(%arg5 : memref<128x100xi32, #tpu.memory_space<vmem>>) target_semaphore(%run_scoped3A : memref<!tpu.dma_semaphore, #tpu.memory_space<semaphore_mem>>)
      %dma_wait3A_1412 = arith.constant 0 : i32
      %dma_wait3A_1413 = arith.constant 0 : i32
      %dma_wait3A_1414 = tpu.memref_slice %arg2[%add3A, %dma_wait3A_1412, %dma_wait3A_1413] : memref<32x256x100xi32, #tpu.memory_space<hbm>> -> memref<1x128x100xi32, #tpu.memory_space<hbm>>
      %dma_wait3A_1415 = tpu.memref_squeeze %dma_wait3A_1414 : memref<1x128x100xi32, #tpu.memory_space<hbm>> -> memref<128x100xi32, #tpu.memory_space<hbm>>
      %dma_wait3A_1416 = arith.constant 0 : i32
      %dma_wait3A_1417 = arith.constant 0 : i32
      %dma_wait3A_1418 = tpu.memref_slice %arg2[%add3A, %dma_wait3A_1416, %dma_wait3A_1417] : memref<32x256x100xi32, #tpu.memory_space<hbm>> -> memref<1x128x100xi32, #tpu.memory_space<hbm>>
      %dma_wait3A_1419 = tpu.memref_squeeze %dma_wait3A_1418 : memref<1x128x100xi32, #tpu.memory_space<hbm>> -> memref<128x100xi32, #tpu.memory_space<hbm>>
      tpu.wait_dma2 semaphore(%run_scoped3A : memref<!tpu.dma_semaphore, #tpu.memory_space<semaphore_mem>>) src(%dma_wait3A_1419 : memref<128x100xi32, #tpu.memory_space<hbm>>) dst(%arg5 : memref<128x100xi32, #tpu.memory_space<vmem>>)
      tpu.yield
    }) : () -> ()
    %dma_start3A = arith.constant 0 : i32
    %dma_start3A_3 = arith.constant 0 : i32
    %dma_start3A_4 = arith.constant 0 : i32
    %dma_start3A_5 = arith.constant 0 : i32
    %dma_start3A_6 = tpu.memref_slice %arg6[%dma_start3A_3, %dma_start3A_4, %dma_start3A_5] : memref<8x100x128xf32, #tpu.memory_space<vmem>> -> memref<1x100x128xf32, #tpu.memory_space<vmem>>
    %dma_start3A_7 = tpu.memref_squeeze %dma_start3A_6 : memref<1x100x128xf32, #tpu.memory_space<vmem>> -> memref<100x128xf32, #tpu.memory_space<vmem>>
    %dma_start3A_8 = arith.constant 0 : i32
    %dma_start3A_9 = tpu.memref_slice %arg5[%dma_start3A, %dma_start3A_8] : memref<128x100xi32, #tpu.memory_space<vmem>> -> memref<1x100xi32, #tpu.memory_space<vmem>>
    %dma_start3A_10 = tpu.memref_squeeze %dma_start3A_9 : memref<1x100xi32, #tpu.memory_space<vmem>> -> memref<100xi32, #tpu.memory_space<vmem>>
    %dma_start3A_11 = arith.constant 0 : i32
    %dma_start3A_12 = arith.constant 0 : i32
    %dma_start3A_13 = tpu.memref_slice %arg3[%dma_start3A_11, %dma_start3A_12] : memref<1000000x128xf32, #tpu.memory_space<hbm>> -> memref<1000000x128xf32, #tpu.memory_space<hbm>>
    tpu.enqueue_indirect_dma source(%dma_start3A_13 : memref<1000000x128xf32, #tpu.memory_space<hbm>>) target(%dma_start3A_7 : memref<100x128xf32, #tpu.memory_space<vmem>>) offsets(%dma_start3A_10 : memref<100xi32, #tpu.memory_space<vmem>>) semaphore(%arg7 : memref<!tpu.dma_semaphore, #tpu.memory_space<semaphore_mem>>)
    %dma_start3A_14 = arith.constant 1 : i32
    %dma_start3A_15 = arith.constant 1 : i32
    %dma_start3A_16 = arith.constant 0 : i32
    %dma_start3A_17 = arith.constant 0 : i32
    %dma_start3A_18 = tpu.memref_slice %arg6[%dma_start3A_15, %dma_start3A_16, %dma_start3A_17] : memref<8x100x128xf32, #tpu.memory_space<vmem>> -> memref<1x100x128xf32, #tpu.memory_space<vmem>>
    %dma_start3A_19 = tpu.memref_squeeze %dma_start3A_18 : memref<1x100x128xf32, #tpu.memory_space<vmem>> -> memref<100x128xf32, #tpu.memory_space<vmem>>
    %dma_start3A_20 = arith.constant 0 : i32
    %dma_start3A_21 = tpu.memref_slice %arg5[%dma_start3A_14, %dma_start3A_20] : memref<128x100xi32, #tpu.memory_space<vmem>> -> memref<1x100xi32, #tpu.memory_space<vmem>>
    %dma_start3A_22 = tpu.memref_squeeze %dma_start3A_21 : memref<1x100xi32, #tpu.memory_space<vmem>> -> memref<100xi32, #tpu.memory_space<vmem>>
    %dma_start3A_23 = arith.constant 0 : i32
    %dma_start3A_24 = arith.constant 0 : i32
    %dma_start3A_25 = tpu.memref_slice %arg3[%dma_start3A_23, %dma_start3A_24] : memref<1000000x128xf32, #tpu.memory_space<hbm>> -> memref<1000000x128xf32, #tpu.memory_space<hbm>>
    tpu.enqueue_indirect_dma source(%dma_start3A_25 : memref<1000000x128xf32, #tpu.memory_space<hbm>>) target(%dma_start3A_19 : memref<100x128xf32, #tpu.memory_space<vmem>>) offsets(%dma_start3A_22 : memref<100xi32, #tpu.memory_space<vmem>>) semaphore(%arg8 : memref<!tpu.dma_semaphore, #tpu.memory_space<semaphore_mem>>)
    %dma_start3A_26 = arith.constant 2 : i32
    %dma_start3A_27 = arith.constant 2 : i32
    %dma_start3A_28 = arith.constant 0 : i32
    %dma_start3A_29 = arith.constant 0 : i32
    %dma_start3A_30 = tpu.memref_slice %arg6[%dma_start3A_27, %dma_start3A_28, %dma_start3A_29] : memref<8x100x128xf32, #tpu.memory_space<vmem>> -> memref<1x100x128xf32, #tpu.memory_space<vmem>>
    %dma_start3A_31 = tpu.memref_squeeze %dma_start3A_30 : memref<1x100x128xf32, #tpu.memory_space<vmem>> -> memref<100x128xf32, #tpu.memory_space<vmem>>
    %dma_start3A_32 = arith.constant 0 : i32
    %dma_start3A_33 = tpu.memref_slice %arg5[%dma_start3A_26, %dma_start3A_32] : memref<128x100xi32, #tpu.memory_space<vmem>> -> memref<1x100xi32, #tpu.memory_space<vmem>>
    %dma_start3A_34 = tpu.memref_squeeze %dma_start3A_33 : memref<1x100xi32, #tpu.memory_space<vmem>> -> memref<100xi32, #tpu.memory_space<vmem>>
    %dma_start3A_35 = arith.constant 0 : i32
    %dma_start3A_36 = arith.constant 0 : i32
    %dma_start3A_37 = tpu.memref_slice %arg3[%dma_start3A_35, %dma_start3A_36] : memref<1000000x128xf32, #tpu.memory_space<hbm>> -> memref<1000000x128xf32, #tpu.memory_space<hbm>>
    tpu.enqueue_indirect_dma source(%dma_start3A_37 : memref<1000000x128xf32, #tpu.memory_space<hbm>>) target(%dma_start3A_31 : memref<100x128xf32, #tpu.memory_space<vmem>>) offsets(%dma_start3A_34 : memref<100xi32, #tpu.memory_space<vmem>>) semaphore(%arg9 : memref<!tpu.dma_semaphore, #tpu.memory_space<semaphore_mem>>)
    %dma_start3A_38 = arith.constant 3 : i32
    %dma_start3A_39 = arith.constant 3 : i32
    %dma_start3A_40 = arith.constant 0 : i32
    %dma_start3A_41 = arith.constant 0 : i32
    %dma_start3A_42 = tpu.memref_slice %arg6[%dma_start3A_39, %dma_start3A_40, %dma_start3A_41] : memref<8x100x128xf32, #tpu.memory_space<vmem>> -> memref<1x100x128xf32, #tpu.memory_space<vmem>>
    %dma_start3A_43 = tpu.memref_squeeze %dma_start3A_42 : memref<1x100x128xf32, #tpu.memory_space<vmem>> -> memref<100x128xf32, #tpu.memory_space<vmem>>
    %dma_start3A_44 = arith.constant 0 : i32
    %dma_start3A_45 = tpu.memref_slice %arg5[%dma_start3A_38, %dma_start3A_44] : memref<128x100xi32, #tpu.memory_space<vmem>> -> memref<1x100xi32, #tpu.memory_space<vmem>>
    %dma_start3A_46 = tpu.memref_squeeze %dma_start3A_45 : memref<1x100xi32, #tpu.memory_space<vmem>> -> memref<100xi32, #tpu.memory_space<vmem>>
    %dma_start3A_47 = arith.constant 0 : i32
    %dma_start3A_48 = arith.constant 0 : i32
    %dma_start3A_49 = tpu.memref_slice %arg3[%dma_start3A_47, %dma_start3A_48] : memref<1000000x128xf32, #tpu.memory_space<hbm>> -> memref<1000000x128xf32, #tpu.memory_space<hbm>>
    tpu.enqueue_indirect_dma source(%dma_start3A_49 : memref<1000000x128xf32, #tpu.memory_space<hbm>>) target(%dma_start3A_43 : memref<100x128xf32, #tpu.memory_space<vmem>>) offsets(%dma_start3A_46 : memref<100xi32, #tpu.memory_space<vmem>>) semaphore(%arg10 : memref<!tpu.dma_semaphore, #tpu.memory_space<semaphore_mem>>)
    %dma_start3A_50 = arith.constant 4 : i32
    %dma_start3A_51 = arith.constant 4 : i32
    %dma_start3A_52 = arith.constant 0 : i32
    %dma_start3A_53 = arith.constant 0 : i32
    %dma_start3A_54 = tpu.memref_slice %arg6[%dma_start3A_51, %dma_start3A_52, %dma_start3A_53] : memref<8x100x128xf32, #tpu.memory_space<vmem>> -> memref<1x100x128xf32, #tpu.memory_space<vmem>>
    %dma_start3A_55 = tpu.memref_squeeze %dma_start3A_54 : memref<1x100x128xf32, #tpu.memory_space<vmem>> -> memref<100x128xf32, #tpu.memory_space<vmem>>
    %dma_start3A_56 = arith.constant 0 : i32
    %dma_start3A_57 = tpu.memref_slice %arg5[%dma_start3A_50, %dma_start3A_56] : memref<128x100xi32, #tpu.memory_space<vmem>> -> memref<1x100xi32, #tpu.memory_space<vmem>>
    %dma_start3A_58 = tpu.memref_squeeze %dma_start3A_57 : memref<1x100xi32, #tpu.memory_space<vmem>> -> memref<100xi32, #tpu.memory_space<vmem>>
    %dma_start3A_59 = arith.constant 0 : i32
    %dma_start3A_60 = arith.constant 0 : i32
    %dma_start3A_61 = tpu.memref_slice %arg3[%dma_start3A_59, %dma_start3A_60] : memref<1000000x128xf32, #tpu.memory_space<hbm>> -> memref<1000000x128xf32, #tpu.memory_space<hbm>>
    tpu.enqueue_indirect_dma source(%dma_start3A_61 : memref<1000000x128xf32, #tpu.memory_space<hbm>>) target(%dma_start3A_55 : memref<100x128xf32, #tpu.memory_space<vmem>>) offsets(%dma_start3A_58 : memref<100xi32, #tpu.memory_space<vmem>>) semaphore(%arg11 : memref<!tpu.dma_semaphore, #tpu.memory_space<semaphore_mem>>)
    %dma_wait3A = arith.constant 0 : i32
    %dma_wait3A_62 = arith.constant 0 : i32
    %dma_wait3A_63 = arith.constant 0 : i32
    %dma_wait3A_64 = tpu.memref_slice %arg6[%dma_wait3A, %dma_wait3A_62, %dma_wait3A_63] : memref<8x100x128xf32, #tpu.memory_space<vmem>> -> memref<1x100x128xf32, #tpu.memory_space<vmem>>
    %dma_wait3A_65 = tpu.memref_squeeze %dma_wait3A_64 : memref<1x100x128xf32, #tpu.memory_space<vmem>> -> memref<100x128xf32, #tpu.memory_space<vmem>>
    %dma_wait3A_66 = arith.constant 0 : i32
    %dma_wait3A_67 = arith.constant 0 : i32
    %dma_wait3A_68 = tpu.memref_slice %arg3[%dma_wait3A_66, %dma_wait3A_67] : memref<1000000x128xf32, #tpu.memory_space<hbm>> -> memref<100x128xf32, #tpu.memory_space<hbm>>
    %dma_wait3A_69 = arith.constant 0 : i32
    %dma_wait3A_70 = arith.constant 0 : i32
    %dma_wait3A_71 = tpu.memref_slice %arg6[%dma_wait3A, %dma_wait3A_69, %dma_wait3A_70] : memref<8x100x128xf32, #tpu.memory_space<vmem>> -> memref<1x100x128xf32, #tpu.memory_space<vmem>>
    %dma_wait3A_72 = tpu.memref_squeeze %dma_wait3A_71 : memref<1x100x128xf32, #tpu.memory_space<vmem>> -> memref<100x128xf32, #tpu.memory_space<vmem>>
    %dma_wait3A_73 = arith.constant 0 : i32
    %dma_wait3A_74 = arith.constant 0 : i32
    %dma_wait3A_75 = tpu.memref_slice %arg3[%dma_wait3A_73, %dma_wait3A_74] : memref<1000000x128xf32, #tpu.memory_space<hbm>> -> memref<100x128xf32, #tpu.memory_space<hbm>>
    tpu.wait_dma2 semaphore(%arg7 : memref<!tpu.dma_semaphore, #tpu.memory_space<semaphore_mem>>) src(%dma_wait3A_75 : memref<100x128xf32, #tpu.memory_space<hbm>>) dst(%dma_wait3A_72 : memref<100x128xf32, #tpu.memory_space<vmem>>)
    %add3A_76 = arith.constant 0 : i32
    %add3A_77 = arith.addi %mul3A_2, %add3A_76 : i32
    %dma_start3A_78 = arith.constant 0 : i32
    %dma_start3A_79 = arith.constant 0 : i32
    %dma_start3A_80 = arith.constant 0 : i32
    %dma_start3A_81 = tpu.memref_slice %arg6[%dma_start3A_78, %dma_start3A_79, %dma_start3A_80] : memref<8x100x128xf32, #tpu.memory_space<vmem>> -> memref<1x50x64xf32, #tpu.memory_space<vmem>>
    %dma_start3A_82 = tpu.memref_squeeze %dma_start3A_81 : memref<1x50x64xf32, #tpu.memory_space<vmem>> -> memref<50x64xf32, #tpu.memory_space<vmem>>
    %dma_start3A_83 = arith.constant 0 : i32
    %dma_start3A_84 = tpu.memref_slice %arg4[%add3A_77, %dma_start3A_83] : memref<917504x128xf32, #tpu.memory_space<hbm>> -> memref<50x64xf32, #tpu.memory_space<hbm>>
    %dma_start3A_85 = arith.constant 0 : i32
    %dma_start3A_86 = tpu.memref_slice %arg4[%add3A_77, %dma_start3A_85] : memref<917504x128xf32, #tpu.memory_space<hbm>> -> memref<50x64xf32, #tpu.memory_space<hbm>>
    %dma_start3A_87 = arith.constant 0 : i32
    %dma_start3A_88 = arith.constant 0 : i32
    %dma_start3A_89 = tpu.memref_slice %arg6[%dma_start3A_78, %dma_start3A_87, %dma_start3A_88] : memref<8x100x128xf32, #tpu.memory_space<vmem>> -> memref<1x50x64xf32, #tpu.memory_space<vmem>>
    %dma_start3A_90 = tpu.memref_squeeze %dma_start3A_89 : memref<1x50x64xf32, #tpu.memory_space<vmem>> -> memref<50x64xf32, #tpu.memory_space<vmem>>
    tpu.enqueue_dma source(%dma_start3A_90 : memref<50x64xf32, #tpu.memory_space<vmem>>) target(%dma_start3A_86 : memref<50x64xf32, #tpu.memory_space<hbm>>) target_semaphore(%arg15 : memref<!tpu.dma_semaphore, #tpu.memory_space<semaphore_mem>>)
    %add3A_91 = arith.constant 56 : i32
    %add3A_92 = arith.addi %add3A_77, %add3A_91 : i32
    %dma_start3A_93 = arith.constant 0 : i32
    %dma_start3A_94 = arith.constant 50 : i32
    %dma_start3A_95 = arith.constant 0 : i32
    %dma_start3A_96 = tpu.memref_slice %arg6[%dma_start3A_93, %dma_start3A_94, %dma_start3A_95] : memref<8x100x128xf32, #tpu.memory_space<vmem>> -> memref<1x50x64xf32, #tpu.memory_space<vmem>>
    %dma_start3A_97 = tpu.memref_squeeze %dma_start3A_96 : memref<1x50x64xf32, #tpu.memory_space<vmem>> -> memref<50x64xf32, #tpu.memory_space<vmem>>
    %dma_start3A_98 = arith.constant 0 : i32
    %dma_start3A_99 = tpu.memref_slice %arg4[%add3A_92, %dma_start3A_98] : memref<917504x128xf32, #tpu.memory_space<hbm>> -> memref<50x64xf32, #tpu.memory_space<hbm>>
    %dma_start3A_100 = arith.constant 0 : i32
    %dma_start3A_101 = tpu.memref_slice %arg4[%add3A_92, %dma_start3A_100] : memref<917504x128xf32, #tpu.memory_space<hbm>> -> memref<50x64xf32, #tpu.memory_space<hbm>>
    %dma_start3A_102 = arith.constant 50 : i32
    %dma_start3A_103 = arith.constant 0 : i32
    %dma_start3A_104 = tpu.memref_slice %arg6[%dma_start3A_93, %dma_start3A_102, %dma_start3A_103] : memref<8x100x128xf32, #tpu.memory_space<vmem>> -> memref<1x50x64xf32, #tpu.memory_space<vmem>>
    %dma_start3A_105 = tpu.memref_squeeze %dma_start3A_104 : memref<1x50x64xf32, #tpu.memory_space<vmem>> -> memref<50x64xf32, #tpu.memory_space<vmem>>
    tpu.enqueue_dma source(%dma_start3A_105 : memref<50x64xf32, #tpu.memory_space<vmem>>) target(%dma_start3A_101 : memref<50x64xf32, #tpu.memory_space<hbm>>) target_semaphore(%arg15 : memref<!tpu.dma_semaphore, #tpu.memory_space<semaphore_mem>>)
    %dma_start3A_106 = arith.constant 5 : i32
    %dma_start3A_107 = arith.constant 5 : i32
    %dma_start3A_108 = arith.constant 0 : i32
    %dma_start3A_109 = arith.constant 0 : i32
    %dma_start3A_110 = tpu.memref_slice %arg6[%dma_start3A_107, %dma_start3A_108, %dma_start3A_109] : memref<8x100x128xf32, #tpu.memory_space<vmem>> -> memref<1x100x128xf32, #tpu.memory_space<vmem>>
    %dma_start3A_111 = tpu.memref_squeeze %dma_start3A_110 : memref<1x100x128xf32, #tpu.memory_space<vmem>> -> memref<100x128xf32, #tpu.memory_space<vmem>>
    %dma_start3A_112 = arith.constant 0 : i32
    %dma_start3A_113 = tpu.memref_slice %arg5[%dma_start3A_106, %dma_start3A_112] : memref<128x100xi32, #tpu.memory_space<vmem>> -> memref<1x100xi32, #tpu.memory_space<vmem>>
    %dma_start3A_114 = tpu.memref_squeeze %dma_start3A_113 : memref<1x100xi32, #tpu.memory_space<vmem>> -> memref<100xi32, #tpu.memory_space<vmem>>
    %dma_start3A_115 = arith.constant 0 : i32
    %dma_start3A_116 = arith.constant 0 : i32
    %dma_start3A_117 = tpu.memref_slice %arg3[%dma_start3A_115, %dma_start3A_116] : memref<1000000x128xf32, #tpu.memory_space<hbm>> -> memref<1000000x128xf32, #tpu.memory_space<hbm>>
    tpu.enqueue_indirect_dma source(%dma_start3A_117 : memref<1000000x128xf32, #tpu.memory_space<hbm>>) target(%dma_start3A_111 : memref<100x128xf32, #tpu.memory_space<vmem>>) offsets(%dma_start3A_114 : memref<100xi32, #tpu.memory_space<vmem>>) semaphore(%arg12 : memref<!tpu.dma_semaphore, #tpu.memory_space<semaphore_mem>>)
    %dma_wait3A_118 = arith.constant 1 : i32
    %dma_wait3A_119 = arith.constant 0 : i32
    %dma_wait3A_120 = arith.constant 0 : i32
    %dma_wait3A_121 = tpu.memref_slice %arg6[%dma_wait3A_118, %dma_wait3A_119, %dma_wait3A_120] : memref<8x100x128xf32, #tpu.memory_space<vmem>> -> memref<1x100x128xf32, #tpu.memory_space<vmem>>
    %dma_wait3A_122 = tpu.memref_squeeze %dma_wait3A_121 : memref<1x100x128xf32, #tpu.memory_space<vmem>> -> memref<100x128xf32, #tpu.memory_space<vmem>>
    %dma_wait3A_123 = arith.constant 0 : i32
    %dma_wait3A_124 = arith.constant 0 : i32
    %dma_wait3A_125 = tpu.memref_slice %arg3[%dma_wait3A_123, %dma_wait3A_124] : memref<1000000x128xf32, #tpu.memory_space<hbm>> -> memref<100x128xf32, #tpu.memory_space<hbm>>
    %dma_wait3A_126 = arith.constant 0 : i32
    %dma_wait3A_127 = arith.constant 0 : i32
    %dma_wait3A_128 = tpu.memref_slice %arg6[%dma_wait3A_118, %dma_wait3A_126, %dma_wait3A_127] : memref<8x100x128xf32, #tpu.memory_space<vmem>> -> memref<1x100x128xf32, #tpu.memory_space<vmem>>
    %dma_wait3A_129 = tpu.memref_squeeze %dma_wait3A_128 : memref<1x100x128xf32, #tpu.memory_space<vmem>> -> memref<100x128xf32, #tpu.memory_space<vmem>>
    %dma_wait3A_130 = arith.constant 0 : i32
    %dma_wait3A_131 = arith.constant 0 : i32
    %dma_wait3A_132 = tpu.memref_slice %arg3[%dma_wait3A_130, %dma_wait3A_131] : memref<1000000x128xf32, #tpu.memory_space<hbm>> -> memref<100x128xf32, #tpu.memory_space<hbm>>
    tpu.wait_dma2 semaphore(%arg8 : memref<!tpu.dma_semaphore, #tpu.memory_space<semaphore_mem>>) src(%dma_wait3A_132 : memref<100x128xf32, #tpu.memory_space<hbm>>) dst(%dma_wait3A_129 : memref<100x128xf32, #tpu.memory_space<vmem>>)
    %add3A_133 = arith.constant 112 : i32
    %add3A_134 = arith.addi %mul3A_2, %add3A_133 : i32
    %dma_start3A_135 = arith.constant 1 : i32
    %dma_start3A_136 = arith.constant 0 : i32
    %dma_start3A_137 = arith.constant 0 : i32
    %dma_start3A_138 = tpu.memref_slice %arg6[%dma_start3A_135, %dma_start3A_136, %dma_start3A_137] : memref<8x100x128xf32, #tpu.memory_space<vmem>> -> memref<1x50x64xf32, #tpu.memory_space<vmem>>
    %dma_start3A_139 = tpu.memref_squeeze %dma_start3A_138 : memref<1x50x64xf32, #tpu.memory_space<vmem>> -> memref<50x64xf32, #tpu.memory_space<vmem>>
    %dma_start3A_140 = arith.constant 0 : i32
    %dma_start3A_141 = tpu.memref_slice %arg4[%add3A_134, %dma_start3A_140] : memref<917504x128xf32, #tpu.memory_space<hbm>> -> memref<50x64xf32, #tpu.memory_space<hbm>>
    %dma_start3A_142 = arith.constant 0 : i32
    %dma_start3A_143 = tpu.memref_slice %arg4[%add3A_134, %dma_start3A_142] : memref<917504x128xf32, #tpu.memory_space<hbm>> -> memref<50x64xf32, #tpu.memory_space<hbm>>
    %dma_start3A_144 = arith.constant 0 : i32
    %dma_start3A_145 = arith.constant 0 : i32
    %dma_start3A_146 = tpu.memref_slice %arg6[%dma_start3A_135, %dma_start3A_144, %dma_start3A_145] : memref<8x100x128xf32, #tpu.memory_space<vmem>> -> memref<1x50x64xf32, #tpu.memory_space<vmem>>
    %dma_start3A_147 = tpu.memref_squeeze %dma_start3A_146 : memref<1x50x64xf32, #tpu.memory_space<vmem>> -> memref<50x64xf32, #tpu.memory_space<vmem>>
    tpu.enqueue_dma source(%dma_start3A_147 : memref<50x64xf32, #tpu.memory_space<vmem>>) target(%dma_start3A_143 : memref<50x64xf32, #tpu.memory_space<hbm>>) target_semaphore(%arg16 : memref<!tpu.dma_semaphore, #tpu.memory_space<semaphore_mem>>)
    %add3A_148 = arith.constant 56 : i32
    %add3A_149 = arith.addi %add3A_134, %add3A_148 : i32
    %dma_start3A_150 = arith.constant 1 : i32
    %dma_start3A_151 = arith.constant 50 : i32
    %dma_start3A_152 = arith.constant 0 : i32
    %dma_start3A_153 = tpu.memref_slice %arg6[%dma_start3A_150, %dma_start3A_151, %dma_start3A_152] : memref<8x100x128xf32, #tpu.memory_space<vmem>> -> memref<1x50x64xf32, #tpu.memory_space<vmem>>
    %dma_start3A_154 = tpu.memref_squeeze %dma_start3A_153 : memref<1x50x64xf32, #tpu.memory_space<vmem>> -> memref<50x64xf32, #tpu.memory_space<vmem>>
    %dma_start3A_155 = arith.constant 0 : i32
    %dma_start3A_156 = tpu.memref_slice %arg4[%add3A_149, %dma_start3A_155] : memref<917504x128xf32, #tpu.memory_space<hbm>> -> memref<50x64xf32, #tpu.memory_space<hbm>>
    %dma_start3A_157 = arith.constant 0 : i32
    %dma_start3A_158 = tpu.memref_slice %arg4[%add3A_149, %dma_start3A_157] : memref<917504x128xf32, #tpu.memory_space<hbm>> -> memref<50x64xf32, #tpu.memory_space<hbm>>
    %dma_start3A_159 = arith.constant 50 : i32
    %dma_start3A_160 = arith.constant 0 : i32
    %dma_start3A_161 = tpu.memref_slice %arg6[%dma_start3A_150, %dma_start3A_159, %dma_start3A_160] : memref<8x100x128xf32, #tpu.memory_space<vmem>> -> memref<1x50x64xf32, #tpu.memory_space<vmem>>
    %dma_start3A_162 = tpu.memref_squeeze %dma_start3A_161 : memref<1x50x64xf32, #tpu.memory_space<vmem>> -> memref<50x64xf32, #tpu.memory_space<vmem>>
    tpu.enqueue_dma source(%dma_start3A_162 : memref<50x64xf32, #tpu.memory_space<vmem>>) target(%dma_start3A_158 : memref<50x64xf32, #tpu.memory_space<hbm>>) target_semaphore(%arg16 : memref<!tpu.dma_semaphore, #tpu.memory_space<semaphore_mem>>)
    %dma_start3A_163 = arith.constant 6 : i32
    %dma_start3A_164 = arith.constant 6 : i32
    %dma_start3A_165 = arith.constant 0 : i32
    %dma_start3A_166 = arith.constant 0 : i32
    %dma_start3A_167 = tpu.memref_slice %arg6[%dma_start3A_164, %dma_start3A_165, %dma_start3A_166] : memref<8x100x128xf32, #tpu.memory_space<vmem>> -> memref<1x100x128xf32, #tpu.memory_space<vmem>>
    %dma_start3A_168 = tpu.memref_squeeze %dma_start3A_167 : memref<1x100x128xf32, #tpu.memory_space<vmem>> -> memref<100x128xf32, #tpu.memory_space<vmem>>
    %dma_start3A_169 = arith.constant 0 : i32
    %dma_start3A_170 = tpu.memref_slice %arg5[%dma_start3A_163, %dma_start3A_169] : memref<128x100xi32, #tpu.memory_space<vmem>> -> memref<1x100xi32, #tpu.memory_space<vmem>>
    %dma_start3A_171 = tpu.memref_squeeze %dma_start3A_170 : memref<1x100xi32, #tpu.memory_space<vmem>> -> memref<100xi32, #tpu.memory_space<vmem>>
    %dma_start3A_172 = arith.constant 0 : i32
    %dma_start3A_173 = arith.constant 0 : i32
    %dma_start3A_174 = tpu.memref_slice %arg3[%dma_start3A_172, %dma_start3A_173] : memref<1000000x128xf32, #tpu.memory_space<hbm>> -> memref<1000000x128xf32, #tpu.memory_space<hbm>>
    tpu.enqueue_indirect_dma source(%dma_start3A_174 : memref<1000000x128xf32, #tpu.memory_space<hbm>>) target(%dma_start3A_168 : memref<100x128xf32, #tpu.memory_space<vmem>>) offsets(%dma_start3A_171 : memref<100xi32, #tpu.memory_space<vmem>>) semaphore(%arg13 : memref<!tpu.dma_semaphore, #tpu.memory_space<semaphore_mem>>)
    %dma_wait3A_175 = arith.constant 2 : i32
    %dma_wait3A_176 = arith.constant 0 : i32
    %dma_wait3A_177 = arith.constant 0 : i32
    %dma_wait3A_178 = tpu.memref_slice %arg6[%dma_wait3A_175, %dma_wait3A_176, %dma_wait3A_177] : memref<8x100x128xf32, #tpu.memory_space<vmem>> -> memref<1x100x128xf32, #tpu.memory_space<vmem>>
    %dma_wait3A_179 = tpu.memref_squeeze %dma_wait3A_178 : memref<1x100x128xf32, #tpu.memory_space<vmem>> -> memref<100x128xf32, #tpu.memory_space<vmem>>
    %dma_wait3A_180 = arith.constant 0 : i32
    %dma_wait3A_181 = arith.constant 0 : i32
    %dma_wait3A_182 = tpu.memref_slice %arg3[%dma_wait3A_180, %dma_wait3A_181] : memref<1000000x128xf32, #tpu.memory_space<hbm>> -> memref<100x128xf32, #tpu.memory_space<hbm>>
    %dma_wait3A_183 = arith.constant 0 : i32
    %dma_wait3A_184 = arith.constant 0 : i32
    %dma_wait3A_185 = tpu.memref_slice %arg6[%dma_wait3A_175, %dma_wait3A_183, %dma_wait3A_184] : memref<8x100x128xf32, #tpu.memory_space<vmem>> -> memref<1x100x128xf32, #tpu.memory_space<vmem>>
    %dma_wait3A_186 = tpu.memref_squeeze %dma_wait3A_185 : memref<1x100x128xf32, #tpu.memory_space<vmem>> -> memref<100x128xf32, #tpu.memory_space<vmem>>
    %dma_wait3A_187 = arith.constant 0 : i32
    %dma_wait3A_188 = arith.constant 0 : i32
    %dma_wait3A_189 = tpu.memref_slice %arg3[%dma_wait3A_187, %dma_wait3A_188] : memref<1000000x128xf32, #tpu.memory_space<hbm>> -> memref<100x128xf32, #tpu.memory_space<hbm>>
    tpu.wait_dma2 semaphore(%arg9 : memref<!tpu.dma_semaphore, #tpu.memory_space<semaphore_mem>>) src(%dma_wait3A_189 : memref<100x128xf32, #tpu.memory_space<hbm>>) dst(%dma_wait3A_186 : memref<100x128xf32, #tpu.memory_space<vmem>>)
    %add3A_190 = arith.constant 224 : i32
    %add3A_191 = arith.addi %mul3A_2, %add3A_190 : i32
    %dma_start3A_192 = arith.constant 2 : i32
    %dma_start3A_193 = arith.constant 0 : i32
    %dma_start3A_194 = arith.constant 0 : i32
    %dma_start3A_195 = tpu.memref_slice %arg6[%dma_start3A_192, %dma_start3A_193, %dma_start3A_194] : memref<8x100x128xf32, #tpu.memory_space<vmem>> -> memref<1x50x64xf32, #tpu.memory_space<vmem>>
    %dma_start3A_196 = tpu.memref_squeeze %dma_start3A_195 : memref<1x50x64xf32, #tpu.memory_space<vmem>> -> memref<50x64xf32, #tpu.memory_space<vmem>>
    %dma_start3A_197 = arith.constant 0 : i32
    %dma_start3A_198 = tpu.memref_slice %arg4[%add3A_191, %dma_start3A_197] : memref<917504x128xf32, #tpu.memory_space<hbm>> -> memref<50x64xf32, #tpu.memory_space<hbm>>
    %dma_start3A_199 = arith.constant 0 : i32
    %dma_start3A_200 = tpu.memref_slice %arg4[%add3A_191, %dma_start3A_199] : memref<917504x128xf32, #tpu.memory_space<hbm>> -> memref<50x64xf32, #tpu.memory_space<hbm>>
    %dma_start3A_201 = arith.constant 0 : i32
    %dma_start3A_202 = arith.constant 0 : i32
    %dma_start3A_203 = tpu.memref_slice %arg6[%dma_start3A_192, %dma_start3A_201, %dma_start3A_202] : memref<8x100x128xf32, #tpu.memory_space<vmem>> -> memref<1x50x64xf32, #tpu.memory_space<vmem>>
    %dma_start3A_204 = tpu.memref_squeeze %dma_start3A_203 : memref<1x50x64xf32, #tpu.memory_space<vmem>> -> memref<50x64xf32, #tpu.memory_space<vmem>>
    tpu.enqueue_dma source(%dma_start3A_204 : memref<50x64xf32, #tpu.memory_space<vmem>>) target(%dma_start3A_200 : memref<50x64xf32, #tpu.memory_space<hbm>>) target_semaphore(%arg17 : memref<!tpu.dma_semaphore, #tpu.memory_space<semaphore_mem>>)
    %add3A_205 = arith.constant 56 : i32
    %add3A_206 = arith.addi %add3A_191, %add3A_205 : i32
    %dma_start3A_207 = arith.constant 2 : i32
    %dma_start3A_208 = arith.constant 50 : i32
    %dma_start3A_209 = arith.constant 0 : i32
    %dma_start3A_210 = tpu.memref_slice %arg6[%dma_start3A_207, %dma_start3A_208, %dma_start3A_209] : memref<8x100x128xf32, #tpu.memory_space<vmem>> -> memref<1x50x64xf32, #tpu.memory_space<vmem>>
    %dma_start3A_211 = tpu.memref_squeeze %dma_start3A_210 : memref<1x50x64xf32, #tpu.memory_space<vmem>> -> memref<50x64xf32, #tpu.memory_space<vmem>>
    %dma_start3A_212 = arith.constant 0 : i32
    %dma_start3A_213 = tpu.memref_slice %arg4[%add3A_206, %dma_start3A_212] : memref<917504x128xf32, #tpu.memory_space<hbm>> -> memref<50x64xf32, #tpu.memory_space<hbm>>
    %dma_start3A_214 = arith.constant 0 : i32
    %dma_start3A_215 = tpu.memref_slice %arg4[%add3A_206, %dma_start3A_214] : memref<917504x128xf32, #tpu.memory_space<hbm>> -> memref<50x64xf32, #tpu.memory_space<hbm>>
    %dma_start3A_216 = arith.constant 50 : i32
    %dma_start3A_217 = arith.constant 0 : i32
    %dma_start3A_218 = tpu.memref_slice %arg6[%dma_start3A_207, %dma_start3A_216, %dma_start3A_217] : memref<8x100x128xf32, #tpu.memory_space<vmem>> -> memref<1x50x64xf32, #tpu.memory_space<vmem>>
    %dma_start3A_219 = tpu.memref_squeeze %dma_start3A_218 : memref<1x50x64xf32, #tpu.memory_space<vmem>> -> memref<50x64xf32, #tpu.memory_space<vmem>>
    tpu.enqueue_dma source(%dma_start3A_219 : memref<50x64xf32, #tpu.memory_space<vmem>>) target(%dma_start3A_215 : memref<50x64xf32, #tpu.memory_space<hbm>>) target_semaphore(%arg17 : memref<!tpu.dma_semaphore, #tpu.memory_space<semaphore_mem>>)
    %dma_start3A_220 = arith.constant 7 : i32
    %dma_start3A_221 = arith.constant 7 : i32
    %dma_start3A_222 = arith.constant 0 : i32
    %dma_start3A_223 = arith.constant 0 : i32
    %dma_start3A_224 = tpu.memref_slice %arg6[%dma_start3A_221, %dma_start3A_222, %dma_start3A_223] : memref<8x100x128xf32, #tpu.memory_space<vmem>> -> memref<1x100x128xf32, #tpu.memory_space<vmem>>
    %dma_start3A_225 = tpu.memref_squeeze %dma_start3A_224 : memref<1x100x128xf32, #tpu.memory_space<vmem>> -> memref<100x128xf32, #tpu.memory_space<vmem>>
    %dma_start3A_226 = arith.constant 0 : i32
    %dma_start3A_227 = tpu.memref_slice %arg5[%dma_start3A_220, %dma_start3A_226] : memref<128x100xi32, #tpu.memory_space<vmem>> -> memref<1x100xi32, #tpu.memory_space<vmem>>
    %dma_start3A_228 = tpu.memref_squeeze %dma_start3A_227 : memref<1x100xi32, #tpu.memory_space<vmem>> -> memref<100xi32, #tpu.memory_space<vmem>>
    %dma_start3A_229 = arith.constant 0 : i32
    %dma_start3A_230 = arith.constant 0 : i32
    %dma_start3A_231 = tpu.memref_slice %arg3[%dma_start3A_229, %dma_start3A_230] : memref<1000000x128xf32, #tpu.memory_space<hbm>> -> memref<1000000x128xf32, #tpu.memory_space<hbm>>
    tpu.enqueue_indirect_dma source(%dma_start3A_231 : memref<1000000x128xf32, #tpu.memory_space<hbm>>) target(%dma_start3A_225 : memref<100x128xf32, #tpu.memory_space<vmem>>) offsets(%dma_start3A_228 : memref<100xi32, #tpu.memory_space<vmem>>) semaphore(%arg14 : memref<!tpu.dma_semaphore, #tpu.memory_space<semaphore_mem>>)
    %dma_wait3A_232 = arith.constant 3 : i32
    %dma_wait3A_233 = arith.constant 0 : i32
    %dma_wait3A_234 = arith.constant 0 : i32
    %dma_wait3A_235 = tpu.memref_slice %arg6[%dma_wait3A_232, %dma_wait3A_233, %dma_wait3A_234] : memref<8x100x128xf32, #tpu.memory_space<vmem>> -> memref<1x100x128xf32, #tpu.memory_space<vmem>>
    %dma_wait3A_236 = tpu.memref_squeeze %dma_wait3A_235 : memref<1x100x128xf32, #tpu.memory_space<vmem>> -> memref<100x128xf32, #tpu.memory_space<vmem>>
    %dma_wait3A_237 = arith.constant 0 : i32
    %dma_wait3A_238 = arith.constant 0 : i32
    %dma_wait3A_239 = tpu.memref_slice %arg3[%dma_wait3A_237, %dma_wait3A_238] : memref<1000000x128xf32, #tpu.memory_space<hbm>> -> memref<100x128xf32, #tpu.memory_space<hbm>>
    %dma_wait3A_240 = arith.constant 0 : i32
    %dma_wait3A_241 = arith.constant 0 : i32
    %dma_wait3A_242 = tpu.memref_slice %arg6[%dma_wait3A_232, %dma_wait3A_240, %dma_wait3A_241] : memref<8x100x128xf32, #tpu.memory_space<vmem>> -> memref<1x100x128xf32, #tpu.memory_space<vmem>>
    %dma_wait3A_243 = tpu.memref_squeeze %dma_wait3A_242 : memref<1x100x128xf32, #tpu.memory_space<vmem>> -> memref<100x128xf32, #tpu.memory_space<vmem>>
    %dma_wait3A_244 = arith.constant 0 : i32
    %dma_wait3A_245 = arith.constant 0 : i32
    %dma_wait3A_246 = tpu.memref_slice %arg3[%dma_wait3A_244, %dma_wait3A_245] : memref<1000000x128xf32, #tpu.memory_space<hbm>> -> memref<100x128xf32, #tpu.memory_space<hbm>>
    tpu.wait_dma2 semaphore(%arg10 : memref<!tpu.dma_semaphore, #tpu.memory_space<semaphore_mem>>) src(%dma_wait3A_246 : memref<100x128xf32, #tpu.memory_space<hbm>>) dst(%dma_wait3A_243 : memref<100x128xf32, #tpu.memory_space<vmem>>)
    %add3A_247 = arith.constant 336 : i32
    %add3A_248 = arith.addi %mul3A_2, %add3A_247 : i32
    %dma_start3A_249 = arith.constant 3 : i32
    %dma_start3A_250 = arith.constant 0 : i32
    %dma_start3A_251 = arith.constant 0 : i32
    %dma_start3A_252 = tpu.memref_slice %arg6[%dma_start3A_249, %dma_start3A_250, %dma_start3A_251] : memref<8x100x128xf32, #tpu.memory_space<vmem>> -> memref<1x50x64xf32, #tpu.memory_space<vmem>>
    %dma_start3A_253 = tpu.memref_squeeze %dma_start3A_252 : memref<1x50x64xf32, #tpu.memory_space<vmem>> -> memref<50x64xf32, #tpu.memory_space<vmem>>
    %dma_start3A_254 = arith.constant 0 : i32
    %dma_start3A_255 = tpu.memref_slice %arg4[%add3A_248, %dma_start3A_254] : memref<917504x128xf32, #tpu.memory_space<hbm>> -> memref<50x64xf32, #tpu.memory_space<hbm>>
    %dma_start3A_256 = arith.constant 0 : i32
    %dma_start3A_257 = tpu.memref_slice %arg4[%add3A_248, %dma_start3A_256] : memref<917504x128xf32, #tpu.memory_space<hbm>> -> memref<50x64xf32, #tpu.memory_space<hbm>>
    %dma_start3A_258 = arith.constant 0 : i32
    %dma_start3A_259 = arith.constant 0 : i32
    %dma_start3A_260 = tpu.memref_slice %arg6[%dma_start3A_249, %dma_start3A_258, %dma_start3A_259] : memref<8x100x128xf32, #tpu.memory_space<vmem>> -> memref<1x50x64xf32, #tpu.memory_space<vmem>>
    %dma_start3A_261 = tpu.memref_squeeze %dma_start3A_260 : memref<1x50x64xf32, #tpu.memory_space<vmem>> -> memref<50x64xf32, #tpu.memory_space<vmem>>
    tpu.enqueue_dma source(%dma_start3A_261 : memref<50x64xf32, #tpu.memory_space<vmem>>) target(%dma_start3A_257 : memref<50x64xf32, #tpu.memory_space<hbm>>) target_semaphore(%arg18 : memref<!tpu.dma_semaphore, #tpu.memory_space<semaphore_mem>>)
    %add3A_262 = arith.constant 56 : i32
    %add3A_263 = arith.addi %add3A_248, %add3A_262 : i32
    %dma_start3A_264 = arith.constant 3 : i32
    %dma_start3A_265 = arith.constant 50 : i32
    %dma_start3A_266 = arith.constant 0 : i32
    %dma_start3A_267 = tpu.memref_slice %arg6[%dma_start3A_264, %dma_start3A_265, %dma_start3A_266] : memref<8x100x128xf32, #tpu.memory_space<vmem>> -> memref<1x50x64xf32, #tpu.memory_space<vmem>>
    %dma_start3A_268 = tpu.memref_squeeze %dma_start3A_267 : memref<1x50x64xf32, #tpu.memory_space<vmem>> -> memref<50x64xf32, #tpu.memory_space<vmem>>
    %dma_start3A_269 = arith.constant 0 : i32
    %dma_start3A_270 = tpu.memref_slice %arg4[%add3A_263, %dma_start3A_269] : memref<917504x128xf32, #tpu.memory_space<hbm>> -> memref<50x64xf32, #tpu.memory_space<hbm>>
    %dma_start3A_271 = arith.constant 0 : i32
    %dma_start3A_272 = tpu.memref_slice %arg4[%add3A_263, %dma_start3A_271] : memref<917504x128xf32, #tpu.memory_space<hbm>> -> memref<50x64xf32, #tpu.memory_space<hbm>>
    %dma_start3A_273 = arith.constant 50 : i32
    %dma_start3A_274 = arith.constant 0 : i32
    %dma_start3A_275 = tpu.memref_slice %arg6[%dma_start3A_264, %dma_start3A_273, %dma_start3A_274] : memref<8x100x128xf32, #tpu.memory_space<vmem>> -> memref<1x50x64xf32, #tpu.memory_space<vmem>>
    %dma_start3A_276 = tpu.memref_squeeze %dma_start3A_275 : memref<1x50x64xf32, #tpu.memory_space<vmem>> -> memref<50x64xf32, #tpu.memory_space<vmem>>
    tpu.enqueue_dma source(%dma_start3A_276 : memref<50x64xf32, #tpu.memory_space<vmem>>) target(%dma_start3A_272 : memref<50x64xf32, #tpu.memory_space<hbm>>) target_semaphore(%arg18 : memref<!tpu.dma_semaphore, #tpu.memory_space<semaphore_mem>>)
    %scan3A = arith.constant 0 : i32
    %scan3A_277 = arith.constant 0 : i32
    %scan3A_278 = arith.constant 15 : i32
    %scan3A_279 = arith.addi %scan3A_277, %scan3A_278 : i32
    %scan3A_280 = arith.constant 1 : i32
    scf.for %scan3A_1404 = %scan3A_277 to %scan3A_279 step %scan3A_280  : i32 {
      %mul3A_1405 = arith.constant 8 : i32
      %mul3A_1406 = arith.muli %scan3A_1404, %mul3A_1405 : i32
      %add3A_1407 = arith.constant 4 : i32
      %add3A_1408 = arith.addi %add3A_1407, %mul3A_1406 : i32
      %add3A_1409 = arith.constant 0 : i32
      %add3A_1410 = arith.addi %add3A_1408, %add3A_1409 : i32
      %dma_wait3A_1411 = arith.constant 0 : i32
      %dma_wait3A_1412 = arith.constant 0 : i32
      %dma_wait3A_1413 = arith.constant 0 : i32
      %dma_wait3A_1414 = tpu.memref_slice %arg6[%dma_wait3A_1411, %dma_wait3A_1412, %dma_wait3A_1413] : memref<8x100x128xf32, #tpu.memory_space<vmem>> -> memref<1x50x64xf32, #tpu.memory_space<vmem>>
      %dma_wait3A_1415 = tpu.memref_squeeze %dma_wait3A_1414 : memref<1x50x64xf32, #tpu.memory_space<vmem>> -> memref<50x64xf32, #tpu.memory_space<vmem>>
      %dma_wait3A_1416 = arith.constant 0 : i32
      %dma_wait3A_1417 = arith.constant 0 : i32
      %dma_wait3A_1418 = tpu.memref_slice %arg4[%dma_wait3A_1416, %dma_wait3A_1417] : memref<917504x128xf32, #tpu.memory_space<hbm>> -> memref<50x64xf32, #tpu.memory_space<hbm>>
      %dma_wait3A_1419 = arith.constant 0 : i32
      %dma_wait3A_1420 = arith.constant 0 : i32
      %dma_wait3A_1421 = tpu.memref_slice %arg4[%dma_wait3A_1419, %dma_wait3A_1420] : memref<917504x128xf32, #tpu.memory_space<hbm>> -> memref<50x64xf32, #tpu.memory_space<hbm>>
      %dma_wait3A_1422 = arith.constant 0 : i32
      %dma_wait3A_1423 = arith.constant 0 : i32
      %dma_wait3A_1424 = tpu.memref_slice %arg6[%dma_wait3A_1411, %dma_wait3A_1422, %dma_wait3A_1423] : memref<8x100x128xf32, #tpu.memory_space<vmem>> -> memref<1x50x64xf32, #tpu.memory_space<vmem>>
      %dma_wait3A_1425 = tpu.memref_squeeze %dma_wait3A_1424 : memref<1x50x64xf32, #tpu.memory_space<vmem>> -> memref<50x64xf32, #tpu.memory_space<vmem>>
      tpu.wait_dma2 semaphore(%arg15 : memref<!tpu.dma_semaphore, #tpu.memory_space<semaphore_mem>>) src(%dma_wait3A_1425 : memref<50x64xf32, #tpu.memory_space<vmem>>) dst(%dma_wait3A_1421 : memref<50x64xf32, #tpu.memory_space<hbm>>)
      %dma_wait3A_1426 = arith.constant 0 : i32
      %dma_wait3A_1427 = arith.constant 0 : i32
      %dma_wait3A_1428 = arith.constant 0 : i32
      %dma_wait3A_1429 = tpu.memref_slice %arg6[%dma_wait3A_1426, %dma_wait3A_1427, %dma_wait3A_1428] : memref<8x100x128xf32, #tpu.memory_space<vmem>> -> memref<1x50x64xf32, #tpu.memory_space<vmem>>
      %dma_wait3A_1430 = tpu.memref_squeeze %dma_wait3A_1429 : memref<1x50x64xf32, #tpu.memory_space<vmem>> -> memref<50x64xf32, #tpu.memory_space<vmem>>
      %dma_wait3A_1431 = arith.constant 0 : i32
      %dma_wait3A_1432 = arith.constant 0 : i32
      %dma_wait3A_1433 = tpu.memref_slice %arg4[%dma_wait3A_1431, %dma_wait3A_1432] : memref<917504x128xf32, #tpu.memory_space<hbm>> -> memref<50x64xf32, #tpu.memory_space<hbm>>
      %dma_wait3A_1434 = arith.constant 0 : i32
      %dma_wait3A_1435 = arith.constant 0 : i32
      %dma_wait3A_1436 = tpu.memref_slice %arg4[%dma_wait3A_1434, %dma_wait3A_1435] : memref<917504x128xf32, #tpu.memory_space<hbm>> -> memref<50x64xf32, #tpu.memory_space<hbm>>
      %dma_wait3A_1437 = arith.constant 0 : i32
      %dma_wait3A_1438 = arith.constant 0 : i32
      %dma_wait3A_1439 = tpu.memref_slice %arg6[%dma_wait3A_1426, %dma_wait3A_1437, %dma_wait3A_1438] : memref<8x100x128xf32, #tpu.memory_space<vmem>> -> memref<1x50x64xf32, #tpu.memory_space<vmem>>
      %dma_wait3A_1440 = tpu.memref_squeeze %dma_wait3A_1439 : memref<1x50x64xf32, #tpu.memory_space<vmem>> -> memref<50x64xf32, #tpu.memory_space<vmem>>
      tpu.wait_dma2 semaphore(%arg15 : memref<!tpu.dma_semaphore, #tpu.memory_space<semaphore_mem>>) src(%dma_wait3A_1440 : memref<50x64xf32, #tpu.memory_space<vmem>>) dst(%dma_wait3A_1436 : memref<50x64xf32, #tpu.memory_space<hbm>>)
      %add3A_1441 = arith.constant 4 : i32
      %add3A_1442 = arith.addi %add3A_1410, %add3A_1441 : i32
      %dma_start3A_1443 = arith.constant 0 : i32
      %dma_start3A_1444 = arith.constant 0 : i32
      %dma_start3A_1445 = arith.constant 0 : i32
      %dma_start3A_1446 = tpu.memref_slice %arg6[%dma_start3A_1443, %dma_start3A_1444, %dma_start3A_1445] : memref<8x100x128xf32, #tpu.memory_space<vmem>> -> memref<1x100x128xf32, #tpu.memory_space<vmem>>
      %dma_start3A_1447 = tpu.memref_squeeze %dma_start3A_1446 : memref<1x100x128xf32, #tpu.memory_space<vmem>> -> memref<100x128xf32, #tpu.memory_space<vmem>>
      %dma_start3A_1448 = arith.constant 0 : i32
      %dma_start3A_1449 = tpu.memref_slice %arg5[%add3A_1442, %dma_start3A_1448] : memref<128x100xi32, #tpu.memory_space<vmem>> -> memref<1x100xi32, #tpu.memory_space<vmem>>
      %dma_start3A_1450 = tpu.memref_squeeze %dma_start3A_1449 : memref<1x100xi32, #tpu.memory_space<vmem>> -> memref<100xi32, #tpu.memory_space<vmem>>
      %dma_start3A_1451 = arith.constant 0 : i32
      %dma_start3A_1452 = arith.constant 0 : i32
      %dma_start3A_1453 = tpu.memref_slice %arg3[%dma_start3A_1451, %dma_start3A_1452] : memref<1000000x128xf32, #tpu.memory_space<hbm>> -> memref<1000000x128xf32, #tpu.memory_space<hbm>>
      tpu.enqueue_indirect_dma source(%dma_start3A_1453 : memref<1000000x128xf32, #tpu.memory_space<hbm>>) target(%dma_start3A_1447 : memref<100x128xf32, #tpu.memory_space<vmem>>) offsets(%dma_start3A_1450 : memref<100xi32, #tpu.memory_space<vmem>>) semaphore(%arg7 : memref<!tpu.dma_semaphore, #tpu.memory_space<semaphore_mem>>)
      %dma_wait3A_1454 = arith.constant 4 : i32
      %dma_wait3A_1455 = arith.constant 0 : i32
      %dma_wait3A_1456 = arith.constant 0 : i32
      %dma_wait3A_1457 = tpu.memref_slice %arg6[%dma_wait3A_1454, %dma_wait3A_1455, %dma_wait3A_1456] : memref<8x100x128xf32, #tpu.memory_space<vmem>> -> memref<1x100x128xf32, #tpu.memory_space<vmem>>
      %dma_wait3A_1458 = tpu.memref_squeeze %dma_wait3A_1457 : memref<1x100x128xf32, #tpu.memory_space<vmem>> -> memref<100x128xf32, #tpu.memory_space<vmem>>
      %dma_wait3A_1459 = arith.constant 0 : i32
      %dma_wait3A_1460 = arith.constant 0 : i32
      %dma_wait3A_1461 = tpu.memref_slice %arg3[%dma_wait3A_1459, %dma_wait3A_1460] : memref<1000000x128xf32, #tpu.memory_space<hbm>> -> memref<100x128xf32, #tpu.memory_space<hbm>>
      %dma_wait3A_1462 = arith.constant 0 : i32
      %dma_wait3A_1463 = arith.constant 0 : i32
      %dma_wait3A_1464 = tpu.memref_slice %arg6[%dma_wait3A_1454, %dma_wait3A_1462, %dma_wait3A_1463] : memref<8x100x128xf32, #tpu.memory_space<vmem>> -> memref<1x100x128xf32, #tpu.memory_space<vmem>>
      %dma_wait3A_1465 = tpu.memref_squeeze %dma_wait3A_1464 : memref<1x100x128xf32, #tpu.memory_space<vmem>> -> memref<100x128xf32, #tpu.memory_space<vmem>>
      %dma_wait3A_1466 = arith.constant 0 : i32
      %dma_wait3A_1467 = arith.constant 0 : i32
      %dma_wait3A_1468 = tpu.memref_slice %arg3[%dma_wait3A_1466, %dma_wait3A_1467] : memref<1000000x128xf32, #tpu.memory_space<hbm>> -> memref<100x128xf32, #tpu.memory_space<hbm>>
      tpu.wait_dma2 semaphore(%arg11 : memref<!tpu.dma_semaphore, #tpu.memory_space<semaphore_mem>>) src(%dma_wait3A_1468 : memref<100x128xf32, #tpu.memory_space<hbm>>) dst(%dma_wait3A_1465 : memref<100x128xf32, #tpu.memory_space<vmem>>)
      %add3A_1469 = arith.constant 0 : i32
      %add3A_1470 = arith.addi %add3A_1469, %add3A_1410 : i32
      %mul3A_1471 = arith.constant 112 : i32
      %mul3A_1472 = arith.muli %add3A_1470, %mul3A_1471 : i32
      %add3A_1473 = arith.addi %mul3A_2, %mul3A_1472 : i32
      %dma_start3A_1474 = arith.constant 4 : i32
      %dma_start3A_1475 = arith.constant 0 : i32
      %dma_start3A_1476 = arith.constant 0 : i32
      %dma_start3A_1477 = tpu.memref_slice %arg6[%dma_start3A_1474, %dma_start3A_1475, %dma_start3A_1476] : memref<8x100x128xf32, #tpu.memory_space<vmem>> -> memref<1x50x64xf32, #tpu.memory_space<vmem>>
      %dma_start3A_1478 = tpu.memref_squeeze %dma_start3A_1477 : memref<1x50x64xf32, #tpu.memory_space<vmem>> -> memref<50x64xf32, #tpu.memory_space<vmem>>
      %dma_start3A_1479 = arith.constant 0 : i32
      %dma_start3A_1480 = tpu.memref_slice %arg4[%add3A_1473, %dma_start3A_1479] : memref<917504x128xf32, #tpu.memory_space<hbm>> -> memref<50x64xf32, #tpu.memory_space<hbm>>
      %dma_start3A_1481 = arith.constant 0 : i32
      %dma_start3A_1482 = tpu.memref_slice %arg4[%add3A_1473, %dma_start3A_1481] : memref<917504x128xf32, #tpu.memory_space<hbm>> -> memref<50x64xf32, #tpu.memory_space<hbm>>
      %dma_start3A_1483 = arith.constant 0 : i32
      %dma_start3A_1484 = arith.constant 0 : i32
      %dma_start3A_1485 = tpu.memref_slice %arg6[%dma_start3A_1474, %dma_start3A_1483, %dma_start3A_1484] : memref<8x100x128xf32, #tpu.memory_space<vmem>> -> memref<1x50x64xf32, #tpu.memory_space<vmem>>
      %dma_start3A_1486 = tpu.memref_squeeze %dma_start3A_1485 : memref<1x50x64xf32, #tpu.memory_space<vmem>> -> memref<50x64xf32, #tpu.memory_space<vmem>>
      tpu.enqueue_dma source(%dma_start3A_1486 : memref<50x64xf32, #tpu.memory_space<vmem>>) target(%dma_start3A_1482 : memref<50x64xf32, #tpu.memory_space<hbm>>) target_semaphore(%arg19 : memref<!tpu.dma_semaphore, #tpu.memory_space<semaphore_mem>>)
      %add3A_1487 = arith.constant 56 : i32
      %add3A_1488 = arith.addi %add3A_1473, %add3A_1487 : i32
      %dma_start3A_1489 = arith.constant 4 : i32
      %dma_start3A_1490 = arith.constant 50 : i32
      %dma_start3A_1491 = arith.constant 0 : i32
      %dma_start3A_1492 = tpu.memref_slice %arg6[%dma_start3A_1489, %dma_start3A_1490, %dma_start3A_1491] : memref<8x100x128xf32, #tpu.memory_space<vmem>> -> memref<1x50x64xf32, #tpu.memory_space<vmem>>
      %dma_start3A_1493 = tpu.memref_squeeze %dma_start3A_1492 : memref<1x50x64xf32, #tpu.memory_space<vmem>> -> memref<50x64xf32, #tpu.memory_space<vmem>>
      %dma_start3A_1494 = arith.constant 0 : i32
      %dma_start3A_1495 = tpu.memref_slice %arg4[%add3A_1488, %dma_start3A_1494] : memref<917504x128xf32, #tpu.memory_space<hbm>> -> memref<50x64xf32, #tpu.memory_space<hbm>>
      %dma_start3A_1496 = arith.constant 0 : i32
      %dma_start3A_1497 = tpu.memref_slice %arg4[%add3A_1488, %dma_start3A_1496] : memref<917504x128xf32, #tpu.memory_space<hbm>> -> memref<50x64xf32, #tpu.memory_space<hbm>>
      %dma_start3A_1498 = arith.constant 50 : i32
      %dma_start3A_1499 = arith.constant 0 : i32
      %dma_start3A_1500 = tpu.memref_slice %arg6[%dma_start3A_1489, %dma_start3A_1498, %dma_start3A_1499] : memref<8x100x128xf32, #tpu.memory_space<vmem>> -> memref<1x50x64xf32, #tpu.memory_space<vmem>>
      %dma_start3A_1501 = tpu.memref_squeeze %dma_start3A_1500 : memref<1x50x64xf32, #tpu.memory_space<vmem>> -> memref<50x64xf32, #tpu.memory_space<vmem>>
      tpu.enqueue_dma source(%dma_start3A_1501 : memref<50x64xf32, #tpu.memory_space<vmem>>) target(%dma_start3A_1497 : memref<50x64xf32, #tpu.memory_space<hbm>>) target_semaphore(%arg19 : memref<!tpu.dma_semaphore, #tpu.memory_space<semaphore_mem>>)
      %add3A_1502 = arith.constant 1 : i32
      %add3A_1503 = arith.addi %add3A_1408, %add3A_1502 : i32
      %dma_wait3A_1504 = arith.constant 1 : i32
      %dma_wait3A_1505 = arith.constant 0 : i32
      %dma_wait3A_1506 = arith.constant 0 : i32
      %dma_wait3A_1507 = tpu.memref_slice %arg6[%dma_wait3A_1504, %dma_wait3A_1505, %dma_wait3A_1506] : memref<8x100x128xf32, #tpu.memory_space<vmem>> -> memref<1x50x64xf32, #tpu.memory_space<vmem>>
      %dma_wait3A_1508 = tpu.memref_squeeze %dma_wait3A_1507 : memref<1x50x64xf32, #tpu.memory_space<vmem>> -> memref<50x64xf32, #tpu.memory_space<vmem>>
      %dma_wait3A_1509 = arith.constant 0 : i32
      %dma_wait3A_1510 = arith.constant 0 : i32
      %dma_wait3A_1511 = tpu.memref_slice %arg4[%dma_wait3A_1509, %dma_wait3A_1510] : memref<917504x128xf32, #tpu.memory_space<hbm>> -> memref<50x64xf32, #tpu.memory_space<hbm>>
      %dma_wait3A_1512 = arith.constant 0 : i32
      %dma_wait3A_1513 = arith.constant 0 : i32
      %dma_wait3A_1514 = tpu.memref_slice %arg4[%dma_wait3A_1512, %dma_wait3A_1513] : memref<917504x128xf32, #tpu.memory_space<hbm>> -> memref<50x64xf32, #tpu.memory_space<hbm>>
      %dma_wait3A_1515 = arith.constant 0 : i32
      %dma_wait3A_1516 = arith.constant 0 : i32
      %dma_wait3A_1517 = tpu.memref_slice %arg6[%dma_wait3A_1504, %dma_wait3A_1515, %dma_wait3A_1516] : memref<8x100x128xf32, #tpu.memory_space<vmem>> -> memref<1x50x64xf32, #tpu.memory_space<vmem>>
      %dma_wait3A_1518 = tpu.memref_squeeze %dma_wait3A_1517 : memref<1x50x64xf32, #tpu.memory_space<vmem>> -> memref<50x64xf32, #tpu.memory_space<vmem>>
      tpu.wait_dma2 semaphore(%arg16 : memref<!tpu.dma_semaphore, #tpu.memory_space<semaphore_mem>>) src(%dma_wait3A_1518 : memref<50x64xf32, #tpu.memory_space<vmem>>) dst(%dma_wait3A_1514 : memref<50x64xf32, #tpu.memory_space<hbm>>)
      %dma_wait3A_1519 = arith.constant 1 : i32
      %dma_wait3A_1520 = arith.constant 0 : i32
      %dma_wait3A_1521 = arith.constant 0 : i32
      %dma_wait3A_1522 = tpu.memref_slice %arg6[%dma_wait3A_1519, %dma_wait3A_1520, %dma_wait3A_1521] : memref<8x100x128xf32, #tpu.memory_space<vmem>> -> memref<1x50x64xf32, #tpu.memory_space<vmem>>
      %dma_wait3A_1523 = tpu.memref_squeeze %dma_wait3A_1522 : memref<1x50x64xf32, #tpu.memory_space<vmem>> -> memref<50x64xf32, #tpu.memory_space<vmem>>
      %dma_wait3A_1524 = arith.constant 0 : i32
      %dma_wait3A_1525 = arith.constant 0 : i32
      %dma_wait3A_1526 = tpu.memref_slice %arg4[%dma_wait3A_1524, %dma_wait3A_1525] : memref<917504x128xf32, #tpu.memory_space<hbm>> -> memref<50x64xf32, #tpu.memory_space<hbm>>
      %dma_wait3A_1527 = arith.constant 0 : i32
      %dma_wait3A_1528 = arith.constant 0 : i32
      %dma_wait3A_1529 = tpu.memref_slice %arg4[%dma_wait3A_1527, %dma_wait3A_1528] : memref<917504x128xf32, #tpu.memory_space<hbm>> -> memref<50x64xf32, #tpu.memory_space<hbm>>
      %dma_wait3A_1530 = arith.constant 0 : i32
      %dma_wait3A_1531 = arith.constant 0 : i32
      %dma_wait3A_1532 = tpu.memref_slice %arg6[%dma_wait3A_1519, %dma_wait3A_1530, %dma_wait3A_1531] : memref<8x100x128xf32, #tpu.memory_space<vmem>> -> memref<1x50x64xf32, #tpu.memory_space<vmem>>
      %dma_wait3A_1533 = tpu.memref_squeeze %dma_wait3A_1532 : memref<1x50x64xf32, #tpu.memory_space<vmem>> -> memref<50x64xf32, #tpu.memory_space<vmem>>
      tpu.wait_dma2 semaphore(%arg16 : memref<!tpu.dma_semaphore, #tpu.memory_space<semaphore_mem>>) src(%dma_wait3A_1533 : memref<50x64xf32, #tpu.memory_space<vmem>>) dst(%dma_wait3A_1529 : memref<50x64xf32, #tpu.memory_space<hbm>>)
      %add3A_1534 = arith.constant 4 : i32
      %add3A_1535 = arith.addi %add3A_1503, %add3A_1534 : i32
      %dma_start3A_1536 = arith.constant 1 : i32
      %dma_start3A_1537 = arith.constant 0 : i32
      %dma_start3A_1538 = arith.constant 0 : i32
      %dma_start3A_1539 = tpu.memref_slice %arg6[%dma_start3A_1536, %dma_start3A_1537, %dma_start3A_1538] : memref<8x100x128xf32, #tpu.memory_space<vmem>> -> memref<1x100x128xf32, #tpu.memory_space<vmem>>
      %dma_start3A_1540 = tpu.memref_squeeze %dma_start3A_1539 : memref<1x100x128xf32, #tpu.memory_space<vmem>> -> memref<100x128xf32, #tpu.memory_space<vmem>>
      %dma_start3A_1541 = arith.constant 0 : i32
      %dma_start3A_1542 = tpu.memref_slice %arg5[%add3A_1535, %dma_start3A_1541] : memref<128x100xi32, #tpu.memory_space<vmem>> -> memref<1x100xi32, #tpu.memory_space<vmem>>
      %dma_start3A_1543 = tpu.memref_squeeze %dma_start3A_1542 : memref<1x100xi32, #tpu.memory_space<vmem>> -> memref<100xi32, #tpu.memory_space<vmem>>
      %dma_start3A_1544 = arith.constant 0 : i32
      %dma_start3A_1545 = arith.constant 0 : i32
      %dma_start3A_1546 = tpu.memref_slice %arg3[%dma_start3A_1544, %dma_start3A_1545] : memref<1000000x128xf32, #tpu.memory_space<hbm>> -> memref<1000000x128xf32, #tpu.memory_space<hbm>>
      tpu.enqueue_indirect_dma source(%dma_start3A_1546 : memref<1000000x128xf32, #tpu.memory_space<hbm>>) target(%dma_start3A_1540 : memref<100x128xf32, #tpu.memory_space<vmem>>) offsets(%dma_start3A_1543 : memref<100xi32, #tpu.memory_space<vmem>>) semaphore(%arg8 : memref<!tpu.dma_semaphore, #tpu.memory_space<semaphore_mem>>)
      %dma_wait3A_1547 = arith.constant 5 : i32
      %dma_wait3A_1548 = arith.constant 0 : i32
      %dma_wait3A_1549 = arith.constant 0 : i32
      %dma_wait3A_1550 = tpu.memref_slice %arg6[%dma_wait3A_1547, %dma_wait3A_1548, %dma_wait3A_1549] : memref<8x100x128xf32, #tpu.memory_space<vmem>> -> memref<1x100x128xf32, #tpu.memory_space<vmem>>
      %dma_wait3A_1551 = tpu.memref_squeeze %dma_wait3A_1550 : memref<1x100x128xf32, #tpu.memory_space<vmem>> -> memref<100x128xf32, #tpu.memory_space<vmem>>
      %dma_wait3A_1552 = arith.constant 0 : i32
      %dma_wait3A_1553 = arith.constant 0 : i32
      %dma_wait3A_1554 = tpu.memref_slice %arg3[%dma_wait3A_1552, %dma_wait3A_1553] : memref<1000000x128xf32, #tpu.memory_space<hbm>> -> memref<100x128xf32, #tpu.memory_space<hbm>>
      %dma_wait3A_1555 = arith.constant 0 : i32
      %dma_wait3A_1556 = arith.constant 0 : i32
      %dma_wait3A_1557 = tpu.memref_slice %arg6[%dma_wait3A_1547, %dma_wait3A_1555, %dma_wait3A_1556] : memref<8x100x128xf32, #tpu.memory_space<vmem>> -> memref<1x100x128xf32, #tpu.memory_space<vmem>>
      %dma_wait3A_1558 = tpu.memref_squeeze %dma_wait3A_1557 : memref<1x100x128xf32, #tpu.memory_space<vmem>> -> memref<100x128xf32, #tpu.memory_space<vmem>>
      %dma_wait3A_1559 = arith.constant 0 : i32
      %dma_wait3A_1560 = arith.constant 0 : i32
      %dma_wait3A_1561 = tpu.memref_slice %arg3[%dma_wait3A_1559, %dma_wait3A_1560] : memref<1000000x128xf32, #tpu.memory_space<hbm>> -> memref<100x128xf32, #tpu.memory_space<hbm>>
      tpu.wait_dma2 semaphore(%arg12 : memref<!tpu.dma_semaphore, #tpu.memory_space<semaphore_mem>>) src(%dma_wait3A_1561 : memref<100x128xf32, #tpu.memory_space<hbm>>) dst(%dma_wait3A_1558 : memref<100x128xf32, #tpu.memory_space<vmem>>)
      %add3A_1562 = arith.constant 0 : i32
      %add3A_1563 = arith.addi %add3A_1562, %add3A_1503 : i32
      %mul3A_1564 = arith.constant 112 : i32
      %mul3A_1565 = arith.muli %add3A_1563, %mul3A_1564 : i32
      %add3A_1566 = arith.addi %mul3A_2, %mul3A_1565 : i32
      %dma_start3A_1567 = arith.constant 5 : i32
      %dma_start3A_1568 = arith.constant 0 : i32
      %dma_start3A_1569 = arith.constant 0 : i32
      %dma_start3A_1570 = tpu.memref_slice %arg6[%dma_start3A_1567, %dma_start3A_1568, %dma_start3A_1569] : memref<8x100x128xf32, #tpu.memory_space<vmem>> -> memref<1x50x64xf32, #tpu.memory_space<vmem>>
      %dma_start3A_1571 = tpu.memref_squeeze %dma_start3A_1570 : memref<1x50x64xf32, #tpu.memory_space<vmem>> -> memref<50x64xf32, #tpu.memory_space<vmem>>
      %dma_start3A_1572 = arith.constant 0 : i32
      %dma_start3A_1573 = tpu.memref_slice %arg4[%add3A_1566, %dma_start3A_1572] : memref<917504x128xf32, #tpu.memory_space<hbm>> -> memref<50x64xf32, #tpu.memory_space<hbm>>
      %dma_start3A_1574 = arith.constant 0 : i32
      %dma_start3A_1575 = tpu.memref_slice %arg4[%add3A_1566, %dma_start3A_1574] : memref<917504x128xf32, #tpu.memory_space<hbm>> -> memref<50x64xf32, #tpu.memory_space<hbm>>
      %dma_start3A_1576 = arith.constant 0 : i32
      %dma_start3A_1577 = arith.constant 0 : i32
      %dma_start3A_1578 = tpu.memref_slice %arg6[%dma_start3A_1567, %dma_start3A_1576, %dma_start3A_1577] : memref<8x100x128xf32, #tpu.memory_space<vmem>> -> memref<1x50x64xf32, #tpu.memory_space<vmem>>
      %dma_start3A_1579 = tpu.memref_squeeze %dma_start3A_1578 : memref<1x50x64xf32, #tpu.memory_space<vmem>> -> memref<50x64xf32, #tpu.memory_space<vmem>>
      tpu.enqueue_dma source(%dma_start3A_1579 : memref<50x64xf32, #tpu.memory_space<vmem>>) target(%dma_start3A_1575 : memref<50x64xf32, #tpu.memory_space<hbm>>) target_semaphore(%arg20 : memref<!tpu.dma_semaphore, #tpu.memory_space<semaphore_mem>>)
      %add3A_1580 = arith.constant 56 : i32
      %add3A_1581 = arith.addi %add3A_1566, %add3A_1580 : i32
      %dma_start3A_1582 = arith.constant 5 : i32
      %dma_start3A_1583 = arith.constant 50 : i32
      %dma_start3A_1584 = arith.constant 0 : i32
      %dma_start3A_1585 = tpu.memref_slice %arg6[%dma_start3A_1582, %dma_start3A_1583, %dma_start3A_1584] : memref<8x100x128xf32, #tpu.memory_space<vmem>> -> memref<1x50x64xf32, #tpu.memory_space<vmem>>
      %dma_start3A_1586 = tpu.memref_squeeze %dma_start3A_1585 : memref<1x50x64xf32, #tpu.memory_space<vmem>> -> memref<50x64xf32, #tpu.memory_space<vmem>>
      %dma_start3A_1587 = arith.constant 0 : i32
      %dma_start3A_1588 = tpu.memref_slice %arg4[%add3A_1581, %dma_start3A_1587] : memref<917504x128xf32, #tpu.memory_space<hbm>> -> memref<50x64xf32, #tpu.memory_space<hbm>>
      %dma_start3A_1589 = arith.constant 0 : i32
      %dma_start3A_1590 = tpu.memref_slice %arg4[%add3A_1581, %dma_start3A_1589] : memref<917504x128xf32, #tpu.memory_space<hbm>> -> memref<50x64xf32, #tpu.memory_space<hbm>>
      %dma_start3A_1591 = arith.constant 50 : i32
      %dma_start3A_1592 = arith.constant 0 : i32
      %dma_start3A_1593 = tpu.memref_slice %arg6[%dma_start3A_1582, %dma_start3A_1591, %dma_start3A_1592] : memref<8x100x128xf32, #tpu.memory_space<vmem>> -> memref<1x50x64xf32, #tpu.memory_space<vmem>>
      %dma_start3A_1594 = tpu.memref_squeeze %dma_start3A_1593 : memref<1x50x64xf32, #tpu.memory_space<vmem>> -> memref<50x64xf32, #tpu.memory_space<vmem>>
      tpu.enqueue_dma source(%dma_start3A_1594 : memref<50x64xf32, #tpu.memory_space<vmem>>) target(%dma_start3A_1590 : memref<50x64xf32, #tpu.memory_space<hbm>>) target_semaphore(%arg20 : memref<!tpu.dma_semaphore, #tpu.memory_space<semaphore_mem>>)
      %add3A_1595 = arith.constant 2 : i32
      %add3A_1596 = arith.addi %add3A_1408, %add3A_1595 : i32
      %dma_wait3A_1597 = arith.constant 2 : i32
      %dma_wait3A_1598 = arith.constant 0 : i32
      %dma_wait3A_1599 = arith.constant 0 : i32
      %dma_wait3A_1600 = tpu.memref_slice %arg6[%dma_wait3A_1597, %dma_wait3A_1598, %dma_wait3A_1599] : memref<8x100x128xf32, #tpu.memory_space<vmem>> -> memref<1x50x64xf32, #tpu.memory_space<vmem>>
      %dma_wait3A_1601 = tpu.memref_squeeze %dma_wait3A_1600 : memref<1x50x64xf32, #tpu.memory_space<vmem>> -> memref<50x64xf32, #tpu.memory_space<vmem>>
      %dma_wait3A_1602 = arith.constant 0 : i32
      %dma_wait3A_1603 = arith.constant 0 : i32
      %dma_wait3A_1604 = tpu.memref_slice %arg4[%dma_wait3A_1602, %dma_wait3A_1603] : memref<917504x128xf32, #tpu.memory_space<hbm>> -> memref<50x64xf32, #tpu.memory_space<hbm>>
      %dma_wait3A_1605 = arith.constant 0 : i32
      %dma_wait3A_1606 = arith.constant 0 : i32
      %dma_wait3A_1607 = tpu.memref_slice %arg4[%dma_wait3A_1605, %dma_wait3A_1606] : memref<917504x128xf32, #tpu.memory_space<hbm>> -> memref<50x64xf32, #tpu.memory_space<hbm>>
      %dma_wait3A_1608 = arith.constant 0 : i32
      %dma_wait3A_1609 = arith.constant 0 : i32
      %dma_wait3A_1610 = tpu.memref_slice %arg6[%dma_wait3A_1597, %dma_wait3A_1608, %dma_wait3A_1609] : memref<8x100x128xf32, #tpu.memory_space<vmem>> -> memref<1x50x64xf32, #tpu.memory_space<vmem>>
      %dma_wait3A_1611 = tpu.memref_squeeze %dma_wait3A_1610 : memref<1x50x64xf32, #tpu.memory_space<vmem>> -> memref<50x64xf32, #tpu.memory_space<vmem>>
      tpu.wait_dma2 semaphore(%arg17 : memref<!tpu.dma_semaphore, #tpu.memory_space<semaphore_mem>>) src(%dma_wait3A_1611 : memref<50x64xf32, #tpu.memory_space<vmem>>) dst(%dma_wait3A_1607 : memref<50x64xf32, #tpu.memory_space<hbm>>)
      %dma_wait3A_1612 = arith.constant 2 : i32
      %dma_wait3A_1613 = arith.constant 0 : i32
      %dma_wait3A_1614 = arith.constant 0 : i32
      %dma_wait3A_1615 = tpu.memref_slice %arg6[%dma_wait3A_1612, %dma_wait3A_1613, %dma_wait3A_1614] : memref<8x100x128xf32, #tpu.memory_space<vmem>> -> memref<1x50x64xf32, #tpu.memory_space<vmem>>
      %dma_wait3A_1616 = tpu.memref_squeeze %dma_wait3A_1615 : memref<1x50x64xf32, #tpu.memory_space<vmem>> -> memref<50x64xf32, #tpu.memory_space<vmem>>
      %dma_wait3A_1617 = arith.constant 0 : i32
      %dma_wait3A_1618 = arith.constant 0 : i32
      %dma_wait3A_1619 = tpu.memref_slice %arg4[%dma_wait3A_1617, %dma_wait3A_1618] : memref<917504x128xf32, #tpu.memory_space<hbm>> -> memref<50x64xf32, #tpu.memory_space<hbm>>
      %dma_wait3A_1620 = arith.constant 0 : i32
      %dma_wait3A_1621 = arith.constant 0 : i32
      %dma_wait3A_1622 = tpu.memref_slice %arg4[%dma_wait3A_1620, %dma_wait3A_1621] : memref<917504x128xf32, #tpu.memory_space<hbm>> -> memref<50x64xf32, #tpu.memory_space<hbm>>
      %dma_wait3A_1623 = arith.constant 0 : i32
      %dma_wait3A_1624 = arith.constant 0 : i32
      %dma_wait3A_1625 = tpu.memref_slice %arg6[%dma_wait3A_1612, %dma_wait3A_1623, %dma_wait3A_1624] : memref<8x100x128xf32, #tpu.memory_space<vmem>> -> memref<1x50x64xf32, #tpu.memory_space<vmem>>
      %dma_wait3A_1626 = tpu.memref_squeeze %dma_wait3A_1625 : memref<1x50x64xf32, #tpu.memory_space<vmem>> -> memref<50x64xf32, #tpu.memory_space<vmem>>
      tpu.wait_dma2 semaphore(%arg17 : memref<!tpu.dma_semaphore, #tpu.memory_space<semaphore_mem>>) src(%dma_wait3A_1626 : memref<50x64xf32, #tpu.memory_space<vmem>>) dst(%dma_wait3A_1622 : memref<50x64xf32, #tpu.memory_space<hbm>>)
      %add3A_1627 = arith.constant 4 : i32
      %add3A_1628 = arith.addi %add3A_1596, %add3A_1627 : i32
      %dma_start3A_1629 = arith.constant 2 : i32
      %dma_start3A_1630 = arith.constant 0 : i32
      %dma_start3A_1631 = arith.constant 0 : i32
      %dma_start3A_1632 = tpu.memref_slice %arg6[%dma_start3A_1629, %dma_start3A_1630, %dma_start3A_1631] : memref<8x100x128xf32, #tpu.memory_space<vmem>> -> memref<1x100x128xf32, #tpu.memory_space<vmem>>
      %dma_start3A_1633 = tpu.memref_squeeze %dma_start3A_1632 : memref<1x100x128xf32, #tpu.memory_space<vmem>> -> memref<100x128xf32, #tpu.memory_space<vmem>>
      %dma_start3A_1634 = arith.constant 0 : i32
      %dma_start3A_1635 = tpu.memref_slice %arg5[%add3A_1628, %dma_start3A_1634] : memref<128x100xi32, #tpu.memory_space<vmem>> -> memref<1x100xi32, #tpu.memory_space<vmem>>
      %dma_start3A_1636 = tpu.memref_squeeze %dma_start3A_1635 : memref<1x100xi32, #tpu.memory_space<vmem>> -> memref<100xi32, #tpu.memory_space<vmem>>
      %dma_start3A_1637 = arith.constant 0 : i32
      %dma_start3A_1638 = arith.constant 0 : i32
      %dma_start3A_1639 = tpu.memref_slice %arg3[%dma_start3A_1637, %dma_start3A_1638] : memref<1000000x128xf32, #tpu.memory_space<hbm>> -> memref<1000000x128xf32, #tpu.memory_space<hbm>>
      tpu.enqueue_indirect_dma source(%dma_start3A_1639 : memref<1000000x128xf32, #tpu.memory_space<hbm>>) target(%dma_start3A_1633 : memref<100x128xf32, #tpu.memory_space<vmem>>) offsets(%dma_start3A_1636 : memref<100xi32, #tpu.memory_space<vmem>>) semaphore(%arg9 : memref<!tpu.dma_semaphore, #tpu.memory_space<semaphore_mem>>)
      %dma_wait3A_1640 = arith.constant 6 : i32
      %dma_wait3A_1641 = arith.constant 0 : i32
      %dma_wait3A_1642 = arith.constant 0 : i32
      %dma_wait3A_1643 = tpu.memref_slice %arg6[%dma_wait3A_1640, %dma_wait3A_1641, %dma_wait3A_1642] : memref<8x100x128xf32, #tpu.memory_space<vmem>> -> memref<1x100x128xf32, #tpu.memory_space<vmem>>
      %dma_wait3A_1644 = tpu.memref_squeeze %dma_wait3A_1643 : memref<1x100x128xf32, #tpu.memory_space<vmem>> -> memref<100x128xf32, #tpu.memory_space<vmem>>
      %dma_wait3A_1645 = arith.constant 0 : i32
      %dma_wait3A_1646 = arith.constant 0 : i32
      %dma_wait3A_1647 = tpu.memref_slice %arg3[%dma_wait3A_1645, %dma_wait3A_1646] : memref<1000000x128xf32, #tpu.memory_space<hbm>> -> memref<100x128xf32, #tpu.memory_space<hbm>>
      %dma_wait3A_1648 = arith.constant 0 : i32
      %dma_wait3A_1649 = arith.constant 0 : i32
      %dma_wait3A_1650 = tpu.memref_slice %arg6[%dma_wait3A_1640, %dma_wait3A_1648, %dma_wait3A_1649] : memref<8x100x128xf32, #tpu.memory_space<vmem>> -> memref<1x100x128xf32, #tpu.memory_space<vmem>>
      %dma_wait3A_1651 = tpu.memref_squeeze %dma_wait3A_1650 : memref<1x100x128xf32, #tpu.memory_space<vmem>> -> memref<100x128xf32, #tpu.memory_space<vmem>>
      %dma_wait3A_1652 = arith.constant 0 : i32
      %dma_wait3A_1653 = arith.constant 0 : i32
      %dma_wait3A_1654 = tpu.memref_slice %arg3[%dma_wait3A_1652, %dma_wait3A_1653] : memref<1000000x128xf32, #tpu.memory_space<hbm>> -> memref<100x128xf32, #tpu.memory_space<hbm>>
      tpu.wait_dma2 semaphore(%arg13 : memref<!tpu.dma_semaphore, #tpu.memory_space<semaphore_mem>>) src(%dma_wait3A_1654 : memref<100x128xf32, #tpu.memory_space<hbm>>) dst(%dma_wait3A_1651 : memref<100x128xf32, #tpu.memory_space<vmem>>)
      %add3A_1655 = arith.constant 0 : i32
      %add3A_1656 = arith.addi %add3A_1655, %add3A_1596 : i32
      %mul3A_1657 = arith.constant 112 : i32
      %mul3A_1658 = arith.muli %add3A_1656, %mul3A_1657 : i32
      %add3A_1659 = arith.addi %mul3A_2, %mul3A_1658 : i32
      %dma_start3A_1660 = arith.constant 6 : i32
      %dma_start3A_1661 = arith.constant 0 : i32
      %dma_start3A_1662 = arith.constant 0 : i32
      %dma_start3A_1663 = tpu.memref_slice %arg6[%dma_start3A_1660, %dma_start3A_1661, %dma_start3A_1662] : memref<8x100x128xf32, #tpu.memory_space<vmem>> -> memref<1x50x64xf32, #tpu.memory_space<vmem>>
      %dma_start3A_1664 = tpu.memref_squeeze %dma_start3A_1663 : memref<1x50x64xf32, #tpu.memory_space<vmem>> -> memref<50x64xf32, #tpu.memory_space<vmem>>
      %dma_start3A_1665 = arith.constant 0 : i32
      %dma_start3A_1666 = tpu.memref_slice %arg4[%add3A_1659, %dma_start3A_1665] : memref<917504x128xf32, #tpu.memory_space<hbm>> -> memref<50x64xf32, #tpu.memory_space<hbm>>
      %dma_start3A_1667 = arith.constant 0 : i32
      %dma_start3A_1668 = tpu.memref_slice %arg4[%add3A_1659, %dma_start3A_1667] : memref<917504x128xf32, #tpu.memory_space<hbm>> -> memref<50x64xf32, #tpu.memory_space<hbm>>
      %dma_start3A_1669 = arith.constant 0 : i32
      %dma_start3A_1670 = arith.constant 0 : i32
      %dma_start3A_1671 = tpu.memref_slice %arg6[%dma_start3A_1660, %dma_start3A_1669, %dma_start3A_1670] : memref<8x100x128xf32, #tpu.memory_space<vmem>> -> memref<1x50x64xf32, #tpu.memory_space<vmem>>
      %dma_start3A_1672 = tpu.memref_squeeze %dma_start3A_1671 : memref<1x50x64xf32, #tpu.memory_space<vmem>> -> memref<50x64xf32, #tpu.memory_space<vmem>>
      tpu.enqueue_dma source(%dma_start3A_1672 : memref<50x64xf32, #tpu.memory_space<vmem>>) target(%dma_start3A_1668 : memref<50x64xf32, #tpu.memory_space<hbm>>) target_semaphore(%arg21 : memref<!tpu.dma_semaphore, #tpu.memory_space<semaphore_mem>>)
      %add3A_1673 = arith.constant 56 : i32
      %add3A_1674 = arith.addi %add3A_1659, %add3A_1673 : i32
      %dma_start3A_1675 = arith.constant 6 : i32
      %dma_start3A_1676 = arith.constant 50 : i32
      %dma_start3A_1677 = arith.constant 0 : i32
      %dma_start3A_1678 = tpu.memref_slice %arg6[%dma_start3A_1675, %dma_start3A_1676, %dma_start3A_1677] : memref<8x100x128xf32, #tpu.memory_space<vmem>> -> memref<1x50x64xf32, #tpu.memory_space<vmem>>
      %dma_start3A_1679 = tpu.memref_squeeze %dma_start3A_1678 : memref<1x50x64xf32, #tpu.memory_space<vmem>> -> memref<50x64xf32, #tpu.memory_space<vmem>>
      %dma_start3A_1680 = arith.constant 0 : i32
      %dma_start3A_1681 = tpu.memref_slice %arg4[%add3A_1674, %dma_start3A_1680] : memref<917504x128xf32, #tpu.memory_space<hbm>> -> memref<50x64xf32, #tpu.memory_space<hbm>>
      %dma_start3A_1682 = arith.constant 0 : i32
      %dma_start3A_1683 = tpu.memref_slice %arg4[%add3A_1674, %dma_start3A_1682] : memref<917504x128xf32, #tpu.memory_space<hbm>> -> memref<50x64xf32, #tpu.memory_space<hbm>>
      %dma_start3A_1684 = arith.constant 50 : i32
      %dma_start3A_1685 = arith.constant 0 : i32
      %dma_start3A_1686 = tpu.memref_slice %arg6[%dma_start3A_1675, %dma_start3A_1684, %dma_start3A_1685] : memref<8x100x128xf32, #tpu.memory_space<vmem>> -> memref<1x50x64xf32, #tpu.memory_space<vmem>>
      %dma_start3A_1687 = tpu.memref_squeeze %dma_start3A_1686 : memref<1x50x64xf32, #tpu.memory_space<vmem>> -> memref<50x64xf32, #tpu.memory_space<vmem>>
      tpu.enqueue_dma source(%dma_start3A_1687 : memref<50x64xf32, #tpu.memory_space<vmem>>) target(%dma_start3A_1683 : memref<50x64xf32, #tpu.memory_space<hbm>>) target_semaphore(%arg21 : memref<!tpu.dma_semaphore, #tpu.memory_space<semaphore_mem>>)
      %add3A_1688 = arith.constant 3 : i32
      %add3A_1689 = arith.addi %add3A_1408, %add3A_1688 : i32
      %dma_wait3A_1690 = arith.constant 3 : i32
      %dma_wait3A_1691 = arith.constant 0 : i32
      %dma_wait3A_1692 = arith.constant 0 : i32
      %dma_wait3A_1693 = tpu.memref_slice %arg6[%dma_wait3A_1690, %dma_wait3A_1691, %dma_wait3A_1692] : memref<8x100x128xf32, #tpu.memory_space<vmem>> -> memref<1x50x64xf32, #tpu.memory_space<vmem>>
      %dma_wait3A_1694 = tpu.memref_squeeze %dma_wait3A_1693 : memref<1x50x64xf32, #tpu.memory_space<vmem>> -> memref<50x64xf32, #tpu.memory_space<vmem>>
      %dma_wait3A_1695 = arith.constant 0 : i32
      %dma_wait3A_1696 = arith.constant 0 : i32
      %dma_wait3A_1697 = tpu.memref_slice %arg4[%dma_wait3A_1695, %dma_wait3A_1696] : memref<917504x128xf32, #tpu.memory_space<hbm>> -> memref<50x64xf32, #tpu.memory_space<hbm>>
      %dma_wait3A_1698 = arith.constant 0 : i32
      %dma_wait3A_1699 = arith.constant 0 : i32
      %dma_wait3A_1700 = tpu.memref_slice %arg4[%dma_wait3A_1698, %dma_wait3A_1699] : memref<917504x128xf32, #tpu.memory_space<hbm>> -> memref<50x64xf32, #tpu.memory_space<hbm>>
      %dma_wait3A_1701 = arith.constant 0 : i32
      %dma_wait3A_1702 = arith.constant 0 : i32
      %dma_wait3A_1703 = tpu.memref_slice %arg6[%dma_wait3A_1690, %dma_wait3A_1701, %dma_wait3A_1702] : memref<8x100x128xf32, #tpu.memory_space<vmem>> -> memref<1x50x64xf32, #tpu.memory_space<vmem>>
      %dma_wait3A_1704 = tpu.memref_squeeze %dma_wait3A_1703 : memref<1x50x64xf32, #tpu.memory_space<vmem>> -> memref<50x64xf32, #tpu.memory_space<vmem>>
      tpu.wait_dma2 semaphore(%arg18 : memref<!tpu.dma_semaphore, #tpu.memory_space<semaphore_mem>>) src(%dma_wait3A_1704 : memref<50x64xf32, #tpu.memory_space<vmem>>) dst(%dma_wait3A_1700 : memref<50x64xf32, #tpu.memory_space<hbm>>)
      %dma_wait3A_1705 = arith.constant 3 : i32
      %dma_wait3A_1706 = arith.constant 0 : i32
      %dma_wait3A_1707 = arith.constant 0 : i32
      %dma_wait3A_1708 = tpu.memref_slice %arg6[%dma_wait3A_1705, %dma_wait3A_1706, %dma_wait3A_1707] : memref<8x100x128xf32, #tpu.memory_space<vmem>> -> memref<1x50x64xf32, #tpu.memory_space<vmem>>
      %dma_wait3A_1709 = tpu.memref_squeeze %dma_wait3A_1708 : memref<1x50x64xf32, #tpu.memory_space<vmem>> -> memref<50x64xf32, #tpu.memory_space<vmem>>
      %dma_wait3A_1710 = arith.constant 0 : i32
      %dma_wait3A_1711 = arith.constant 0 : i32
      %dma_wait3A_1712 = tpu.memref_slice %arg4[%dma_wait3A_1710, %dma_wait3A_1711] : memref<917504x128xf32, #tpu.memory_space<hbm>> -> memref<50x64xf32, #tpu.memory_space<hbm>>
      %dma_wait3A_1713 = arith.constant 0 : i32
      %dma_wait3A_1714 = arith.constant 0 : i32
      %dma_wait3A_1715 = tpu.memref_slice %arg4[%dma_wait3A_1713, %dma_wait3A_1714] : memref<917504x128xf32, #tpu.memory_space<hbm>> -> memref<50x64xf32, #tpu.memory_space<hbm>>
      %dma_wait3A_1716 = arith.constant 0 : i32
      %dma_wait3A_1717 = arith.constant 0 : i32
      %dma_wait3A_1718 = tpu.memref_slice %arg6[%dma_wait3A_1705, %dma_wait3A_1716, %dma_wait3A_1717] : memref<8x100x128xf32, #tpu.memory_space<vmem>> -> memref<1x50x64xf32, #tpu.memory_space<vmem>>
      %dma_wait3A_1719 = tpu.memref_squeeze %dma_wait3A_1718 : memref<1x50x64xf32, #tpu.memory_space<vmem>> -> memref<50x64xf32, #tpu.memory_space<vmem>>
      tpu.wait_dma2 semaphore(%arg18 : memref<!tpu.dma_semaphore, #tpu.memory_space<semaphore_mem>>) src(%dma_wait3A_1719 : memref<50x64xf32, #tpu.memory_space<vmem>>) dst(%dma_wait3A_1715 : memref<50x64xf32, #tpu.memory_space<hbm>>)
      %add3A_1720 = arith.constant 4 : i32
      %add3A_1721 = arith.addi %add3A_1689, %add3A_1720 : i32
      %dma_start3A_1722 = arith.constant 3 : i32
      %dma_start3A_1723 = arith.constant 0 : i32
      %dma_start3A_1724 = arith.constant 0 : i32
      %dma_start3A_1725 = tpu.memref_slice %arg6[%dma_start3A_1722, %dma_start3A_1723, %dma_start3A_1724] : memref<8x100x128xf32, #tpu.memory_space<vmem>> -> memref<1x100x128xf32, #tpu.memory_space<vmem>>
      %dma_start3A_1726 = tpu.memref_squeeze %dma_start3A_1725 : memref<1x100x128xf32, #tpu.memory_space<vmem>> -> memref<100x128xf32, #tpu.memory_space<vmem>>
      %dma_start3A_1727 = arith.constant 0 : i32
      %dma_start3A_1728 = tpu.memref_slice %arg5[%add3A_1721, %dma_start3A_1727] : memref<128x100xi32, #tpu.memory_space<vmem>> -> memref<1x100xi32, #tpu.memory_space<vmem>>
      %dma_start3A_1729 = tpu.memref_squeeze %dma_start3A_1728 : memref<1x100xi32, #tpu.memory_space<vmem>> -> memref<100xi32, #tpu.memory_space<vmem>>
      %dma_start3A_1730 = arith.constant 0 : i32
      %dma_start3A_1731 = arith.constant 0 : i32
      %dma_start3A_1732 = tpu.memref_slice %arg3[%dma_start3A_1730, %dma_start3A_1731] : memref<1000000x128xf32, #tpu.memory_space<hbm>> -> memref<1000000x128xf32, #tpu.memory_space<hbm>>
      tpu.enqueue_indirect_dma source(%dma_start3A_1732 : memref<1000000x128xf32, #tpu.memory_space<hbm>>) target(%dma_start3A_1726 : memref<100x128xf32, #tpu.memory_space<vmem>>) offsets(%dma_start3A_1729 : memref<100xi32, #tpu.memory_space<vmem>>) semaphore(%arg10 : memref<!tpu.dma_semaphore, #tpu.memory_space<semaphore_mem>>)
      %dma_wait3A_1733 = arith.constant 7 : i32
      %dma_wait3A_1734 = arith.constant 0 : i32
      %dma_wait3A_1735 = arith.constant 0 : i32
      %dma_wait3A_1736 = tpu.memref_slice %arg6[%dma_wait3A_1733, %dma_wait3A_1734, %dma_wait3A_1735] : memref<8x100x128xf32, #tpu.memory_space<vmem>> -> memref<1x100x128xf32, #tpu.memory_space<vmem>>
      %dma_wait3A_1737 = tpu.memref_squeeze %dma_wait3A_1736 : memref<1x100x128xf32, #tpu.memory_space<vmem>> -> memref<100x128xf32, #tpu.memory_space<vmem>>
      %dma_wait3A_1738 = arith.constant 0 : i32
      %dma_wait3A_1739 = arith.constant 0 : i32
      %dma_wait3A_1740 = tpu.memref_slice %arg3[%dma_wait3A_1738, %dma_wait3A_1739] : memref<1000000x128xf32, #tpu.memory_space<hbm>> -> memref<100x128xf32, #tpu.memory_space<hbm>>
      %dma_wait3A_1741 = arith.constant 0 : i32
      %dma_wait3A_1742 = arith.constant 0 : i32
      %dma_wait3A_1743 = tpu.memref_slice %arg6[%dma_wait3A_1733, %dma_wait3A_1741, %dma_wait3A_1742] : memref<8x100x128xf32, #tpu.memory_space<vmem>> -> memref<1x100x128xf32, #tpu.memory_space<vmem>>
      %dma_wait3A_1744 = tpu.memref_squeeze %dma_wait3A_1743 : memref<1x100x128xf32, #tpu.memory_space<vmem>> -> memref<100x128xf32, #tpu.memory_space<vmem>>
      %dma_wait3A_1745 = arith.constant 0 : i32
      %dma_wait3A_1746 = arith.constant 0 : i32
      %dma_wait3A_1747 = tpu.memref_slice %arg3[%dma_wait3A_1745, %dma_wait3A_1746] : memref<1000000x128xf32, #tpu.memory_space<hbm>> -> memref<100x128xf32, #tpu.memory_space<hbm>>
      tpu.wait_dma2 semaphore(%arg14 : memref<!tpu.dma_semaphore, #tpu.memory_space<semaphore_mem>>) src(%dma_wait3A_1747 : memref<100x128xf32, #tpu.memory_space<hbm>>) dst(%dma_wait3A_1744 : memref<100x128xf32, #tpu.memory_space<vmem>>)
      %add3A_1748 = arith.constant 0 : i32
      %add3A_1749 = arith.addi %add3A_1748, %add3A_1689 : i32
      %mul3A_1750 = arith.constant 112 : i32
      %mul3A_1751 = arith.muli %add3A_1749, %mul3A_1750 : i32
      %add3A_1752 = arith.addi %mul3A_2, %mul3A_1751 : i32
      %dma_start3A_1753 = arith.constant 7 : i32
      %dma_start3A_1754 = arith.constant 0 : i32
      %dma_start3A_1755 = arith.constant 0 : i32
      %dma_start3A_1756 = tpu.memref_slice %arg6[%dma_start3A_1753, %dma_start3A_1754, %dma_start3A_1755] : memref<8x100x128xf32, #tpu.memory_space<vmem>> -> memref<1x50x64xf32, #tpu.memory_space<vmem>>
      %dma_start3A_1757 = tpu.memref_squeeze %dma_start3A_1756 : memref<1x50x64xf32, #tpu.memory_space<vmem>> -> memref<50x64xf32, #tpu.memory_space<vmem>>
      %dma_start3A_1758 = arith.constant 0 : i32
      %dma_start3A_1759 = tpu.memref_slice %arg4[%add3A_1752, %dma_start3A_1758] : memref<917504x128xf32, #tpu.memory_space<hbm>> -> memref<50x64xf32, #tpu.memory_space<hbm>>
      %dma_start3A_1760 = arith.constant 0 : i32
      %dma_start3A_1761 = tpu.memref_slice %arg4[%add3A_1752, %dma_start3A_1760] : memref<917504x128xf32, #tpu.memory_space<hbm>> -> memref<50x64xf32, #tpu.memory_space<hbm>>
      %dma_start3A_1762 = arith.constant 0 : i32
      %dma_start3A_1763 = arith.constant 0 : i32
      %dma_start3A_1764 = tpu.memref_slice %arg6[%dma_start3A_1753, %dma_start3A_1762, %dma_start3A_1763] : memref<8x100x128xf32, #tpu.memory_space<vmem>> -> memref<1x50x64xf32, #tpu.memory_space<vmem>>
      %dma_start3A_1765 = tpu.memref_squeeze %dma_start3A_1764 : memref<1x50x64xf32, #tpu.memory_space<vmem>> -> memref<50x64xf32, #tpu.memory_space<vmem>>
      tpu.enqueue_dma source(%dma_start3A_1765 : memref<50x64xf32, #tpu.memory_space<vmem>>) target(%dma_start3A_1761 : memref<50x64xf32, #tpu.memory_space<hbm>>) target_semaphore(%arg22 : memref<!tpu.dma_semaphore, #tpu.memory_space<semaphore_mem>>)
      %add3A_1766 = arith.constant 56 : i32
      %add3A_1767 = arith.addi %add3A_1752, %add3A_1766 : i32
      %dma_start3A_1768 = arith.constant 7 : i32
      %dma_start3A_1769 = arith.constant 50 : i32
      %dma_start3A_1770 = arith.constant 0 : i32
      %dma_start3A_1771 = tpu.memref_slice %arg6[%dma_start3A_1768, %dma_start3A_1769, %dma_start3A_1770] : memref<8x100x128xf32, #tpu.memory_space<vmem>> -> memref<1x50x64xf32, #tpu.memory_space<vmem>>
      %dma_start3A_1772 = tpu.memref_squeeze %dma_start3A_1771 : memref<1x50x64xf32, #tpu.memory_space<vmem>> -> memref<50x64xf32, #tpu.memory_space<vmem>>
      %dma_start3A_1773 = arith.constant 0 : i32
      %dma_start3A_1774 = tpu.memref_slice %arg4[%add3A_1767, %dma_start3A_1773] : memref<917504x128xf32, #tpu.memory_space<hbm>> -> memref<50x64xf32, #tpu.memory_space<hbm>>
      %dma_start3A_1775 = arith.constant 0 : i32
      %dma_start3A_1776 = tpu.memref_slice %arg4[%add3A_1767, %dma_start3A_1775] : memref<917504x128xf32, #tpu.memory_space<hbm>> -> memref<50x64xf32, #tpu.memory_space<hbm>>
      %dma_start3A_1777 = arith.constant 50 : i32
      %dma_start3A_1778 = arith.constant 0 : i32
      %dma_start3A_1779 = tpu.memref_slice %arg6[%dma_start3A_1768, %dma_start3A_1777, %dma_start3A_1778] : memref<8x100x128xf32, #tpu.memory_space<vmem>> -> memref<1x50x64xf32, #tpu.memory_space<vmem>>
      %dma_start3A_1780 = tpu.memref_squeeze %dma_start3A_1779 : memref<1x50x64xf32, #tpu.memory_space<vmem>> -> memref<50x64xf32, #tpu.memory_space<vmem>>
      tpu.enqueue_dma source(%dma_start3A_1780 : memref<50x64xf32, #tpu.memory_space<vmem>>) target(%dma_start3A_1776 : memref<50x64xf32, #tpu.memory_space<hbm>>) target_semaphore(%arg22 : memref<!tpu.dma_semaphore, #tpu.memory_space<semaphore_mem>>)
      %add3A_1781 = arith.constant 4 : i32
      %add3A_1782 = arith.addi %add3A_1408, %add3A_1781 : i32
      %dma_wait3A_1783 = arith.constant 4 : i32
      %dma_wait3A_1784 = arith.constant 0 : i32
      %dma_wait3A_1785 = arith.constant 0 : i32
      %dma_wait3A_1786 = tpu.memref_slice %arg6[%dma_wait3A_1783, %dma_wait3A_1784, %dma_wait3A_1785] : memref<8x100x128xf32, #tpu.memory_space<vmem>> -> memref<1x50x64xf32, #tpu.memory_space<vmem>>
      %dma_wait3A_1787 = tpu.memref_squeeze %dma_wait3A_1786 : memref<1x50x64xf32, #tpu.memory_space<vmem>> -> memref<50x64xf32, #tpu.memory_space<vmem>>
      %dma_wait3A_1788 = arith.constant 0 : i32
      %dma_wait3A_1789 = arith.constant 0 : i32
      %dma_wait3A_1790 = tpu.memref_slice %arg4[%dma_wait3A_1788, %dma_wait3A_1789] : memref<917504x128xf32, #tpu.memory_space<hbm>> -> memref<50x64xf32, #tpu.memory_space<hbm>>
      %dma_wait3A_1791 = arith.constant 0 : i32
      %dma_wait3A_1792 = arith.constant 0 : i32
      %dma_wait3A_1793 = tpu.memref_slice %arg4[%dma_wait3A_1791, %dma_wait3A_1792] : memref<917504x128xf32, #tpu.memory_space<hbm>> -> memref<50x64xf32, #tpu.memory_space<hbm>>
      %dma_wait3A_1794 = arith.constant 0 : i32
      %dma_wait3A_1795 = arith.constant 0 : i32
      %dma_wait3A_1796 = tpu.memref_slice %arg6[%dma_wait3A_1783, %dma_wait3A_1794, %dma_wait3A_1795] : memref<8x100x128xf32, #tpu.memory_space<vmem>> -> memref<1x50x64xf32, #tpu.memory_space<vmem>>
      %dma_wait3A_1797 = tpu.memref_squeeze %dma_wait3A_1796 : memref<1x50x64xf32, #tpu.memory_space<vmem>> -> memref<50x64xf32, #tpu.memory_space<vmem>>
      tpu.wait_dma2 semaphore(%arg19 : memref<!tpu.dma_semaphore, #tpu.memory_space<semaphore_mem>>) src(%dma_wait3A_1797 : memref<50x64xf32, #tpu.memory_space<vmem>>) dst(%dma_wait3A_1793 : memref<50x64xf32, #tpu.memory_space<hbm>>)
      %dma_wait3A_1798 = arith.constant 4 : i32
      %dma_wait3A_1799 = arith.constant 0 : i32
      %dma_wait3A_1800 = arith.constant 0 : i32
      %dma_wait3A_1801 = tpu.memref_slice %arg6[%dma_wait3A_1798, %dma_wait3A_1799, %dma_wait3A_1800] : memref<8x100x128xf32, #tpu.memory_space<vmem>> -> memref<1x50x64xf32, #tpu.memory_space<vmem>>
      %dma_wait3A_1802 = tpu.memref_squeeze %dma_wait3A_1801 : memref<1x50x64xf32, #tpu.memory_space<vmem>> -> memref<50x64xf32, #tpu.memory_space<vmem>>
      %dma_wait3A_1803 = arith.constant 0 : i32
      %dma_wait3A_1804 = arith.constant 0 : i32
      %dma_wait3A_1805 = tpu.memref_slice %arg4[%dma_wait3A_1803, %dma_wait3A_1804] : memref<917504x128xf32, #tpu.memory_space<hbm>> -> memref<50x64xf32, #tpu.memory_space<hbm>>
      %dma_wait3A_1806 = arith.constant 0 : i32
      %dma_wait3A_1807 = arith.constant 0 : i32
      %dma_wait3A_1808 = tpu.memref_slice %arg4[%dma_wait3A_1806, %dma_wait3A_1807] : memref<917504x128xf32, #tpu.memory_space<hbm>> -> memref<50x64xf32, #tpu.memory_space<hbm>>
      %dma_wait3A_1809 = arith.constant 0 : i32
      %dma_wait3A_1810 = arith.constant 0 : i32
      %dma_wait3A_1811 = tpu.memref_slice %arg6[%dma_wait3A_1798, %dma_wait3A_1809, %dma_wait3A_1810] : memref<8x100x128xf32, #tpu.memory_space<vmem>> -> memref<1x50x64xf32, #tpu.memory_space<vmem>>
      %dma_wait3A_1812 = tpu.memref_squeeze %dma_wait3A_1811 : memref<1x50x64xf32, #tpu.memory_space<vmem>> -> memref<50x64xf32, #tpu.memory_space<vmem>>
      tpu.wait_dma2 semaphore(%arg19 : memref<!tpu.dma_semaphore, #tpu.memory_space<semaphore_mem>>) src(%dma_wait3A_1812 : memref<50x64xf32, #tpu.memory_space<vmem>>) dst(%dma_wait3A_1808 : memref<50x64xf32, #tpu.memory_space<hbm>>)
      %add3A_1813 = arith.constant 4 : i32
      %add3A_1814 = arith.addi %add3A_1782, %add3A_1813 : i32
      %dma_start3A_1815 = arith.constant 4 : i32
      %dma_start3A_1816 = arith.constant 0 : i32
      %dma_start3A_1817 = arith.constant 0 : i32
      %dma_start3A_1818 = tpu.memref_slice %arg6[%dma_start3A_1815, %dma_start3A_1816, %dma_start3A_1817] : memref<8x100x128xf32, #tpu.memory_space<vmem>> -> memref<1x100x128xf32, #tpu.memory_space<vmem>>
      %dma_start3A_1819 = tpu.memref_squeeze %dma_start3A_1818 : memref<1x100x128xf32, #tpu.memory_space<vmem>> -> memref<100x128xf32, #tpu.memory_space<vmem>>
      %dma_start3A_1820 = arith.constant 0 : i32
      %dma_start3A_1821 = tpu.memref_slice %arg5[%add3A_1814, %dma_start3A_1820] : memref<128x100xi32, #tpu.memory_space<vmem>> -> memref<1x100xi32, #tpu.memory_space<vmem>>
      %dma_start3A_1822 = tpu.memref_squeeze %dma_start3A_1821 : memref<1x100xi32, #tpu.memory_space<vmem>> -> memref<100xi32, #tpu.memory_space<vmem>>
      %dma_start3A_1823 = arith.constant 0 : i32
      %dma_start3A_1824 = arith.constant 0 : i32
      %dma_start3A_1825 = tpu.memref_slice %arg3[%dma_start3A_1823, %dma_start3A_1824] : memref<1000000x128xf32, #tpu.memory_space<hbm>> -> memref<1000000x128xf32, #tpu.memory_space<hbm>>
      tpu.enqueue_indirect_dma source(%dma_start3A_1825 : memref<1000000x128xf32, #tpu.memory_space<hbm>>) target(%dma_start3A_1819 : memref<100x128xf32, #tpu.memory_space<vmem>>) offsets(%dma_start3A_1822 : memref<100xi32, #tpu.memory_space<vmem>>) semaphore(%arg11 : memref<!tpu.dma_semaphore, #tpu.memory_space<semaphore_mem>>)
      %dma_wait3A_1826 = arith.constant 0 : i32
      %dma_wait3A_1827 = arith.constant 0 : i32
      %dma_wait3A_1828 = arith.constant 0 : i32
      %dma_wait3A_1829 = tpu.memref_slice %arg6[%dma_wait3A_1826, %dma_wait3A_1827, %dma_wait3A_1828] : memref<8x100x128xf32, #tpu.memory_space<vmem>> -> memref<1x100x128xf32, #tpu.memory_space<vmem>>
      %dma_wait3A_1830 = tpu.memref_squeeze %dma_wait3A_1829 : memref<1x100x128xf32, #tpu.memory_space<vmem>> -> memref<100x128xf32, #tpu.memory_space<vmem>>
      %dma_wait3A_1831 = arith.constant 0 : i32
      %dma_wait3A_1832 = arith.constant 0 : i32
      %dma_wait3A_1833 = tpu.memref_slice %arg3[%dma_wait3A_1831, %dma_wait3A_1832] : memref<1000000x128xf32, #tpu.memory_space<hbm>> -> memref<100x128xf32, #tpu.memory_space<hbm>>
      %dma_wait3A_1834 = arith.constant 0 : i32
      %dma_wait3A_1835 = arith.constant 0 : i32
      %dma_wait3A_1836 = tpu.memref_slice %arg6[%dma_wait3A_1826, %dma_wait3A_1834, %dma_wait3A_1835] : memref<8x100x128xf32, #tpu.memory_space<vmem>> -> memref<1x100x128xf32, #tpu.memory_space<vmem>>
      %dma_wait3A_1837 = tpu.memref_squeeze %dma_wait3A_1836 : memref<1x100x128xf32, #tpu.memory_space<vmem>> -> memref<100x128xf32, #tpu.memory_space<vmem>>
      %dma_wait3A_1838 = arith.constant 0 : i32
      %dma_wait3A_1839 = arith.constant 0 : i32
      %dma_wait3A_1840 = tpu.memref_slice %arg3[%dma_wait3A_1838, %dma_wait3A_1839] : memref<1000000x128xf32, #tpu.memory_space<hbm>> -> memref<100x128xf32, #tpu.memory_space<hbm>>
      tpu.wait_dma2 semaphore(%arg7 : memref<!tpu.dma_semaphore, #tpu.memory_space<semaphore_mem>>) src(%dma_wait3A_1840 : memref<100x128xf32, #tpu.memory_space<hbm>>) dst(%dma_wait3A_1837 : memref<100x128xf32, #tpu.memory_space<vmem>>)
      %add3A_1841 = arith.constant 0 : i32
      %add3A_1842 = arith.addi %add3A_1841, %add3A_1782 : i32
      %mul3A_1843 = arith.constant 112 : i32
      %mul3A_1844 = arith.muli %add3A_1842, %mul3A_1843 : i32
      %add3A_1845 = arith.addi %mul3A_2, %mul3A_1844 : i32
      %dma_start3A_1846 = arith.constant 0 : i32
      %dma_start3A_1847 = arith.constant 0 : i32
      %dma_start3A_1848 = arith.constant 0 : i32
      %dma_start3A_1849 = tpu.memref_slice %arg6[%dma_start3A_1846, %dma_start3A_1847, %dma_start3A_1848] : memref<8x100x128xf32, #tpu.memory_space<vmem>> -> memref<1x50x64xf32, #tpu.memory_space<vmem>>
      %dma_start3A_1850 = tpu.memref_squeeze %dma_start3A_1849 : memref<1x50x64xf32, #tpu.memory_space<vmem>> -> memref<50x64xf32, #tpu.memory_space<vmem>>
      %dma_start3A_1851 = arith.constant 0 : i32
      %dma_start3A_1852 = tpu.memref_slice %arg4[%add3A_1845, %dma_start3A_1851] : memref<917504x128xf32, #tpu.memory_space<hbm>> -> memref<50x64xf32, #tpu.memory_space<hbm>>
      %dma_start3A_1853 = arith.constant 0 : i32
      %dma_start3A_1854 = tpu.memref_slice %arg4[%add3A_1845, %dma_start3A_1853] : memref<917504x128xf32, #tpu.memory_space<hbm>> -> memref<50x64xf32, #tpu.memory_space<hbm>>
      %dma_start3A_1855 = arith.constant 0 : i32
      %dma_start3A_1856 = arith.constant 0 : i32
      %dma_start3A_1857 = tpu.memref_slice %arg6[%dma_start3A_1846, %dma_start3A_1855, %dma_start3A_1856] : memref<8x100x128xf32, #tpu.memory_space<vmem>> -> memref<1x50x64xf32, #tpu.memory_space<vmem>>
      %dma_start3A_1858 = tpu.memref_squeeze %dma_start3A_1857 : memref<1x50x64xf32, #tpu.memory_space<vmem>> -> memref<50x64xf32, #tpu.memory_space<vmem>>
      tpu.enqueue_dma source(%dma_start3A_1858 : memref<50x64xf32, #tpu.memory_space<vmem>>) target(%dma_start3A_1854 : memref<50x64xf32, #tpu.memory_space<hbm>>) target_semaphore(%arg15 : memref<!tpu.dma_semaphore, #tpu.memory_space<semaphore_mem>>)
      %add3A_1859 = arith.constant 56 : i32
      %add3A_1860 = arith.addi %add3A_1845, %add3A_1859 : i32
      %dma_start3A_1861 = arith.constant 0 : i32
      %dma_start3A_1862 = arith.constant 50 : i32
      %dma_start3A_1863 = arith.constant 0 : i32
      %dma_start3A_1864 = tpu.memref_slice %arg6[%dma_start3A_1861, %dma_start3A_1862, %dma_start3A_1863] : memref<8x100x128xf32, #tpu.memory_space<vmem>> -> memref<1x50x64xf32, #tpu.memory_space<vmem>>
      %dma_start3A_1865 = tpu.memref_squeeze %dma_start3A_1864 : memref<1x50x64xf32, #tpu.memory_space<vmem>> -> memref<50x64xf32, #tpu.memory_space<vmem>>
      %dma_start3A_1866 = arith.constant 0 : i32
      %dma_start3A_1867 = tpu.memref_slice %arg4[%add3A_1860, %dma_start3A_1866] : memref<917504x128xf32, #tpu.memory_space<hbm>> -> memref<50x64xf32, #tpu.memory_space<hbm>>
      %dma_start3A_1868 = arith.constant 0 : i32
      %dma_start3A_1869 = tpu.memref_slice %arg4[%add3A_1860, %dma_start3A_1868] : memref<917504x128xf32, #tpu.memory_space<hbm>> -> memref<50x64xf32, #tpu.memory_space<hbm>>
      %dma_start3A_1870 = arith.constant 50 : i32
      %dma_start3A_1871 = arith.constant 0 : i32
      %dma_start3A_1872 = tpu.memref_slice %arg6[%dma_start3A_1861, %dma_start3A_1870, %dma_start3A_1871] : memref<8x100x128xf32, #tpu.memory_space<vmem>> -> memref<1x50x64xf32, #tpu.memory_space<vmem>>
      %dma_start3A_1873 = tpu.memref_squeeze %dma_start3A_1872 : memref<1x50x64xf32, #tpu.memory_space<vmem>> -> memref<50x64xf32, #tpu.memory_space<vmem>>
      tpu.enqueue_dma source(%dma_start3A_1873 : memref<50x64xf32, #tpu.memory_space<vmem>>) target(%dma_start3A_1869 : memref<50x64xf32, #tpu.memory_space<hbm>>) target_semaphore(%arg15 : memref<!tpu.dma_semaphore, #tpu.memory_space<semaphore_mem>>)
      %add3A_1874 = arith.constant 5 : i32
      %add3A_1875 = arith.addi %add3A_1408, %add3A_1874 : i32
      %dma_wait3A_1876 = arith.constant 5 : i32
      %dma_wait3A_1877 = arith.constant 0 : i32
      %dma_wait3A_1878 = arith.constant 0 : i32
      %dma_wait3A_1879 = tpu.memref_slice %arg6[%dma_wait3A_1876, %dma_wait3A_1877, %dma_wait3A_1878] : memref<8x100x128xf32, #tpu.memory_space<vmem>> -> memref<1x50x64xf32, #tpu.memory_space<vmem>>
      %dma_wait3A_1880 = tpu.memref_squeeze %dma_wait3A_1879 : memref<1x50x64xf32, #tpu.memory_space<vmem>> -> memref<50x64xf32, #tpu.memory_space<vmem>>
      %dma_wait3A_1881 = arith.constant 0 : i32
      %dma_wait3A_1882 = arith.constant 0 : i32
      %dma_wait3A_1883 = tpu.memref_slice %arg4[%dma_wait3A_1881, %dma_wait3A_1882] : memref<917504x128xf32, #tpu.memory_space<hbm>> -> memref<50x64xf32, #tpu.memory_space<hbm>>
      %dma_wait3A_1884 = arith.constant 0 : i32
      %dma_wait3A_1885 = arith.constant 0 : i32
      %dma_wait3A_1886 = tpu.memref_slice %arg4[%dma_wait3A_1884, %dma_wait3A_1885] : memref<917504x128xf32, #tpu.memory_space<hbm>> -> memref<50x64xf32, #tpu.memory_space<hbm>>
      %dma_wait3A_1887 = arith.constant 0 : i32
      %dma_wait3A_1888 = arith.constant 0 : i32
      %dma_wait3A_1889 = tpu.memref_slice %arg6[%dma_wait3A_1876, %dma_wait3A_1887, %dma_wait3A_1888] : memref<8x100x128xf32, #tpu.memory_space<vmem>> -> memref<1x50x64xf32, #tpu.memory_space<vmem>>
      %dma_wait3A_1890 = tpu.memref_squeeze %dma_wait3A_1889 : memref<1x50x64xf32, #tpu.memory_space<vmem>> -> memref<50x64xf32, #tpu.memory_space<vmem>>
      tpu.wait_dma2 semaphore(%arg20 : memref<!tpu.dma_semaphore, #tpu.memory_space<semaphore_mem>>) src(%dma_wait3A_1890 : memref<50x64xf32, #tpu.memory_space<vmem>>) dst(%dma_wait3A_1886 : memref<50x64xf32, #tpu.memory_space<hbm>>)
      %dma_wait3A_1891 = arith.constant 5 : i32
      %dma_wait3A_1892 = arith.constant 0 : i32
      %dma_wait3A_1893 = arith.constant 0 : i32
      %dma_wait3A_1894 = tpu.memref_slice %arg6[%dma_wait3A_1891, %dma_wait3A_1892, %dma_wait3A_1893] : memref<8x100x128xf32, #tpu.memory_space<vmem>> -> memref<1x50x64xf32, #tpu.memory_space<vmem>>
      %dma_wait3A_1895 = tpu.memref_squeeze %dma_wait3A_1894 : memref<1x50x64xf32, #tpu.memory_space<vmem>> -> memref<50x64xf32, #tpu.memory_space<vmem>>
      %dma_wait3A_1896 = arith.constant 0 : i32
      %dma_wait3A_1897 = arith.constant 0 : i32
      %dma_wait3A_1898 = tpu.memref_slice %arg4[%dma_wait3A_1896, %dma_wait3A_1897] : memref<917504x128xf32, #tpu.memory_space<hbm>> -> memref<50x64xf32, #tpu.memory_space<hbm>>
      %dma_wait3A_1899 = arith.constant 0 : i32
      %dma_wait3A_1900 = arith.constant 0 : i32
      %dma_wait3A_1901 = tpu.memref_slice %arg4[%dma_wait3A_1899, %dma_wait3A_1900] : memref<917504x128xf32, #tpu.memory_space<hbm>> -> memref<50x64xf32, #tpu.memory_space<hbm>>
      %dma_wait3A_1902 = arith.constant 0 : i32
      %dma_wait3A_1903 = arith.constant 0 : i32
      %dma_wait3A_1904 = tpu.memref_slice %arg6[%dma_wait3A_1891, %dma_wait3A_1902, %dma_wait3A_1903] : memref<8x100x128xf32, #tpu.memory_space<vmem>> -> memref<1x50x64xf32, #tpu.memory_space<vmem>>
      %dma_wait3A_1905 = tpu.memref_squeeze %dma_wait3A_1904 : memref<1x50x64xf32, #tpu.memory_space<vmem>> -> memref<50x64xf32, #tpu.memory_space<vmem>>
      tpu.wait_dma2 semaphore(%arg20 : memref<!tpu.dma_semaphore, #tpu.memory_space<semaphore_mem>>) src(%dma_wait3A_1905 : memref<50x64xf32, #tpu.memory_space<vmem>>) dst(%dma_wait3A_1901 : memref<50x64xf32, #tpu.memory_space<hbm>>)
      %add3A_1906 = arith.constant 4 : i32
      %add3A_1907 = arith.addi %add3A_1875, %add3A_1906 : i32
      %dma_start3A_1908 = arith.constant 5 : i32
      %dma_start3A_1909 = arith.constant 0 : i32
      %dma_start3A_1910 = arith.constant 0 : i32
      %dma_start3A_1911 = tpu.memref_slice %arg6[%dma_start3A_1908, %dma_start3A_1909, %dma_start3A_1910] : memref<8x100x128xf32, #tpu.memory_space<vmem>> -> memref<1x100x128xf32, #tpu.memory_space<vmem>>
      %dma_start3A_1912 = tpu.memref_squeeze %dma_start3A_1911 : memref<1x100x128xf32, #tpu.memory_space<vmem>> -> memref<100x128xf32, #tpu.memory_space<vmem>>
      %dma_start3A_1913 = arith.constant 0 : i32
      %dma_start3A_1914 = tpu.memref_slice %arg5[%add3A_1907, %dma_start3A_1913] : memref<128x100xi32, #tpu.memory_space<vmem>> -> memref<1x100xi32, #tpu.memory_space<vmem>>
      %dma_start3A_1915 = tpu.memref_squeeze %dma_start3A_1914 : memref<1x100xi32, #tpu.memory_space<vmem>> -> memref<100xi32, #tpu.memory_space<vmem>>
      %dma_start3A_1916 = arith.constant 0 : i32
      %dma_start3A_1917 = arith.constant 0 : i32
      %dma_start3A_1918 = tpu.memref_slice %arg3[%dma_start3A_1916, %dma_start3A_1917] : memref<1000000x128xf32, #tpu.memory_space<hbm>> -> memref<1000000x128xf32, #tpu.memory_space<hbm>>
      tpu.enqueue_indirect_dma source(%dma_start3A_1918 : memref<1000000x128xf32, #tpu.memory_space<hbm>>) target(%dma_start3A_1912 : memref<100x128xf32, #tpu.memory_space<vmem>>) offsets(%dma_start3A_1915 : memref<100xi32, #tpu.memory_space<vmem>>) semaphore(%arg12 : memref<!tpu.dma_semaphore, #tpu.memory_space<semaphore_mem>>)
      %dma_wait3A_1919 = arith.constant 1 : i32
      %dma_wait3A_1920 = arith.constant 0 : i32
      %dma_wait3A_1921 = arith.constant 0 : i32
      %dma_wait3A_1922 = tpu.memref_slice %arg6[%dma_wait3A_1919, %dma_wait3A_1920, %dma_wait3A_1921] : memref<8x100x128xf32, #tpu.memory_space<vmem>> -> memref<1x100x128xf32, #tpu.memory_space<vmem>>
      %dma_wait3A_1923 = tpu.memref_squeeze %dma_wait3A_1922 : memref<1x100x128xf32, #tpu.memory_space<vmem>> -> memref<100x128xf32, #tpu.memory_space<vmem>>
      %dma_wait3A_1924 = arith.constant 0 : i32
      %dma_wait3A_1925 = arith.constant 0 : i32
      %dma_wait3A_1926 = tpu.memref_slice %arg3[%dma_wait3A_1924, %dma_wait3A_1925] : memref<1000000x128xf32, #tpu.memory_space<hbm>> -> memref<100x128xf32, #tpu.memory_space<hbm>>
      %dma_wait3A_1927 = arith.constant 0 : i32
      %dma_wait3A_1928 = arith.constant 0 : i32
      %dma_wait3A_1929 = tpu.memref_slice %arg6[%dma_wait3A_1919, %dma_wait3A_1927, %dma_wait3A_1928] : memref<8x100x128xf32, #tpu.memory_space<vmem>> -> memref<1x100x128xf32, #tpu.memory_space<vmem>>
      %dma_wait3A_1930 = tpu.memref_squeeze %dma_wait3A_1929 : memref<1x100x128xf32, #tpu.memory_space<vmem>> -> memref<100x128xf32, #tpu.memory_space<vmem>>
      %dma_wait3A_1931 = arith.constant 0 : i32
      %dma_wait3A_1932 = arith.constant 0 : i32
      %dma_wait3A_1933 = tpu.memref_slice %arg3[%dma_wait3A_1931, %dma_wait3A_1932] : memref<1000000x128xf32, #tpu.memory_space<hbm>> -> memref<100x128xf32, #tpu.memory_space<hbm>>
      tpu.wait_dma2 semaphore(%arg8 : memref<!tpu.dma_semaphore, #tpu.memory_space<semaphore_mem>>) src(%dma_wait3A_1933 : memref<100x128xf32, #tpu.memory_space<hbm>>) dst(%dma_wait3A_1930 : memref<100x128xf32, #tpu.memory_space<vmem>>)
      %add3A_1934 = arith.constant 0 : i32
      %add3A_1935 = arith.addi %add3A_1934, %add3A_1875 : i32
      %mul3A_1936 = arith.constant 112 : i32
      %mul3A_1937 = arith.muli %add3A_1935, %mul3A_1936 : i32
      %add3A_1938 = arith.addi %mul3A_2, %mul3A_1937 : i32
      %dma_start3A_1939 = arith.constant 1 : i32
      %dma_start3A_1940 = arith.constant 0 : i32
      %dma_start3A_1941 = arith.constant 0 : i32
      %dma_start3A_1942 = tpu.memref_slice %arg6[%dma_start3A_1939, %dma_start3A_1940, %dma_start3A_1941] : memref<8x100x128xf32, #tpu.memory_space<vmem>> -> memref<1x50x64xf32, #tpu.memory_space<vmem>>
      %dma_start3A_1943 = tpu.memref_squeeze %dma_start3A_1942 : memref<1x50x64xf32, #tpu.memory_space<vmem>> -> memref<50x64xf32, #tpu.memory_space<vmem>>
      %dma_start3A_1944 = arith.constant 0 : i32
      %dma_start3A_1945 = tpu.memref_slice %arg4[%add3A_1938, %dma_start3A_1944] : memref<917504x128xf32, #tpu.memory_space<hbm>> -> memref<50x64xf32, #tpu.memory_space<hbm>>
      %dma_start3A_1946 = arith.constant 0 : i32
      %dma_start3A_1947 = tpu.memref_slice %arg4[%add3A_1938, %dma_start3A_1946] : memref<917504x128xf32, #tpu.memory_space<hbm>> -> memref<50x64xf32, #tpu.memory_space<hbm>>
      %dma_start3A_1948 = arith.constant 0 : i32
      %dma_start3A_1949 = arith.constant 0 : i32
      %dma_start3A_1950 = tpu.memref_slice %arg6[%dma_start3A_1939, %dma_start3A_1948, %dma_start3A_1949] : memref<8x100x128xf32, #tpu.memory_space<vmem>> -> memref<1x50x64xf32, #tpu.memory_space<vmem>>
      %dma_start3A_1951 = tpu.memref_squeeze %dma_start3A_1950 : memref<1x50x64xf32, #tpu.memory_space<vmem>> -> memref<50x64xf32, #tpu.memory_space<vmem>>
      tpu.enqueue_dma source(%dma_start3A_1951 : memref<50x64xf32, #tpu.memory_space<vmem>>) target(%dma_start3A_1947 : memref<50x64xf32, #tpu.memory_space<hbm>>) target_semaphore(%arg16 : memref<!tpu.dma_semaphore, #tpu.memory_space<semaphore_mem>>)
      %add3A_1952 = arith.constant 56 : i32
      %add3A_1953 = arith.addi %add3A_1938, %add3A_1952 : i32
      %dma_start3A_1954 = arith.constant 1 : i32
      %dma_start3A_1955 = arith.constant 50 : i32
      %dma_start3A_1956 = arith.constant 0 : i32
      %dma_start3A_1957 = tpu.memref_slice %arg6[%dma_start3A_1954, %dma_start3A_1955, %dma_start3A_1956] : memref<8x100x128xf32, #tpu.memory_space<vmem>> -> memref<1x50x64xf32, #tpu.memory_space<vmem>>
      %dma_start3A_1958 = tpu.memref_squeeze %dma_start3A_1957 : memref<1x50x64xf32, #tpu.memory_space<vmem>> -> memref<50x64xf32, #tpu.memory_space<vmem>>
      %dma_start3A_1959 = arith.constant 0 : i32
      %dma_start3A_1960 = tpu.memref_slice %arg4[%add3A_1953, %dma_start3A_1959] : memref<917504x128xf32, #tpu.memory_space<hbm>> -> memref<50x64xf32, #tpu.memory_space<hbm>>
      %dma_start3A_1961 = arith.constant 0 : i32
      %dma_start3A_1962 = tpu.memref_slice %arg4[%add3A_1953, %dma_start3A_1961] : memref<917504x128xf32, #tpu.memory_space<hbm>> -> memref<50x64xf32, #tpu.memory_space<hbm>>
      %dma_start3A_1963 = arith.constant 50 : i32
      %dma_start3A_1964 = arith.constant 0 : i32
      %dma_start3A_1965 = tpu.memref_slice %arg6[%dma_start3A_1954, %dma_start3A_1963, %dma_start3A_1964] : memref<8x100x128xf32, #tpu.memory_space<vmem>> -> memref<1x50x64xf32, #tpu.memory_space<vmem>>
      %dma_start3A_1966 = tpu.memref_squeeze %dma_start3A_1965 : memref<1x50x64xf32, #tpu.memory_space<vmem>> -> memref<50x64xf32, #tpu.memory_space<vmem>>
      tpu.enqueue_dma source(%dma_start3A_1966 : memref<50x64xf32, #tpu.memory_space<vmem>>) target(%dma_start3A_1962 : memref<50x64xf32, #tpu.memory_space<hbm>>) target_semaphore(%arg16 : memref<!tpu.dma_semaphore, #tpu.memory_space<semaphore_mem>>)
      %add3A_1967 = arith.constant 6 : i32
      %add3A_1968 = arith.addi %add3A_1408, %add3A_1967 : i32
      %dma_wait3A_1969 = arith.constant 6 : i32
      %dma_wait3A_1970 = arith.constant 0 : i32
      %dma_wait3A_1971 = arith.constant 0 : i32
      %dma_wait3A_1972 = tpu.memref_slice %arg6[%dma_wait3A_1969, %dma_wait3A_1970, %dma_wait3A_1971] : memref<8x100x128xf32, #tpu.memory_space<vmem>> -> memref<1x50x64xf32, #tpu.memory_space<vmem>>
      %dma_wait3A_1973 = tpu.memref_squeeze %dma_wait3A_1972 : memref<1x50x64xf32, #tpu.memory_space<vmem>> -> memref<50x64xf32, #tpu.memory_space<vmem>>
      %dma_wait3A_1974 = arith.constant 0 : i32
      %dma_wait3A_1975 = arith.constant 0 : i32
      %dma_wait3A_1976 = tpu.memref_slice %arg4[%dma_wait3A_1974, %dma_wait3A_1975] : memref<917504x128xf32, #tpu.memory_space<hbm>> -> memref<50x64xf32, #tpu.memory_space<hbm>>
      %dma_wait3A_1977 = arith.constant 0 : i32
      %dma_wait3A_1978 = arith.constant 0 : i32
      %dma_wait3A_1979 = tpu.memref_slice %arg4[%dma_wait3A_1977, %dma_wait3A_1978] : memref<917504x128xf32, #tpu.memory_space<hbm>> -> memref<50x64xf32, #tpu.memory_space<hbm>>
      %dma_wait3A_1980 = arith.constant 0 : i32
      %dma_wait3A_1981 = arith.constant 0 : i32
      %dma_wait3A_1982 = tpu.memref_slice %arg6[%dma_wait3A_1969, %dma_wait3A_1980, %dma_wait3A_1981] : memref<8x100x128xf32, #tpu.memory_space<vmem>> -> memref<1x50x64xf32, #tpu.memory_space<vmem>>
      %dma_wait3A_1983 = tpu.memref_squeeze %dma_wait3A_1982 : memref<1x50x64xf32, #tpu.memory_space<vmem>> -> memref<50x64xf32, #tpu.memory_space<vmem>>
      tpu.wait_dma2 semaphore(%arg21 : memref<!tpu.dma_semaphore, #tpu.memory_space<semaphore_mem>>) src(%dma_wait3A_1983 : memref<50x64xf32, #tpu.memory_space<vmem>>) dst(%dma_wait3A_1979 : memref<50x64xf32, #tpu.memory_space<hbm>>)
      %dma_wait3A_1984 = arith.constant 6 : i32
      %dma_wait3A_1985 = arith.constant 0 : i32
      %dma_wait3A_1986 = arith.constant 0 : i32
      %dma_wait3A_1987 = tpu.memref_slice %arg6[%dma_wait3A_1984, %dma_wait3A_1985, %dma_wait3A_1986] : memref<8x100x128xf32, #tpu.memory_space<vmem>> -> memref<1x50x64xf32, #tpu.memory_space<vmem>>
      %dma_wait3A_1988 = tpu.memref_squeeze %dma_wait3A_1987 : memref<1x50x64xf32, #tpu.memory_space<vmem>> -> memref<50x64xf32, #tpu.memory_space<vmem>>
      %dma_wait3A_1989 = arith.constant 0 : i32
      %dma_wait3A_1990 = arith.constant 0 : i32
      %dma_wait3A_1991 = tpu.memref_slice %arg4[%dma_wait3A_1989, %dma_wait3A_1990] : memref<917504x128xf32, #tpu.memory_space<hbm>> -> memref<50x64xf32, #tpu.memory_space<hbm>>
      %dma_wait3A_1992 = arith.constant 0 : i32
      %dma_wait3A_1993 = arith.constant 0 : i32
      %dma_wait3A_1994 = tpu.memref_slice %arg4[%dma_wait3A_1992, %dma_wait3A_1993] : memref<917504x128xf32, #tpu.memory_space<hbm>> -> memref<50x64xf32, #tpu.memory_space<hbm>>
      %dma_wait3A_1995 = arith.constant 0 : i32
      %dma_wait3A_1996 = arith.constant 0 : i32
      %dma_wait3A_1997 = tpu.memref_slice %arg6[%dma_wait3A_1984, %dma_wait3A_1995, %dma_wait3A_1996] : memref<8x100x128xf32, #tpu.memory_space<vmem>> -> memref<1x50x64xf32, #tpu.memory_space<vmem>>
      %dma_wait3A_1998 = tpu.memref_squeeze %dma_wait3A_1997 : memref<1x50x64xf32, #tpu.memory_space<vmem>> -> memref<50x64xf32, #tpu.memory_space<vmem>>
      tpu.wait_dma2 semaphore(%arg21 : memref<!tpu.dma_semaphore, #tpu.memory_space<semaphore_mem>>) src(%dma_wait3A_1998 : memref<50x64xf32, #tpu.memory_space<vmem>>) dst(%dma_wait3A_1994 : memref<50x64xf32, #tpu.memory_space<hbm>>)
      %add3A_1999 = arith.constant 4 : i32
      %add3A_2000 = arith.addi %add3A_1968, %add3A_1999 : i32
      %dma_start3A_2001 = arith.constant 6 : i32
      %dma_start3A_2002 = arith.constant 0 : i32
      %dma_start3A_2003 = arith.constant 0 : i32
      %dma_start3A_2004 = tpu.memref_slice %arg6[%dma_start3A_2001, %dma_start3A_2002, %dma_start3A_2003] : memref<8x100x128xf32, #tpu.memory_space<vmem>> -> memref<1x100x128xf32, #tpu.memory_space<vmem>>
      %dma_start3A_2005 = tpu.memref_squeeze %dma_start3A_2004 : memref<1x100x128xf32, #tpu.memory_space<vmem>> -> memref<100x128xf32, #tpu.memory_space<vmem>>
      %dma_start3A_2006 = arith.constant 0 : i32
      %dma_start3A_2007 = tpu.memref_slice %arg5[%add3A_2000, %dma_start3A_2006] : memref<128x100xi32, #tpu.memory_space<vmem>> -> memref<1x100xi32, #tpu.memory_space<vmem>>
      %dma_start3A_2008 = tpu.memref_squeeze %dma_start3A_2007 : memref<1x100xi32, #tpu.memory_space<vmem>> -> memref<100xi32, #tpu.memory_space<vmem>>
      %dma_start3A_2009 = arith.constant 0 : i32
      %dma_start3A_2010 = arith.constant 0 : i32
      %dma_start3A_2011 = tpu.memref_slice %arg3[%dma_start3A_2009, %dma_start3A_2010] : memref<1000000x128xf32, #tpu.memory_space<hbm>> -> memref<1000000x128xf32, #tpu.memory_space<hbm>>
      tpu.enqueue_indirect_dma source(%dma_start3A_2011 : memref<1000000x128xf32, #tpu.memory_space<hbm>>) target(%dma_start3A_2005 : memref<100x128xf32, #tpu.memory_space<vmem>>) offsets(%dma_start3A_2008 : memref<100xi32, #tpu.memory_space<vmem>>) semaphore(%arg13 : memref<!tpu.dma_semaphore, #tpu.memory_space<semaphore_mem>>)
      %dma_wait3A_2012 = arith.constant 2 : i32
      %dma_wait3A_2013 = arith.constant 0 : i32
      %dma_wait3A_2014 = arith.constant 0 : i32
      %dma_wait3A_2015 = tpu.memref_slice %arg6[%dma_wait3A_2012, %dma_wait3A_2013, %dma_wait3A_2014] : memref<8x100x128xf32, #tpu.memory_space<vmem>> -> memref<1x100x128xf32, #tpu.memory_space<vmem>>
      %dma_wait3A_2016 = tpu.memref_squeeze %dma_wait3A_2015 : memref<1x100x128xf32, #tpu.memory_space<vmem>> -> memref<100x128xf32, #tpu.memory_space<vmem>>
      %dma_wait3A_2017 = arith.constant 0 : i32
      %dma_wait3A_2018 = arith.constant 0 : i32
      %dma_wait3A_2019 = tpu.memref_slice %arg3[%dma_wait3A_2017, %dma_wait3A_2018] : memref<1000000x128xf32, #tpu.memory_space<hbm>> -> memref<100x128xf32, #tpu.memory_space<hbm>>
      %dma_wait3A_2020 = arith.constant 0 : i32
      %dma_wait3A_2021 = arith.constant 0 : i32
      %dma_wait3A_2022 = tpu.memref_slice %arg6[%dma_wait3A_2012, %dma_wait3A_2020, %dma_wait3A_2021] : memref<8x100x128xf32, #tpu.memory_space<vmem>> -> memref<1x100x128xf32, #tpu.memory_space<vmem>>
      %dma_wait3A_2023 = tpu.memref_squeeze %dma_wait3A_2022 : memref<1x100x128xf32, #tpu.memory_space<vmem>> -> memref<100x128xf32, #tpu.memory_space<vmem>>
      %dma_wait3A_2024 = arith.constant 0 : i32
      %dma_wait3A_2025 = arith.constant 0 : i32
      %dma_wait3A_2026 = tpu.memref_slice %arg3[%dma_wait3A_2024, %dma_wait3A_2025] : memref<1000000x128xf32, #tpu.memory_space<hbm>> -> memref<100x128xf32, #tpu.memory_space<hbm>>
      tpu.wait_dma2 semaphore(%arg9 : memref<!tpu.dma_semaphore, #tpu.memory_space<semaphore_mem>>) src(%dma_wait3A_2026 : memref<100x128xf32, #tpu.memory_space<hbm>>) dst(%dma_wait3A_2023 : memref<100x128xf32, #tpu.memory_space<vmem>>)
      %add3A_2027 = arith.constant 0 : i32
      %add3A_2028 = arith.addi %add3A_2027, %add3A_1968 : i32
      %mul3A_2029 = arith.constant 112 : i32
      %mul3A_2030 = arith.muli %add3A_2028, %mul3A_2029 : i32
      %add3A_2031 = arith.addi %mul3A_2, %mul3A_2030 : i32
      %dma_start3A_2032 = arith.constant 2 : i32
      %dma_start3A_2033 = arith.constant 0 : i32
      %dma_start3A_2034 = arith.constant 0 : i32
      %dma_start3A_2035 = tpu.memref_slice %arg6[%dma_start3A_2032, %dma_start3A_2033, %dma_start3A_2034] : memref<8x100x128xf32, #tpu.memory_space<vmem>> -> memref<1x50x64xf32, #tpu.memory_space<vmem>>
      %dma_start3A_2036 = tpu.memref_squeeze %dma_start3A_2035 : memref<1x50x64xf32, #tpu.memory_space<vmem>> -> memref<50x64xf32, #tpu.memory_space<vmem>>
      %dma_start3A_2037 = arith.constant 0 : i32
      %dma_start3A_2038 = tpu.memref_slice %arg4[%add3A_2031, %dma_start3A_2037] : memref<917504x128xf32, #tpu.memory_space<hbm>> -> memref<50x64xf32, #tpu.memory_space<hbm>>
      %dma_start3A_2039 = arith.constant 0 : i32
      %dma_start3A_2040 = tpu.memref_slice %arg4[%add3A_2031, %dma_start3A_2039] : memref<917504x128xf32, #tpu.memory_space<hbm>> -> memref<50x64xf32, #tpu.memory_space<hbm>>
      %dma_start3A_2041 = arith.constant 0 : i32
      %dma_start3A_2042 = arith.constant 0 : i32
      %dma_start3A_2043 = tpu.memref_slice %arg6[%dma_start3A_2032, %dma_start3A_2041, %dma_start3A_2042] : memref<8x100x128xf32, #tpu.memory_space<vmem>> -> memref<1x50x64xf32, #tpu.memory_space<vmem>>
      %dma_start3A_2044 = tpu.memref_squeeze %dma_start3A_2043 : memref<1x50x64xf32, #tpu.memory_space<vmem>> -> memref<50x64xf32, #tpu.memory_space<vmem>>
      tpu.enqueue_dma source(%dma_start3A_2044 : memref<50x64xf32, #tpu.memory_space<vmem>>) target(%dma_start3A_2040 : memref<50x64xf32, #tpu.memory_space<hbm>>) target_semaphore(%arg17 : memref<!tpu.dma_semaphore, #tpu.memory_space<semaphore_mem>>)
      %add3A_2045 = arith.constant 56 : i32
      %add3A_2046 = arith.addi %add3A_2031, %add3A_2045 : i32
      %dma_start3A_2047 = arith.constant 2 : i32
      %dma_start3A_2048 = arith.constant 50 : i32
      %dma_start3A_2049 = arith.constant 0 : i32
      %dma_start3A_2050 = tpu.memref_slice %arg6[%dma_start3A_2047, %dma_start3A_2048, %dma_start3A_2049] : memref<8x100x128xf32, #tpu.memory_space<vmem>> -> memref<1x50x64xf32, #tpu.memory_space<vmem>>
      %dma_start3A_2051 = tpu.memref_squeeze %dma_start3A_2050 : memref<1x50x64xf32, #tpu.memory_space<vmem>> -> memref<50x64xf32, #tpu.memory_space<vmem>>
      %dma_start3A_2052 = arith.constant 0 : i32
      %dma_start3A_2053 = tpu.memref_slice %arg4[%add3A_2046, %dma_start3A_2052] : memref<917504x128xf32, #tpu.memory_space<hbm>> -> memref<50x64xf32, #tpu.memory_space<hbm>>
      %dma_start3A_2054 = arith.constant 0 : i32
      %dma_start3A_2055 = tpu.memref_slice %arg4[%add3A_2046, %dma_start3A_2054] : memref<917504x128xf32, #tpu.memory_space<hbm>> -> memref<50x64xf32, #tpu.memory_space<hbm>>
      %dma_start3A_2056 = arith.constant 50 : i32
      %dma_start3A_2057 = arith.constant 0 : i32
      %dma_start3A_2058 = tpu.memref_slice %arg6[%dma_start3A_2047, %dma_start3A_2056, %dma_start3A_2057] : memref<8x100x128xf32, #tpu.memory_space<vmem>> -> memref<1x50x64xf32, #tpu.memory_space<vmem>>
      %dma_start3A_2059 = tpu.memref_squeeze %dma_start3A_2058 : memref<1x50x64xf32, #tpu.memory_space<vmem>> -> memref<50x64xf32, #tpu.memory_space<vmem>>
      tpu.enqueue_dma source(%dma_start3A_2059 : memref<50x64xf32, #tpu.memory_space<vmem>>) target(%dma_start3A_2055 : memref<50x64xf32, #tpu.memory_space<hbm>>) target_semaphore(%arg17 : memref<!tpu.dma_semaphore, #tpu.memory_space<semaphore_mem>>)
      %add3A_2060 = arith.constant 7 : i32
      %add3A_2061 = arith.addi %add3A_1408, %add3A_2060 : i32
      %dma_wait3A_2062 = arith.constant 7 : i32
      %dma_wait3A_2063 = arith.constant 0 : i32
      %dma_wait3A_2064 = arith.constant 0 : i32
      %dma_wait3A_2065 = tpu.memref_slice %arg6[%dma_wait3A_2062, %dma_wait3A_2063, %dma_wait3A_2064] : memref<8x100x128xf32, #tpu.memory_space<vmem>> -> memref<1x50x64xf32, #tpu.memory_space<vmem>>
      %dma_wait3A_2066 = tpu.memref_squeeze %dma_wait3A_2065 : memref<1x50x64xf32, #tpu.memory_space<vmem>> -> memref<50x64xf32, #tpu.memory_space<vmem>>
      %dma_wait3A_2067 = arith.constant 0 : i32
      %dma_wait3A_2068 = arith.constant 0 : i32
      %dma_wait3A_2069 = tpu.memref_slice %arg4[%dma_wait3A_2067, %dma_wait3A_2068] : memref<917504x128xf32, #tpu.memory_space<hbm>> -> memref<50x64xf32, #tpu.memory_space<hbm>>
      %dma_wait3A_2070 = arith.constant 0 : i32
      %dma_wait3A_2071 = arith.constant 0 : i32
      %dma_wait3A_2072 = tpu.memref_slice %arg4[%dma_wait3A_2070, %dma_wait3A_2071] : memref<917504x128xf32, #tpu.memory_space<hbm>> -> memref<50x64xf32, #tpu.memory_space<hbm>>
      %dma_wait3A_2073 = arith.constant 0 : i32
      %dma_wait3A_2074 = arith.constant 0 : i32
      %dma_wait3A_2075 = tpu.memref_slice %arg6[%dma_wait3A_2062, %dma_wait3A_2073, %dma_wait3A_2074] : memref<8x100x128xf32, #tpu.memory_space<vmem>> -> memref<1x50x64xf32, #tpu.memory_space<vmem>>
      %dma_wait3A_2076 = tpu.memref_squeeze %dma_wait3A_2075 : memref<1x50x64xf32, #tpu.memory_space<vmem>> -> memref<50x64xf32, #tpu.memory_space<vmem>>
      tpu.wait_dma2 semaphore(%arg22 : memref<!tpu.dma_semaphore, #tpu.memory_space<semaphore_mem>>) src(%dma_wait3A_2076 : memref<50x64xf32, #tpu.memory_space<vmem>>) dst(%dma_wait3A_2072 : memref<50x64xf32, #tpu.memory_space<hbm>>)
      %dma_wait3A_2077 = arith.constant 7 : i32
      %dma_wait3A_2078 = arith.constant 0 : i32
      %dma_wait3A_2079 = arith.constant 0 : i32
      %dma_wait3A_2080 = tpu.memref_slice %arg6[%dma_wait3A_2077, %dma_wait3A_2078, %dma_wait3A_2079] : memref<8x100x128xf32, #tpu.memory_space<vmem>> -> memref<1x50x64xf32, #tpu.memory_space<vmem>>
      %dma_wait3A_2081 = tpu.memref_squeeze %dma_wait3A_2080 : memref<1x50x64xf32, #tpu.memory_space<vmem>> -> memref<50x64xf32, #tpu.memory_space<vmem>>
      %dma_wait3A_2082 = arith.constant 0 : i32
      %dma_wait3A_2083 = arith.constant 0 : i32
      %dma_wait3A_2084 = tpu.memref_slice %arg4[%dma_wait3A_2082, %dma_wait3A_2083] : memref<917504x128xf32, #tpu.memory_space<hbm>> -> memref<50x64xf32, #tpu.memory_space<hbm>>
      %dma_wait3A_2085 = arith.constant 0 : i32
      %dma_wait3A_2086 = arith.constant 0 : i32
      %dma_wait3A_2087 = tpu.memref_slice %arg4[%dma_wait3A_2085, %dma_wait3A_2086] : memref<917504x128xf32, #tpu.memory_space<hbm>> -> memref<50x64xf32, #tpu.memory_space<hbm>>
      %dma_wait3A_2088 = arith.constant 0 : i32
      %dma_wait3A_2089 = arith.constant 0 : i32
      %dma_wait3A_2090 = tpu.memref_slice %arg6[%dma_wait3A_2077, %dma_wait3A_2088, %dma_wait3A_2089] : memref<8x100x128xf32, #tpu.memory_space<vmem>> -> memref<1x50x64xf32, #tpu.memory_space<vmem>>
      %dma_wait3A_2091 = tpu.memref_squeeze %dma_wait3A_2090 : memref<1x50x64xf32, #tpu.memory_space<vmem>> -> memref<50x64xf32, #tpu.memory_space<vmem>>
      tpu.wait_dma2 semaphore(%arg22 : memref<!tpu.dma_semaphore, #tpu.memory_space<semaphore_mem>>) src(%dma_wait3A_2091 : memref<50x64xf32, #tpu.memory_space<vmem>>) dst(%dma_wait3A_2087 : memref<50x64xf32, #tpu.memory_space<hbm>>)
      %add3A_2092 = arith.constant 4 : i32
      %add3A_2093 = arith.addi %add3A_2061, %add3A_2092 : i32
      %dma_start3A_2094 = arith.constant 7 : i32
      %dma_start3A_2095 = arith.constant 0 : i32
      %dma_start3A_2096 = arith.constant 0 : i32
      %dma_start3A_2097 = tpu.memref_slice %arg6[%dma_start3A_2094, %dma_start3A_2095, %dma_start3A_2096] : memref<8x100x128xf32, #tpu.memory_space<vmem>> -> memref<1x100x128xf32, #tpu.memory_space<vmem>>
      %dma_start3A_2098 = tpu.memref_squeeze %dma_start3A_2097 : memref<1x100x128xf32, #tpu.memory_space<vmem>> -> memref<100x128xf32, #tpu.memory_space<vmem>>
      %dma_start3A_2099 = arith.constant 0 : i32
      %dma_start3A_2100 = tpu.memref_slice %arg5[%add3A_2093, %dma_start3A_2099] : memref<128x100xi32, #tpu.memory_space<vmem>> -> memref<1x100xi32, #tpu.memory_space<vmem>>
      %dma_start3A_2101 = tpu.memref_squeeze %dma_start3A_2100 : memref<1x100xi32, #tpu.memory_space<vmem>> -> memref<100xi32, #tpu.memory_space<vmem>>
      %dma_start3A_2102 = arith.constant 0 : i32
      %dma_start3A_2103 = arith.constant 0 : i32
      %dma_start3A_2104 = tpu.memref_slice %arg3[%dma_start3A_2102, %dma_start3A_2103] : memref<1000000x128xf32, #tpu.memory_space<hbm>> -> memref<1000000x128xf32, #tpu.memory_space<hbm>>
      tpu.enqueue_indirect_dma source(%dma_start3A_2104 : memref<1000000x128xf32, #tpu.memory_space<hbm>>) target(%dma_start3A_2098 : memref<100x128xf32, #tpu.memory_space<vmem>>) offsets(%dma_start3A_2101 : memref<100xi32, #tpu.memory_space<vmem>>) semaphore(%arg14 : memref<!tpu.dma_semaphore, #tpu.memory_space<semaphore_mem>>)
      %dma_wait3A_2105 = arith.constant 3 : i32
      %dma_wait3A_2106 = arith.constant 0 : i32
      %dma_wait3A_2107 = arith.constant 0 : i32
      %dma_wait3A_2108 = tpu.memref_slice %arg6[%dma_wait3A_2105, %dma_wait3A_2106, %dma_wait3A_2107] : memref<8x100x128xf32, #tpu.memory_space<vmem>> -> memref<1x100x128xf32, #tpu.memory_space<vmem>>
      %dma_wait3A_2109 = tpu.memref_squeeze %dma_wait3A_2108 : memref<1x100x128xf32, #tpu.memory_space<vmem>> -> memref<100x128xf32, #tpu.memory_space<vmem>>
      %dma_wait3A_2110 = arith.constant 0 : i32
      %dma_wait3A_2111 = arith.constant 0 : i32
      %dma_wait3A_2112 = tpu.memref_slice %arg3[%dma_wait3A_2110, %dma_wait3A_2111] : memref<1000000x128xf32, #tpu.memory_space<hbm>> -> memref<100x128xf32, #tpu.memory_space<hbm>>
      %dma_wait3A_2113 = arith.constant 0 : i32
      %dma_wait3A_2114 = arith.constant 0 : i32
      %dma_wait3A_2115 = tpu.memref_slice %arg6[%dma_wait3A_2105, %dma_wait3A_2113, %dma_wait3A_2114] : memref<8x100x128xf32, #tpu.memory_space<vmem>> -> memref<1x100x128xf32, #tpu.memory_space<vmem>>
      %dma_wait3A_2116 = tpu.memref_squeeze %dma_wait3A_2115 : memref<1x100x128xf32, #tpu.memory_space<vmem>> -> memref<100x128xf32, #tpu.memory_space<vmem>>
      %dma_wait3A_2117 = arith.constant 0 : i32
      %dma_wait3A_2118 = arith.constant 0 : i32
      %dma_wait3A_2119 = tpu.memref_slice %arg3[%dma_wait3A_2117, %dma_wait3A_2118] : memref<1000000x128xf32, #tpu.memory_space<hbm>> -> memref<100x128xf32, #tpu.memory_space<hbm>>
      tpu.wait_dma2 semaphore(%arg10 : memref<!tpu.dma_semaphore, #tpu.memory_space<semaphore_mem>>) src(%dma_wait3A_2119 : memref<100x128xf32, #tpu.memory_space<hbm>>) dst(%dma_wait3A_2116 : memref<100x128xf32, #tpu.memory_space<vmem>>)
      %add3A_2120 = arith.constant 0 : i32
      %add3A_2121 = arith.addi %add3A_2120, %add3A_2061 : i32
      %mul3A_2122 = arith.constant 112 : i32
      %mul3A_2123 = arith.muli %add3A_2121, %mul3A_2122 : i32
      %add3A_2124 = arith.addi %mul3A_2, %mul3A_2123 : i32
      %dma_start3A_2125 = arith.constant 3 : i32
      %dma_start3A_2126 = arith.constant 0 : i32
      %dma_start3A_2127 = arith.constant 0 : i32
      %dma_start3A_2128 = tpu.memref_slice %arg6[%dma_start3A_2125, %dma_start3A_2126, %dma_start3A_2127] : memref<8x100x128xf32, #tpu.memory_space<vmem>> -> memref<1x50x64xf32, #tpu.memory_space<vmem>>
      %dma_start3A_2129 = tpu.memref_squeeze %dma_start3A_2128 : memref<1x50x64xf32, #tpu.memory_space<vmem>> -> memref<50x64xf32, #tpu.memory_space<vmem>>
      %dma_start3A_2130 = arith.constant 0 : i32
      %dma_start3A_2131 = tpu.memref_slice %arg4[%add3A_2124, %dma_start3A_2130] : memref<917504x128xf32, #tpu.memory_space<hbm>> -> memref<50x64xf32, #tpu.memory_space<hbm>>
      %dma_start3A_2132 = arith.constant 0 : i32
      %dma_start3A_2133 = tpu.memref_slice %arg4[%add3A_2124, %dma_start3A_2132] : memref<917504x128xf32, #tpu.memory_space<hbm>> -> memref<50x64xf32, #tpu.memory_space<hbm>>
      %dma_start3A_2134 = arith.constant 0 : i32
      %dma_start3A_2135 = arith.constant 0 : i32
      %dma_start3A_2136 = tpu.memref_slice %arg6[%dma_start3A_2125, %dma_start3A_2134, %dma_start3A_2135] : memref<8x100x128xf32, #tpu.memory_space<vmem>> -> memref<1x50x64xf32, #tpu.memory_space<vmem>>
      %dma_start3A_2137 = tpu.memref_squeeze %dma_start3A_2136 : memref<1x50x64xf32, #tpu.memory_space<vmem>> -> memref<50x64xf32, #tpu.memory_space<vmem>>
      tpu.enqueue_dma source(%dma_start3A_2137 : memref<50x64xf32, #tpu.memory_space<vmem>>) target(%dma_start3A_2133 : memref<50x64xf32, #tpu.memory_space<hbm>>) target_semaphore(%arg18 : memref<!tpu.dma_semaphore, #tpu.memory_space<semaphore_mem>>)
      %add3A_2138 = arith.constant 56 : i32
      %add3A_2139 = arith.addi %add3A_2124, %add3A_2138 : i32
      %dma_start3A_2140 = arith.constant 3 : i32
      %dma_start3A_2141 = arith.constant 50 : i32
      %dma_start3A_2142 = arith.constant 0 : i32
      %dma_start3A_2143 = tpu.memref_slice %arg6[%dma_start3A_2140, %dma_start3A_2141, %dma_start3A_2142] : memref<8x100x128xf32, #tpu.memory_space<vmem>> -> memref<1x50x64xf32, #tpu.memory_space<vmem>>
      %dma_start3A_2144 = tpu.memref_squeeze %dma_start3A_2143 : memref<1x50x64xf32, #tpu.memory_space<vmem>> -> memref<50x64xf32, #tpu.memory_space<vmem>>
      %dma_start3A_2145 = arith.constant 0 : i32
      %dma_start3A_2146 = tpu.memref_slice %arg4[%add3A_2139, %dma_start3A_2145] : memref<917504x128xf32, #tpu.memory_space<hbm>> -> memref<50x64xf32, #tpu.memory_space<hbm>>
      %dma_start3A_2147 = arith.constant 0 : i32
      %dma_start3A_2148 = tpu.memref_slice %arg4[%add3A_2139, %dma_start3A_2147] : memref<917504x128xf32, #tpu.memory_space<hbm>> -> memref<50x64xf32, #tpu.memory_space<hbm>>
      %dma_start3A_2149 = arith.constant 50 : i32
      %dma_start3A_2150 = arith.constant 0 : i32
      %dma_start3A_2151 = tpu.memref_slice %arg6[%dma_start3A_2140, %dma_start3A_2149, %dma_start3A_2150] : memref<8x100x128xf32, #tpu.memory_space<vmem>> -> memref<1x50x64xf32, #tpu.memory_space<vmem>>
      %dma_start3A_2152 = tpu.memref_squeeze %dma_start3A_2151 : memref<1x50x64xf32, #tpu.memory_space<vmem>> -> memref<50x64xf32, #tpu.memory_space<vmem>>
      tpu.enqueue_dma source(%dma_start3A_2152 : memref<50x64xf32, #tpu.memory_space<vmem>>) target(%dma_start3A_2148 : memref<50x64xf32, #tpu.memory_space<hbm>>) target_semaphore(%arg18 : memref<!tpu.dma_semaphore, #tpu.memory_space<semaphore_mem>>)
    }
    %scan3A_281 = arith.constant 15 : i32
    %dma_wait3A_282 = arith.constant 0 : i32
    %dma_wait3A_283 = arith.constant 0 : i32
    %dma_wait3A_284 = arith.constant 0 : i32
    %dma_wait3A_285 = tpu.memref_slice %arg6[%dma_wait3A_282, %dma_wait3A_283, %dma_wait3A_284] : memref<8x100x128xf32, #tpu.memory_space<vmem>> -> memref<1x50x64xf32, #tpu.memory_space<vmem>>
    %dma_wait3A_286 = tpu.memref_squeeze %dma_wait3A_285 : memref<1x50x64xf32, #tpu.memory_space<vmem>> -> memref<50x64xf32, #tpu.memory_space<vmem>>
    %dma_wait3A_287 = arith.constant 0 : i32
    %dma_wait3A_288 = arith.constant 0 : i32
    %dma_wait3A_289 = tpu.memref_slice %arg4[%dma_wait3A_287, %dma_wait3A_288] : memref<917504x128xf32, #tpu.memory_space<hbm>> -> memref<50x64xf32, #tpu.memory_space<hbm>>
    %dma_wait3A_290 = arith.constant 0 : i32
    %dma_wait3A_291 = arith.constant 0 : i32
    %dma_wait3A_292 = tpu.memref_slice %arg4[%dma_wait3A_290, %dma_wait3A_291] : memref<917504x128xf32, #tpu.memory_space<hbm>> -> memref<50x64xf32, #tpu.memory_space<hbm>>
    %dma_wait3A_293 = arith.constant 0 : i32
    %dma_wait3A_294 = arith.constant 0 : i32
    %dma_wait3A_295 = tpu.memref_slice %arg6[%dma_wait3A_282, %dma_wait3A_293, %dma_wait3A_294] : memref<8x100x128xf32, #tpu.memory_space<vmem>> -> memref<1x50x64xf32, #tpu.memory_space<vmem>>
    %dma_wait3A_296 = tpu.memref_squeeze %dma_wait3A_295 : memref<1x50x64xf32, #tpu.memory_space<vmem>> -> memref<50x64xf32, #tpu.memory_space<vmem>>
    tpu.wait_dma2 semaphore(%arg15 : memref<!tpu.dma_semaphore, #tpu.memory_space<semaphore_mem>>) src(%dma_wait3A_296 : memref<50x64xf32, #tpu.memory_space<vmem>>) dst(%dma_wait3A_292 : memref<50x64xf32, #tpu.memory_space<hbm>>)
    %dma_wait3A_297 = arith.constant 0 : i32
    %dma_wait3A_298 = arith.constant 0 : i32
    %dma_wait3A_299 = arith.constant 0 : i32
    %dma_wait3A_300 = tpu.memref_slice %arg6[%dma_wait3A_297, %dma_wait3A_298, %dma_wait3A_299] : memref<8x100x128xf32, #tpu.memory_space<vmem>> -> memref<1x50x64xf32, #tpu.memory_space<vmem>>
    %dma_wait3A_301 = tpu.memref_squeeze %dma_wait3A_300 : memref<1x50x64xf32, #tpu.memory_space<vmem>> -> memref<50x64xf32, #tpu.memory_space<vmem>>
    %dma_wait3A_302 = arith.constant 0 : i32
    %dma_wait3A_303 = arith.constant 0 : i32
    %dma_wait3A_304 = tpu.memref_slice %arg4[%dma_wait3A_302, %dma_wait3A_303] : memref<917504x128xf32, #tpu.memory_space<hbm>> -> memref<50x64xf32, #tpu.memory_space<hbm>>
    %dma_wait3A_305 = arith.constant 0 : i32
    %dma_wait3A_306 = arith.constant 0 : i32
    %dma_wait3A_307 = tpu.memref_slice %arg4[%dma_wait3A_305, %dma_wait3A_306] : memref<917504x128xf32, #tpu.memory_space<hbm>> -> memref<50x64xf32, #tpu.memory_space<hbm>>
    %dma_wait3A_308 = arith.constant 0 : i32
    %dma_wait3A_309 = arith.constant 0 : i32
    %dma_wait3A_310 = tpu.memref_slice %arg6[%dma_wait3A_297, %dma_wait3A_308, %dma_wait3A_309] : memref<8x100x128xf32, #tpu.memory_space<vmem>> -> memref<1x50x64xf32, #tpu.memory_space<vmem>>
    %dma_wait3A_311 = tpu.memref_squeeze %dma_wait3A_310 : memref<1x50x64xf32, #tpu.memory_space<vmem>> -> memref<50x64xf32, #tpu.memory_space<vmem>>
    tpu.wait_dma2 semaphore(%arg15 : memref<!tpu.dma_semaphore, #tpu.memory_space<semaphore_mem>>) src(%dma_wait3A_311 : memref<50x64xf32, #tpu.memory_space<vmem>>) dst(%dma_wait3A_307 : memref<50x64xf32, #tpu.memory_space<hbm>>)
    %dma_wait3A_312 = arith.constant 4 : i32
    %dma_wait3A_313 = arith.constant 0 : i32
    %dma_wait3A_314 = arith.constant 0 : i32
    %dma_wait3A_315 = tpu.memref_slice %arg6[%dma_wait3A_312, %dma_wait3A_313, %dma_wait3A_314] : memref<8x100x128xf32, #tpu.memory_space<vmem>> -> memref<1x100x128xf32, #tpu.memory_space<vmem>>
    %dma_wait3A_316 = tpu.memref_squeeze %dma_wait3A_315 : memref<1x100x128xf32, #tpu.memory_space<vmem>> -> memref<100x128xf32, #tpu.memory_space<vmem>>
    %dma_wait3A_317 = arith.constant 0 : i32
    %dma_wait3A_318 = arith.constant 0 : i32
    %dma_wait3A_319 = tpu.memref_slice %arg3[%dma_wait3A_317, %dma_wait3A_318] : memref<1000000x128xf32, #tpu.memory_space<hbm>> -> memref<100x128xf32, #tpu.memory_space<hbm>>
    %dma_wait3A_320 = arith.constant 0 : i32
    %dma_wait3A_321 = arith.constant 0 : i32
    %dma_wait3A_322 = tpu.memref_slice %arg6[%dma_wait3A_312, %dma_wait3A_320, %dma_wait3A_321] : memref<8x100x128xf32, #tpu.memory_space<vmem>> -> memref<1x100x128xf32, #tpu.memory_space<vmem>>
    %dma_wait3A_323 = tpu.memref_squeeze %dma_wait3A_322 : memref<1x100x128xf32, #tpu.memory_space<vmem>> -> memref<100x128xf32, #tpu.memory_space<vmem>>
    %dma_wait3A_324 = arith.constant 0 : i32
    %dma_wait3A_325 = arith.constant 0 : i32
    %dma_wait3A_326 = tpu.memref_slice %arg3[%dma_wait3A_324, %dma_wait3A_325] : memref<1000000x128xf32, #tpu.memory_space<hbm>> -> memref<100x128xf32, #tpu.memory_space<hbm>>
    tpu.wait_dma2 semaphore(%arg11 : memref<!tpu.dma_semaphore, #tpu.memory_space<semaphore_mem>>) src(%dma_wait3A_326 : memref<100x128xf32, #tpu.memory_space<hbm>>) dst(%dma_wait3A_323 : memref<100x128xf32, #tpu.memory_space<vmem>>)
    %add3A_327 = arith.constant 13888 : i32
    %add3A_328 = arith.addi %mul3A_2, %add3A_327 : i32
    %dma_start3A_329 = arith.constant 4 : i32
    %dma_start3A_330 = arith.constant 0 : i32
    %dma_start3A_331 = arith.constant 0 : i32
    %dma_start3A_332 = tpu.memref_slice %arg6[%dma_start3A_329, %dma_start3A_330, %dma_start3A_331] : memref<8x100x128xf32, #tpu.memory_space<vmem>> -> memref<1x50x64xf32, #tpu.memory_space<vmem>>
    %dma_start3A_333 = tpu.memref_squeeze %dma_start3A_332 : memref<1x50x64xf32, #tpu.memory_space<vmem>> -> memref<50x64xf32, #tpu.memory_space<vmem>>
    %dma_start3A_334 = arith.constant 0 : i32
    %dma_start3A_335 = tpu.memref_slice %arg4[%add3A_328, %dma_start3A_334] : memref<917504x128xf32, #tpu.memory_space<hbm>> -> memref<50x64xf32, #tpu.memory_space<hbm>>
    %dma_start3A_336 = arith.constant 0 : i32
    %dma_start3A_337 = tpu.memref_slice %arg4[%add3A_328, %dma_start3A_336] : memref<917504x128xf32, #tpu.memory_space<hbm>> -> memref<50x64xf32, #tpu.memory_space<hbm>>
    %dma_start3A_338 = arith.constant 0 : i32
    %dma_start3A_339 = arith.constant 0 : i32
    %dma_start3A_340 = tpu.memref_slice %arg6[%dma_start3A_329, %dma_start3A_338, %dma_start3A_339] : memref<8x100x128xf32, #tpu.memory_space<vmem>> -> memref<1x50x64xf32, #tpu.memory_space<vmem>>
    %dma_start3A_341 = tpu.memref_squeeze %dma_start3A_340 : memref<1x50x64xf32, #tpu.memory_space<vmem>> -> memref<50x64xf32, #tpu.memory_space<vmem>>
    tpu.enqueue_dma source(%dma_start3A_341 : memref<50x64xf32, #tpu.memory_space<vmem>>) target(%dma_start3A_337 : memref<50x64xf32, #tpu.memory_space<hbm>>) target_semaphore(%arg19 : memref<!tpu.dma_semaphore, #tpu.memory_space<semaphore_mem>>)
    %add3A_342 = arith.constant 56 : i32
    %add3A_343 = arith.addi %add3A_328, %add3A_342 : i32
    %dma_start3A_344 = arith.constant 4 : i32
    %dma_start3A_345 = arith.constant 50 : i32
    %dma_start3A_346 = arith.constant 0 : i32
    %dma_start3A_347 = tpu.memref_slice %arg6[%dma_start3A_344, %dma_start3A_345, %dma_start3A_346] : memref<8x100x128xf32, #tpu.memory_space<vmem>> -> memref<1x50x64xf32, #tpu.memory_space<vmem>>
    %dma_start3A_348 = tpu.memref_squeeze %dma_start3A_347 : memref<1x50x64xf32, #tpu.memory_space<vmem>> -> memref<50x64xf32, #tpu.memory_space<vmem>>
    %dma_start3A_349 = arith.constant 0 : i32
    %dma_start3A_350 = tpu.memref_slice %arg4[%add3A_343, %dma_start3A_349] : memref<917504x128xf32, #tpu.memory_space<hbm>> -> memref<50x64xf32, #tpu.memory_space<hbm>>
    %dma_start3A_351 = arith.constant 0 : i32
    %dma_start3A_352 = tpu.memref_slice %arg4[%add3A_343, %dma_start3A_351] : memref<917504x128xf32, #tpu.memory_space<hbm>> -> memref<50x64xf32, #tpu.memory_space<hbm>>
    %dma_start3A_353 = arith.constant 50 : i32
    %dma_start3A_354 = arith.constant 0 : i32
    %dma_start3A_355 = tpu.memref_slice %arg6[%dma_start3A_344, %dma_start3A_353, %dma_start3A_354] : memref<8x100x128xf32, #tpu.memory_space<vmem>> -> memref<1x50x64xf32, #tpu.memory_space<vmem>>
    %dma_start3A_356 = tpu.memref_squeeze %dma_start3A_355 : memref<1x50x64xf32, #tpu.memory_space<vmem>> -> memref<50x64xf32, #tpu.memory_space<vmem>>
    tpu.enqueue_dma source(%dma_start3A_356 : memref<50x64xf32, #tpu.memory_space<vmem>>) target(%dma_start3A_352 : memref<50x64xf32, #tpu.memory_space<hbm>>) target_semaphore(%arg19 : memref<!tpu.dma_semaphore, #tpu.memory_space<semaphore_mem>>)
    %dma_wait3A_357 = arith.constant 1 : i32
    %dma_wait3A_358 = arith.constant 0 : i32
    %dma_wait3A_359 = arith.constant 0 : i32
    %dma_wait3A_360 = tpu.memref_slice %arg6[%dma_wait3A_357, %dma_wait3A_358, %dma_wait3A_359] : memref<8x100x128xf32, #tpu.memory_space<vmem>> -> memref<1x50x64xf32, #tpu.memory_space<vmem>>
    %dma_wait3A_361 = tpu.memref_squeeze %dma_wait3A_360 : memref<1x50x64xf32, #tpu.memory_space<vmem>> -> memref<50x64xf32, #tpu.memory_space<vmem>>
    %dma_wait3A_362 = arith.constant 0 : i32
    %dma_wait3A_363 = arith.constant 0 : i32
    %dma_wait3A_364 = tpu.memref_slice %arg4[%dma_wait3A_362, %dma_wait3A_363] : memref<917504x128xf32, #tpu.memory_space<hbm>> -> memref<50x64xf32, #tpu.memory_space<hbm>>
    %dma_wait3A_365 = arith.constant 0 : i32
    %dma_wait3A_366 = arith.constant 0 : i32
    %dma_wait3A_367 = tpu.memref_slice %arg4[%dma_wait3A_365, %dma_wait3A_366] : memref<917504x128xf32, #tpu.memory_space<hbm>> -> memref<50x64xf32, #tpu.memory_space<hbm>>
    %dma_wait3A_368 = arith.constant 0 : i32
    %dma_wait3A_369 = arith.constant 0 : i32
    %dma_wait3A_370 = tpu.memref_slice %arg6[%dma_wait3A_357, %dma_wait3A_368, %dma_wait3A_369] : memref<8x100x128xf32, #tpu.memory_space<vmem>> -> memref<1x50x64xf32, #tpu.memory_space<vmem>>
    %dma_wait3A_371 = tpu.memref_squeeze %dma_wait3A_370 : memref<1x50x64xf32, #tpu.memory_space<vmem>> -> memref<50x64xf32, #tpu.memory_space<vmem>>
    tpu.wait_dma2 semaphore(%arg16 : memref<!tpu.dma_semaphore, #tpu.memory_space<semaphore_mem>>) src(%dma_wait3A_371 : memref<50x64xf32, #tpu.memory_space<vmem>>) dst(%dma_wait3A_367 : memref<50x64xf32, #tpu.memory_space<hbm>>)
    %dma_wait3A_372 = arith.constant 1 : i32
    %dma_wait3A_373 = arith.constant 0 : i32
    %dma_wait3A_374 = arith.constant 0 : i32
    %dma_wait3A_375 = tpu.memref_slice %arg6[%dma_wait3A_372, %dma_wait3A_373, %dma_wait3A_374] : memref<8x100x128xf32, #tpu.memory_space<vmem>> -> memref<1x50x64xf32, #tpu.memory_space<vmem>>
    %dma_wait3A_376 = tpu.memref_squeeze %dma_wait3A_375 : memref<1x50x64xf32, #tpu.memory_space<vmem>> -> memref<50x64xf32, #tpu.memory_space<vmem>>
    %dma_wait3A_377 = arith.constant 0 : i32
    %dma_wait3A_378 = arith.constant 0 : i32
    %dma_wait3A_379 = tpu.memref_slice %arg4[%dma_wait3A_377, %dma_wait3A_378] : memref<917504x128xf32, #tpu.memory_space<hbm>> -> memref<50x64xf32, #tpu.memory_space<hbm>>
    %dma_wait3A_380 = arith.constant 0 : i32
    %dma_wait3A_381 = arith.constant 0 : i32
    %dma_wait3A_382 = tpu.memref_slice %arg4[%dma_wait3A_380, %dma_wait3A_381] : memref<917504x128xf32, #tpu.memory_space<hbm>> -> memref<50x64xf32, #tpu.memory_space<hbm>>
    %dma_wait3A_383 = arith.constant 0 : i32
    %dma_wait3A_384 = arith.constant 0 : i32
    %dma_wait3A_385 = tpu.memref_slice %arg6[%dma_wait3A_372, %dma_wait3A_383, %dma_wait3A_384] : memref<8x100x128xf32, #tpu.memory_space<vmem>> -> memref<1x50x64xf32, #tpu.memory_space<vmem>>
    %dma_wait3A_386 = tpu.memref_squeeze %dma_wait3A_385 : memref<1x50x64xf32, #tpu.memory_space<vmem>> -> memref<50x64xf32, #tpu.memory_space<vmem>>
    tpu.wait_dma2 semaphore(%arg16 : memref<!tpu.dma_semaphore, #tpu.memory_space<semaphore_mem>>) src(%dma_wait3A_386 : memref<50x64xf32, #tpu.memory_space<vmem>>) dst(%dma_wait3A_382 : memref<50x64xf32, #tpu.memory_space<hbm>>)
    %dma_wait3A_387 = arith.constant 5 : i32
    %dma_wait3A_388 = arith.constant 0 : i32
    %dma_wait3A_389 = arith.constant 0 : i32
    %dma_wait3A_390 = tpu.memref_slice %arg6[%dma_wait3A_387, %dma_wait3A_388, %dma_wait3A_389] : memref<8x100x128xf32, #tpu.memory_space<vmem>> -> memref<1x100x128xf32, #tpu.memory_space<vmem>>
    %dma_wait3A_391 = tpu.memref_squeeze %dma_wait3A_390 : memref<1x100x128xf32, #tpu.memory_space<vmem>> -> memref<100x128xf32, #tpu.memory_space<vmem>>
    %dma_wait3A_392 = arith.constant 0 : i32
    %dma_wait3A_393 = arith.constant 0 : i32
    %dma_wait3A_394 = tpu.memref_slice %arg3[%dma_wait3A_392, %dma_wait3A_393] : memref<1000000x128xf32, #tpu.memory_space<hbm>> -> memref<100x128xf32, #tpu.memory_space<hbm>>
    %dma_wait3A_395 = arith.constant 0 : i32
    %dma_wait3A_396 = arith.constant 0 : i32
    %dma_wait3A_397 = tpu.memref_slice %arg6[%dma_wait3A_387, %dma_wait3A_395, %dma_wait3A_396] : memref<8x100x128xf32, #tpu.memory_space<vmem>> -> memref<1x100x128xf32, #tpu.memory_space<vmem>>
    %dma_wait3A_398 = tpu.memref_squeeze %dma_wait3A_397 : memref<1x100x128xf32, #tpu.memory_space<vmem>> -> memref<100x128xf32, #tpu.memory_space<vmem>>
    %dma_wait3A_399 = arith.constant 0 : i32
    %dma_wait3A_400 = arith.constant 0 : i32
    %dma_wait3A_401 = tpu.memref_slice %arg3[%dma_wait3A_399, %dma_wait3A_400] : memref<1000000x128xf32, #tpu.memory_space<hbm>> -> memref<100x128xf32, #tpu.memory_space<hbm>>
    tpu.wait_dma2 semaphore(%arg12 : memref<!tpu.dma_semaphore, #tpu.memory_space<semaphore_mem>>) src(%dma_wait3A_401 : memref<100x128xf32, #tpu.memory_space<hbm>>) dst(%dma_wait3A_398 : memref<100x128xf32, #tpu.memory_space<vmem>>)
    %add3A_402 = arith.constant 14000 : i32
    %add3A_403 = arith.addi %mul3A_2, %add3A_402 : i32
    %dma_start3A_404 = arith.constant 5 : i32
    %dma_start3A_405 = arith.constant 0 : i32
    %dma_start3A_406 = arith.constant 0 : i32
    %dma_start3A_407 = tpu.memref_slice %arg6[%dma_start3A_404, %dma_start3A_405, %dma_start3A_406] : memref<8x100x128xf32, #tpu.memory_space<vmem>> -> memref<1x50x64xf32, #tpu.memory_space<vmem>>
    %dma_start3A_408 = tpu.memref_squeeze %dma_start3A_407 : memref<1x50x64xf32, #tpu.memory_space<vmem>> -> memref<50x64xf32, #tpu.memory_space<vmem>>
    %dma_start3A_409 = arith.constant 0 : i32
    %dma_start3A_410 = tpu.memref_slice %arg4[%add3A_403, %dma_start3A_409] : memref<917504x128xf32, #tpu.memory_space<hbm>> -> memref<50x64xf32, #tpu.memory_space<hbm>>
    %dma_start3A_411 = arith.constant 0 : i32
    %dma_start3A_412 = tpu.memref_slice %arg4[%add3A_403, %dma_start3A_411] : memref<917504x128xf32, #tpu.memory_space<hbm>> -> memref<50x64xf32, #tpu.memory_space<hbm>>
    %dma_start3A_413 = arith.constant 0 : i32
    %dma_start3A_414 = arith.constant 0 : i32
    %dma_start3A_415 = tpu.memref_slice %arg6[%dma_start3A_404, %dma_start3A_413, %dma_start3A_414] : memref<8x100x128xf32, #tpu.memory_space<vmem>> -> memref<1x50x64xf32, #tpu.memory_space<vmem>>
    %dma_start3A_416 = tpu.memref_squeeze %dma_start3A_415 : memref<1x50x64xf32, #tpu.memory_space<vmem>> -> memref<50x64xf32, #tpu.memory_space<vmem>>
    tpu.enqueue_dma source(%dma_start3A_416 : memref<50x64xf32, #tpu.memory_space<vmem>>) target(%dma_start3A_412 : memref<50x64xf32, #tpu.memory_space<hbm>>) target_semaphore(%arg20 : memref<!tpu.dma_semaphore, #tpu.memory_space<semaphore_mem>>)
    %add3A_417 = arith.constant 56 : i32
    %add3A_418 = arith.addi %add3A_403, %add3A_417 : i32
    %dma_start3A_419 = arith.constant 5 : i32
    %dma_start3A_420 = arith.constant 50 : i32
    %dma_start3A_421 = arith.constant 0 : i32
    %dma_start3A_422 = tpu.memref_slice %arg6[%dma_start3A_419, %dma_start3A_420, %dma_start3A_421] : memref<8x100x128xf32, #tpu.memory_space<vmem>> -> memref<1x50x64xf32, #tpu.memory_space<vmem>>
    %dma_start3A_423 = tpu.memref_squeeze %dma_start3A_422 : memref<1x50x64xf32, #tpu.memory_space<vmem>> -> memref<50x64xf32, #tpu.memory_space<vmem>>
    %dma_start3A_424 = arith.constant 0 : i32
    %dma_start3A_425 = tpu.memref_slice %arg4[%add3A_418, %dma_start3A_424] : memref<917504x128xf32, #tpu.memory_space<hbm>> -> memref<50x64xf32, #tpu.memory_space<hbm>>
    %dma_start3A_426 = arith.constant 0 : i32
    %dma_start3A_427 = tpu.memref_slice %arg4[%add3A_418, %dma_start3A_426] : memref<917504x128xf32, #tpu.memory_space<hbm>> -> memref<50x64xf32, #tpu.memory_space<hbm>>
    %dma_start3A_428 = arith.constant 50 : i32
    %dma_start3A_429 = arith.constant 0 : i32
    %dma_start3A_430 = tpu.memref_slice %arg6[%dma_start3A_419, %dma_start3A_428, %dma_start3A_429] : memref<8x100x128xf32, #tpu.memory_space<vmem>> -> memref<1x50x64xf32, #tpu.memory_space<vmem>>
    %dma_start3A_431 = tpu.memref_squeeze %dma_start3A_430 : memref<1x50x64xf32, #tpu.memory_space<vmem>> -> memref<50x64xf32, #tpu.memory_space<vmem>>
    tpu.enqueue_dma source(%dma_start3A_431 : memref<50x64xf32, #tpu.memory_space<vmem>>) target(%dma_start3A_427 : memref<50x64xf32, #tpu.memory_space<hbm>>) target_semaphore(%arg20 : memref<!tpu.dma_semaphore, #tpu.memory_space<semaphore_mem>>)
    %dma_wait3A_432 = arith.constant 2 : i32
    %dma_wait3A_433 = arith.constant 0 : i32
    %dma_wait3A_434 = arith.constant 0 : i32
    %dma_wait3A_435 = tpu.memref_slice %arg6[%dma_wait3A_432, %dma_wait3A_433, %dma_wait3A_434] : memref<8x100x128xf32, #tpu.memory_space<vmem>> -> memref<1x50x64xf32, #tpu.memory_space<vmem>>
    %dma_wait3A_436 = tpu.memref_squeeze %dma_wait3A_435 : memref<1x50x64xf32, #tpu.memory_space<vmem>> -> memref<50x64xf32, #tpu.memory_space<vmem>>
    %dma_wait3A_437 = arith.constant 0 : i32
    %dma_wait3A_438 = arith.constant 0 : i32
    %dma_wait3A_439 = tpu.memref_slice %arg4[%dma_wait3A_437, %dma_wait3A_438] : memref<917504x128xf32, #tpu.memory_space<hbm>> -> memref<50x64xf32, #tpu.memory_space<hbm>>
    %dma_wait3A_440 = arith.constant 0 : i32
    %dma_wait3A_441 = arith.constant 0 : i32
    %dma_wait3A_442 = tpu.memref_slice %arg4[%dma_wait3A_440, %dma_wait3A_441] : memref<917504x128xf32, #tpu.memory_space<hbm>> -> memref<50x64xf32, #tpu.memory_space<hbm>>
    %dma_wait3A_443 = arith.constant 0 : i32
    %dma_wait3A_444 = arith.constant 0 : i32
    %dma_wait3A_445 = tpu.memref_slice %arg6[%dma_wait3A_432, %dma_wait3A_443, %dma_wait3A_444] : memref<8x100x128xf32, #tpu.memory_space<vmem>> -> memref<1x50x64xf32, #tpu.memory_space<vmem>>
    %dma_wait3A_446 = tpu.memref_squeeze %dma_wait3A_445 : memref<1x50x64xf32, #tpu.memory_space<vmem>> -> memref<50x64xf32, #tpu.memory_space<vmem>>
    tpu.wait_dma2 semaphore(%arg17 : memref<!tpu.dma_semaphore, #tpu.memory_space<semaphore_mem>>) src(%dma_wait3A_446 : memref<50x64xf32, #tpu.memory_space<vmem>>) dst(%dma_wait3A_442 : memref<50x64xf32, #tpu.memory_space<hbm>>)
    %dma_wait3A_447 = arith.constant 2 : i32
    %dma_wait3A_448 = arith.constant 0 : i32
    %dma_wait3A_449 = arith.constant 0 : i32
    %dma_wait3A_450 = tpu.memref_slice %arg6[%dma_wait3A_447, %dma_wait3A_448, %dma_wait3A_449] : memref<8x100x128xf32, #tpu.memory_space<vmem>> -> memref<1x50x64xf32, #tpu.memory_space<vmem>>
    %dma_wait3A_451 = tpu.memref_squeeze %dma_wait3A_450 : memref<1x50x64xf32, #tpu.memory_space<vmem>> -> memref<50x64xf32, #tpu.memory_space<vmem>>
    %dma_wait3A_452 = arith.constant 0 : i32
    %dma_wait3A_453 = arith.constant 0 : i32
    %dma_wait3A_454 = tpu.memref_slice %arg4[%dma_wait3A_452, %dma_wait3A_453] : memref<917504x128xf32, #tpu.memory_space<hbm>> -> memref<50x64xf32, #tpu.memory_space<hbm>>
    %dma_wait3A_455 = arith.constant 0 : i32
    %dma_wait3A_456 = arith.constant 0 : i32
    %dma_wait3A_457 = tpu.memref_slice %arg4[%dma_wait3A_455, %dma_wait3A_456] : memref<917504x128xf32, #tpu.memory_space<hbm>> -> memref<50x64xf32, #tpu.memory_space<hbm>>
    %dma_wait3A_458 = arith.constant 0 : i32
    %dma_wait3A_459 = arith.constant 0 : i32
    %dma_wait3A_460 = tpu.memref_slice %arg6[%dma_wait3A_447, %dma_wait3A_458, %dma_wait3A_459] : memref<8x100x128xf32, #tpu.memory_space<vmem>> -> memref<1x50x64xf32, #tpu.memory_space<vmem>>
    %dma_wait3A_461 = tpu.memref_squeeze %dma_wait3A_460 : memref<1x50x64xf32, #tpu.memory_space<vmem>> -> memref<50x64xf32, #tpu.memory_space<vmem>>
    tpu.wait_dma2 semaphore(%arg17 : memref<!tpu.dma_semaphore, #tpu.memory_space<semaphore_mem>>) src(%dma_wait3A_461 : memref<50x64xf32, #tpu.memory_space<vmem>>) dst(%dma_wait3A_457 : memref<50x64xf32, #tpu.memory_space<hbm>>)
    %dma_wait3A_462 = arith.constant 6 : i32
    %dma_wait3A_463 = arith.constant 0 : i32
    %dma_wait3A_464 = arith.constant 0 : i32
    %dma_wait3A_465 = tpu.memref_slice %arg6[%dma_wait3A_462, %dma_wait3A_463, %dma_wait3A_464] : memref<8x100x128xf32, #tpu.memory_space<vmem>> -> memref<1x100x128xf32, #tpu.memory_space<vmem>>
    %dma_wait3A_466 = tpu.memref_squeeze %dma_wait3A_465 : memref<1x100x128xf32, #tpu.memory_space<vmem>> -> memref<100x128xf32, #tpu.memory_space<vmem>>
    %dma_wait3A_467 = arith.constant 0 : i32
    %dma_wait3A_468 = arith.constant 0 : i32
    %dma_wait3A_469 = tpu.memref_slice %arg3[%dma_wait3A_467, %dma_wait3A_468] : memref<1000000x128xf32, #tpu.memory_space<hbm>> -> memref<100x128xf32, #tpu.memory_space<hbm>>
    %dma_wait3A_470 = arith.constant 0 : i32
    %dma_wait3A_471 = arith.constant 0 : i32
    %dma_wait3A_472 = tpu.memref_slice %arg6[%dma_wait3A_462, %dma_wait3A_470, %dma_wait3A_471] : memref<8x100x128xf32, #tpu.memory_space<vmem>> -> memref<1x100x128xf32, #tpu.memory_space<vmem>>
    %dma_wait3A_473 = tpu.memref_squeeze %dma_wait3A_472 : memref<1x100x128xf32, #tpu.memory_space<vmem>> -> memref<100x128xf32, #tpu.memory_space<vmem>>
    %dma_wait3A_474 = arith.constant 0 : i32
    %dma_wait3A_475 = arith.constant 0 : i32
    %dma_wait3A_476 = tpu.memref_slice %arg3[%dma_wait3A_474, %dma_wait3A_475] : memref<1000000x128xf32, #tpu.memory_space<hbm>> -> memref<100x128xf32, #tpu.memory_space<hbm>>
    tpu.wait_dma2 semaphore(%arg13 : memref<!tpu.dma_semaphore, #tpu.memory_space<semaphore_mem>>) src(%dma_wait3A_476 : memref<100x128xf32, #tpu.memory_space<hbm>>) dst(%dma_wait3A_473 : memref<100x128xf32, #tpu.memory_space<vmem>>)
    %add3A_477 = arith.constant 14112 : i32
    %add3A_478 = arith.addi %mul3A_2, %add3A_477 : i32
    %dma_start3A_479 = arith.constant 6 : i32
    %dma_start3A_480 = arith.constant 0 : i32
    %dma_start3A_481 = arith.constant 0 : i32
    %dma_start3A_482 = tpu.memref_slice %arg6[%dma_start3A_479, %dma_start3A_480, %dma_start3A_481] : memref<8x100x128xf32, #tpu.memory_space<vmem>> -> memref<1x50x64xf32, #tpu.memory_space<vmem>>
    %dma_start3A_483 = tpu.memref_squeeze %dma_start3A_482 : memref<1x50x64xf32, #tpu.memory_space<vmem>> -> memref<50x64xf32, #tpu.memory_space<vmem>>
    %dma_start3A_484 = arith.constant 0 : i32
    %dma_start3A_485 = tpu.memref_slice %arg4[%add3A_478, %dma_start3A_484] : memref<917504x128xf32, #tpu.memory_space<hbm>> -> memref<50x64xf32, #tpu.memory_space<hbm>>
    %dma_start3A_486 = arith.constant 0 : i32
    %dma_start3A_487 = tpu.memref_slice %arg4[%add3A_478, %dma_start3A_486] : memref<917504x128xf32, #tpu.memory_space<hbm>> -> memref<50x64xf32, #tpu.memory_space<hbm>>
    %dma_start3A_488 = arith.constant 0 : i32
    %dma_start3A_489 = arith.constant 0 : i32
    %dma_start3A_490 = tpu.memref_slice %arg6[%dma_start3A_479, %dma_start3A_488, %dma_start3A_489] : memref<8x100x128xf32, #tpu.memory_space<vmem>> -> memref<1x50x64xf32, #tpu.memory_space<vmem>>
    %dma_start3A_491 = tpu.memref_squeeze %dma_start3A_490 : memref<1x50x64xf32, #tpu.memory_space<vmem>> -> memref<50x64xf32, #tpu.memory_space<vmem>>
    tpu.enqueue_dma source(%dma_start3A_491 : memref<50x64xf32, #tpu.memory_space<vmem>>) target(%dma_start3A_487 : memref<50x64xf32, #tpu.memory_space<hbm>>) target_semaphore(%arg21 : memref<!tpu.dma_semaphore, #tpu.memory_space<semaphore_mem>>)
    %add3A_492 = arith.constant 56 : i32
    %add3A_493 = arith.addi %add3A_478, %add3A_492 : i32
    %dma_start3A_494 = arith.constant 6 : i32
    %dma_start3A_495 = arith.constant 50 : i32
    %dma_start3A_496 = arith.constant 0 : i32
    %dma_start3A_497 = tpu.memref_slice %arg6[%dma_start3A_494, %dma_start3A_495, %dma_start3A_496] : memref<8x100x128xf32, #tpu.memory_space<vmem>> -> memref<1x50x64xf32, #tpu.memory_space<vmem>>
    %dma_start3A_498 = tpu.memref_squeeze %dma_start3A_497 : memref<1x50x64xf32, #tpu.memory_space<vmem>> -> memref<50x64xf32, #tpu.memory_space<vmem>>
    %dma_start3A_499 = arith.constant 0 : i32
    %dma_start3A_500 = tpu.memref_slice %arg4[%add3A_493, %dma_start3A_499] : memref<917504x128xf32, #tpu.memory_space<hbm>> -> memref<50x64xf32, #tpu.memory_space<hbm>>
    %dma_start3A_501 = arith.constant 0 : i32
    %dma_start3A_502 = tpu.memref_slice %arg4[%add3A_493, %dma_start3A_501] : memref<917504x128xf32, #tpu.memory_space<hbm>> -> memref<50x64xf32, #tpu.memory_space<hbm>>
    %dma_start3A_503 = arith.constant 50 : i32
    %dma_start3A_504 = arith.constant 0 : i32
    %dma_start3A_505 = tpu.memref_slice %arg6[%dma_start3A_494, %dma_start3A_503, %dma_start3A_504] : memref<8x100x128xf32, #tpu.memory_space<vmem>> -> memref<1x50x64xf32, #tpu.memory_space<vmem>>
    %dma_start3A_506 = tpu.memref_squeeze %dma_start3A_505 : memref<1x50x64xf32, #tpu.memory_space<vmem>> -> memref<50x64xf32, #tpu.memory_space<vmem>>
    tpu.enqueue_dma source(%dma_start3A_506 : memref<50x64xf32, #tpu.memory_space<vmem>>) target(%dma_start3A_502 : memref<50x64xf32, #tpu.memory_space<hbm>>) target_semaphore(%arg21 : memref<!tpu.dma_semaphore, #tpu.memory_space<semaphore_mem>>)
    %dma_wait3A_507 = arith.constant 3 : i32
    %dma_wait3A_508 = arith.constant 0 : i32
    %dma_wait3A_509 = arith.constant 0 : i32
    %dma_wait3A_510 = tpu.memref_slice %arg6[%dma_wait3A_507, %dma_wait3A_508, %dma_wait3A_509] : memref<8x100x128xf32, #tpu.memory_space<vmem>> -> memref<1x50x64xf32, #tpu.memory_space<vmem>>
    %dma_wait3A_511 = tpu.memref_squeeze %dma_wait3A_510 : memref<1x50x64xf32, #tpu.memory_space<vmem>> -> memref<50x64xf32, #tpu.memory_space<vmem>>
    %dma_wait3A_512 = arith.constant 0 : i32
    %dma_wait3A_513 = arith.constant 0 : i32
    %dma_wait3A_514 = tpu.memref_slice %arg4[%dma_wait3A_512, %dma_wait3A_513] : memref<917504x128xf32, #tpu.memory_space<hbm>> -> memref<50x64xf32, #tpu.memory_space<hbm>>
    %dma_wait3A_515 = arith.constant 0 : i32
    %dma_wait3A_516 = arith.constant 0 : i32
    %dma_wait3A_517 = tpu.memref_slice %arg4[%dma_wait3A_515, %dma_wait3A_516] : memref<917504x128xf32, #tpu.memory_space<hbm>> -> memref<50x64xf32, #tpu.memory_space<hbm>>
    %dma_wait3A_518 = arith.constant 0 : i32
    %dma_wait3A_519 = arith.constant 0 : i32
    %dma_wait3A_520 = tpu.memref_slice %arg6[%dma_wait3A_507, %dma_wait3A_518, %dma_wait3A_519] : memref<8x100x128xf32, #tpu.memory_space<vmem>> -> memref<1x50x64xf32, #tpu.memory_space<vmem>>
    %dma_wait3A_521 = tpu.memref_squeeze %dma_wait3A_520 : memref<1x50x64xf32, #tpu.memory_space<vmem>> -> memref<50x64xf32, #tpu.memory_space<vmem>>
    tpu.wait_dma2 semaphore(%arg18 : memref<!tpu.dma_semaphore, #tpu.memory_space<semaphore_mem>>) src(%dma_wait3A_521 : memref<50x64xf32, #tpu.memory_space<vmem>>) dst(%dma_wait3A_517 : memref<50x64xf32, #tpu.memory_space<hbm>>)
    %dma_wait3A_522 = arith.constant 3 : i32
    %dma_wait3A_523 = arith.constant 0 : i32
    %dma_wait3A_524 = arith.constant 0 : i32
    %dma_wait3A_525 = tpu.memref_slice %arg6[%dma_wait3A_522, %dma_wait3A_523, %dma_wait3A_524] : memref<8x100x128xf32, #tpu.memory_space<vmem>> -> memref<1x50x64xf32, #tpu.memory_space<vmem>>
    %dma_wait3A_526 = tpu.memref_squeeze %dma_wait3A_525 : memref<1x50x64xf32, #tpu.memory_space<vmem>> -> memref<50x64xf32, #tpu.memory_space<vmem>>
    %dma_wait3A_527 = arith.constant 0 : i32
    %dma_wait3A_528 = arith.constant 0 : i32
    %dma_wait3A_529 = tpu.memref_slice %arg4[%dma_wait3A_527, %dma_wait3A_528] : memref<917504x128xf32, #tpu.memory_space<hbm>> -> memref<50x64xf32, #tpu.memory_space<hbm>>
    %dma_wait3A_530 = arith.constant 0 : i32
    %dma_wait3A_531 = arith.constant 0 : i32
    %dma_wait3A_532 = tpu.memref_slice %arg4[%dma_wait3A_530, %dma_wait3A_531] : memref<917504x128xf32, #tpu.memory_space<hbm>> -> memref<50x64xf32, #tpu.memory_space<hbm>>
    %dma_wait3A_533 = arith.constant 0 : i32
    %dma_wait3A_534 = arith.constant 0 : i32
    %dma_wait3A_535 = tpu.memref_slice %arg6[%dma_wait3A_522, %dma_wait3A_533, %dma_wait3A_534] : memref<8x100x128xf32, #tpu.memory_space<vmem>> -> memref<1x50x64xf32, #tpu.memory_space<vmem>>
    %dma_wait3A_536 = tpu.memref_squeeze %dma_wait3A_535 : memref<1x50x64xf32, #tpu.memory_space<vmem>> -> memref<50x64xf32, #tpu.memory_space<vmem>>
    tpu.wait_dma2 semaphore(%arg18 : memref<!tpu.dma_semaphore, #tpu.memory_space<semaphore_mem>>) src(%dma_wait3A_536 : memref<50x64xf32, #tpu.memory_space<vmem>>) dst(%dma_wait3A_532 : memref<50x64xf32, #tpu.memory_space<hbm>>)
    %dma_wait3A_537 = arith.constant 7 : i32
    %dma_wait3A_538 = arith.constant 0 : i32
    %dma_wait3A_539 = arith.constant 0 : i32
    %dma_wait3A_540 = tpu.memref_slice %arg6[%dma_wait3A_537, %dma_wait3A_538, %dma_wait3A_539] : memref<8x100x128xf32, #tpu.memory_space<vmem>> -> memref<1x100x128xf32, #tpu.memory_space<vmem>>
    %dma_wait3A_541 = tpu.memref_squeeze %dma_wait3A_540 : memref<1x100x128xf32, #tpu.memory_space<vmem>> -> memref<100x128xf32, #tpu.memory_space<vmem>>
    %dma_wait3A_542 = arith.constant 0 : i32
    %dma_wait3A_543 = arith.constant 0 : i32
    %dma_wait3A_544 = tpu.memref_slice %arg3[%dma_wait3A_542, %dma_wait3A_543] : memref<1000000x128xf32, #tpu.memory_space<hbm>> -> memref<100x128xf32, #tpu.memory_space<hbm>>
    %dma_wait3A_545 = arith.constant 0 : i32
    %dma_wait3A_546 = arith.constant 0 : i32
    %dma_wait3A_547 = tpu.memref_slice %arg6[%dma_wait3A_537, %dma_wait3A_545, %dma_wait3A_546] : memref<8x100x128xf32, #tpu.memory_space<vmem>> -> memref<1x100x128xf32, #tpu.memory_space<vmem>>
    %dma_wait3A_548 = tpu.memref_squeeze %dma_wait3A_547 : memref<1x100x128xf32, #tpu.memory_space<vmem>> -> memref<100x128xf32, #tpu.memory_space<vmem>>
    %dma_wait3A_549 = arith.constant 0 : i32
    %dma_wait3A_550 = arith.constant 0 : i32
    %dma_wait3A_551 = tpu.memref_slice %arg3[%dma_wait3A_549, %dma_wait3A_550] : memref<1000000x128xf32, #tpu.memory_space<hbm>> -> memref<100x128xf32, #tpu.memory_space<hbm>>
    tpu.wait_dma2 semaphore(%arg14 : memref<!tpu.dma_semaphore, #tpu.memory_space<semaphore_mem>>) src(%dma_wait3A_551 : memref<100x128xf32, #tpu.memory_space<hbm>>) dst(%dma_wait3A_548 : memref<100x128xf32, #tpu.memory_space<vmem>>)
    %add3A_552 = arith.constant 14224 : i32
    %add3A_553 = arith.addi %mul3A_2, %add3A_552 : i32
    %dma_start3A_554 = arith.constant 7 : i32
    %dma_start3A_555 = arith.constant 0 : i32
    %dma_start3A_556 = arith.constant 0 : i32
    %dma_start3A_557 = tpu.memref_slice %arg6[%dma_start3A_554, %dma_start3A_555, %dma_start3A_556] : memref<8x100x128xf32, #tpu.memory_space<vmem>> -> memref<1x50x64xf32, #tpu.memory_space<vmem>>
    %dma_start3A_558 = tpu.memref_squeeze %dma_start3A_557 : memref<1x50x64xf32, #tpu.memory_space<vmem>> -> memref<50x64xf32, #tpu.memory_space<vmem>>
    %dma_start3A_559 = arith.constant 0 : i32
    %dma_start3A_560 = tpu.memref_slice %arg4[%add3A_553, %dma_start3A_559] : memref<917504x128xf32, #tpu.memory_space<hbm>> -> memref<50x64xf32, #tpu.memory_space<hbm>>
    %dma_start3A_561 = arith.constant 0 : i32
    %dma_start3A_562 = tpu.memref_slice %arg4[%add3A_553, %dma_start3A_561] : memref<917504x128xf32, #tpu.memory_space<hbm>> -> memref<50x64xf32, #tpu.memory_space<hbm>>
    %dma_start3A_563 = arith.constant 0 : i32
    %dma_start3A_564 = arith.constant 0 : i32
    %dma_start3A_565 = tpu.memref_slice %arg6[%dma_start3A_554, %dma_start3A_563, %dma_start3A_564] : memref<8x100x128xf32, #tpu.memory_space<vmem>> -> memref<1x50x64xf32, #tpu.memory_space<vmem>>
    %dma_start3A_566 = tpu.memref_squeeze %dma_start3A_565 : memref<1x50x64xf32, #tpu.memory_space<vmem>> -> memref<50x64xf32, #tpu.memory_space<vmem>>
    tpu.enqueue_dma source(%dma_start3A_566 : memref<50x64xf32, #tpu.memory_space<vmem>>) target(%dma_start3A_562 : memref<50x64xf32, #tpu.memory_space<hbm>>) target_semaphore(%arg22 : memref<!tpu.dma_semaphore, #tpu.memory_space<semaphore_mem>>)
    %add3A_567 = arith.constant 56 : i32
    %add3A_568 = arith.addi %add3A_553, %add3A_567 : i32
    %dma_start3A_569 = arith.constant 7 : i32
    %dma_start3A_570 = arith.constant 50 : i32
    %dma_start3A_571 = arith.constant 0 : i32
    %dma_start3A_572 = tpu.memref_slice %arg6[%dma_start3A_569, %dma_start3A_570, %dma_start3A_571] : memref<8x100x128xf32, #tpu.memory_space<vmem>> -> memref<1x50x64xf32, #tpu.memory_space<vmem>>
    %dma_start3A_573 = tpu.memref_squeeze %dma_start3A_572 : memref<1x50x64xf32, #tpu.memory_space<vmem>> -> memref<50x64xf32, #tpu.memory_space<vmem>>
    %dma_start3A_574 = arith.constant 0 : i32
    %dma_start3A_575 = tpu.memref_slice %arg4[%add3A_568, %dma_start3A_574] : memref<917504x128xf32, #tpu.memory_space<hbm>> -> memref<50x64xf32, #tpu.memory_space<hbm>>
    %dma_start3A_576 = arith.constant 0 : i32
    %dma_start3A_577 = tpu.memref_slice %arg4[%add3A_568, %dma_start3A_576] : memref<917504x128xf32, #tpu.memory_space<hbm>> -> memref<50x64xf32, #tpu.memory_space<hbm>>
    %dma_start3A_578 = arith.constant 50 : i32
    %dma_start3A_579 = arith.constant 0 : i32
    %dma_start3A_580 = tpu.memref_slice %arg6[%dma_start3A_569, %dma_start3A_578, %dma_start3A_579] : memref<8x100x128xf32, #tpu.memory_space<vmem>> -> memref<1x50x64xf32, #tpu.memory_space<vmem>>
    %dma_start3A_581 = tpu.memref_squeeze %dma_start3A_580 : memref<1x50x64xf32, #tpu.memory_space<vmem>> -> memref<50x64xf32, #tpu.memory_space<vmem>>
    tpu.enqueue_dma source(%dma_start3A_581 : memref<50x64xf32, #tpu.memory_space<vmem>>) target(%dma_start3A_577 : memref<50x64xf32, #tpu.memory_space<hbm>>) target_semaphore(%arg22 : memref<!tpu.dma_semaphore, #tpu.memory_space<semaphore_mem>>)
    %dma_wait3A_582 = arith.constant 4 : i32
    %dma_wait3A_583 = arith.constant 0 : i32
    %dma_wait3A_584 = arith.constant 0 : i32
    %dma_wait3A_585 = tpu.memref_slice %arg6[%dma_wait3A_582, %dma_wait3A_583, %dma_wait3A_584] : memref<8x100x128xf32, #tpu.memory_space<vmem>> -> memref<1x50x64xf32, #tpu.memory_space<vmem>>
    %dma_wait3A_586 = tpu.memref_squeeze %dma_wait3A_585 : memref<1x50x64xf32, #tpu.memory_space<vmem>> -> memref<50x64xf32, #tpu.memory_space<vmem>>
    %dma_wait3A_587 = arith.constant 0 : i32
    %dma_wait3A_588 = arith.constant 0 : i32
    %dma_wait3A_589 = tpu.memref_slice %arg4[%dma_wait3A_587, %dma_wait3A_588] : memref<917504x128xf32, #tpu.memory_space<hbm>> -> memref<50x64xf32, #tpu.memory_space<hbm>>
    %dma_wait3A_590 = arith.constant 0 : i32
    %dma_wait3A_591 = arith.constant 0 : i32
    %dma_wait3A_592 = tpu.memref_slice %arg4[%dma_wait3A_590, %dma_wait3A_591] : memref<917504x128xf32, #tpu.memory_space<hbm>> -> memref<50x64xf32, #tpu.memory_space<hbm>>
    %dma_wait3A_593 = arith.constant 0 : i32
    %dma_wait3A_594 = arith.constant 0 : i32
    %dma_wait3A_595 = tpu.memref_slice %arg6[%dma_wait3A_582, %dma_wait3A_593, %dma_wait3A_594] : memref<8x100x128xf32, #tpu.memory_space<vmem>> -> memref<1x50x64xf32, #tpu.memory_space<vmem>>
    %dma_wait3A_596 = tpu.memref_squeeze %dma_wait3A_595 : memref<1x50x64xf32, #tpu.memory_space<vmem>> -> memref<50x64xf32, #tpu.memory_space<vmem>>
    tpu.wait_dma2 semaphore(%arg19 : memref<!tpu.dma_semaphore, #tpu.memory_space<semaphore_mem>>) src(%dma_wait3A_596 : memref<50x64xf32, #tpu.memory_space<vmem>>) dst(%dma_wait3A_592 : memref<50x64xf32, #tpu.memory_space<hbm>>)
    %dma_wait3A_597 = arith.constant 4 : i32
    %dma_wait3A_598 = arith.constant 0 : i32
    %dma_wait3A_599 = arith.constant 0 : i32
    %dma_wait3A_600 = tpu.memref_slice %arg6[%dma_wait3A_597, %dma_wait3A_598, %dma_wait3A_599] : memref<8x100x128xf32, #tpu.memory_space<vmem>> -> memref<1x50x64xf32, #tpu.memory_space<vmem>>
    %dma_wait3A_601 = tpu.memref_squeeze %dma_wait3A_600 : memref<1x50x64xf32, #tpu.memory_space<vmem>> -> memref<50x64xf32, #tpu.memory_space<vmem>>
    %dma_wait3A_602 = arith.constant 0 : i32
    %dma_wait3A_603 = arith.constant 0 : i32
    %dma_wait3A_604 = tpu.memref_slice %arg4[%dma_wait3A_602, %dma_wait3A_603] : memref<917504x128xf32, #tpu.memory_space<hbm>> -> memref<50x64xf32, #tpu.memory_space<hbm>>
    %dma_wait3A_605 = arith.constant 0 : i32
    %dma_wait3A_606 = arith.constant 0 : i32
    %dma_wait3A_607 = tpu.memref_slice %arg4[%dma_wait3A_605, %dma_wait3A_606] : memref<917504x128xf32, #tpu.memory_space<hbm>> -> memref<50x64xf32, #tpu.memory_space<hbm>>
    %dma_wait3A_608 = arith.constant 0 : i32
    %dma_wait3A_609 = arith.constant 0 : i32
    %dma_wait3A_610 = tpu.memref_slice %arg6[%dma_wait3A_597, %dma_wait3A_608, %dma_wait3A_609] : memref<8x100x128xf32, #tpu.memory_space<vmem>> -> memref<1x50x64xf32, #tpu.memory_space<vmem>>
    %dma_wait3A_611 = tpu.memref_squeeze %dma_wait3A_610 : memref<1x50x64xf32, #tpu.memory_space<vmem>> -> memref<50x64xf32, #tpu.memory_space<vmem>>
    tpu.wait_dma2 semaphore(%arg19 : memref<!tpu.dma_semaphore, #tpu.memory_space<semaphore_mem>>) src(%dma_wait3A_611 : memref<50x64xf32, #tpu.memory_space<vmem>>) dst(%dma_wait3A_607 : memref<50x64xf32, #tpu.memory_space<hbm>>)
    %dma_wait3A_612 = arith.constant 5 : i32
    %dma_wait3A_613 = arith.constant 0 : i32
    %dma_wait3A_614 = arith.constant 0 : i32
    %dma_wait3A_615 = tpu.memref_slice %arg6[%dma_wait3A_612, %dma_wait3A_613, %dma_wait3A_614] : memref<8x100x128xf32, #tpu.memory_space<vmem>> -> memref<1x50x64xf32, #tpu.memory_space<vmem>>
    %dma_wait3A_616 = tpu.memref_squeeze %dma_wait3A_615 : memref<1x50x64xf32, #tpu.memory_space<vmem>> -> memref<50x64xf32, #tpu.memory_space<vmem>>
    %dma_wait3A_617 = arith.constant 0 : i32
    %dma_wait3A_618 = arith.constant 0 : i32
    %dma_wait3A_619 = tpu.memref_slice %arg4[%dma_wait3A_617, %dma_wait3A_618] : memref<917504x128xf32, #tpu.memory_space<hbm>> -> memref<50x64xf32, #tpu.memory_space<hbm>>
    %dma_wait3A_620 = arith.constant 0 : i32
    %dma_wait3A_621 = arith.constant 0 : i32
    %dma_wait3A_622 = tpu.memref_slice %arg4[%dma_wait3A_620, %dma_wait3A_621] : memref<917504x128xf32, #tpu.memory_space<hbm>> -> memref<50x64xf32, #tpu.memory_space<hbm>>
    %dma_wait3A_623 = arith.constant 0 : i32
    %dma_wait3A_624 = arith.constant 0 : i32
    %dma_wait3A_625 = tpu.memref_slice %arg6[%dma_wait3A_612, %dma_wait3A_623, %dma_wait3A_624] : memref<8x100x128xf32, #tpu.memory_space<vmem>> -> memref<1x50x64xf32, #tpu.memory_space<vmem>>
    %dma_wait3A_626 = tpu.memref_squeeze %dma_wait3A_625 : memref<1x50x64xf32, #tpu.memory_space<vmem>> -> memref<50x64xf32, #tpu.memory_space<vmem>>
    tpu.wait_dma2 semaphore(%arg20 : memref<!tpu.dma_semaphore, #tpu.memory_space<semaphore_mem>>) src(%dma_wait3A_626 : memref<50x64xf32, #tpu.memory_space<vmem>>) dst(%dma_wait3A_622 : memref<50x64xf32, #tpu.memory_space<hbm>>)
    %dma_wait3A_627 = arith.constant 5 : i32
    %dma_wait3A_628 = arith.constant 0 : i32
    %dma_wait3A_629 = arith.constant 0 : i32
    %dma_wait3A_630 = tpu.memref_slice %arg6[%dma_wait3A_627, %dma_wait3A_628, %dma_wait3A_629] : memref<8x100x128xf32, #tpu.memory_space<vmem>> -> memref<1x50x64xf32, #tpu.memory_space<vmem>>
    %dma_wait3A_631 = tpu.memref_squeeze %dma_wait3A_630 : memref<1x50x64xf32, #tpu.memory_space<vmem>> -> memref<50x64xf32, #tpu.memory_space<vmem>>
    %dma_wait3A_632 = arith.constant 0 : i32
    %dma_wait3A_633 = arith.constant 0 : i32
    %dma_wait3A_634 = tpu.memref_slice %arg4[%dma_wait3A_632, %dma_wait3A_633] : memref<917504x128xf32, #tpu.memory_space<hbm>> -> memref<50x64xf32, #tpu.memory_space<hbm>>
    %dma_wait3A_635 = arith.constant 0 : i32
    %dma_wait3A_636 = arith.constant 0 : i32
    %dma_wait3A_637 = tpu.memref_slice %arg4[%dma_wait3A_635, %dma_wait3A_636] : memref<917504x128xf32, #tpu.memory_space<hbm>> -> memref<50x64xf32, #tpu.memory_space<hbm>>
    %dma_wait3A_638 = arith.constant 0 : i32
    %dma_wait3A_639 = arith.constant 0 : i32
    %dma_wait3A_640 = tpu.memref_slice %arg6[%dma_wait3A_627, %dma_wait3A_638, %dma_wait3A_639] : memref<8x100x128xf32, #tpu.memory_space<vmem>> -> memref<1x50x64xf32, #tpu.memory_space<vmem>>
    %dma_wait3A_641 = tpu.memref_squeeze %dma_wait3A_640 : memref<1x50x64xf32, #tpu.memory_space<vmem>> -> memref<50x64xf32, #tpu.memory_space<vmem>>
    tpu.wait_dma2 semaphore(%arg20 : memref<!tpu.dma_semaphore, #tpu.memory_space<semaphore_mem>>) src(%dma_wait3A_641 : memref<50x64xf32, #tpu.memory_space<vmem>>) dst(%dma_wait3A_637 : memref<50x64xf32, #tpu.memory_space<hbm>>)
    %dma_wait3A_642 = arith.constant 6 : i32
    %dma_wait3A_643 = arith.constant 0 : i32
    %dma_wait3A_644 = arith.constant 0 : i32
    %dma_wait3A_645 = tpu.memref_slice %arg6[%dma_wait3A_642, %dma_wait3A_643, %dma_wait3A_644] : memref<8x100x128xf32, #tpu.memory_space<vmem>> -> memref<1x50x64xf32, #tpu.memory_space<vmem>>
    %dma_wait3A_646 = tpu.memref_squeeze %dma_wait3A_645 : memref<1x50x64xf32, #tpu.memory_space<vmem>> -> memref<50x64xf32, #tpu.memory_space<vmem>>
    %dma_wait3A_647 = arith.constant 0 : i32
    %dma_wait3A_648 = arith.constant 0 : i32
    %dma_wait3A_649 = tpu.memref_slice %arg4[%dma_wait3A_647, %dma_wait3A_648] : memref<917504x128xf32, #tpu.memory_space<hbm>> -> memref<50x64xf32, #tpu.memory_space<hbm>>
    %dma_wait3A_650 = arith.constant 0 : i32
    %dma_wait3A_651 = arith.constant 0 : i32
    %dma_wait3A_652 = tpu.memref_slice %arg4[%dma_wait3A_650, %dma_wait3A_651] : memref<917504x128xf32, #tpu.memory_space<hbm>> -> memref<50x64xf32, #tpu.memory_space<hbm>>
    %dma_wait3A_653 = arith.constant 0 : i32
    %dma_wait3A_654 = arith.constant 0 : i32
    %dma_wait3A_655 = tpu.memref_slice %arg6[%dma_wait3A_642, %dma_wait3A_653, %dma_wait3A_654] : memref<8x100x128xf32, #tpu.memory_space<vmem>> -> memref<1x50x64xf32, #tpu.memory_space<vmem>>
    %dma_wait3A_656 = tpu.memref_squeeze %dma_wait3A_655 : memref<1x50x64xf32, #tpu.memory_space<vmem>> -> memref<50x64xf32, #tpu.memory_space<vmem>>
    tpu.wait_dma2 semaphore(%arg21 : memref<!tpu.dma_semaphore, #tpu.memory_space<semaphore_mem>>) src(%dma_wait3A_656 : memref<50x64xf32, #tpu.memory_space<vmem>>) dst(%dma_wait3A_652 : memref<50x64xf32, #tpu.memory_space<hbm>>)
    %dma_wait3A_657 = arith.constant 6 : i32
    %dma_wait3A_658 = arith.constant 0 : i32
    %dma_wait3A_659 = arith.constant 0 : i32
    %dma_wait3A_660 = tpu.memref_slice %arg6[%dma_wait3A_657, %dma_wait3A_658, %dma_wait3A_659] : memref<8x100x128xf32, #tpu.memory_space<vmem>> -> memref<1x50x64xf32, #tpu.memory_space<vmem>>
    %dma_wait3A_661 = tpu.memref_squeeze %dma_wait3A_660 : memref<1x50x64xf32, #tpu.memory_space<vmem>> -> memref<50x64xf32, #tpu.memory_space<vmem>>
    %dma_wait3A_662 = arith.constant 0 : i32
    %dma_wait3A_663 = arith.constant 0 : i32
    %dma_wait3A_664 = tpu.memref_slice %arg4[%dma_wait3A_662, %dma_wait3A_663] : memref<917504x128xf32, #tpu.memory_space<hbm>> -> memref<50x64xf32, #tpu.memory_space<hbm>>
    %dma_wait3A_665 = arith.constant 0 : i32
    %dma_wait3A_666 = arith.constant 0 : i32
    %dma_wait3A_667 = tpu.memref_slice %arg4[%dma_wait3A_665, %dma_wait3A_666] : memref<917504x128xf32, #tpu.memory_space<hbm>> -> memref<50x64xf32, #tpu.memory_space<hbm>>
    %dma_wait3A_668 = arith.constant 0 : i32
    %dma_wait3A_669 = arith.constant 0 : i32
    %dma_wait3A_670 = tpu.memref_slice %arg6[%dma_wait3A_657, %dma_wait3A_668, %dma_wait3A_669] : memref<8x100x128xf32, #tpu.memory_space<vmem>> -> memref<1x50x64xf32, #tpu.memory_space<vmem>>
    %dma_wait3A_671 = tpu.memref_squeeze %dma_wait3A_670 : memref<1x50x64xf32, #tpu.memory_space<vmem>> -> memref<50x64xf32, #tpu.memory_space<vmem>>
    tpu.wait_dma2 semaphore(%arg21 : memref<!tpu.dma_semaphore, #tpu.memory_space<semaphore_mem>>) src(%dma_wait3A_671 : memref<50x64xf32, #tpu.memory_space<vmem>>) dst(%dma_wait3A_667 : memref<50x64xf32, #tpu.memory_space<hbm>>)
    %dma_wait3A_672 = arith.constant 7 : i32
    %dma_wait3A_673 = arith.constant 0 : i32
    %dma_wait3A_674 = arith.constant 0 : i32
    %dma_wait3A_675 = tpu.memref_slice %arg6[%dma_wait3A_672, %dma_wait3A_673, %dma_wait3A_674] : memref<8x100x128xf32, #tpu.memory_space<vmem>> -> memref<1x50x64xf32, #tpu.memory_space<vmem>>
    %dma_wait3A_676 = tpu.memref_squeeze %dma_wait3A_675 : memref<1x50x64xf32, #tpu.memory_space<vmem>> -> memref<50x64xf32, #tpu.memory_space<vmem>>
    %dma_wait3A_677 = arith.constant 0 : i32
    %dma_wait3A_678 = arith.constant 0 : i32
    %dma_wait3A_679 = tpu.memref_slice %arg4[%dma_wait3A_677, %dma_wait3A_678] : memref<917504x128xf32, #tpu.memory_space<hbm>> -> memref<50x64xf32, #tpu.memory_space<hbm>>
    %dma_wait3A_680 = arith.constant 0 : i32
    %dma_wait3A_681 = arith.constant 0 : i32
    %dma_wait3A_682 = tpu.memref_slice %arg4[%dma_wait3A_680, %dma_wait3A_681] : memref<917504x128xf32, #tpu.memory_space<hbm>> -> memref<50x64xf32, #tpu.memory_space<hbm>>
    %dma_wait3A_683 = arith.constant 0 : i32
    %dma_wait3A_684 = arith.constant 0 : i32
    %dma_wait3A_685 = tpu.memref_slice %arg6[%dma_wait3A_672, %dma_wait3A_683, %dma_wait3A_684] : memref<8x100x128xf32, #tpu.memory_space<vmem>> -> memref<1x50x64xf32, #tpu.memory_space<vmem>>
    %dma_wait3A_686 = tpu.memref_squeeze %dma_wait3A_685 : memref<1x50x64xf32, #tpu.memory_space<vmem>> -> memref<50x64xf32, #tpu.memory_space<vmem>>
    tpu.wait_dma2 semaphore(%arg22 : memref<!tpu.dma_semaphore, #tpu.memory_space<semaphore_mem>>) src(%dma_wait3A_686 : memref<50x64xf32, #tpu.memory_space<vmem>>) dst(%dma_wait3A_682 : memref<50x64xf32, #tpu.memory_space<hbm>>)
    %dma_wait3A_687 = arith.constant 7 : i32
    %dma_wait3A_688 = arith.constant 0 : i32
    %dma_wait3A_689 = arith.constant 0 : i32
    %dma_wait3A_690 = tpu.memref_slice %arg6[%dma_wait3A_687, %dma_wait3A_688, %dma_wait3A_689] : memref<8x100x128xf32, #tpu.memory_space<vmem>> -> memref<1x50x64xf32, #tpu.memory_space<vmem>>
    %dma_wait3A_691 = tpu.memref_squeeze %dma_wait3A_690 : memref<1x50x64xf32, #tpu.memory_space<vmem>> -> memref<50x64xf32, #tpu.memory_space<vmem>>
    %dma_wait3A_692 = arith.constant 0 : i32
    %dma_wait3A_693 = arith.constant 0 : i32
    %dma_wait3A_694 = tpu.memref_slice %arg4[%dma_wait3A_692, %dma_wait3A_693] : memref<917504x128xf32, #tpu.memory_space<hbm>> -> memref<50x64xf32, #tpu.memory_space<hbm>>
    %dma_wait3A_695 = arith.constant 0 : i32
    %dma_wait3A_696 = arith.constant 0 : i32
    %dma_wait3A_697 = tpu.memref_slice %arg4[%dma_wait3A_695, %dma_wait3A_696] : memref<917504x128xf32, #tpu.memory_space<hbm>> -> memref<50x64xf32, #tpu.memory_space<hbm>>
    %dma_wait3A_698 = arith.constant 0 : i32
    %dma_wait3A_699 = arith.constant 0 : i32
    %dma_wait3A_700 = tpu.memref_slice %arg6[%dma_wait3A_687, %dma_wait3A_698, %dma_wait3A_699] : memref<8x100x128xf32, #tpu.memory_space<vmem>> -> memref<1x50x64xf32, #tpu.memory_space<vmem>>
    %dma_wait3A_701 = tpu.memref_squeeze %dma_wait3A_700 : memref<1x50x64xf32, #tpu.memory_space<vmem>> -> memref<50x64xf32, #tpu.memory_space<vmem>>
    tpu.wait_dma2 semaphore(%arg22 : memref<!tpu.dma_semaphore, #tpu.memory_space<semaphore_mem>>) src(%dma_wait3A_701 : memref<50x64xf32, #tpu.memory_space<vmem>>) dst(%dma_wait3A_697 : memref<50x64xf32, #tpu.memory_space<hbm>>)
    "tpu.region"() ({
      %run_scoped3A = tpu.sem_alloc : memref<!tpu.dma_semaphore, #tpu.memory_space<semaphore_mem>>
      %dma_start3A_1404 = arith.constant 128 : i32
      %dma_start3A_1405 = arith.constant 0 : i32
      %dma_start3A_1406 = tpu.memref_slice %arg2[%add3A, %dma_start3A_1404, %dma_start3A_1405] : memref<32x256x100xi32, #tpu.memory_space<hbm>> -> memref<1x128x100xi32, #tpu.memory_space<hbm>>
      %dma_start3A_1407 = tpu.memref_squeeze %dma_start3A_1406 : memref<1x128x100xi32, #tpu.memory_space<hbm>> -> memref<128x100xi32, #tpu.memory_space<hbm>>
      %dma_start3A_1408 = arith.constant 128 : i32
      %dma_start3A_1409 = arith.constant 0 : i32
      %dma_start3A_1410 = tpu.memref_slice %arg2[%add3A, %dma_start3A_1408, %dma_start3A_1409] : memref<32x256x100xi32, #tpu.memory_space<hbm>> -> memref<1x128x100xi32, #tpu.memory_space<hbm>>
      %dma_start3A_1411 = tpu.memref_squeeze %dma_start3A_1410 : memref<1x128x100xi32, #tpu.memory_space<hbm>> -> memref<128x100xi32, #tpu.memory_space<hbm>>
      tpu.enqueue_dma source(%dma_start3A_1411 : memref<128x100xi32, #tpu.memory_space<hbm>>) target(%arg5 : memref<128x100xi32, #tpu.memory_space<vmem>>) target_semaphore(%run_scoped3A : memref<!tpu.dma_semaphore, #tpu.memory_space<semaphore_mem>>)
      %dma_wait3A_1412 = arith.constant 128 : i32
      %dma_wait3A_1413 = arith.constant 0 : i32
      %dma_wait3A_1414 = tpu.memref_slice %arg2[%add3A, %dma_wait3A_1412, %dma_wait3A_1413] : memref<32x256x100xi32, #tpu.memory_space<hbm>> -> memref<1x128x100xi32, #tpu.memory_space<hbm>>
      %dma_wait3A_1415 = tpu.memref_squeeze %dma_wait3A_1414 : memref<1x128x100xi32, #tpu.memory_space<hbm>> -> memref<128x100xi32, #tpu.memory_space<hbm>>
      %dma_wait3A_1416 = arith.constant 128 : i32
      %dma_wait3A_1417 = arith.constant 0 : i32
      %dma_wait3A_1418 = tpu.memref_slice %arg2[%add3A, %dma_wait3A_1416, %dma_wait3A_1417] : memref<32x256x100xi32, #tpu.memory_space<hbm>> -> memref<1x128x100xi32, #tpu.memory_space<hbm>>
      %dma_wait3A_1419 = tpu.memref_squeeze %dma_wait3A_1418 : memref<1x128x100xi32, #tpu.memory_space<hbm>> -> memref<128x100xi32, #tpu.memory_space<hbm>>
      tpu.wait_dma2 semaphore(%run_scoped3A : memref<!tpu.dma_semaphore, #tpu.memory_space<semaphore_mem>>) src(%dma_wait3A_1419 : memref<128x100xi32, #tpu.memory_space<hbm>>) dst(%arg5 : memref<128x100xi32, #tpu.memory_space<vmem>>)
      tpu.yield
    }) : () -> ()
    %dma_start3A_702 = arith.constant 0 : i32
    %dma_start3A_703 = arith.constant 0 : i32
    %dma_start3A_704 = arith.constant 0 : i32
    %dma_start3A_705 = arith.constant 0 : i32
    %dma_start3A_706 = tpu.memref_slice %arg6[%dma_start3A_703, %dma_start3A_704, %dma_start3A_705] : memref<8x100x128xf32, #tpu.memory_space<vmem>> -> memref<1x100x128xf32, #tpu.memory_space<vmem>>
    %dma_start3A_707 = tpu.memref_squeeze %dma_start3A_706 : memref<1x100x128xf32, #tpu.memory_space<vmem>> -> memref<100x128xf32, #tpu.memory_space<vmem>>
    %dma_start3A_708 = arith.constant 0 : i32
    %dma_start3A_709 = tpu.memref_slice %arg5[%dma_start3A_702, %dma_start3A_708] : memref<128x100xi32, #tpu.memory_space<vmem>> -> memref<1x100xi32, #tpu.memory_space<vmem>>
    %dma_start3A_710 = tpu.memref_squeeze %dma_start3A_709 : memref<1x100xi32, #tpu.memory_space<vmem>> -> memref<100xi32, #tpu.memory_space<vmem>>
    %dma_start3A_711 = arith.constant 0 : i32
    %dma_start3A_712 = arith.constant 0 : i32
    %dma_start3A_713 = tpu.memref_slice %arg3[%dma_start3A_711, %dma_start3A_712] : memref<1000000x128xf32, #tpu.memory_space<hbm>> -> memref<1000000x128xf32, #tpu.memory_space<hbm>>
    tpu.enqueue_indirect_dma source(%dma_start3A_713 : memref<1000000x128xf32, #tpu.memory_space<hbm>>) target(%dma_start3A_707 : memref<100x128xf32, #tpu.memory_space<vmem>>) offsets(%dma_start3A_710 : memref<100xi32, #tpu.memory_space<vmem>>) semaphore(%arg7 : memref<!tpu.dma_semaphore, #tpu.memory_space<semaphore_mem>>)
    %dma_start3A_714 = arith.constant 1 : i32
    %dma_start3A_715 = arith.constant 1 : i32
    %dma_start3A_716 = arith.constant 0 : i32
    %dma_start3A_717 = arith.constant 0 : i32
    %dma_start3A_718 = tpu.memref_slice %arg6[%dma_start3A_715, %dma_start3A_716, %dma_start3A_717] : memref<8x100x128xf32, #tpu.memory_space<vmem>> -> memref<1x100x128xf32, #tpu.memory_space<vmem>>
    %dma_start3A_719 = tpu.memref_squeeze %dma_start3A_718 : memref<1x100x128xf32, #tpu.memory_space<vmem>> -> memref<100x128xf32, #tpu.memory_space<vmem>>
    %dma_start3A_720 = arith.constant 0 : i32
    %dma_start3A_721 = tpu.memref_slice %arg5[%dma_start3A_714, %dma_start3A_720] : memref<128x100xi32, #tpu.memory_space<vmem>> -> memref<1x100xi32, #tpu.memory_space<vmem>>
    %dma_start3A_722 = tpu.memref_squeeze %dma_start3A_721 : memref<1x100xi32, #tpu.memory_space<vmem>> -> memref<100xi32, #tpu.memory_space<vmem>>
    %dma_start3A_723 = arith.constant 0 : i32
    %dma_start3A_724 = arith.constant 0 : i32
    %dma_start3A_725 = tpu.memref_slice %arg3[%dma_start3A_723, %dma_start3A_724] : memref<1000000x128xf32, #tpu.memory_space<hbm>> -> memref<1000000x128xf32, #tpu.memory_space<hbm>>
    tpu.enqueue_indirect_dma source(%dma_start3A_725 : memref<1000000x128xf32, #tpu.memory_space<hbm>>) target(%dma_start3A_719 : memref<100x128xf32, #tpu.memory_space<vmem>>) offsets(%dma_start3A_722 : memref<100xi32, #tpu.memory_space<vmem>>) semaphore(%arg8 : memref<!tpu.dma_semaphore, #tpu.memory_space<semaphore_mem>>)
    %dma_start3A_726 = arith.constant 2 : i32
    %dma_start3A_727 = arith.constant 2 : i32
    %dma_start3A_728 = arith.constant 0 : i32
    %dma_start3A_729 = arith.constant 0 : i32
    %dma_start3A_730 = tpu.memref_slice %arg6[%dma_start3A_727, %dma_start3A_728, %dma_start3A_729] : memref<8x100x128xf32, #tpu.memory_space<vmem>> -> memref<1x100x128xf32, #tpu.memory_space<vmem>>
    %dma_start3A_731 = tpu.memref_squeeze %dma_start3A_730 : memref<1x100x128xf32, #tpu.memory_space<vmem>> -> memref<100x128xf32, #tpu.memory_space<vmem>>
    %dma_start3A_732 = arith.constant 0 : i32
    %dma_start3A_733 = tpu.memref_slice %arg5[%dma_start3A_726, %dma_start3A_732] : memref<128x100xi32, #tpu.memory_space<vmem>> -> memref<1x100xi32, #tpu.memory_space<vmem>>
    %dma_start3A_734 = tpu.memref_squeeze %dma_start3A_733 : memref<1x100xi32, #tpu.memory_space<vmem>> -> memref<100xi32, #tpu.memory_space<vmem>>
    %dma_start3A_735 = arith.constant 0 : i32
    %dma_start3A_736 = arith.constant 0 : i32
    %dma_start3A_737 = tpu.memref_slice %arg3[%dma_start3A_735, %dma_start3A_736] : memref<1000000x128xf32, #tpu.memory_space<hbm>> -> memref<1000000x128xf32, #tpu.memory_space<hbm>>
    tpu.enqueue_indirect_dma source(%dma_start3A_737 : memref<1000000x128xf32, #tpu.memory_space<hbm>>) target(%dma_start3A_731 : memref<100x128xf32, #tpu.memory_space<vmem>>) offsets(%dma_start3A_734 : memref<100xi32, #tpu.memory_space<vmem>>) semaphore(%arg9 : memref<!tpu.dma_semaphore, #tpu.memory_space<semaphore_mem>>)
    %dma_start3A_738 = arith.constant 3 : i32
    %dma_start3A_739 = arith.constant 3 : i32
    %dma_start3A_740 = arith.constant 0 : i32
    %dma_start3A_741 = arith.constant 0 : i32
    %dma_start3A_742 = tpu.memref_slice %arg6[%dma_start3A_739, %dma_start3A_740, %dma_start3A_741] : memref<8x100x128xf32, #tpu.memory_space<vmem>> -> memref<1x100x128xf32, #tpu.memory_space<vmem>>
    %dma_start3A_743 = tpu.memref_squeeze %dma_start3A_742 : memref<1x100x128xf32, #tpu.memory_space<vmem>> -> memref<100x128xf32, #tpu.memory_space<vmem>>
    %dma_start3A_744 = arith.constant 0 : i32
    %dma_start3A_745 = tpu.memref_slice %arg5[%dma_start3A_738, %dma_start3A_744] : memref<128x100xi32, #tpu.memory_space<vmem>> -> memref<1x100xi32, #tpu.memory_space<vmem>>
    %dma_start3A_746 = tpu.memref_squeeze %dma_start3A_745 : memref<1x100xi32, #tpu.memory_space<vmem>> -> memref<100xi32, #tpu.memory_space<vmem>>
    %dma_start3A_747 = arith.constant 0 : i32
    %dma_start3A_748 = arith.constant 0 : i32
    %dma_start3A_749 = tpu.memref_slice %arg3[%dma_start3A_747, %dma_start3A_748] : memref<1000000x128xf32, #tpu.memory_space<hbm>> -> memref<1000000x128xf32, #tpu.memory_space<hbm>>
    tpu.enqueue_indirect_dma source(%dma_start3A_749 : memref<1000000x128xf32, #tpu.memory_space<hbm>>) target(%dma_start3A_743 : memref<100x128xf32, #tpu.memory_space<vmem>>) offsets(%dma_start3A_746 : memref<100xi32, #tpu.memory_space<vmem>>) semaphore(%arg10 : memref<!tpu.dma_semaphore, #tpu.memory_space<semaphore_mem>>)
    %dma_start3A_750 = arith.constant 4 : i32
    %dma_start3A_751 = arith.constant 4 : i32
    %dma_start3A_752 = arith.constant 0 : i32
    %dma_start3A_753 = arith.constant 0 : i32
    %dma_start3A_754 = tpu.memref_slice %arg6[%dma_start3A_751, %dma_start3A_752, %dma_start3A_753] : memref<8x100x128xf32, #tpu.memory_space<vmem>> -> memref<1x100x128xf32, #tpu.memory_space<vmem>>
    %dma_start3A_755 = tpu.memref_squeeze %dma_start3A_754 : memref<1x100x128xf32, #tpu.memory_space<vmem>> -> memref<100x128xf32, #tpu.memory_space<vmem>>
    %dma_start3A_756 = arith.constant 0 : i32
    %dma_start3A_757 = tpu.memref_slice %arg5[%dma_start3A_750, %dma_start3A_756] : memref<128x100xi32, #tpu.memory_space<vmem>> -> memref<1x100xi32, #tpu.memory_space<vmem>>
    %dma_start3A_758 = tpu.memref_squeeze %dma_start3A_757 : memref<1x100xi32, #tpu.memory_space<vmem>> -> memref<100xi32, #tpu.memory_space<vmem>>
    %dma_start3A_759 = arith.constant 0 : i32
    %dma_start3A_760 = arith.constant 0 : i32
    %dma_start3A_761 = tpu.memref_slice %arg3[%dma_start3A_759, %dma_start3A_760] : memref<1000000x128xf32, #tpu.memory_space<hbm>> -> memref<1000000x128xf32, #tpu.memory_space<hbm>>
    tpu.enqueue_indirect_dma source(%dma_start3A_761 : memref<1000000x128xf32, #tpu.memory_space<hbm>>) target(%dma_start3A_755 : memref<100x128xf32, #tpu.memory_space<vmem>>) offsets(%dma_start3A_758 : memref<100xi32, #tpu.memory_space<vmem>>) semaphore(%arg11 : memref<!tpu.dma_semaphore, #tpu.memory_space<semaphore_mem>>)
    %dma_wait3A_762 = arith.constant 0 : i32
    %dma_wait3A_763 = arith.constant 0 : i32
    %dma_wait3A_764 = arith.constant 0 : i32
    %dma_wait3A_765 = tpu.memref_slice %arg6[%dma_wait3A_762, %dma_wait3A_763, %dma_wait3A_764] : memref<8x100x128xf32, #tpu.memory_space<vmem>> -> memref<1x100x128xf32, #tpu.memory_space<vmem>>
    %dma_wait3A_766 = tpu.memref_squeeze %dma_wait3A_765 : memref<1x100x128xf32, #tpu.memory_space<vmem>> -> memref<100x128xf32, #tpu.memory_space<vmem>>
    %dma_wait3A_767 = arith.constant 0 : i32
    %dma_wait3A_768 = arith.constant 0 : i32
    %dma_wait3A_769 = tpu.memref_slice %arg3[%dma_wait3A_767, %dma_wait3A_768] : memref<1000000x128xf32, #tpu.memory_space<hbm>> -> memref<100x128xf32, #tpu.memory_space<hbm>>
    %dma_wait3A_770 = arith.constant 0 : i32
    %dma_wait3A_771 = arith.constant 0 : i32
    %dma_wait3A_772 = tpu.memref_slice %arg6[%dma_wait3A_762, %dma_wait3A_770, %dma_wait3A_771] : memref<8x100x128xf32, #tpu.memory_space<vmem>> -> memref<1x100x128xf32, #tpu.memory_space<vmem>>
    %dma_wait3A_773 = tpu.memref_squeeze %dma_wait3A_772 : memref<1x100x128xf32, #tpu.memory_space<vmem>> -> memref<100x128xf32, #tpu.memory_space<vmem>>
    %dma_wait3A_774 = arith.constant 0 : i32
    %dma_wait3A_775 = arith.constant 0 : i32
    %dma_wait3A_776 = tpu.memref_slice %arg3[%dma_wait3A_774, %dma_wait3A_775] : memref<1000000x128xf32, #tpu.memory_space<hbm>> -> memref<100x128xf32, #tpu.memory_space<hbm>>
    tpu.wait_dma2 semaphore(%arg7 : memref<!tpu.dma_semaphore, #tpu.memory_space<semaphore_mem>>) src(%dma_wait3A_776 : memref<100x128xf32, #tpu.memory_space<hbm>>) dst(%dma_wait3A_773 : memref<100x128xf32, #tpu.memory_space<vmem>>)
    %add3A_777 = arith.constant 14336 : i32
    %add3A_778 = arith.addi %mul3A_2, %add3A_777 : i32
    %dma_start3A_779 = arith.constant 0 : i32
    %dma_start3A_780 = arith.constant 0 : i32
    %dma_start3A_781 = arith.constant 0 : i32
    %dma_start3A_782 = tpu.memref_slice %arg6[%dma_start3A_779, %dma_start3A_780, %dma_start3A_781] : memref<8x100x128xf32, #tpu.memory_space<vmem>> -> memref<1x50x64xf32, #tpu.memory_space<vmem>>
    %dma_start3A_783 = tpu.memref_squeeze %dma_start3A_782 : memref<1x50x64xf32, #tpu.memory_space<vmem>> -> memref<50x64xf32, #tpu.memory_space<vmem>>
    %dma_start3A_784 = arith.constant 0 : i32
    %dma_start3A_785 = tpu.memref_slice %arg4[%add3A_778, %dma_start3A_784] : memref<917504x128xf32, #tpu.memory_space<hbm>> -> memref<50x64xf32, #tpu.memory_space<hbm>>
    %dma_start3A_786 = arith.constant 0 : i32
    %dma_start3A_787 = tpu.memref_slice %arg4[%add3A_778, %dma_start3A_786] : memref<917504x128xf32, #tpu.memory_space<hbm>> -> memref<50x64xf32, #tpu.memory_space<hbm>>
    %dma_start3A_788 = arith.constant 0 : i32
    %dma_start3A_789 = arith.constant 0 : i32
    %dma_start3A_790 = tpu.memref_slice %arg6[%dma_start3A_779, %dma_start3A_788, %dma_start3A_789] : memref<8x100x128xf32, #tpu.memory_space<vmem>> -> memref<1x50x64xf32, #tpu.memory_space<vmem>>
    %dma_start3A_791 = tpu.memref_squeeze %dma_start3A_790 : memref<1x50x64xf32, #tpu.memory_space<vmem>> -> memref<50x64xf32, #tpu.memory_space<vmem>>
    tpu.enqueue_dma source(%dma_start3A_791 : memref<50x64xf32, #tpu.memory_space<vmem>>) target(%dma_start3A_787 : memref<50x64xf32, #tpu.memory_space<hbm>>) target_semaphore(%arg15 : memref<!tpu.dma_semaphore, #tpu.memory_space<semaphore_mem>>)
    %add3A_792 = arith.constant 56 : i32
    %add3A_793 = arith.addi %add3A_778, %add3A_792 : i32
    %dma_start3A_794 = arith.constant 0 : i32
    %dma_start3A_795 = arith.constant 50 : i32
    %dma_start3A_796 = arith.constant 0 : i32
    %dma_start3A_797 = tpu.memref_slice %arg6[%dma_start3A_794, %dma_start3A_795, %dma_start3A_796] : memref<8x100x128xf32, #tpu.memory_space<vmem>> -> memref<1x50x64xf32, #tpu.memory_space<vmem>>
    %dma_start3A_798 = tpu.memref_squeeze %dma_start3A_797 : memref<1x50x64xf32, #tpu.memory_space<vmem>> -> memref<50x64xf32, #tpu.memory_space<vmem>>
    %dma_start3A_799 = arith.constant 0 : i32
    %dma_start3A_800 = tpu.memref_slice %arg4[%add3A_793, %dma_start3A_799] : memref<917504x128xf32, #tpu.memory_space<hbm>> -> memref<50x64xf32, #tpu.memory_space<hbm>>
    %dma_start3A_801 = arith.constant 0 : i32
    %dma_start3A_802 = tpu.memref_slice %arg4[%add3A_793, %dma_start3A_801] : memref<917504x128xf32, #tpu.memory_space<hbm>> -> memref<50x64xf32, #tpu.memory_space<hbm>>
    %dma_start3A_803 = arith.constant 50 : i32
    %dma_start3A_804 = arith.constant 0 : i32
    %dma_start3A_805 = tpu.memref_slice %arg6[%dma_start3A_794, %dma_start3A_803, %dma_start3A_804] : memref<8x100x128xf32, #tpu.memory_space<vmem>> -> memref<1x50x64xf32, #tpu.memory_space<vmem>>
    %dma_start3A_806 = tpu.memref_squeeze %dma_start3A_805 : memref<1x50x64xf32, #tpu.memory_space<vmem>> -> memref<50x64xf32, #tpu.memory_space<vmem>>
    tpu.enqueue_dma source(%dma_start3A_806 : memref<50x64xf32, #tpu.memory_space<vmem>>) target(%dma_start3A_802 : memref<50x64xf32, #tpu.memory_space<hbm>>) target_semaphore(%arg15 : memref<!tpu.dma_semaphore, #tpu.memory_space<semaphore_mem>>)
    %dma_start3A_807 = arith.constant 5 : i32
    %dma_start3A_808 = arith.constant 5 : i32
    %dma_start3A_809 = arith.constant 0 : i32
    %dma_start3A_810 = arith.constant 0 : i32
    %dma_start3A_811 = tpu.memref_slice %arg6[%dma_start3A_808, %dma_start3A_809, %dma_start3A_810] : memref<8x100x128xf32, #tpu.memory_space<vmem>> -> memref<1x100x128xf32, #tpu.memory_space<vmem>>
    %dma_start3A_812 = tpu.memref_squeeze %dma_start3A_811 : memref<1x100x128xf32, #tpu.memory_space<vmem>> -> memref<100x128xf32, #tpu.memory_space<vmem>>
    %dma_start3A_813 = arith.constant 0 : i32
    %dma_start3A_814 = tpu.memref_slice %arg5[%dma_start3A_807, %dma_start3A_813] : memref<128x100xi32, #tpu.memory_space<vmem>> -> memref<1x100xi32, #tpu.memory_space<vmem>>
    %dma_start3A_815 = tpu.memref_squeeze %dma_start3A_814 : memref<1x100xi32, #tpu.memory_space<vmem>> -> memref<100xi32, #tpu.memory_space<vmem>>
    %dma_start3A_816 = arith.constant 0 : i32
    %dma_start3A_817 = arith.constant 0 : i32
    %dma_start3A_818 = tpu.memref_slice %arg3[%dma_start3A_816, %dma_start3A_817] : memref<1000000x128xf32, #tpu.memory_space<hbm>> -> memref<1000000x128xf32, #tpu.memory_space<hbm>>
    tpu.enqueue_indirect_dma source(%dma_start3A_818 : memref<1000000x128xf32, #tpu.memory_space<hbm>>) target(%dma_start3A_812 : memref<100x128xf32, #tpu.memory_space<vmem>>) offsets(%dma_start3A_815 : memref<100xi32, #tpu.memory_space<vmem>>) semaphore(%arg12 : memref<!tpu.dma_semaphore, #tpu.memory_space<semaphore_mem>>)
    %dma_wait3A_819 = arith.constant 1 : i32
    %dma_wait3A_820 = arith.constant 0 : i32
    %dma_wait3A_821 = arith.constant 0 : i32
    %dma_wait3A_822 = tpu.memref_slice %arg6[%dma_wait3A_819, %dma_wait3A_820, %dma_wait3A_821] : memref<8x100x128xf32, #tpu.memory_space<vmem>> -> memref<1x100x128xf32, #tpu.memory_space<vmem>>
    %dma_wait3A_823 = tpu.memref_squeeze %dma_wait3A_822 : memref<1x100x128xf32, #tpu.memory_space<vmem>> -> memref<100x128xf32, #tpu.memory_space<vmem>>
    %dma_wait3A_824 = arith.constant 0 : i32
    %dma_wait3A_825 = arith.constant 0 : i32
    %dma_wait3A_826 = tpu.memref_slice %arg3[%dma_wait3A_824, %dma_wait3A_825] : memref<1000000x128xf32, #tpu.memory_space<hbm>> -> memref<100x128xf32, #tpu.memory_space<hbm>>
    %dma_wait3A_827 = arith.constant 0 : i32
    %dma_wait3A_828 = arith.constant 0 : i32
    %dma_wait3A_829 = tpu.memref_slice %arg6[%dma_wait3A_819, %dma_wait3A_827, %dma_wait3A_828] : memref<8x100x128xf32, #tpu.memory_space<vmem>> -> memref<1x100x128xf32, #tpu.memory_space<vmem>>
    %dma_wait3A_830 = tpu.memref_squeeze %dma_wait3A_829 : memref<1x100x128xf32, #tpu.memory_space<vmem>> -> memref<100x128xf32, #tpu.memory_space<vmem>>
    %dma_wait3A_831 = arith.constant 0 : i32
    %dma_wait3A_832 = arith.constant 0 : i32
    %dma_wait3A_833 = tpu.memref_slice %arg3[%dma_wait3A_831, %dma_wait3A_832] : memref<1000000x128xf32, #tpu.memory_space<hbm>> -> memref<100x128xf32, #tpu.memory_space<hbm>>
    tpu.wait_dma2 semaphore(%arg8 : memref<!tpu.dma_semaphore, #tpu.memory_space<semaphore_mem>>) src(%dma_wait3A_833 : memref<100x128xf32, #tpu.memory_space<hbm>>) dst(%dma_wait3A_830 : memref<100x128xf32, #tpu.memory_space<vmem>>)
    %add3A_834 = arith.constant 14448 : i32
    %add3A_835 = arith.addi %mul3A_2, %add3A_834 : i32
    %dma_start3A_836 = arith.constant 1 : i32
    %dma_start3A_837 = arith.constant 0 : i32
    %dma_start3A_838 = arith.constant 0 : i32
    %dma_start3A_839 = tpu.memref_slice %arg6[%dma_start3A_836, %dma_start3A_837, %dma_start3A_838] : memref<8x100x128xf32, #tpu.memory_space<vmem>> -> memref<1x50x64xf32, #tpu.memory_space<vmem>>
    %dma_start3A_840 = tpu.memref_squeeze %dma_start3A_839 : memref<1x50x64xf32, #tpu.memory_space<vmem>> -> memref<50x64xf32, #tpu.memory_space<vmem>>
    %dma_start3A_841 = arith.constant 0 : i32
    %dma_start3A_842 = tpu.memref_slice %arg4[%add3A_835, %dma_start3A_841] : memref<917504x128xf32, #tpu.memory_space<hbm>> -> memref<50x64xf32, #tpu.memory_space<hbm>>
    %dma_start3A_843 = arith.constant 0 : i32
    %dma_start3A_844 = tpu.memref_slice %arg4[%add3A_835, %dma_start3A_843] : memref<917504x128xf32, #tpu.memory_space<hbm>> -> memref<50x64xf32, #tpu.memory_space<hbm>>
    %dma_start3A_845 = arith.constant 0 : i32
    %dma_start3A_846 = arith.constant 0 : i32
    %dma_start3A_847 = tpu.memref_slice %arg6[%dma_start3A_836, %dma_start3A_845, %dma_start3A_846] : memref<8x100x128xf32, #tpu.memory_space<vmem>> -> memref<1x50x64xf32, #tpu.memory_space<vmem>>
    %dma_start3A_848 = tpu.memref_squeeze %dma_start3A_847 : memref<1x50x64xf32, #tpu.memory_space<vmem>> -> memref<50x64xf32, #tpu.memory_space<vmem>>
    tpu.enqueue_dma source(%dma_start3A_848 : memref<50x64xf32, #tpu.memory_space<vmem>>) target(%dma_start3A_844 : memref<50x64xf32, #tpu.memory_space<hbm>>) target_semaphore(%arg16 : memref<!tpu.dma_semaphore, #tpu.memory_space<semaphore_mem>>)
    %add3A_849 = arith.constant 56 : i32
    %add3A_850 = arith.addi %add3A_835, %add3A_849 : i32
    %dma_start3A_851 = arith.constant 1 : i32
    %dma_start3A_852 = arith.constant 50 : i32
    %dma_start3A_853 = arith.constant 0 : i32
    %dma_start3A_854 = tpu.memref_slice %arg6[%dma_start3A_851, %dma_start3A_852, %dma_start3A_853] : memref<8x100x128xf32, #tpu.memory_space<vmem>> -> memref<1x50x64xf32, #tpu.memory_space<vmem>>
    %dma_start3A_855 = tpu.memref_squeeze %dma_start3A_854 : memref<1x50x64xf32, #tpu.memory_space<vmem>> -> memref<50x64xf32, #tpu.memory_space<vmem>>
    %dma_start3A_856 = arith.constant 0 : i32
    %dma_start3A_857 = tpu.memref_slice %arg4[%add3A_850, %dma_start3A_856] : memref<917504x128xf32, #tpu.memory_space<hbm>> -> memref<50x64xf32, #tpu.memory_space<hbm>>
    %dma_start3A_858 = arith.constant 0 : i32
    %dma_start3A_859 = tpu.memref_slice %arg4[%add3A_850, %dma_start3A_858] : memref<917504x128xf32, #tpu.memory_space<hbm>> -> memref<50x64xf32, #tpu.memory_space<hbm>>
    %dma_start3A_860 = arith.constant 50 : i32
    %dma_start3A_861 = arith.constant 0 : i32
    %dma_start3A_862 = tpu.memref_slice %arg6[%dma_start3A_851, %dma_start3A_860, %dma_start3A_861] : memref<8x100x128xf32, #tpu.memory_space<vmem>> -> memref<1x50x64xf32, #tpu.memory_space<vmem>>
    %dma_start3A_863 = tpu.memref_squeeze %dma_start3A_862 : memref<1x50x64xf32, #tpu.memory_space<vmem>> -> memref<50x64xf32, #tpu.memory_space<vmem>>
    tpu.enqueue_dma source(%dma_start3A_863 : memref<50x64xf32, #tpu.memory_space<vmem>>) target(%dma_start3A_859 : memref<50x64xf32, #tpu.memory_space<hbm>>) target_semaphore(%arg16 : memref<!tpu.dma_semaphore, #tpu.memory_space<semaphore_mem>>)
    %dma_start3A_864 = arith.constant 6 : i32
    %dma_start3A_865 = arith.constant 6 : i32
    %dma_start3A_866 = arith.constant 0 : i32
    %dma_start3A_867 = arith.constant 0 : i32
    %dma_start3A_868 = tpu.memref_slice %arg6[%dma_start3A_865, %dma_start3A_866, %dma_start3A_867] : memref<8x100x128xf32, #tpu.memory_space<vmem>> -> memref<1x100x128xf32, #tpu.memory_space<vmem>>
    %dma_start3A_869 = tpu.memref_squeeze %dma_start3A_868 : memref<1x100x128xf32, #tpu.memory_space<vmem>> -> memref<100x128xf32, #tpu.memory_space<vmem>>
    %dma_start3A_870 = arith.constant 0 : i32
    %dma_start3A_871 = tpu.memref_slice %arg5[%dma_start3A_864, %dma_start3A_870] : memref<128x100xi32, #tpu.memory_space<vmem>> -> memref<1x100xi32, #tpu.memory_space<vmem>>
    %dma_start3A_872 = tpu.memref_squeeze %dma_start3A_871 : memref<1x100xi32, #tpu.memory_space<vmem>> -> memref<100xi32, #tpu.memory_space<vmem>>
    %dma_start3A_873 = arith.constant 0 : i32
    %dma_start3A_874 = arith.constant 0 : i32
    %dma_start3A_875 = tpu.memref_slice %arg3[%dma_start3A_873, %dma_start3A_874] : memref<1000000x128xf32, #tpu.memory_space<hbm>> -> memref<1000000x128xf32, #tpu.memory_space<hbm>>
    tpu.enqueue_indirect_dma source(%dma_start3A_875 : memref<1000000x128xf32, #tpu.memory_space<hbm>>) target(%dma_start3A_869 : memref<100x128xf32, #tpu.memory_space<vmem>>) offsets(%dma_start3A_872 : memref<100xi32, #tpu.memory_space<vmem>>) semaphore(%arg13 : memref<!tpu.dma_semaphore, #tpu.memory_space<semaphore_mem>>)
    %dma_wait3A_876 = arith.constant 2 : i32
    %dma_wait3A_877 = arith.constant 0 : i32
    %dma_wait3A_878 = arith.constant 0 : i32
    %dma_wait3A_879 = tpu.memref_slice %arg6[%dma_wait3A_876, %dma_wait3A_877, %dma_wait3A_878] : memref<8x100x128xf32, #tpu.memory_space<vmem>> -> memref<1x100x128xf32, #tpu.memory_space<vmem>>
    %dma_wait3A_880 = tpu.memref_squeeze %dma_wait3A_879 : memref<1x100x128xf32, #tpu.memory_space<vmem>> -> memref<100x128xf32, #tpu.memory_space<vmem>>
    %dma_wait3A_881 = arith.constant 0 : i32
    %dma_wait3A_882 = arith.constant 0 : i32
    %dma_wait3A_883 = tpu.memref_slice %arg3[%dma_wait3A_881, %dma_wait3A_882] : memref<1000000x128xf32, #tpu.memory_space<hbm>> -> memref<100x128xf32, #tpu.memory_space<hbm>>
    %dma_wait3A_884 = arith.constant 0 : i32
    %dma_wait3A_885 = arith.constant 0 : i32
    %dma_wait3A_886 = tpu.memref_slice %arg6[%dma_wait3A_876, %dma_wait3A_884, %dma_wait3A_885] : memref<8x100x128xf32, #tpu.memory_space<vmem>> -> memref<1x100x128xf32, #tpu.memory_space<vmem>>
    %dma_wait3A_887 = tpu.memref_squeeze %dma_wait3A_886 : memref<1x100x128xf32, #tpu.memory_space<vmem>> -> memref<100x128xf32, #tpu.memory_space<vmem>>
    %dma_wait3A_888 = arith.constant 0 : i32
    %dma_wait3A_889 = arith.constant 0 : i32
    %dma_wait3A_890 = tpu.memref_slice %arg3[%dma_wait3A_888, %dma_wait3A_889] : memref<1000000x128xf32, #tpu.memory_space<hbm>> -> memref<100x128xf32, #tpu.memory_space<hbm>>
    tpu.wait_dma2 semaphore(%arg9 : memref<!tpu.dma_semaphore, #tpu.memory_space<semaphore_mem>>) src(%dma_wait3A_890 : memref<100x128xf32, #tpu.memory_space<hbm>>) dst(%dma_wait3A_887 : memref<100x128xf32, #tpu.memory_space<vmem>>)
    %add3A_891 = arith.constant 14560 : i32
    %add3A_892 = arith.addi %mul3A_2, %add3A_891 : i32
    %dma_start3A_893 = arith.constant 2 : i32
    %dma_start3A_894 = arith.constant 0 : i32
    %dma_start3A_895 = arith.constant 0 : i32
    %dma_start3A_896 = tpu.memref_slice %arg6[%dma_start3A_893, %dma_start3A_894, %dma_start3A_895] : memref<8x100x128xf32, #tpu.memory_space<vmem>> -> memref<1x50x64xf32, #tpu.memory_space<vmem>>
    %dma_start3A_897 = tpu.memref_squeeze %dma_start3A_896 : memref<1x50x64xf32, #tpu.memory_space<vmem>> -> memref<50x64xf32, #tpu.memory_space<vmem>>
    %dma_start3A_898 = arith.constant 0 : i32
    %dma_start3A_899 = tpu.memref_slice %arg4[%add3A_892, %dma_start3A_898] : memref<917504x128xf32, #tpu.memory_space<hbm>> -> memref<50x64xf32, #tpu.memory_space<hbm>>
    %dma_start3A_900 = arith.constant 0 : i32
    %dma_start3A_901 = tpu.memref_slice %arg4[%add3A_892, %dma_start3A_900] : memref<917504x128xf32, #tpu.memory_space<hbm>> -> memref<50x64xf32, #tpu.memory_space<hbm>>
    %dma_start3A_902 = arith.constant 0 : i32
    %dma_start3A_903 = arith.constant 0 : i32
    %dma_start3A_904 = tpu.memref_slice %arg6[%dma_start3A_893, %dma_start3A_902, %dma_start3A_903] : memref<8x100x128xf32, #tpu.memory_space<vmem>> -> memref<1x50x64xf32, #tpu.memory_space<vmem>>
    %dma_start3A_905 = tpu.memref_squeeze %dma_start3A_904 : memref<1x50x64xf32, #tpu.memory_space<vmem>> -> memref<50x64xf32, #tpu.memory_space<vmem>>
    tpu.enqueue_dma source(%dma_start3A_905 : memref<50x64xf32, #tpu.memory_space<vmem>>) target(%dma_start3A_901 : memref<50x64xf32, #tpu.memory_space<hbm>>) target_semaphore(%arg17 : memref<!tpu.dma_semaphore, #tpu.memory_space<semaphore_mem>>)
    %add3A_906 = arith.constant 56 : i32
    %add3A_907 = arith.addi %add3A_892, %add3A_906 : i32
    %dma_start3A_908 = arith.constant 2 : i32
    %dma_start3A_909 = arith.constant 50 : i32
    %dma_start3A_910 = arith.constant 0 : i32
    %dma_start3A_911 = tpu.memref_slice %arg6[%dma_start3A_908, %dma_start3A_909, %dma_start3A_910] : memref<8x100x128xf32, #tpu.memory_space<vmem>> -> memref<1x50x64xf32, #tpu.memory_space<vmem>>
    %dma_start3A_912 = tpu.memref_squeeze %dma_start3A_911 : memref<1x50x64xf32, #tpu.memory_space<vmem>> -> memref<50x64xf32, #tpu.memory_space<vmem>>
    %dma_start3A_913 = arith.constant 0 : i32
    %dma_start3A_914 = tpu.memref_slice %arg4[%add3A_907, %dma_start3A_913] : memref<917504x128xf32, #tpu.memory_space<hbm>> -> memref<50x64xf32, #tpu.memory_space<hbm>>
    %dma_start3A_915 = arith.constant 0 : i32
    %dma_start3A_916 = tpu.memref_slice %arg4[%add3A_907, %dma_start3A_915] : memref<917504x128xf32, #tpu.memory_space<hbm>> -> memref<50x64xf32, #tpu.memory_space<hbm>>
    %dma_start3A_917 = arith.constant 50 : i32
    %dma_start3A_918 = arith.constant 0 : i32
    %dma_start3A_919 = tpu.memref_slice %arg6[%dma_start3A_908, %dma_start3A_917, %dma_start3A_918] : memref<8x100x128xf32, #tpu.memory_space<vmem>> -> memref<1x50x64xf32, #tpu.memory_space<vmem>>
    %dma_start3A_920 = tpu.memref_squeeze %dma_start3A_919 : memref<1x50x64xf32, #tpu.memory_space<vmem>> -> memref<50x64xf32, #tpu.memory_space<vmem>>
    tpu.enqueue_dma source(%dma_start3A_920 : memref<50x64xf32, #tpu.memory_space<vmem>>) target(%dma_start3A_916 : memref<50x64xf32, #tpu.memory_space<hbm>>) target_semaphore(%arg17 : memref<!tpu.dma_semaphore, #tpu.memory_space<semaphore_mem>>)
    %dma_start3A_921 = arith.constant 7 : i32
    %dma_start3A_922 = arith.constant 7 : i32
    %dma_start3A_923 = arith.constant 0 : i32
    %dma_start3A_924 = arith.constant 0 : i32
    %dma_start3A_925 = tpu.memref_slice %arg6[%dma_start3A_922, %dma_start3A_923, %dma_start3A_924] : memref<8x100x128xf32, #tpu.memory_space<vmem>> -> memref<1x100x128xf32, #tpu.memory_space<vmem>>
    %dma_start3A_926 = tpu.memref_squeeze %dma_start3A_925 : memref<1x100x128xf32, #tpu.memory_space<vmem>> -> memref<100x128xf32, #tpu.memory_space<vmem>>
    %dma_start3A_927 = arith.constant 0 : i32
    %dma_start3A_928 = tpu.memref_slice %arg5[%dma_start3A_921, %dma_start3A_927] : memref<128x100xi32, #tpu.memory_space<vmem>> -> memref<1x100xi32, #tpu.memory_space<vmem>>
    %dma_start3A_929 = tpu.memref_squeeze %dma_start3A_928 : memref<1x100xi32, #tpu.memory_space<vmem>> -> memref<100xi32, #tpu.memory_space<vmem>>
    %dma_start3A_930 = arith.constant 0 : i32
    %dma_start3A_931 = arith.constant 0 : i32
    %dma_start3A_932 = tpu.memref_slice %arg3[%dma_start3A_930, %dma_start3A_931] : memref<1000000x128xf32, #tpu.memory_space<hbm>> -> memref<1000000x128xf32, #tpu.memory_space<hbm>>
    tpu.enqueue_indirect_dma source(%dma_start3A_932 : memref<1000000x128xf32, #tpu.memory_space<hbm>>) target(%dma_start3A_926 : memref<100x128xf32, #tpu.memory_space<vmem>>) offsets(%dma_start3A_929 : memref<100xi32, #tpu.memory_space<vmem>>) semaphore(%arg14 : memref<!tpu.dma_semaphore, #tpu.memory_space<semaphore_mem>>)
    %dma_wait3A_933 = arith.constant 3 : i32
    %dma_wait3A_934 = arith.constant 0 : i32
    %dma_wait3A_935 = arith.constant 0 : i32
    %dma_wait3A_936 = tpu.memref_slice %arg6[%dma_wait3A_933, %dma_wait3A_934, %dma_wait3A_935] : memref<8x100x128xf32, #tpu.memory_space<vmem>> -> memref<1x100x128xf32, #tpu.memory_space<vmem>>
    %dma_wait3A_937 = tpu.memref_squeeze %dma_wait3A_936 : memref<1x100x128xf32, #tpu.memory_space<vmem>> -> memref<100x128xf32, #tpu.memory_space<vmem>>
    %dma_wait3A_938 = arith.constant 0 : i32
    %dma_wait3A_939 = arith.constant 0 : i32
    %dma_wait3A_940 = tpu.memref_slice %arg3[%dma_wait3A_938, %dma_wait3A_939] : memref<1000000x128xf32, #tpu.memory_space<hbm>> -> memref<100x128xf32, #tpu.memory_space<hbm>>
    %dma_wait3A_941 = arith.constant 0 : i32
    %dma_wait3A_942 = arith.constant 0 : i32
    %dma_wait3A_943 = tpu.memref_slice %arg6[%dma_wait3A_933, %dma_wait3A_941, %dma_wait3A_942] : memref<8x100x128xf32, #tpu.memory_space<vmem>> -> memref<1x100x128xf32, #tpu.memory_space<vmem>>
    %dma_wait3A_944 = tpu.memref_squeeze %dma_wait3A_943 : memref<1x100x128xf32, #tpu.memory_space<vmem>> -> memref<100x128xf32, #tpu.memory_space<vmem>>
    %dma_wait3A_945 = arith.constant 0 : i32
    %dma_wait3A_946 = arith.constant 0 : i32
    %dma_wait3A_947 = tpu.memref_slice %arg3[%dma_wait3A_945, %dma_wait3A_946] : memref<1000000x128xf32, #tpu.memory_space<hbm>> -> memref<100x128xf32, #tpu.memory_space<hbm>>
    tpu.wait_dma2 semaphore(%arg10 : memref<!tpu.dma_semaphore, #tpu.memory_space<semaphore_mem>>) src(%dma_wait3A_947 : memref<100x128xf32, #tpu.memory_space<hbm>>) dst(%dma_wait3A_944 : memref<100x128xf32, #tpu.memory_space<vmem>>)
    %add3A_948 = arith.constant 14672 : i32
    %add3A_949 = arith.addi %mul3A_2, %add3A_948 : i32
    %dma_start3A_950 = arith.constant 3 : i32
    %dma_start3A_951 = arith.constant 0 : i32
    %dma_start3A_952 = arith.constant 0 : i32
    %dma_start3A_953 = tpu.memref_slice %arg6[%dma_start3A_950, %dma_start3A_951, %dma_start3A_952] : memref<8x100x128xf32, #tpu.memory_space<vmem>> -> memref<1x50x64xf32, #tpu.memory_space<vmem>>
    %dma_start3A_954 = tpu.memref_squeeze %dma_start3A_953 : memref<1x50x64xf32, #tpu.memory_space<vmem>> -> memref<50x64xf32, #tpu.memory_space<vmem>>
    %dma_start3A_955 = arith.constant 0 : i32
    %dma_start3A_956 = tpu.memref_slice %arg4[%add3A_949, %dma_start3A_955] : memref<917504x128xf32, #tpu.memory_space<hbm>> -> memref<50x64xf32, #tpu.memory_space<hbm>>
    %dma_start3A_957 = arith.constant 0 : i32
    %dma_start3A_958 = tpu.memref_slice %arg4[%add3A_949, %dma_start3A_957] : memref<917504x128xf32, #tpu.memory_space<hbm>> -> memref<50x64xf32, #tpu.memory_space<hbm>>
    %dma_start3A_959 = arith.constant 0 : i32
    %dma_start3A_960 = arith.constant 0 : i32
    %dma_start3A_961 = tpu.memref_slice %arg6[%dma_start3A_950, %dma_start3A_959, %dma_start3A_960] : memref<8x100x128xf32, #tpu.memory_space<vmem>> -> memref<1x50x64xf32, #tpu.memory_space<vmem>>
    %dma_start3A_962 = tpu.memref_squeeze %dma_start3A_961 : memref<1x50x64xf32, #tpu.memory_space<vmem>> -> memref<50x64xf32, #tpu.memory_space<vmem>>
    tpu.enqueue_dma source(%dma_start3A_962 : memref<50x64xf32, #tpu.memory_space<vmem>>) target(%dma_start3A_958 : memref<50x64xf32, #tpu.memory_space<hbm>>) target_semaphore(%arg18 : memref<!tpu.dma_semaphore, #tpu.memory_space<semaphore_mem>>)
    %add3A_963 = arith.constant 56 : i32
    %add3A_964 = arith.addi %add3A_949, %add3A_963 : i32
    %dma_start3A_965 = arith.constant 3 : i32
    %dma_start3A_966 = arith.constant 50 : i32
    %dma_start3A_967 = arith.constant 0 : i32
    %dma_start3A_968 = tpu.memref_slice %arg6[%dma_start3A_965, %dma_start3A_966, %dma_start3A_967] : memref<8x100x128xf32, #tpu.memory_space<vmem>> -> memref<1x50x64xf32, #tpu.memory_space<vmem>>
    %dma_start3A_969 = tpu.memref_squeeze %dma_start3A_968 : memref<1x50x64xf32, #tpu.memory_space<vmem>> -> memref<50x64xf32, #tpu.memory_space<vmem>>
    %dma_start3A_970 = arith.constant 0 : i32
    %dma_start3A_971 = tpu.memref_slice %arg4[%add3A_964, %dma_start3A_970] : memref<917504x128xf32, #tpu.memory_space<hbm>> -> memref<50x64xf32, #tpu.memory_space<hbm>>
    %dma_start3A_972 = arith.constant 0 : i32
    %dma_start3A_973 = tpu.memref_slice %arg4[%add3A_964, %dma_start3A_972] : memref<917504x128xf32, #tpu.memory_space<hbm>> -> memref<50x64xf32, #tpu.memory_space<hbm>>
    %dma_start3A_974 = arith.constant 50 : i32
    %dma_start3A_975 = arith.constant 0 : i32
    %dma_start3A_976 = tpu.memref_slice %arg6[%dma_start3A_965, %dma_start3A_974, %dma_start3A_975] : memref<8x100x128xf32, #tpu.memory_space<vmem>> -> memref<1x50x64xf32, #tpu.memory_space<vmem>>
    %dma_start3A_977 = tpu.memref_squeeze %dma_start3A_976 : memref<1x50x64xf32, #tpu.memory_space<vmem>> -> memref<50x64xf32, #tpu.memory_space<vmem>>
    tpu.enqueue_dma source(%dma_start3A_977 : memref<50x64xf32, #tpu.memory_space<vmem>>) target(%dma_start3A_973 : memref<50x64xf32, #tpu.memory_space<hbm>>) target_semaphore(%arg18 : memref<!tpu.dma_semaphore, #tpu.memory_space<semaphore_mem>>)
    %scan3A_978 = arith.constant 0 : i32
    %scan3A_979 = arith.constant 0 : i32
    %scan3A_980 = arith.constant 15 : i32
    %scan3A_981 = arith.addi %scan3A_979, %scan3A_980 : i32
    %scan3A_982 = arith.constant 1 : i32
    scf.for %scan3A_1404 = %scan3A_979 to %scan3A_981 step %scan3A_982  : i32 {
      %mul3A_1405 = arith.constant 8 : i32
      %mul3A_1406 = arith.muli %scan3A_1404, %mul3A_1405 : i32
      %add3A_1407 = arith.constant 4 : i32
      %add3A_1408 = arith.addi %add3A_1407, %mul3A_1406 : i32
      %add3A_1409 = arith.constant 0 : i32
      %add3A_1410 = arith.addi %add3A_1408, %add3A_1409 : i32
      %dma_wait3A_1411 = arith.constant 0 : i32
      %dma_wait3A_1412 = arith.constant 0 : i32
      %dma_wait3A_1413 = arith.constant 0 : i32
      %dma_wait3A_1414 = tpu.memref_slice %arg6[%dma_wait3A_1411, %dma_wait3A_1412, %dma_wait3A_1413] : memref<8x100x128xf32, #tpu.memory_space<vmem>> -> memref<1x50x64xf32, #tpu.memory_space<vmem>>
      %dma_wait3A_1415 = tpu.memref_squeeze %dma_wait3A_1414 : memref<1x50x64xf32, #tpu.memory_space<vmem>> -> memref<50x64xf32, #tpu.memory_space<vmem>>
      %dma_wait3A_1416 = arith.constant 0 : i32
      %dma_wait3A_1417 = arith.constant 0 : i32
      %dma_wait3A_1418 = tpu.memref_slice %arg4[%dma_wait3A_1416, %dma_wait3A_1417] : memref<917504x128xf32, #tpu.memory_space<hbm>> -> memref<50x64xf32, #tpu.memory_space<hbm>>
      %dma_wait3A_1419 = arith.constant 0 : i32
      %dma_wait3A_1420 = arith.constant 0 : i32
      %dma_wait3A_1421 = tpu.memref_slice %arg4[%dma_wait3A_1419, %dma_wait3A_1420] : memref<917504x128xf32, #tpu.memory_space<hbm>> -> memref<50x64xf32, #tpu.memory_space<hbm>>
      %dma_wait3A_1422 = arith.constant 0 : i32
      %dma_wait3A_1423 = arith.constant 0 : i32
      %dma_wait3A_1424 = tpu.memref_slice %arg6[%dma_wait3A_1411, %dma_wait3A_1422, %dma_wait3A_1423] : memref<8x100x128xf32, #tpu.memory_space<vmem>> -> memref<1x50x64xf32, #tpu.memory_space<vmem>>
      %dma_wait3A_1425 = tpu.memref_squeeze %dma_wait3A_1424 : memref<1x50x64xf32, #tpu.memory_space<vmem>> -> memref<50x64xf32, #tpu.memory_space<vmem>>
      tpu.wait_dma2 semaphore(%arg15 : memref<!tpu.dma_semaphore, #tpu.memory_space<semaphore_mem>>) src(%dma_wait3A_1425 : memref<50x64xf32, #tpu.memory_space<vmem>>) dst(%dma_wait3A_1421 : memref<50x64xf32, #tpu.memory_space<hbm>>)
      %dma_wait3A_1426 = arith.constant 0 : i32
      %dma_wait3A_1427 = arith.constant 0 : i32
      %dma_wait3A_1428 = arith.constant 0 : i32
      %dma_wait3A_1429 = tpu.memref_slice %arg6[%dma_wait3A_1426, %dma_wait3A_1427, %dma_wait3A_1428] : memref<8x100x128xf32, #tpu.memory_space<vmem>> -> memref<1x50x64xf32, #tpu.memory_space<vmem>>
      %dma_wait3A_1430 = tpu.memref_squeeze %dma_wait3A_1429 : memref<1x50x64xf32, #tpu.memory_space<vmem>> -> memref<50x64xf32, #tpu.memory_space<vmem>>
      %dma_wait3A_1431 = arith.constant 0 : i32
      %dma_wait3A_1432 = arith.constant 0 : i32
      %dma_wait3A_1433 = tpu.memref_slice %arg4[%dma_wait3A_1431, %dma_wait3A_1432] : memref<917504x128xf32, #tpu.memory_space<hbm>> -> memref<50x64xf32, #tpu.memory_space<hbm>>
      %dma_wait3A_1434 = arith.constant 0 : i32
      %dma_wait3A_1435 = arith.constant 0 : i32
      %dma_wait3A_1436 = tpu.memref_slice %arg4[%dma_wait3A_1434, %dma_wait3A_1435] : memref<917504x128xf32, #tpu.memory_space<hbm>> -> memref<50x64xf32, #tpu.memory_space<hbm>>
      %dma_wait3A_1437 = arith.constant 0 : i32
      %dma_wait3A_1438 = arith.constant 0 : i32
      %dma_wait3A_1439 = tpu.memref_slice %arg6[%dma_wait3A_1426, %dma_wait3A_1437, %dma_wait3A_1438] : memref<8x100x128xf32, #tpu.memory_space<vmem>> -> memref<1x50x64xf32, #tpu.memory_space<vmem>>
      %dma_wait3A_1440 = tpu.memref_squeeze %dma_wait3A_1439 : memref<1x50x64xf32, #tpu.memory_space<vmem>> -> memref<50x64xf32, #tpu.memory_space<vmem>>
      tpu.wait_dma2 semaphore(%arg15 : memref<!tpu.dma_semaphore, #tpu.memory_space<semaphore_mem>>) src(%dma_wait3A_1440 : memref<50x64xf32, #tpu.memory_space<vmem>>) dst(%dma_wait3A_1436 : memref<50x64xf32, #tpu.memory_space<hbm>>)
      %add3A_1441 = arith.constant 4 : i32
      %add3A_1442 = arith.addi %add3A_1410, %add3A_1441 : i32
      %dma_start3A_1443 = arith.constant 0 : i32
      %dma_start3A_1444 = arith.constant 0 : i32
      %dma_start3A_1445 = arith.constant 0 : i32
      %dma_start3A_1446 = tpu.memref_slice %arg6[%dma_start3A_1443, %dma_start3A_1444, %dma_start3A_1445] : memref<8x100x128xf32, #tpu.memory_space<vmem>> -> memref<1x100x128xf32, #tpu.memory_space<vmem>>
      %dma_start3A_1447 = tpu.memref_squeeze %dma_start3A_1446 : memref<1x100x128xf32, #tpu.memory_space<vmem>> -> memref<100x128xf32, #tpu.memory_space<vmem>>
      %dma_start3A_1448 = arith.constant 0 : i32
      %dma_start3A_1449 = tpu.memref_slice %arg5[%add3A_1442, %dma_start3A_1448] : memref<128x100xi32, #tpu.memory_space<vmem>> -> memref<1x100xi32, #tpu.memory_space<vmem>>
      %dma_start3A_1450 = tpu.memref_squeeze %dma_start3A_1449 : memref<1x100xi32, #tpu.memory_space<vmem>> -> memref<100xi32, #tpu.memory_space<vmem>>
      %dma_start3A_1451 = arith.constant 0 : i32
      %dma_start3A_1452 = arith.constant 0 : i32
      %dma_start3A_1453 = tpu.memref_slice %arg3[%dma_start3A_1451, %dma_start3A_1452] : memref<1000000x128xf32, #tpu.memory_space<hbm>> -> memref<1000000x128xf32, #tpu.memory_space<hbm>>
      tpu.enqueue_indirect_dma source(%dma_start3A_1453 : memref<1000000x128xf32, #tpu.memory_space<hbm>>) target(%dma_start3A_1447 : memref<100x128xf32, #tpu.memory_space<vmem>>) offsets(%dma_start3A_1450 : memref<100xi32, #tpu.memory_space<vmem>>) semaphore(%arg7 : memref<!tpu.dma_semaphore, #tpu.memory_space<semaphore_mem>>)
      %dma_wait3A_1454 = arith.constant 4 : i32
      %dma_wait3A_1455 = arith.constant 0 : i32
      %dma_wait3A_1456 = arith.constant 0 : i32
      %dma_wait3A_1457 = tpu.memref_slice %arg6[%dma_wait3A_1454, %dma_wait3A_1455, %dma_wait3A_1456] : memref<8x100x128xf32, #tpu.memory_space<vmem>> -> memref<1x100x128xf32, #tpu.memory_space<vmem>>
      %dma_wait3A_1458 = tpu.memref_squeeze %dma_wait3A_1457 : memref<1x100x128xf32, #tpu.memory_space<vmem>> -> memref<100x128xf32, #tpu.memory_space<vmem>>
      %dma_wait3A_1459 = arith.constant 0 : i32
      %dma_wait3A_1460 = arith.constant 0 : i32
      %dma_wait3A_1461 = tpu.memref_slice %arg3[%dma_wait3A_1459, %dma_wait3A_1460] : memref<1000000x128xf32, #tpu.memory_space<hbm>> -> memref<100x128xf32, #tpu.memory_space<hbm>>
      %dma_wait3A_1462 = arith.constant 0 : i32
      %dma_wait3A_1463 = arith.constant 0 : i32
      %dma_wait3A_1464 = tpu.memref_slice %arg6[%dma_wait3A_1454, %dma_wait3A_1462, %dma_wait3A_1463] : memref<8x100x128xf32, #tpu.memory_space<vmem>> -> memref<1x100x128xf32, #tpu.memory_space<vmem>>
      %dma_wait3A_1465 = tpu.memref_squeeze %dma_wait3A_1464 : memref<1x100x128xf32, #tpu.memory_space<vmem>> -> memref<100x128xf32, #tpu.memory_space<vmem>>
      %dma_wait3A_1466 = arith.constant 0 : i32
      %dma_wait3A_1467 = arith.constant 0 : i32
      %dma_wait3A_1468 = tpu.memref_slice %arg3[%dma_wait3A_1466, %dma_wait3A_1467] : memref<1000000x128xf32, #tpu.memory_space<hbm>> -> memref<100x128xf32, #tpu.memory_space<hbm>>
      tpu.wait_dma2 semaphore(%arg11 : memref<!tpu.dma_semaphore, #tpu.memory_space<semaphore_mem>>) src(%dma_wait3A_1468 : memref<100x128xf32, #tpu.memory_space<hbm>>) dst(%dma_wait3A_1465 : memref<100x128xf32, #tpu.memory_space<vmem>>)
      %add3A_1469 = arith.constant 128 : i32
      %add3A_1470 = arith.addi %add3A_1469, %add3A_1410 : i32
      %mul3A_1471 = arith.constant 112 : i32
      %mul3A_1472 = arith.muli %add3A_1470, %mul3A_1471 : i32
      %add3A_1473 = arith.addi %mul3A_2, %mul3A_1472 : i32
      %dma_start3A_1474 = arith.constant 4 : i32
      %dma_start3A_1475 = arith.constant 0 : i32
      %dma_start3A_1476 = arith.constant 0 : i32
      %dma_start3A_1477 = tpu.memref_slice %arg6[%dma_start3A_1474, %dma_start3A_1475, %dma_start3A_1476] : memref<8x100x128xf32, #tpu.memory_space<vmem>> -> memref<1x50x64xf32, #tpu.memory_space<vmem>>
      %dma_start3A_1478 = tpu.memref_squeeze %dma_start3A_1477 : memref<1x50x64xf32, #tpu.memory_space<vmem>> -> memref<50x64xf32, #tpu.memory_space<vmem>>
      %dma_start3A_1479 = arith.constant 0 : i32
      %dma_start3A_1480 = tpu.memref_slice %arg4[%add3A_1473, %dma_start3A_1479] : memref<917504x128xf32, #tpu.memory_space<hbm>> -> memref<50x64xf32, #tpu.memory_space<hbm>>
      %dma_start3A_1481 = arith.constant 0 : i32
      %dma_start3A_1482 = tpu.memref_slice %arg4[%add3A_1473, %dma_start3A_1481] : memref<917504x128xf32, #tpu.memory_space<hbm>> -> memref<50x64xf32, #tpu.memory_space<hbm>>
      %dma_start3A_1483 = arith.constant 0 : i32
      %dma_start3A_1484 = arith.constant 0 : i32
      %dma_start3A_1485 = tpu.memref_slice %arg6[%dma_start3A_1474, %dma_start3A_1483, %dma_start3A_1484] : memref<8x100x128xf32, #tpu.memory_space<vmem>> -> memref<1x50x64xf32, #tpu.memory_space<vmem>>
      %dma_start3A_1486 = tpu.memref_squeeze %dma_start3A_1485 : memref<1x50x64xf32, #tpu.memory_space<vmem>> -> memref<50x64xf32, #tpu.memory_space<vmem>>
      tpu.enqueue_dma source(%dma_start3A_1486 : memref<50x64xf32, #tpu.memory_space<vmem>>) target(%dma_start3A_1482 : memref<50x64xf32, #tpu.memory_space<hbm>>) target_semaphore(%arg19 : memref<!tpu.dma_semaphore, #tpu.memory_space<semaphore_mem>>)
      %add3A_1487 = arith.constant 56 : i32
      %add3A_1488 = arith.addi %add3A_1473, %add3A_1487 : i32
      %dma_start3A_1489 = arith.constant 4 : i32
      %dma_start3A_1490 = arith.constant 50 : i32
      %dma_start3A_1491 = arith.constant 0 : i32
      %dma_start3A_1492 = tpu.memref_slice %arg6[%dma_start3A_1489, %dma_start3A_1490, %dma_start3A_1491] : memref<8x100x128xf32, #tpu.memory_space<vmem>> -> memref<1x50x64xf32, #tpu.memory_space<vmem>>
      %dma_start3A_1493 = tpu.memref_squeeze %dma_start3A_1492 : memref<1x50x64xf32, #tpu.memory_space<vmem>> -> memref<50x64xf32, #tpu.memory_space<vmem>>
      %dma_start3A_1494 = arith.constant 0 : i32
      %dma_start3A_1495 = tpu.memref_slice %arg4[%add3A_1488, %dma_start3A_1494] : memref<917504x128xf32, #tpu.memory_space<hbm>> -> memref<50x64xf32, #tpu.memory_space<hbm>>
      %dma_start3A_1496 = arith.constant 0 : i32
      %dma_start3A_1497 = tpu.memref_slice %arg4[%add3A_1488, %dma_start3A_1496] : memref<917504x128xf32, #tpu.memory_space<hbm>> -> memref<50x64xf32, #tpu.memory_space<hbm>>
      %dma_start3A_1498 = arith.constant 50 : i32
      %dma_start3A_1499 = arith.constant 0 : i32
      %dma_start3A_1500 = tpu.memref_slice %arg6[%dma_start3A_1489, %dma_start3A_1498, %dma_start3A_1499] : memref<8x100x128xf32, #tpu.memory_space<vmem>> -> memref<1x50x64xf32, #tpu.memory_space<vmem>>
      %dma_start3A_1501 = tpu.memref_squeeze %dma_start3A_1500 : memref<1x50x64xf32, #tpu.memory_space<vmem>> -> memref<50x64xf32, #tpu.memory_space<vmem>>
      tpu.enqueue_dma source(%dma_start3A_1501 : memref<50x64xf32, #tpu.memory_space<vmem>>) target(%dma_start3A_1497 : memref<50x64xf32, #tpu.memory_space<hbm>>) target_semaphore(%arg19 : memref<!tpu.dma_semaphore, #tpu.memory_space<semaphore_mem>>)
      %add3A_1502 = arith.constant 1 : i32
      %add3A_1503 = arith.addi %add3A_1408, %add3A_1502 : i32
      %dma_wait3A_1504 = arith.constant 1 : i32
      %dma_wait3A_1505 = arith.constant 0 : i32
      %dma_wait3A_1506 = arith.constant 0 : i32
      %dma_wait3A_1507 = tpu.memref_slice %arg6[%dma_wait3A_1504, %dma_wait3A_1505, %dma_wait3A_1506] : memref<8x100x128xf32, #tpu.memory_space<vmem>> -> memref<1x50x64xf32, #tpu.memory_space<vmem>>
      %dma_wait3A_1508 = tpu.memref_squeeze %dma_wait3A_1507 : memref<1x50x64xf32, #tpu.memory_space<vmem>> -> memref<50x64xf32, #tpu.memory_space<vmem>>
      %dma_wait3A_1509 = arith.constant 0 : i32
      %dma_wait3A_1510 = arith.constant 0 : i32
      %dma_wait3A_1511 = tpu.memref_slice %arg4[%dma_wait3A_1509, %dma_wait3A_1510] : memref<917504x128xf32, #tpu.memory_space<hbm>> -> memref<50x64xf32, #tpu.memory_space<hbm>>
      %dma_wait3A_1512 = arith.constant 0 : i32
      %dma_wait3A_1513 = arith.constant 0 : i32
      %dma_wait3A_1514 = tpu.memref_slice %arg4[%dma_wait3A_1512, %dma_wait3A_1513] : memref<917504x128xf32, #tpu.memory_space<hbm>> -> memref<50x64xf32, #tpu.memory_space<hbm>>
      %dma_wait3A_1515 = arith.constant 0 : i32
      %dma_wait3A_1516 = arith.constant 0 : i32
      %dma_wait3A_1517 = tpu.memref_slice %arg6[%dma_wait3A_1504, %dma_wait3A_1515, %dma_wait3A_1516] : memref<8x100x128xf32, #tpu.memory_space<vmem>> -> memref<1x50x64xf32, #tpu.memory_space<vmem>>
      %dma_wait3A_1518 = tpu.memref_squeeze %dma_wait3A_1517 : memref<1x50x64xf32, #tpu.memory_space<vmem>> -> memref<50x64xf32, #tpu.memory_space<vmem>>
      tpu.wait_dma2 semaphore(%arg16 : memref<!tpu.dma_semaphore, #tpu.memory_space<semaphore_mem>>) src(%dma_wait3A_1518 : memref<50x64xf32, #tpu.memory_space<vmem>>) dst(%dma_wait3A_1514 : memref<50x64xf32, #tpu.memory_space<hbm>>)
      %dma_wait3A_1519 = arith.constant 1 : i32
      %dma_wait3A_1520 = arith.constant 0 : i32
      %dma_wait3A_1521 = arith.constant 0 : i32
      %dma_wait3A_1522 = tpu.memref_slice %arg6[%dma_wait3A_1519, %dma_wait3A_1520, %dma_wait3A_1521] : memref<8x100x128xf32, #tpu.memory_space<vmem>> -> memref<1x50x64xf32, #tpu.memory_space<vmem>>
      %dma_wait3A_1523 = tpu.memref_squeeze %dma_wait3A_1522 : memref<1x50x64xf32, #tpu.memory_space<vmem>> -> memref<50x64xf32, #tpu.memory_space<vmem>>
      %dma_wait3A_1524 = arith.constant 0 : i32
      %dma_wait3A_1525 = arith.constant 0 : i32
      %dma_wait3A_1526 = tpu.memref_slice %arg4[%dma_wait3A_1524, %dma_wait3A_1525] : memref<917504x128xf32, #tpu.memory_space<hbm>> -> memref<50x64xf32, #tpu.memory_space<hbm>>
      %dma_wait3A_1527 = arith.constant 0 : i32
      %dma_wait3A_1528 = arith.constant 0 : i32
      %dma_wait3A_1529 = tpu.memref_slice %arg4[%dma_wait3A_1527, %dma_wait3A_1528] : memref<917504x128xf32, #tpu.memory_space<hbm>> -> memref<50x64xf32, #tpu.memory_space<hbm>>
      %dma_wait3A_1530 = arith.constant 0 : i32
      %dma_wait3A_1531 = arith.constant 0 : i32
      %dma_wait3A_1532 = tpu.memref_slice %arg6[%dma_wait3A_1519, %dma_wait3A_1530, %dma_wait3A_1531] : memref<8x100x128xf32, #tpu.memory_space<vmem>> -> memref<1x50x64xf32, #tpu.memory_space<vmem>>
      %dma_wait3A_1533 = tpu.memref_squeeze %dma_wait3A_1532 : memref<1x50x64xf32, #tpu.memory_space<vmem>> -> memref<50x64xf32, #tpu.memory_space<vmem>>
      tpu.wait_dma2 semaphore(%arg16 : memref<!tpu.dma_semaphore, #tpu.memory_space<semaphore_mem>>) src(%dma_wait3A_1533 : memref<50x64xf32, #tpu.memory_space<vmem>>) dst(%dma_wait3A_1529 : memref<50x64xf32, #tpu.memory_space<hbm>>)
      %add3A_1534 = arith.constant 4 : i32
      %add3A_1535 = arith.addi %add3A_1503, %add3A_1534 : i32
      %dma_start3A_1536 = arith.constant 1 : i32
      %dma_start3A_1537 = arith.constant 0 : i32
      %dma_start3A_1538 = arith.constant 0 : i32
      %dma_start3A_1539 = tpu.memref_slice %arg6[%dma_start3A_1536, %dma_start3A_1537, %dma_start3A_1538] : memref<8x100x128xf32, #tpu.memory_space<vmem>> -> memref<1x100x128xf32, #tpu.memory_space<vmem>>
      %dma_start3A_1540 = tpu.memref_squeeze %dma_start3A_1539 : memref<1x100x128xf32, #tpu.memory_space<vmem>> -> memref<100x128xf32, #tpu.memory_space<vmem>>
      %dma_start3A_1541 = arith.constant 0 : i32
      %dma_start3A_1542 = tpu.memref_slice %arg5[%add3A_1535, %dma_start3A_1541] : memref<128x100xi32, #tpu.memory_space<vmem>> -> memref<1x100xi32, #tpu.memory_space<vmem>>
      %dma_start3A_1543 = tpu.memref_squeeze %dma_start3A_1542 : memref<1x100xi32, #tpu.memory_space<vmem>> -> memref<100xi32, #tpu.memory_space<vmem>>
      %dma_start3A_1544 = arith.constant 0 : i32
      %dma_start3A_1545 = arith.constant 0 : i32
      %dma_start3A_1546 = tpu.memref_slice %arg3[%dma_start3A_1544, %dma_start3A_1545] : memref<1000000x128xf32, #tpu.memory_space<hbm>> -> memref<1000000x128xf32, #tpu.memory_space<hbm>>
      tpu.enqueue_indirect_dma source(%dma_start3A_1546 : memref<1000000x128xf32, #tpu.memory_space<hbm>>) target(%dma_start3A_1540 : memref<100x128xf32, #tpu.memory_space<vmem>>) offsets(%dma_start3A_1543 : memref<100xi32, #tpu.memory_space<vmem>>) semaphore(%arg8 : memref<!tpu.dma_semaphore, #tpu.memory_space<semaphore_mem>>)
      %dma_wait3A_1547 = arith.constant 5 : i32
      %dma_wait3A_1548 = arith.constant 0 : i32
      %dma_wait3A_1549 = arith.constant 0 : i32
      %dma_wait3A_1550 = tpu.memref_slice %arg6[%dma_wait3A_1547, %dma_wait3A_1548, %dma_wait3A_1549] : memref<8x100x128xf32, #tpu.memory_space<vmem>> -> memref<1x100x128xf32, #tpu.memory_space<vmem>>
      %dma_wait3A_1551 = tpu.memref_squeeze %dma_wait3A_1550 : memref<1x100x128xf32, #tpu.memory_space<vmem>> -> memref<100x128xf32, #tpu.memory_space<vmem>>
      %dma_wait3A_1552 = arith.constant 0 : i32
      %dma_wait3A_1553 = arith.constant 0 : i32
      %dma_wait3A_1554 = tpu.memref_slice %arg3[%dma_wait3A_1552, %dma_wait3A_1553] : memref<1000000x128xf32, #tpu.memory_space<hbm>> -> memref<100x128xf32, #tpu.memory_space<hbm>>
      %dma_wait3A_1555 = arith.constant 0 : i32
      %dma_wait3A_1556 = arith.constant 0 : i32
      %dma_wait3A_1557 = tpu.memref_slice %arg6[%dma_wait3A_1547, %dma_wait3A_1555, %dma_wait3A_1556] : memref<8x100x128xf32, #tpu.memory_space<vmem>> -> memref<1x100x128xf32, #tpu.memory_space<vmem>>
      %dma_wait3A_1558 = tpu.memref_squeeze %dma_wait3A_1557 : memref<1x100x128xf32, #tpu.memory_space<vmem>> -> memref<100x128xf32, #tpu.memory_space<vmem>>
      %dma_wait3A_1559 = arith.constant 0 : i32
      %dma_wait3A_1560 = arith.constant 0 : i32
      %dma_wait3A_1561 = tpu.memref_slice %arg3[%dma_wait3A_1559, %dma_wait3A_1560] : memref<1000000x128xf32, #tpu.memory_space<hbm>> -> memref<100x128xf32, #tpu.memory_space<hbm>>
      tpu.wait_dma2 semaphore(%arg12 : memref<!tpu.dma_semaphore, #tpu.memory_space<semaphore_mem>>) src(%dma_wait3A_1561 : memref<100x128xf32, #tpu.memory_space<hbm>>) dst(%dma_wait3A_1558 : memref<100x128xf32, #tpu.memory_space<vmem>>)
      %add3A_1562 = arith.constant 128 : i32
      %add3A_1563 = arith.addi %add3A_1562, %add3A_1503 : i32
      %mul3A_1564 = arith.constant 112 : i32
      %mul3A_1565 = arith.muli %add3A_1563, %mul3A_1564 : i32
      %add3A_1566 = arith.addi %mul3A_2, %mul3A_1565 : i32
      %dma_start3A_1567 = arith.constant 5 : i32
      %dma_start3A_1568 = arith.constant 0 : i32
      %dma_start3A_1569 = arith.constant 0 : i32
      %dma_start3A_1570 = tpu.memref_slice %arg6[%dma_start3A_1567, %dma_start3A_1568, %dma_start3A_1569] : memref<8x100x128xf32, #tpu.memory_space<vmem>> -> memref<1x50x64xf32, #tpu.memory_space<vmem>>
      %dma_start3A_1571 = tpu.memref_squeeze %dma_start3A_1570 : memref<1x50x64xf32, #tpu.memory_space<vmem>> -> memref<50x64xf32, #tpu.memory_space<vmem>>
      %dma_start3A_1572 = arith.constant 0 : i32
      %dma_start3A_1573 = tpu.memref_slice %arg4[%add3A_1566, %dma_start3A_1572] : memref<917504x128xf32, #tpu.memory_space<hbm>> -> memref<50x64xf32, #tpu.memory_space<hbm>>
      %dma_start3A_1574 = arith.constant 0 : i32
      %dma_start3A_1575 = tpu.memref_slice %arg4[%add3A_1566, %dma_start3A_1574] : memref<917504x128xf32, #tpu.memory_space<hbm>> -> memref<50x64xf32, #tpu.memory_space<hbm>>
      %dma_start3A_1576 = arith.constant 0 : i32
      %dma_start3A_1577 = arith.constant 0 : i32
      %dma_start3A_1578 = tpu.memref_slice %arg6[%dma_start3A_1567, %dma_start3A_1576, %dma_start3A_1577] : memref<8x100x128xf32, #tpu.memory_space<vmem>> -> memref<1x50x64xf32, #tpu.memory_space<vmem>>
      %dma_start3A_1579 = tpu.memref_squeeze %dma_start3A_1578 : memref<1x50x64xf32, #tpu.memory_space<vmem>> -> memref<50x64xf32, #tpu.memory_space<vmem>>
      tpu.enqueue_dma source(%dma_start3A_1579 : memref<50x64xf32, #tpu.memory_space<vmem>>) target(%dma_start3A_1575 : memref<50x64xf32, #tpu.memory_space<hbm>>) target_semaphore(%arg20 : memref<!tpu.dma_semaphore, #tpu.memory_space<semaphore_mem>>)
      %add3A_1580 = arith.constant 56 : i32
      %add3A_1581 = arith.addi %add3A_1566, %add3A_1580 : i32
      %dma_start3A_1582 = arith.constant 5 : i32
      %dma_start3A_1583 = arith.constant 50 : i32
      %dma_start3A_1584 = arith.constant 0 : i32
      %dma_start3A_1585 = tpu.memref_slice %arg6[%dma_start3A_1582, %dma_start3A_1583, %dma_start3A_1584] : memref<8x100x128xf32, #tpu.memory_space<vmem>> -> memref<1x50x64xf32, #tpu.memory_space<vmem>>
      %dma_start3A_1586 = tpu.memref_squeeze %dma_start3A_1585 : memref<1x50x64xf32, #tpu.memory_space<vmem>> -> memref<50x64xf32, #tpu.memory_space<vmem>>
      %dma_start3A_1587 = arith.constant 0 : i32
      %dma_start3A_1588 = tpu.memref_slice %arg4[%add3A_1581, %dma_start3A_1587] : memref<917504x128xf32, #tpu.memory_space<hbm>> -> memref<50x64xf32, #tpu.memory_space<hbm>>
      %dma_start3A_1589 = arith.constant 0 : i32
      %dma_start3A_1590 = tpu.memref_slice %arg4[%add3A_1581, %dma_start3A_1589] : memref<917504x128xf32, #tpu.memory_space<hbm>> -> memref<50x64xf32, #tpu.memory_space<hbm>>
      %dma_start3A_1591 = arith.constant 50 : i32
      %dma_start3A_1592 = arith.constant 0 : i32
      %dma_start3A_1593 = tpu.memref_slice %arg6[%dma_start3A_1582, %dma_start3A_1591, %dma_start3A_1592] : memref<8x100x128xf32, #tpu.memory_space<vmem>> -> memref<1x50x64xf32, #tpu.memory_space<vmem>>
      %dma_start3A_1594 = tpu.memref_squeeze %dma_start3A_1593 : memref<1x50x64xf32, #tpu.memory_space<vmem>> -> memref<50x64xf32, #tpu.memory_space<vmem>>
      tpu.enqueue_dma source(%dma_start3A_1594 : memref<50x64xf32, #tpu.memory_space<vmem>>) target(%dma_start3A_1590 : memref<50x64xf32, #tpu.memory_space<hbm>>) target_semaphore(%arg20 : memref<!tpu.dma_semaphore, #tpu.memory_space<semaphore_mem>>)
      %add3A_1595 = arith.constant 2 : i32
      %add3A_1596 = arith.addi %add3A_1408, %add3A_1595 : i32
      %dma_wait3A_1597 = arith.constant 2 : i32
      %dma_wait3A_1598 = arith.constant 0 : i32
      %dma_wait3A_1599 = arith.constant 0 : i32
      %dma_wait3A_1600 = tpu.memref_slice %arg6[%dma_wait3A_1597, %dma_wait3A_1598, %dma_wait3A_1599] : memref<8x100x128xf32, #tpu.memory_space<vmem>> -> memref<1x50x64xf32, #tpu.memory_space<vmem>>
      %dma_wait3A_1601 = tpu.memref_squeeze %dma_wait3A_1600 : memref<1x50x64xf32, #tpu.memory_space<vmem>> -> memref<50x64xf32, #tpu.memory_space<vmem>>
      %dma_wait3A_1602 = arith.constant 0 : i32
      %dma_wait3A_1603 = arith.constant 0 : i32
      %dma_wait3A_1604 = tpu.memref_slice %arg4[%dma_wait3A_1602, %dma_wait3A_1603] : memref<917504x128xf32, #tpu.memory_space<hbm>> -> memref<50x64xf32, #tpu.memory_space<hbm>>
      %dma_wait3A_1605 = arith.constant 0 : i32
      %dma_wait3A_1606 = arith.constant 0 : i32
      %dma_wait3A_1607 = tpu.memref_slice %arg4[%dma_wait3A_1605, %dma_wait3A_1606] : memref<917504x128xf32, #tpu.memory_space<hbm>> -> memref<50x64xf32, #tpu.memory_space<hbm>>
      %dma_wait3A_1608 = arith.constant 0 : i32
      %dma_wait3A_1609 = arith.constant 0 : i32
      %dma_wait3A_1610 = tpu.memref_slice %arg6[%dma_wait3A_1597, %dma_wait3A_1608, %dma_wait3A_1609] : memref<8x100x128xf32, #tpu.memory_space<vmem>> -> memref<1x50x64xf32, #tpu.memory_space<vmem>>
      %dma_wait3A_1611 = tpu.memref_squeeze %dma_wait3A_1610 : memref<1x50x64xf32, #tpu.memory_space<vmem>> -> memref<50x64xf32, #tpu.memory_space<vmem>>
      tpu.wait_dma2 semaphore(%arg17 : memref<!tpu.dma_semaphore, #tpu.memory_space<semaphore_mem>>) src(%dma_wait3A_1611 : memref<50x64xf32, #tpu.memory_space<vmem>>) dst(%dma_wait3A_1607 : memref<50x64xf32, #tpu.memory_space<hbm>>)
      %dma_wait3A_1612 = arith.constant 2 : i32
      %dma_wait3A_1613 = arith.constant 0 : i32
      %dma_wait3A_1614 = arith.constant 0 : i32
      %dma_wait3A_1615 = tpu.memref_slice %arg6[%dma_wait3A_1612, %dma_wait3A_1613, %dma_wait3A_1614] : memref<8x100x128xf32, #tpu.memory_space<vmem>> -> memref<1x50x64xf32, #tpu.memory_space<vmem>>
      %dma_wait3A_1616 = tpu.memref_squeeze %dma_wait3A_1615 : memref<1x50x64xf32, #tpu.memory_space<vmem>> -> memref<50x64xf32, #tpu.memory_space<vmem>>
      %dma_wait3A_1617 = arith.constant 0 : i32
      %dma_wait3A_1618 = arith.constant 0 : i32
      %dma_wait3A_1619 = tpu.memref_slice %arg4[%dma_wait3A_1617, %dma_wait3A_1618] : memref<917504x128xf32, #tpu.memory_space<hbm>> -> memref<50x64xf32, #tpu.memory_space<hbm>>
      %dma_wait3A_1620 = arith.constant 0 : i32
      %dma_wait3A_1621 = arith.constant 0 : i32
      %dma_wait3A_1622 = tpu.memref_slice %arg4[%dma_wait3A_1620, %dma_wait3A_1621] : memref<917504x128xf32, #tpu.memory_space<hbm>> -> memref<50x64xf32, #tpu.memory_space<hbm>>
      %dma_wait3A_1623 = arith.constant 0 : i32
      %dma_wait3A_1624 = arith.constant 0 : i32
      %dma_wait3A_1625 = tpu.memref_slice %arg6[%dma_wait3A_1612, %dma_wait3A_1623, %dma_wait3A_1624] : memref<8x100x128xf32, #tpu.memory_space<vmem>> -> memref<1x50x64xf32, #tpu.memory_space<vmem>>
      %dma_wait3A_1626 = tpu.memref_squeeze %dma_wait3A_1625 : memref<1x50x64xf32, #tpu.memory_space<vmem>> -> memref<50x64xf32, #tpu.memory_space<vmem>>
      tpu.wait_dma2 semaphore(%arg17 : memref<!tpu.dma_semaphore, #tpu.memory_space<semaphore_mem>>) src(%dma_wait3A_1626 : memref<50x64xf32, #tpu.memory_space<vmem>>) dst(%dma_wait3A_1622 : memref<50x64xf32, #tpu.memory_space<hbm>>)
      %add3A_1627 = arith.constant 4 : i32
      %add3A_1628 = arith.addi %add3A_1596, %add3A_1627 : i32
      %dma_start3A_1629 = arith.constant 2 : i32
      %dma_start3A_1630 = arith.constant 0 : i32
      %dma_start3A_1631 = arith.constant 0 : i32
      %dma_start3A_1632 = tpu.memref_slice %arg6[%dma_start3A_1629, %dma_start3A_1630, %dma_start3A_1631] : memref<8x100x128xf32, #tpu.memory_space<vmem>> -> memref<1x100x128xf32, #tpu.memory_space<vmem>>
      %dma_start3A_1633 = tpu.memref_squeeze %dma_start3A_1632 : memref<1x100x128xf32, #tpu.memory_space<vmem>> -> memref<100x128xf32, #tpu.memory_space<vmem>>
      %dma_start3A_1634 = arith.constant 0 : i32
      %dma_start3A_1635 = tpu.memref_slice %arg5[%add3A_1628, %dma_start3A_1634] : memref<128x100xi32, #tpu.memory_space<vmem>> -> memref<1x100xi32, #tpu.memory_space<vmem>>
      %dma_start3A_1636 = tpu.memref_squeeze %dma_start3A_1635 : memref<1x100xi32, #tpu.memory_space<vmem>> -> memref<100xi32, #tpu.memory_space<vmem>>
      %dma_start3A_1637 = arith.constant 0 : i32
      %dma_start3A_1638 = arith.constant 0 : i32
      %dma_start3A_1639 = tpu.memref_slice %arg3[%dma_start3A_1637, %dma_start3A_1638] : memref<1000000x128xf32, #tpu.memory_space<hbm>> -> memref<1000000x128xf32, #tpu.memory_space<hbm>>
      tpu.enqueue_indirect_dma source(%dma_start3A_1639 : memref<1000000x128xf32, #tpu.memory_space<hbm>>) target(%dma_start3A_1633 : memref<100x128xf32, #tpu.memory_space<vmem>>) offsets(%dma_start3A_1636 : memref<100xi32, #tpu.memory_space<vmem>>) semaphore(%arg9 : memref<!tpu.dma_semaphore, #tpu.memory_space<semaphore_mem>>)
      %dma_wait3A_1640 = arith.constant 6 : i32
      %dma_wait3A_1641 = arith.constant 0 : i32
      %dma_wait3A_1642 = arith.constant 0 : i32
      %dma_wait3A_1643 = tpu.memref_slice %arg6[%dma_wait3A_1640, %dma_wait3A_1641, %dma_wait3A_1642] : memref<8x100x128xf32, #tpu.memory_space<vmem>> -> memref<1x100x128xf32, #tpu.memory_space<vmem>>
      %dma_wait3A_1644 = tpu.memref_squeeze %dma_wait3A_1643 : memref<1x100x128xf32, #tpu.memory_space<vmem>> -> memref<100x128xf32, #tpu.memory_space<vmem>>
      %dma_wait3A_1645 = arith.constant 0 : i32
      %dma_wait3A_1646 = arith.constant 0 : i32
      %dma_wait3A_1647 = tpu.memref_slice %arg3[%dma_wait3A_1645, %dma_wait3A_1646] : memref<1000000x128xf32, #tpu.memory_space<hbm>> -> memref<100x128xf32, #tpu.memory_space<hbm>>
      %dma_wait3A_1648 = arith.constant 0 : i32
      %dma_wait3A_1649 = arith.constant 0 : i32
      %dma_wait3A_1650 = tpu.memref_slice %arg6[%dma_wait3A_1640, %dma_wait3A_1648, %dma_wait3A_1649] : memref<8x100x128xf32, #tpu.memory_space<vmem>> -> memref<1x100x128xf32, #tpu.memory_space<vmem>>
      %dma_wait3A_1651 = tpu.memref_squeeze %dma_wait3A_1650 : memref<1x100x128xf32, #tpu.memory_space<vmem>> -> memref<100x128xf32, #tpu.memory_space<vmem>>
      %dma_wait3A_1652 = arith.constant 0 : i32
      %dma_wait3A_1653 = arith.constant 0 : i32
      %dma_wait3A_1654 = tpu.memref_slice %arg3[%dma_wait3A_1652, %dma_wait3A_1653] : memref<1000000x128xf32, #tpu.memory_space<hbm>> -> memref<100x128xf32, #tpu.memory_space<hbm>>
      tpu.wait_dma2 semaphore(%arg13 : memref<!tpu.dma_semaphore, #tpu.memory_space<semaphore_mem>>) src(%dma_wait3A_1654 : memref<100x128xf32, #tpu.memory_space<hbm>>) dst(%dma_wait3A_1651 : memref<100x128xf32, #tpu.memory_space<vmem>>)
      %add3A_1655 = arith.constant 128 : i32
      %add3A_1656 = arith.addi %add3A_1655, %add3A_1596 : i32
      %mul3A_1657 = arith.constant 112 : i32
      %mul3A_1658 = arith.muli %add3A_1656, %mul3A_1657 : i32
      %add3A_1659 = arith.addi %mul3A_2, %mul3A_1658 : i32
      %dma_start3A_1660 = arith.constant 6 : i32
      %dma_start3A_1661 = arith.constant 0 : i32
      %dma_start3A_1662 = arith.constant 0 : i32
      %dma_start3A_1663 = tpu.memref_slice %arg6[%dma_start3A_1660, %dma_start3A_1661, %dma_start3A_1662] : memref<8x100x128xf32, #tpu.memory_space<vmem>> -> memref<1x50x64xf32, #tpu.memory_space<vmem>>
      %dma_start3A_1664 = tpu.memref_squeeze %dma_start3A_1663 : memref<1x50x64xf32, #tpu.memory_space<vmem>> -> memref<50x64xf32, #tpu.memory_space<vmem>>
      %dma_start3A_1665 = arith.constant 0 : i32
      %dma_start3A_1666 = tpu.memref_slice %arg4[%add3A_1659, %dma_start3A_1665] : memref<917504x128xf32, #tpu.memory_space<hbm>> -> memref<50x64xf32, #tpu.memory_space<hbm>>
      %dma_start3A_1667 = arith.constant 0 : i32
      %dma_start3A_1668 = tpu.memref_slice %arg4[%add3A_1659, %dma_start3A_1667] : memref<917504x128xf32, #tpu.memory_space<hbm>> -> memref<50x64xf32, #tpu.memory_space<hbm>>
      %dma_start3A_1669 = arith.constant 0 : i32
      %dma_start3A_1670 = arith.constant 0 : i32
      %dma_start3A_1671 = tpu.memref_slice %arg6[%dma_start3A_1660, %dma_start3A_1669, %dma_start3A_1670] : memref<8x100x128xf32, #tpu.memory_space<vmem>> -> memref<1x50x64xf32, #tpu.memory_space<vmem>>
      %dma_start3A_1672 = tpu.memref_squeeze %dma_start3A_1671 : memref<1x50x64xf32, #tpu.memory_space<vmem>> -> memref<50x64xf32, #tpu.memory_space<vmem>>
      tpu.enqueue_dma source(%dma_start3A_1672 : memref<50x64xf32, #tpu.memory_space<vmem>>) target(%dma_start3A_1668 : memref<50x64xf32, #tpu.memory_space<hbm>>) target_semaphore(%arg21 : memref<!tpu.dma_semaphore, #tpu.memory_space<semaphore_mem>>)
      %add3A_1673 = arith.constant 56 : i32
      %add3A_1674 = arith.addi %add3A_1659, %add3A_1673 : i32
      %dma_start3A_1675 = arith.constant 6 : i32
      %dma_start3A_1676 = arith.constant 50 : i32
      %dma_start3A_1677 = arith.constant 0 : i32
      %dma_start3A_1678 = tpu.memref_slice %arg6[%dma_start3A_1675, %dma_start3A_1676, %dma_start3A_1677] : memref<8x100x128xf32, #tpu.memory_space<vmem>> -> memref<1x50x64xf32, #tpu.memory_space<vmem>>
      %dma_start3A_1679 = tpu.memref_squeeze %dma_start3A_1678 : memref<1x50x64xf32, #tpu.memory_space<vmem>> -> memref<50x64xf32, #tpu.memory_space<vmem>>
      %dma_start3A_1680 = arith.constant 0 : i32
      %dma_start3A_1681 = tpu.memref_slice %arg4[%add3A_1674, %dma_start3A_1680] : memref<917504x128xf32, #tpu.memory_space<hbm>> -> memref<50x64xf32, #tpu.memory_space<hbm>>
      %dma_start3A_1682 = arith.constant 0 : i32
      %dma_start3A_1683 = tpu.memref_slice %arg4[%add3A_1674, %dma_start3A_1682] : memref<917504x128xf32, #tpu.memory_space<hbm>> -> memref<50x64xf32, #tpu.memory_space<hbm>>
      %dma_start3A_1684 = arith.constant 50 : i32
      %dma_start3A_1685 = arith.constant 0 : i32
      %dma_start3A_1686 = tpu.memref_slice %arg6[%dma_start3A_1675, %dma_start3A_1684, %dma_start3A_1685] : memref<8x100x128xf32, #tpu.memory_space<vmem>> -> memref<1x50x64xf32, #tpu.memory_space<vmem>>
      %dma_start3A_1687 = tpu.memref_squeeze %dma_start3A_1686 : memref<1x50x64xf32, #tpu.memory_space<vmem>> -> memref<50x64xf32, #tpu.memory_space<vmem>>
      tpu.enqueue_dma source(%dma_start3A_1687 : memref<50x64xf32, #tpu.memory_space<vmem>>) target(%dma_start3A_1683 : memref<50x64xf32, #tpu.memory_space<hbm>>) target_semaphore(%arg21 : memref<!tpu.dma_semaphore, #tpu.memory_space<semaphore_mem>>)
      %add3A_1688 = arith.constant 3 : i32
      %add3A_1689 = arith.addi %add3A_1408, %add3A_1688 : i32
      %dma_wait3A_1690 = arith.constant 3 : i32
      %dma_wait3A_1691 = arith.constant 0 : i32
      %dma_wait3A_1692 = arith.constant 0 : i32
      %dma_wait3A_1693 = tpu.memref_slice %arg6[%dma_wait3A_1690, %dma_wait3A_1691, %dma_wait3A_1692] : memref<8x100x128xf32, #tpu.memory_space<vmem>> -> memref<1x50x64xf32, #tpu.memory_space<vmem>>
      %dma_wait3A_1694 = tpu.memref_squeeze %dma_wait3A_1693 : memref<1x50x64xf32, #tpu.memory_space<vmem>> -> memref<50x64xf32, #tpu.memory_space<vmem>>
      %dma_wait3A_1695 = arith.constant 0 : i32
      %dma_wait3A_1696 = arith.constant 0 : i32
      %dma_wait3A_1697 = tpu.memref_slice %arg4[%dma_wait3A_1695, %dma_wait3A_1696] : memref<917504x128xf32, #tpu.memory_space<hbm>> -> memref<50x64xf32, #tpu.memory_space<hbm>>
      %dma_wait3A_1698 = arith.constant 0 : i32
      %dma_wait3A_1699 = arith.constant 0 : i32
      %dma_wait3A_1700 = tpu.memref_slice %arg4[%dma_wait3A_1698, %dma_wait3A_1699] : memref<917504x128xf32, #tpu.memory_space<hbm>> -> memref<50x64xf32, #tpu.memory_space<hbm>>
      %dma_wait3A_1701 = arith.constant 0 : i32
      %dma_wait3A_1702 = arith.constant 0 : i32
      %dma_wait3A_1703 = tpu.memref_slice %arg6[%dma_wait3A_1690, %dma_wait3A_1701, %dma_wait3A_1702] : memref<8x100x128xf32, #tpu.memory_space<vmem>> -> memref<1x50x64xf32, #tpu.memory_space<vmem>>
      %dma_wait3A_1704 = tpu.memref_squeeze %dma_wait3A_1703 : memref<1x50x64xf32, #tpu.memory_space<vmem>> -> memref<50x64xf32, #tpu.memory_space<vmem>>
      tpu.wait_dma2 semaphore(%arg18 : memref<!tpu.dma_semaphore, #tpu.memory_space<semaphore_mem>>) src(%dma_wait3A_1704 : memref<50x64xf32, #tpu.memory_space<vmem>>) dst(%dma_wait3A_1700 : memref<50x64xf32, #tpu.memory_space<hbm>>)
      %dma_wait3A_1705 = arith.constant 3 : i32
      %dma_wait3A_1706 = arith.constant 0 : i32
      %dma_wait3A_1707 = arith.constant 0 : i32
      %dma_wait3A_1708 = tpu.memref_slice %arg6[%dma_wait3A_1705, %dma_wait3A_1706, %dma_wait3A_1707] : memref<8x100x128xf32, #tpu.memory_space<vmem>> -> memref<1x50x64xf32, #tpu.memory_space<vmem>>
      %dma_wait3A_1709 = tpu.memref_squeeze %dma_wait3A_1708 : memref<1x50x64xf32, #tpu.memory_space<vmem>> -> memref<50x64xf32, #tpu.memory_space<vmem>>
      %dma_wait3A_1710 = arith.constant 0 : i32
      %dma_wait3A_1711 = arith.constant 0 : i32
      %dma_wait3A_1712 = tpu.memref_slice %arg4[%dma_wait3A_1710, %dma_wait3A_1711] : memref<917504x128xf32, #tpu.memory_space<hbm>> -> memref<50x64xf32, #tpu.memory_space<hbm>>
      %dma_wait3A_1713 = arith.constant 0 : i32
      %dma_wait3A_1714 = arith.constant 0 : i32
      %dma_wait3A_1715 = tpu.memref_slice %arg4[%dma_wait3A_1713, %dma_wait3A_1714] : memref<917504x128xf32, #tpu.memory_space<hbm>> -> memref<50x64xf32, #tpu.memory_space<hbm>>
      %dma_wait3A_1716 = arith.constant 0 : i32
      %dma_wait3A_1717 = arith.constant 0 : i32
      %dma_wait3A_1718 = tpu.memref_slice %arg6[%dma_wait3A_1705, %dma_wait3A_1716, %dma_wait3A_1717] : memref<8x100x128xf32, #tpu.memory_space<vmem>> -> memref<1x50x64xf32, #tpu.memory_space<vmem>>
      %dma_wait3A_1719 = tpu.memref_squeeze %dma_wait3A_1718 : memref<1x50x64xf32, #tpu.memory_space<vmem>> -> memref<50x64xf32, #tpu.memory_space<vmem>>
      tpu.wait_dma2 semaphore(%arg18 : memref<!tpu.dma_semaphore, #tpu.memory_space<semaphore_mem>>) src(%dma_wait3A_1719 : memref<50x64xf32, #tpu.memory_space<vmem>>) dst(%dma_wait3A_1715 : memref<50x64xf32, #tpu.memory_space<hbm>>)
      %add3A_1720 = arith.constant 4 : i32
      %add3A_1721 = arith.addi %add3A_1689, %add3A_1720 : i32
      %dma_start3A_1722 = arith.constant 3 : i32
      %dma_start3A_1723 = arith.constant 0 : i32
      %dma_start3A_1724 = arith.constant 0 : i32
      %dma_start3A_1725 = tpu.memref_slice %arg6[%dma_start3A_1722, %dma_start3A_1723, %dma_start3A_1724] : memref<8x100x128xf32, #tpu.memory_space<vmem>> -> memref<1x100x128xf32, #tpu.memory_space<vmem>>
      %dma_start3A_1726 = tpu.memref_squeeze %dma_start3A_1725 : memref<1x100x128xf32, #tpu.memory_space<vmem>> -> memref<100x128xf32, #tpu.memory_space<vmem>>
      %dma_start3A_1727 = arith.constant 0 : i32
      %dma_start3A_1728 = tpu.memref_slice %arg5[%add3A_1721, %dma_start3A_1727] : memref<128x100xi32, #tpu.memory_space<vmem>> -> memref<1x100xi32, #tpu.memory_space<vmem>>
      %dma_start3A_1729 = tpu.memref_squeeze %dma_start3A_1728 : memref<1x100xi32, #tpu.memory_space<vmem>> -> memref<100xi32, #tpu.memory_space<vmem>>
      %dma_start3A_1730 = arith.constant 0 : i32
      %dma_start3A_1731 = arith.constant 0 : i32
      %dma_start3A_1732 = tpu.memref_slice %arg3[%dma_start3A_1730, %dma_start3A_1731] : memref<1000000x128xf32, #tpu.memory_space<hbm>> -> memref<1000000x128xf32, #tpu.memory_space<hbm>>
      tpu.enqueue_indirect_dma source(%dma_start3A_1732 : memref<1000000x128xf32, #tpu.memory_space<hbm>>) target(%dma_start3A_1726 : memref<100x128xf32, #tpu.memory_space<vmem>>) offsets(%dma_start3A_1729 : memref<100xi32, #tpu.memory_space<vmem>>) semaphore(%arg10 : memref<!tpu.dma_semaphore, #tpu.memory_space<semaphore_mem>>)
      %dma_wait3A_1733 = arith.constant 7 : i32
      %dma_wait3A_1734 = arith.constant 0 : i32
      %dma_wait3A_1735 = arith.constant 0 : i32
      %dma_wait3A_1736 = tpu.memref_slice %arg6[%dma_wait3A_1733, %dma_wait3A_1734, %dma_wait3A_1735] : memref<8x100x128xf32, #tpu.memory_space<vmem>> -> memref<1x100x128xf32, #tpu.memory_space<vmem>>
      %dma_wait3A_1737 = tpu.memref_squeeze %dma_wait3A_1736 : memref<1x100x128xf32, #tpu.memory_space<vmem>> -> memref<100x128xf32, #tpu.memory_space<vmem>>
      %dma_wait3A_1738 = arith.constant 0 : i32
      %dma_wait3A_1739 = arith.constant 0 : i32
      %dma_wait3A_1740 = tpu.memref_slice %arg3[%dma_wait3A_1738, %dma_wait3A_1739] : memref<1000000x128xf32, #tpu.memory_space<hbm>> -> memref<100x128xf32, #tpu.memory_space<hbm>>
      %dma_wait3A_1741 = arith.constant 0 : i32
      %dma_wait3A_1742 = arith.constant 0 : i32
      %dma_wait3A_1743 = tpu.memref_slice %arg6[%dma_wait3A_1733, %dma_wait3A_1741, %dma_wait3A_1742] : memref<8x100x128xf32, #tpu.memory_space<vmem>> -> memref<1x100x128xf32, #tpu.memory_space<vmem>>
      %dma_wait3A_1744 = tpu.memref_squeeze %dma_wait3A_1743 : memref<1x100x128xf32, #tpu.memory_space<vmem>> -> memref<100x128xf32, #tpu.memory_space<vmem>>
      %dma_wait3A_1745 = arith.constant 0 : i32
      %dma_wait3A_1746 = arith.constant 0 : i32
      %dma_wait3A_1747 = tpu.memref_slice %arg3[%dma_wait3A_1745, %dma_wait3A_1746] : memref<1000000x128xf32, #tpu.memory_space<hbm>> -> memref<100x128xf32, #tpu.memory_space<hbm>>
      tpu.wait_dma2 semaphore(%arg14 : memref<!tpu.dma_semaphore, #tpu.memory_space<semaphore_mem>>) src(%dma_wait3A_1747 : memref<100x128xf32, #tpu.memory_space<hbm>>) dst(%dma_wait3A_1744 : memref<100x128xf32, #tpu.memory_space<vmem>>)
      %add3A_1748 = arith.constant 128 : i32
      %add3A_1749 = arith.addi %add3A_1748, %add3A_1689 : i32
      %mul3A_1750 = arith.constant 112 : i32
      %mul3A_1751 = arith.muli %add3A_1749, %mul3A_1750 : i32
      %add3A_1752 = arith.addi %mul3A_2, %mul3A_1751 : i32
      %dma_start3A_1753 = arith.constant 7 : i32
      %dma_start3A_1754 = arith.constant 0 : i32
      %dma_start3A_1755 = arith.constant 0 : i32
      %dma_start3A_1756 = tpu.memref_slice %arg6[%dma_start3A_1753, %dma_start3A_1754, %dma_start3A_1755] : memref<8x100x128xf32, #tpu.memory_space<vmem>> -> memref<1x50x64xf32, #tpu.memory_space<vmem>>
      %dma_start3A_1757 = tpu.memref_squeeze %dma_start3A_1756 : memref<1x50x64xf32, #tpu.memory_space<vmem>> -> memref<50x64xf32, #tpu.memory_space<vmem>>
      %dma_start3A_1758 = arith.constant 0 : i32
      %dma_start3A_1759 = tpu.memref_slice %arg4[%add3A_1752, %dma_start3A_1758] : memref<917504x128xf32, #tpu.memory_space<hbm>> -> memref<50x64xf32, #tpu.memory_space<hbm>>
      %dma_start3A_1760 = arith.constant 0 : i32
      %dma_start3A_1761 = tpu.memref_slice %arg4[%add3A_1752, %dma_start3A_1760] : memref<917504x128xf32, #tpu.memory_space<hbm>> -> memref<50x64xf32, #tpu.memory_space<hbm>>
      %dma_start3A_1762 = arith.constant 0 : i32
      %dma_start3A_1763 = arith.constant 0 : i32
      %dma_start3A_1764 = tpu.memref_slice %arg6[%dma_start3A_1753, %dma_start3A_1762, %dma_start3A_1763] : memref<8x100x128xf32, #tpu.memory_space<vmem>> -> memref<1x50x64xf32, #tpu.memory_space<vmem>>
      %dma_start3A_1765 = tpu.memref_squeeze %dma_start3A_1764 : memref<1x50x64xf32, #tpu.memory_space<vmem>> -> memref<50x64xf32, #tpu.memory_space<vmem>>
      tpu.enqueue_dma source(%dma_start3A_1765 : memref<50x64xf32, #tpu.memory_space<vmem>>) target(%dma_start3A_1761 : memref<50x64xf32, #tpu.memory_space<hbm>>) target_semaphore(%arg22 : memref<!tpu.dma_semaphore, #tpu.memory_space<semaphore_mem>>)
      %add3A_1766 = arith.constant 56 : i32
      %add3A_1767 = arith.addi %add3A_1752, %add3A_1766 : i32
      %dma_start3A_1768 = arith.constant 7 : i32
      %dma_start3A_1769 = arith.constant 50 : i32
      %dma_start3A_1770 = arith.constant 0 : i32
      %dma_start3A_1771 = tpu.memref_slice %arg6[%dma_start3A_1768, %dma_start3A_1769, %dma_start3A_1770] : memref<8x100x128xf32, #tpu.memory_space<vmem>> -> memref<1x50x64xf32, #tpu.memory_space<vmem>>
      %dma_start3A_1772 = tpu.memref_squeeze %dma_start3A_1771 : memref<1x50x64xf32, #tpu.memory_space<vmem>> -> memref<50x64xf32, #tpu.memory_space<vmem>>
      %dma_start3A_1773 = arith.constant 0 : i32
      %dma_start3A_1774 = tpu.memref_slice %arg4[%add3A_1767, %dma_start3A_1773] : memref<917504x128xf32, #tpu.memory_space<hbm>> -> memref<50x64xf32, #tpu.memory_space<hbm>>
      %dma_start3A_1775 = arith.constant 0 : i32
      %dma_start3A_1776 = tpu.memref_slice %arg4[%add3A_1767, %dma_start3A_1775] : memref<917504x128xf32, #tpu.memory_space<hbm>> -> memref<50x64xf32, #tpu.memory_space<hbm>>
      %dma_start3A_1777 = arith.constant 50 : i32
      %dma_start3A_1778 = arith.constant 0 : i32
      %dma_start3A_1779 = tpu.memref_slice %arg6[%dma_start3A_1768, %dma_start3A_1777, %dma_start3A_1778] : memref<8x100x128xf32, #tpu.memory_space<vmem>> -> memref<1x50x64xf32, #tpu.memory_space<vmem>>
      %dma_start3A_1780 = tpu.memref_squeeze %dma_start3A_1779 : memref<1x50x64xf32, #tpu.memory_space<vmem>> -> memref<50x64xf32, #tpu.memory_space<vmem>>
      tpu.enqueue_dma source(%dma_start3A_1780 : memref<50x64xf32, #tpu.memory_space<vmem>>) target(%dma_start3A_1776 : memref<50x64xf32, #tpu.memory_space<hbm>>) target_semaphore(%arg22 : memref<!tpu.dma_semaphore, #tpu.memory_space<semaphore_mem>>)
      %add3A_1781 = arith.constant 4 : i32
      %add3A_1782 = arith.addi %add3A_1408, %add3A_1781 : i32
      %dma_wait3A_1783 = arith.constant 4 : i32
      %dma_wait3A_1784 = arith.constant 0 : i32
      %dma_wait3A_1785 = arith.constant 0 : i32
      %dma_wait3A_1786 = tpu.memref_slice %arg6[%dma_wait3A_1783, %dma_wait3A_1784, %dma_wait3A_1785] : memref<8x100x128xf32, #tpu.memory_space<vmem>> -> memref<1x50x64xf32, #tpu.memory_space<vmem>>
      %dma_wait3A_1787 = tpu.memref_squeeze %dma_wait3A_1786 : memref<1x50x64xf32, #tpu.memory_space<vmem>> -> memref<50x64xf32, #tpu.memory_space<vmem>>
      %dma_wait3A_1788 = arith.constant 0 : i32
      %dma_wait3A_1789 = arith.constant 0 : i32
      %dma_wait3A_1790 = tpu.memref_slice %arg4[%dma_wait3A_1788, %dma_wait3A_1789] : memref<917504x128xf32, #tpu.memory_space<hbm>> -> memref<50x64xf32, #tpu.memory_space<hbm>>
      %dma_wait3A_1791 = arith.constant 0 : i32
      %dma_wait3A_1792 = arith.constant 0 : i32
      %dma_wait3A_1793 = tpu.memref_slice %arg4[%dma_wait3A_1791, %dma_wait3A_1792] : memref<917504x128xf32, #tpu.memory_space<hbm>> -> memref<50x64xf32, #tpu.memory_space<hbm>>
      %dma_wait3A_1794 = arith.constant 0 : i32
      %dma_wait3A_1795 = arith.constant 0 : i32
      %dma_wait3A_1796 = tpu.memref_slice %arg6[%dma_wait3A_1783, %dma_wait3A_1794, %dma_wait3A_1795] : memref<8x100x128xf32, #tpu.memory_space<vmem>> -> memref<1x50x64xf32, #tpu.memory_space<vmem>>
      %dma_wait3A_1797 = tpu.memref_squeeze %dma_wait3A_1796 : memref<1x50x64xf32, #tpu.memory_space<vmem>> -> memref<50x64xf32, #tpu.memory_space<vmem>>
      tpu.wait_dma2 semaphore(%arg19 : memref<!tpu.dma_semaphore, #tpu.memory_space<semaphore_mem>>) src(%dma_wait3A_1797 : memref<50x64xf32, #tpu.memory_space<vmem>>) dst(%dma_wait3A_1793 : memref<50x64xf32, #tpu.memory_space<hbm>>)
      %dma_wait3A_1798 = arith.constant 4 : i32
      %dma_wait3A_1799 = arith.constant 0 : i32
      %dma_wait3A_1800 = arith.constant 0 : i32
      %dma_wait3A_1801 = tpu.memref_slice %arg6[%dma_wait3A_1798, %dma_wait3A_1799, %dma_wait3A_1800] : memref<8x100x128xf32, #tpu.memory_space<vmem>> -> memref<1x50x64xf32, #tpu.memory_space<vmem>>
      %dma_wait3A_1802 = tpu.memref_squeeze %dma_wait3A_1801 : memref<1x50x64xf32, #tpu.memory_space<vmem>> -> memref<50x64xf32, #tpu.memory_space<vmem>>
      %dma_wait3A_1803 = arith.constant 0 : i32
      %dma_wait3A_1804 = arith.constant 0 : i32
      %dma_wait3A_1805 = tpu.memref_slice %arg4[%dma_wait3A_1803, %dma_wait3A_1804] : memref<917504x128xf32, #tpu.memory_space<hbm>> -> memref<50x64xf32, #tpu.memory_space<hbm>>
      %dma_wait3A_1806 = arith.constant 0 : i32
      %dma_wait3A_1807 = arith.constant 0 : i32
      %dma_wait3A_1808 = tpu.memref_slice %arg4[%dma_wait3A_1806, %dma_wait3A_1807] : memref<917504x128xf32, #tpu.memory_space<hbm>> -> memref<50x64xf32, #tpu.memory_space<hbm>>
      %dma_wait3A_1809 = arith.constant 0 : i32
      %dma_wait3A_1810 = arith.constant 0 : i32
      %dma_wait3A_1811 = tpu.memref_slice %arg6[%dma_wait3A_1798, %dma_wait3A_1809, %dma_wait3A_1810] : memref<8x100x128xf32, #tpu.memory_space<vmem>> -> memref<1x50x64xf32, #tpu.memory_space<vmem>>
      %dma_wait3A_1812 = tpu.memref_squeeze %dma_wait3A_1811 : memref<1x50x64xf32, #tpu.memory_space<vmem>> -> memref<50x64xf32, #tpu.memory_space<vmem>>
      tpu.wait_dma2 semaphore(%arg19 : memref<!tpu.dma_semaphore, #tpu.memory_space<semaphore_mem>>) src(%dma_wait3A_1812 : memref<50x64xf32, #tpu.memory_space<vmem>>) dst(%dma_wait3A_1808 : memref<50x64xf32, #tpu.memory_space<hbm>>)
      %add3A_1813 = arith.constant 4 : i32
      %add3A_1814 = arith.addi %add3A_1782, %add3A_1813 : i32
      %dma_start3A_1815 = arith.constant 4 : i32
      %dma_start3A_1816 = arith.constant 0 : i32
      %dma_start3A_1817 = arith.constant 0 : i32
      %dma_start3A_1818 = tpu.memref_slice %arg6[%dma_start3A_1815, %dma_start3A_1816, %dma_start3A_1817] : memref<8x100x128xf32, #tpu.memory_space<vmem>> -> memref<1x100x128xf32, #tpu.memory_space<vmem>>
      %dma_start3A_1819 = tpu.memref_squeeze %dma_start3A_1818 : memref<1x100x128xf32, #tpu.memory_space<vmem>> -> memref<100x128xf32, #tpu.memory_space<vmem>>
      %dma_start3A_1820 = arith.constant 0 : i32
      %dma_start3A_1821 = tpu.memref_slice %arg5[%add3A_1814, %dma_start3A_1820] : memref<128x100xi32, #tpu.memory_space<vmem>> -> memref<1x100xi32, #tpu.memory_space<vmem>>
      %dma_start3A_1822 = tpu.memref_squeeze %dma_start3A_1821 : memref<1x100xi32, #tpu.memory_space<vmem>> -> memref<100xi32, #tpu.memory_space<vmem>>
      %dma_start3A_1823 = arith.constant 0 : i32
      %dma_start3A_1824 = arith.constant 0 : i32
      %dma_start3A_1825 = tpu.memref_slice %arg3[%dma_start3A_1823, %dma_start3A_1824] : memref<1000000x128xf32, #tpu.memory_space<hbm>> -> memref<1000000x128xf32, #tpu.memory_space<hbm>>
      tpu.enqueue_indirect_dma source(%dma_start3A_1825 : memref<1000000x128xf32, #tpu.memory_space<hbm>>) target(%dma_start3A_1819 : memref<100x128xf32, #tpu.memory_space<vmem>>) offsets(%dma_start3A_1822 : memref<100xi32, #tpu.memory_space<vmem>>) semaphore(%arg11 : memref<!tpu.dma_semaphore, #tpu.memory_space<semaphore_mem>>)
      %dma_wait3A_1826 = arith.constant 0 : i32
      %dma_wait3A_1827 = arith.constant 0 : i32
      %dma_wait3A_1828 = arith.constant 0 : i32
      %dma_wait3A_1829 = tpu.memref_slice %arg6[%dma_wait3A_1826, %dma_wait3A_1827, %dma_wait3A_1828] : memref<8x100x128xf32, #tpu.memory_space<vmem>> -> memref<1x100x128xf32, #tpu.memory_space<vmem>>
      %dma_wait3A_1830 = tpu.memref_squeeze %dma_wait3A_1829 : memref<1x100x128xf32, #tpu.memory_space<vmem>> -> memref<100x128xf32, #tpu.memory_space<vmem>>
      %dma_wait3A_1831 = arith.constant 0 : i32
      %dma_wait3A_1832 = arith.constant 0 : i32
      %dma_wait3A_1833 = tpu.memref_slice %arg3[%dma_wait3A_1831, %dma_wait3A_1832] : memref<1000000x128xf32, #tpu.memory_space<hbm>> -> memref<100x128xf32, #tpu.memory_space<hbm>>
      %dma_wait3A_1834 = arith.constant 0 : i32
      %dma_wait3A_1835 = arith.constant 0 : i32
      %dma_wait3A_1836 = tpu.memref_slice %arg6[%dma_wait3A_1826, %dma_wait3A_1834, %dma_wait3A_1835] : memref<8x100x128xf32, #tpu.memory_space<vmem>> -> memref<1x100x128xf32, #tpu.memory_space<vmem>>
      %dma_wait3A_1837 = tpu.memref_squeeze %dma_wait3A_1836 : memref<1x100x128xf32, #tpu.memory_space<vmem>> -> memref<100x128xf32, #tpu.memory_space<vmem>>
      %dma_wait3A_1838 = arith.constant 0 : i32
      %dma_wait3A_1839 = arith.constant 0 : i32
      %dma_wait3A_1840 = tpu.memref_slice %arg3[%dma_wait3A_1838, %dma_wait3A_1839] : memref<1000000x128xf32, #tpu.memory_space<hbm>> -> memref<100x128xf32, #tpu.memory_space<hbm>>
      tpu.wait_dma2 semaphore(%arg7 : memref<!tpu.dma_semaphore, #tpu.memory_space<semaphore_mem>>) src(%dma_wait3A_1840 : memref<100x128xf32, #tpu.memory_space<hbm>>) dst(%dma_wait3A_1837 : memref<100x128xf32, #tpu.memory_space<vmem>>)
      %add3A_1841 = arith.constant 128 : i32
      %add3A_1842 = arith.addi %add3A_1841, %add3A_1782 : i32
      %mul3A_1843 = arith.constant 112 : i32
      %mul3A_1844 = arith.muli %add3A_1842, %mul3A_1843 : i32
      %add3A_1845 = arith.addi %mul3A_2, %mul3A_1844 : i32
      %dma_start3A_1846 = arith.constant 0 : i32
      %dma_start3A_1847 = arith.constant 0 : i32
      %dma_start3A_1848 = arith.constant 0 : i32
      %dma_start3A_1849 = tpu.memref_slice %arg6[%dma_start3A_1846, %dma_start3A_1847, %dma_start3A_1848] : memref<8x100x128xf32, #tpu.memory_space<vmem>> -> memref<1x50x64xf32, #tpu.memory_space<vmem>>
      %dma_start3A_1850 = tpu.memref_squeeze %dma_start3A_1849 : memref<1x50x64xf32, #tpu.memory_space<vmem>> -> memref<50x64xf32, #tpu.memory_space<vmem>>
      %dma_start3A_1851 = arith.constant 0 : i32
      %dma_start3A_1852 = tpu.memref_slice %arg4[%add3A_1845, %dma_start3A_1851] : memref<917504x128xf32, #tpu.memory_space<hbm>> -> memref<50x64xf32, #tpu.memory_space<hbm>>
      %dma_start3A_1853 = arith.constant 0 : i32
      %dma_start3A_1854 = tpu.memref_slice %arg4[%add3A_1845, %dma_start3A_1853] : memref<917504x128xf32, #tpu.memory_space<hbm>> -> memref<50x64xf32, #tpu.memory_space<hbm>>
      %dma_start3A_1855 = arith.constant 0 : i32
      %dma_start3A_1856 = arith.constant 0 : i32
      %dma_start3A_1857 = tpu.memref_slice %arg6[%dma_start3A_1846, %dma_start3A_1855, %dma_start3A_1856] : memref<8x100x128xf32, #tpu.memory_space<vmem>> -> memref<1x50x64xf32, #tpu.memory_space<vmem>>
      %dma_start3A_1858 = tpu.memref_squeeze %dma_start3A_1857 : memref<1x50x64xf32, #tpu.memory_space<vmem>> -> memref<50x64xf32, #tpu.memory_space<vmem>>
      tpu.enqueue_dma source(%dma_start3A_1858 : memref<50x64xf32, #tpu.memory_space<vmem>>) target(%dma_start3A_1854 : memref<50x64xf32, #tpu.memory_space<hbm>>) target_semaphore(%arg15 : memref<!tpu.dma_semaphore, #tpu.memory_space<semaphore_mem>>)
      %add3A_1859 = arith.constant 56 : i32
      %add3A_1860 = arith.addi %add3A_1845, %add3A_1859 : i32
      %dma_start3A_1861 = arith.constant 0 : i32
      %dma_start3A_1862 = arith.constant 50 : i32
      %dma_start3A_1863 = arith.constant 0 : i32
      %dma_start3A_1864 = tpu.memref_slice %arg6[%dma_start3A_1861, %dma_start3A_1862, %dma_start3A_1863] : memref<8x100x128xf32, #tpu.memory_space<vmem>> -> memref<1x50x64xf32, #tpu.memory_space<vmem>>
      %dma_start3A_1865 = tpu.memref_squeeze %dma_start3A_1864 : memref<1x50x64xf32, #tpu.memory_space<vmem>> -> memref<50x64xf32, #tpu.memory_space<vmem>>
      %dma_start3A_1866 = arith.constant 0 : i32
      %dma_start3A_1867 = tpu.memref_slice %arg4[%add3A_1860, %dma_start3A_1866] : memref<917504x128xf32, #tpu.memory_space<hbm>> -> memref<50x64xf32, #tpu.memory_space<hbm>>
      %dma_start3A_1868 = arith.constant 0 : i32
      %dma_start3A_1869 = tpu.memref_slice %arg4[%add3A_1860, %dma_start3A_1868] : memref<917504x128xf32, #tpu.memory_space<hbm>> -> memref<50x64xf32, #tpu.memory_space<hbm>>
      %dma_start3A_1870 = arith.constant 50 : i32
      %dma_start3A_1871 = arith.constant 0 : i32
      %dma_start3A_1872 = tpu.memref_slice %arg6[%dma_start3A_1861, %dma_start3A_1870, %dma_start3A_1871] : memref<8x100x128xf32, #tpu.memory_space<vmem>> -> memref<1x50x64xf32, #tpu.memory_space<vmem>>
      %dma_start3A_1873 = tpu.memref_squeeze %dma_start3A_1872 : memref<1x50x64xf32, #tpu.memory_space<vmem>> -> memref<50x64xf32, #tpu.memory_space<vmem>>
      tpu.enqueue_dma source(%dma_start3A_1873 : memref<50x64xf32, #tpu.memory_space<vmem>>) target(%dma_start3A_1869 : memref<50x64xf32, #tpu.memory_space<hbm>>) target_semaphore(%arg15 : memref<!tpu.dma_semaphore, #tpu.memory_space<semaphore_mem>>)
      %add3A_1874 = arith.constant 5 : i32
      %add3A_1875 = arith.addi %add3A_1408, %add3A_1874 : i32
      %dma_wait3A_1876 = arith.constant 5 : i32
      %dma_wait3A_1877 = arith.constant 0 : i32
      %dma_wait3A_1878 = arith.constant 0 : i32
      %dma_wait3A_1879 = tpu.memref_slice %arg6[%dma_wait3A_1876, %dma_wait3A_1877, %dma_wait3A_1878] : memref<8x100x128xf32, #tpu.memory_space<vmem>> -> memref<1x50x64xf32, #tpu.memory_space<vmem>>
      %dma_wait3A_1880 = tpu.memref_squeeze %dma_wait3A_1879 : memref<1x50x64xf32, #tpu.memory_space<vmem>> -> memref<50x64xf32, #tpu.memory_space<vmem>>
      %dma_wait3A_1881 = arith.constant 0 : i32
      %dma_wait3A_1882 = arith.constant 0 : i32
      %dma_wait3A_1883 = tpu.memref_slice %arg4[%dma_wait3A_1881, %dma_wait3A_1882] : memref<917504x128xf32, #tpu.memory_space<hbm>> -> memref<50x64xf32, #tpu.memory_space<hbm>>
      %dma_wait3A_1884 = arith.constant 0 : i32
      %dma_wait3A_1885 = arith.constant 0 : i32
      %dma_wait3A_1886 = tpu.memref_slice %arg4[%dma_wait3A_1884, %dma_wait3A_1885] : memref<917504x128xf32, #tpu.memory_space<hbm>> -> memref<50x64xf32, #tpu.memory_space<hbm>>
      %dma_wait3A_1887 = arith.constant 0 : i32
      %dma_wait3A_1888 = arith.constant 0 : i32
      %dma_wait3A_1889 = tpu.memref_slice %arg6[%dma_wait3A_1876, %dma_wait3A_1887, %dma_wait3A_1888] : memref<8x100x128xf32, #tpu.memory_space<vmem>> -> memref<1x50x64xf32, #tpu.memory_space<vmem>>
      %dma_wait3A_1890 = tpu.memref_squeeze %dma_wait3A_1889 : memref<1x50x64xf32, #tpu.memory_space<vmem>> -> memref<50x64xf32, #tpu.memory_space<vmem>>
      tpu.wait_dma2 semaphore(%arg20 : memref<!tpu.dma_semaphore, #tpu.memory_space<semaphore_mem>>) src(%dma_wait3A_1890 : memref<50x64xf32, #tpu.memory_space<vmem>>) dst(%dma_wait3A_1886 : memref<50x64xf32, #tpu.memory_space<hbm>>)
      %dma_wait3A_1891 = arith.constant 5 : i32
      %dma_wait3A_1892 = arith.constant 0 : i32
      %dma_wait3A_1893 = arith.constant 0 : i32
      %dma_wait3A_1894 = tpu.memref_slice %arg6[%dma_wait3A_1891, %dma_wait3A_1892, %dma_wait3A_1893] : memref<8x100x128xf32, #tpu.memory_space<vmem>> -> memref<1x50x64xf32, #tpu.memory_space<vmem>>
      %dma_wait3A_1895 = tpu.memref_squeeze %dma_wait3A_1894 : memref<1x50x64xf32, #tpu.memory_space<vmem>> -> memref<50x64xf32, #tpu.memory_space<vmem>>
      %dma_wait3A_1896 = arith.constant 0 : i32
      %dma_wait3A_1897 = arith.constant 0 : i32
      %dma_wait3A_1898 = tpu.memref_slice %arg4[%dma_wait3A_1896, %dma_wait3A_1897] : memref<917504x128xf32, #tpu.memory_space<hbm>> -> memref<50x64xf32, #tpu.memory_space<hbm>>
      %dma_wait3A_1899 = arith.constant 0 : i32
      %dma_wait3A_1900 = arith.constant 0 : i32
      %dma_wait3A_1901 = tpu.memref_slice %arg4[%dma_wait3A_1899, %dma_wait3A_1900] : memref<917504x128xf32, #tpu.memory_space<hbm>> -> memref<50x64xf32, #tpu.memory_space<hbm>>
      %dma_wait3A_1902 = arith.constant 0 : i32
      %dma_wait3A_1903 = arith.constant 0 : i32
      %dma_wait3A_1904 = tpu.memref_slice %arg6[%dma_wait3A_1891, %dma_wait3A_1902, %dma_wait3A_1903] : memref<8x100x128xf32, #tpu.memory_space<vmem>> -> memref<1x50x64xf32, #tpu.memory_space<vmem>>
      %dma_wait3A_1905 = tpu.memref_squeeze %dma_wait3A_1904 : memref<1x50x64xf32, #tpu.memory_space<vmem>> -> memref<50x64xf32, #tpu.memory_space<vmem>>
      tpu.wait_dma2 semaphore(%arg20 : memref<!tpu.dma_semaphore, #tpu.memory_space<semaphore_mem>>) src(%dma_wait3A_1905 : memref<50x64xf32, #tpu.memory_space<vmem>>) dst(%dma_wait3A_1901 : memref<50x64xf32, #tpu.memory_space<hbm>>)
      %add3A_1906 = arith.constant 4 : i32
      %add3A_1907 = arith.addi %add3A_1875, %add3A_1906 : i32
      %dma_start3A_1908 = arith.constant 5 : i32
      %dma_start3A_1909 = arith.constant 0 : i32
      %dma_start3A_1910 = arith.constant 0 : i32
      %dma_start3A_1911 = tpu.memref_slice %arg6[%dma_start3A_1908, %dma_start3A_1909, %dma_start3A_1910] : memref<8x100x128xf32, #tpu.memory_space<vmem>> -> memref<1x100x128xf32, #tpu.memory_space<vmem>>
      %dma_start3A_1912 = tpu.memref_squeeze %dma_start3A_1911 : memref<1x100x128xf32, #tpu.memory_space<vmem>> -> memref<100x128xf32, #tpu.memory_space<vmem>>
      %dma_start3A_1913 = arith.constant 0 : i32
      %dma_start3A_1914 = tpu.memref_slice %arg5[%add3A_1907, %dma_start3A_1913] : memref<128x100xi32, #tpu.memory_space<vmem>> -> memref<1x100xi32, #tpu.memory_space<vmem>>
      %dma_start3A_1915 = tpu.memref_squeeze %dma_start3A_1914 : memref<1x100xi32, #tpu.memory_space<vmem>> -> memref<100xi32, #tpu.memory_space<vmem>>
      %dma_start3A_1916 = arith.constant 0 : i32
      %dma_start3A_1917 = arith.constant 0 : i32
      %dma_start3A_1918 = tpu.memref_slice %arg3[%dma_start3A_1916, %dma_start3A_1917] : memref<1000000x128xf32, #tpu.memory_space<hbm>> -> memref<1000000x128xf32, #tpu.memory_space<hbm>>
      tpu.enqueue_indirect_dma source(%dma_start3A_1918 : memref<1000000x128xf32, #tpu.memory_space<hbm>>) target(%dma_start3A_1912 : memref<100x128xf32, #tpu.memory_space<vmem>>) offsets(%dma_start3A_1915 : memref<100xi32, #tpu.memory_space<vmem>>) semaphore(%arg12 : memref<!tpu.dma_semaphore, #tpu.memory_space<semaphore_mem>>)
      %dma_wait3A_1919 = arith.constant 1 : i32
      %dma_wait3A_1920 = arith.constant 0 : i32
      %dma_wait3A_1921 = arith.constant 0 : i32
      %dma_wait3A_1922 = tpu.memref_slice %arg6[%dma_wait3A_1919, %dma_wait3A_1920, %dma_wait3A_1921] : memref<8x100x128xf32, #tpu.memory_space<vmem>> -> memref<1x100x128xf32, #tpu.memory_space<vmem>>
      %dma_wait3A_1923 = tpu.memref_squeeze %dma_wait3A_1922 : memref<1x100x128xf32, #tpu.memory_space<vmem>> -> memref<100x128xf32, #tpu.memory_space<vmem>>
      %dma_wait3A_1924 = arith.constant 0 : i32
      %dma_wait3A_1925 = arith.constant 0 : i32
      %dma_wait3A_1926 = tpu.memref_slice %arg3[%dma_wait3A_1924, %dma_wait3A_1925] : memref<1000000x128xf32, #tpu.memory_space<hbm>> -> memref<100x128xf32, #tpu.memory_space<hbm>>
      %dma_wait3A_1927 = arith.constant 0 : i32
      %dma_wait3A_1928 = arith.constant 0 : i32
      %dma_wait3A_1929 = tpu.memref_slice %arg6[%dma_wait3A_1919, %dma_wait3A_1927, %dma_wait3A_1928] : memref<8x100x128xf32, #tpu.memory_space<vmem>> -> memref<1x100x128xf32, #tpu.memory_space<vmem>>
      %dma_wait3A_1930 = tpu.memref_squeeze %dma_wait3A_1929 : memref<1x100x128xf32, #tpu.memory_space<vmem>> -> memref<100x128xf32, #tpu.memory_space<vmem>>
      %dma_wait3A_1931 = arith.constant 0 : i32
      %dma_wait3A_1932 = arith.constant 0 : i32
      %dma_wait3A_1933 = tpu.memref_slice %arg3[%dma_wait3A_1931, %dma_wait3A_1932] : memref<1000000x128xf32, #tpu.memory_space<hbm>> -> memref<100x128xf32, #tpu.memory_space<hbm>>
      tpu.wait_dma2 semaphore(%arg8 : memref<!tpu.dma_semaphore, #tpu.memory_space<semaphore_mem>>) src(%dma_wait3A_1933 : memref<100x128xf32, #tpu.memory_space<hbm>>) dst(%dma_wait3A_1930 : memref<100x128xf32, #tpu.memory_space<vmem>>)
      %add3A_1934 = arith.constant 128 : i32
      %add3A_1935 = arith.addi %add3A_1934, %add3A_1875 : i32
      %mul3A_1936 = arith.constant 112 : i32
      %mul3A_1937 = arith.muli %add3A_1935, %mul3A_1936 : i32
      %add3A_1938 = arith.addi %mul3A_2, %mul3A_1937 : i32
      %dma_start3A_1939 = arith.constant 1 : i32
      %dma_start3A_1940 = arith.constant 0 : i32
      %dma_start3A_1941 = arith.constant 0 : i32
      %dma_start3A_1942 = tpu.memref_slice %arg6[%dma_start3A_1939, %dma_start3A_1940, %dma_start3A_1941] : memref<8x100x128xf32, #tpu.memory_space<vmem>> -> memref<1x50x64xf32, #tpu.memory_space<vmem>>
      %dma_start3A_1943 = tpu.memref_squeeze %dma_start3A_1942 : memref<1x50x64xf32, #tpu.memory_space<vmem>> -> memref<50x64xf32, #tpu.memory_space<vmem>>
      %dma_start3A_1944 = arith.constant 0 : i32
      %dma_start3A_1945 = tpu.memref_slice %arg4[%add3A_1938, %dma_start3A_1944] : memref<917504x128xf32, #tpu.memory_space<hbm>> -> memref<50x64xf32, #tpu.memory_space<hbm>>
      %dma_start3A_1946 = arith.constant 0 : i32
      %dma_start3A_1947 = tpu.memref_slice %arg4[%add3A_1938, %dma_start3A_1946] : memref<917504x128xf32, #tpu.memory_space<hbm>> -> memref<50x64xf32, #tpu.memory_space<hbm>>
      %dma_start3A_1948 = arith.constant 0 : i32
      %dma_start3A_1949 = arith.constant 0 : i32
      %dma_start3A_1950 = tpu.memref_slice %arg6[%dma_start3A_1939, %dma_start3A_1948, %dma_start3A_1949] : memref<8x100x128xf32, #tpu.memory_space<vmem>> -> memref<1x50x64xf32, #tpu.memory_space<vmem>>
      %dma_start3A_1951 = tpu.memref_squeeze %dma_start3A_1950 : memref<1x50x64xf32, #tpu.memory_space<vmem>> -> memref<50x64xf32, #tpu.memory_space<vmem>>
      tpu.enqueue_dma source(%dma_start3A_1951 : memref<50x64xf32, #tpu.memory_space<vmem>>) target(%dma_start3A_1947 : memref<50x64xf32, #tpu.memory_space<hbm>>) target_semaphore(%arg16 : memref<!tpu.dma_semaphore, #tpu.memory_space<semaphore_mem>>)
      %add3A_1952 = arith.constant 56 : i32
      %add3A_1953 = arith.addi %add3A_1938, %add3A_1952 : i32
      %dma_start3A_1954 = arith.constant 1 : i32
      %dma_start3A_1955 = arith.constant 50 : i32
      %dma_start3A_1956 = arith.constant 0 : i32
      %dma_start3A_1957 = tpu.memref_slice %arg6[%dma_start3A_1954, %dma_start3A_1955, %dma_start3A_1956] : memref<8x100x128xf32, #tpu.memory_space<vmem>> -> memref<1x50x64xf32, #tpu.memory_space<vmem>>
      %dma_start3A_1958 = tpu.memref_squeeze %dma_start3A_1957 : memref<1x50x64xf32, #tpu.memory_space<vmem>> -> memref<50x64xf32, #tpu.memory_space<vmem>>
      %dma_start3A_1959 = arith.constant 0 : i32
      %dma_start3A_1960 = tpu.memref_slice %arg4[%add3A_1953, %dma_start3A_1959] : memref<917504x128xf32, #tpu.memory_space<hbm>> -> memref<50x64xf32, #tpu.memory_space<hbm>>
      %dma_start3A_1961 = arith.constant 0 : i32
      %dma_start3A_1962 = tpu.memref_slice %arg4[%add3A_1953, %dma_start3A_1961] : memref<917504x128xf32, #tpu.memory_space<hbm>> -> memref<50x64xf32, #tpu.memory_space<hbm>>
      %dma_start3A_1963 = arith.constant 50 : i32
      %dma_start3A_1964 = arith.constant 0 : i32
      %dma_start3A_1965 = tpu.memref_slice %arg6[%dma_start3A_1954, %dma_start3A_1963, %dma_start3A_1964] : memref<8x100x128xf32, #tpu.memory_space<vmem>> -> memref<1x50x64xf32, #tpu.memory_space<vmem>>
      %dma_start3A_1966 = tpu.memref_squeeze %dma_start3A_1965 : memref<1x50x64xf32, #tpu.memory_space<vmem>> -> memref<50x64xf32, #tpu.memory_space<vmem>>
      tpu.enqueue_dma source(%dma_start3A_1966 : memref<50x64xf32, #tpu.memory_space<vmem>>) target(%dma_start3A_1962 : memref<50x64xf32, #tpu.memory_space<hbm>>) target_semaphore(%arg16 : memref<!tpu.dma_semaphore, #tpu.memory_space<semaphore_mem>>)
      %add3A_1967 = arith.constant 6 : i32
      %add3A_1968 = arith.addi %add3A_1408, %add3A_1967 : i32
      %dma_wait3A_1969 = arith.constant 6 : i32
      %dma_wait3A_1970 = arith.constant 0 : i32
      %dma_wait3A_1971 = arith.constant 0 : i32
      %dma_wait3A_1972 = tpu.memref_slice %arg6[%dma_wait3A_1969, %dma_wait3A_1970, %dma_wait3A_1971] : memref<8x100x128xf32, #tpu.memory_space<vmem>> -> memref<1x50x64xf32, #tpu.memory_space<vmem>>
      %dma_wait3A_1973 = tpu.memref_squeeze %dma_wait3A_1972 : memref<1x50x64xf32, #tpu.memory_space<vmem>> -> memref<50x64xf32, #tpu.memory_space<vmem>>
      %dma_wait3A_1974 = arith.constant 0 : i32
      %dma_wait3A_1975 = arith.constant 0 : i32
      %dma_wait3A_1976 = tpu.memref_slice %arg4[%dma_wait3A_1974, %dma_wait3A_1975] : memref<917504x128xf32, #tpu.memory_space<hbm>> -> memref<50x64xf32, #tpu.memory_space<hbm>>
      %dma_wait3A_1977 = arith.constant 0 : i32
      %dma_wait3A_1978 = arith.constant 0 : i32
      %dma_wait3A_1979 = tpu.memref_slice %arg4[%dma_wait3A_1977, %dma_wait3A_1978] : memref<917504x128xf32, #tpu.memory_space<hbm>> -> memref<50x64xf32, #tpu.memory_space<hbm>>
      %dma_wait3A_1980 = arith.constant 0 : i32
      %dma_wait3A_1981 = arith.constant 0 : i32
      %dma_wait3A_1982 = tpu.memref_slice %arg6[%dma_wait3A_1969, %dma_wait3A_1980, %dma_wait3A_1981] : memref<8x100x128xf32, #tpu.memory_space<vmem>> -> memref<1x50x64xf32, #tpu.memory_space<vmem>>
      %dma_wait3A_1983 = tpu.memref_squeeze %dma_wait3A_1982 : memref<1x50x64xf32, #tpu.memory_space<vmem>> -> memref<50x64xf32, #tpu.memory_space<vmem>>
      tpu.wait_dma2 semaphore(%arg21 : memref<!tpu.dma_semaphore, #tpu.memory_space<semaphore_mem>>) src(%dma_wait3A_1983 : memref<50x64xf32, #tpu.memory_space<vmem>>) dst(%dma_wait3A_1979 : memref<50x64xf32, #tpu.memory_space<hbm>>)
      %dma_wait3A_1984 = arith.constant 6 : i32
      %dma_wait3A_1985 = arith.constant 0 : i32
      %dma_wait3A_1986 = arith.constant 0 : i32
      %dma_wait3A_1987 = tpu.memref_slice %arg6[%dma_wait3A_1984, %dma_wait3A_1985, %dma_wait3A_1986] : memref<8x100x128xf32, #tpu.memory_space<vmem>> -> memref<1x50x64xf32, #tpu.memory_space<vmem>>
      %dma_wait3A_1988 = tpu.memref_squeeze %dma_wait3A_1987 : memref<1x50x64xf32, #tpu.memory_space<vmem>> -> memref<50x64xf32, #tpu.memory_space<vmem>>
      %dma_wait3A_1989 = arith.constant 0 : i32
      %dma_wait3A_1990 = arith.constant 0 : i32
      %dma_wait3A_1991 = tpu.memref_slice %arg4[%dma_wait3A_1989, %dma_wait3A_1990] : memref<917504x128xf32, #tpu.memory_space<hbm>> -> memref<50x64xf32, #tpu.memory_space<hbm>>
      %dma_wait3A_1992 = arith.constant 0 : i32
      %dma_wait3A_1993 = arith.constant 0 : i32
      %dma_wait3A_1994 = tpu.memref_slice %arg4[%dma_wait3A_1992, %dma_wait3A_1993] : memref<917504x128xf32, #tpu.memory_space<hbm>> -> memref<50x64xf32, #tpu.memory_space<hbm>>
      %dma_wait3A_1995 = arith.constant 0 : i32
      %dma_wait3A_1996 = arith.constant 0 : i32
      %dma_wait3A_1997 = tpu.memref_slice %arg6[%dma_wait3A_1984, %dma_wait3A_1995, %dma_wait3A_1996] : memref<8x100x128xf32, #tpu.memory_space<vmem>> -> memref<1x50x64xf32, #tpu.memory_space<vmem>>
      %dma_wait3A_1998 = tpu.memref_squeeze %dma_wait3A_1997 : memref<1x50x64xf32, #tpu.memory_space<vmem>> -> memref<50x64xf32, #tpu.memory_space<vmem>>
      tpu.wait_dma2 semaphore(%arg21 : memref<!tpu.dma_semaphore, #tpu.memory_space<semaphore_mem>>) src(%dma_wait3A_1998 : memref<50x64xf32, #tpu.memory_space<vmem>>) dst(%dma_wait3A_1994 : memref<50x64xf32, #tpu.memory_space<hbm>>)
      %add3A_1999 = arith.constant 4 : i32
      %add3A_2000 = arith.addi %add3A_1968, %add3A_1999 : i32
      %dma_start3A_2001 = arith.constant 6 : i32
      %dma_start3A_2002 = arith.constant 0 : i32
      %dma_start3A_2003 = arith.constant 0 : i32
      %dma_start3A_2004 = tpu.memref_slice %arg6[%dma_start3A_2001, %dma_start3A_2002, %dma_start3A_2003] : memref<8x100x128xf32, #tpu.memory_space<vmem>> -> memref<1x100x128xf32, #tpu.memory_space<vmem>>
      %dma_start3A_2005 = tpu.memref_squeeze %dma_start3A_2004 : memref<1x100x128xf32, #tpu.memory_space<vmem>> -> memref<100x128xf32, #tpu.memory_space<vmem>>
      %dma_start3A_2006 = arith.constant 0 : i32
      %dma_start3A_2007 = tpu.memref_slice %arg5[%add3A_2000, %dma_start3A_2006] : memref<128x100xi32, #tpu.memory_space<vmem>> -> memref<1x100xi32, #tpu.memory_space<vmem>>
      %dma_start3A_2008 = tpu.memref_squeeze %dma_start3A_2007 : memref<1x100xi32, #tpu.memory_space<vmem>> -> memref<100xi32, #tpu.memory_space<vmem>>
      %dma_start3A_2009 = arith.constant 0 : i32
      %dma_start3A_2010 = arith.constant 0 : i32
      %dma_start3A_2011 = tpu.memref_slice %arg3[%dma_start3A_2009, %dma_start3A_2010] : memref<1000000x128xf32, #tpu.memory_space<hbm>> -> memref<1000000x128xf32, #tpu.memory_space<hbm>>
      tpu.enqueue_indirect_dma source(%dma_start3A_2011 : memref<1000000x128xf32, #tpu.memory_space<hbm>>) target(%dma_start3A_2005 : memref<100x128xf32, #tpu.memory_space<vmem>>) offsets(%dma_start3A_2008 : memref<100xi32, #tpu.memory_space<vmem>>) semaphore(%arg13 : memref<!tpu.dma_semaphore, #tpu.memory_space<semaphore_mem>>)
      %dma_wait3A_2012 = arith.constant 2 : i32
      %dma_wait3A_2013 = arith.constant 0 : i32
      %dma_wait3A_2014 = arith.constant 0 : i32
      %dma_wait3A_2015 = tpu.memref_slice %arg6[%dma_wait3A_2012, %dma_wait3A_2013, %dma_wait3A_2014] : memref<8x100x128xf32, #tpu.memory_space<vmem>> -> memref<1x100x128xf32, #tpu.memory_space<vmem>>
      %dma_wait3A_2016 = tpu.memref_squeeze %dma_wait3A_2015 : memref<1x100x128xf32, #tpu.memory_space<vmem>> -> memref<100x128xf32, #tpu.memory_space<vmem>>
      %dma_wait3A_2017 = arith.constant 0 : i32
      %dma_wait3A_2018 = arith.constant 0 : i32
      %dma_wait3A_2019 = tpu.memref_slice %arg3[%dma_wait3A_2017, %dma_wait3A_2018] : memref<1000000x128xf32, #tpu.memory_space<hbm>> -> memref<100x128xf32, #tpu.memory_space<hbm>>
      %dma_wait3A_2020 = arith.constant 0 : i32
      %dma_wait3A_2021 = arith.constant 0 : i32
      %dma_wait3A_2022 = tpu.memref_slice %arg6[%dma_wait3A_2012, %dma_wait3A_2020, %dma_wait3A_2021] : memref<8x100x128xf32, #tpu.memory_space<vmem>> -> memref<1x100x128xf32, #tpu.memory_space<vmem>>
      %dma_wait3A_2023 = tpu.memref_squeeze %dma_wait3A_2022 : memref<1x100x128xf32, #tpu.memory_space<vmem>> -> memref<100x128xf32, #tpu.memory_space<vmem>>
      %dma_wait3A_2024 = arith.constant 0 : i32
      %dma_wait3A_2025 = arith.constant 0 : i32
      %dma_wait3A_2026 = tpu.memref_slice %arg3[%dma_wait3A_2024, %dma_wait3A_2025] : memref<1000000x128xf32, #tpu.memory_space<hbm>> -> memref<100x128xf32, #tpu.memory_space<hbm>>
      tpu.wait_dma2 semaphore(%arg9 : memref<!tpu.dma_semaphore, #tpu.memory_space<semaphore_mem>>) src(%dma_wait3A_2026 : memref<100x128xf32, #tpu.memory_space<hbm>>) dst(%dma_wait3A_2023 : memref<100x128xf32, #tpu.memory_space<vmem>>)
      %add3A_2027 = arith.constant 128 : i32
      %add3A_2028 = arith.addi %add3A_2027, %add3A_1968 : i32
      %mul3A_2029 = arith.constant 112 : i32
      %mul3A_2030 = arith.muli %add3A_2028, %mul3A_2029 : i32
      %add3A_2031 = arith.addi %mul3A_2, %mul3A_2030 : i32
      %dma_start3A_2032 = arith.constant 2 : i32
      %dma_start3A_2033 = arith.constant 0 : i32
      %dma_start3A_2034 = arith.constant 0 : i32
      %dma_start3A_2035 = tpu.memref_slice %arg6[%dma_start3A_2032, %dma_start3A_2033, %dma_start3A_2034] : memref<8x100x128xf32, #tpu.memory_space<vmem>> -> memref<1x50x64xf32, #tpu.memory_space<vmem>>
      %dma_start3A_2036 = tpu.memref_squeeze %dma_start3A_2035 : memref<1x50x64xf32, #tpu.memory_space<vmem>> -> memref<50x64xf32, #tpu.memory_space<vmem>>
      %dma_start3A_2037 = arith.constant 0 : i32
      %dma_start3A_2038 = tpu.memref_slice %arg4[%add3A_2031, %dma_start3A_2037] : memref<917504x128xf32, #tpu.memory_space<hbm>> -> memref<50x64xf32, #tpu.memory_space<hbm>>
      %dma_start3A_2039 = arith.constant 0 : i32
      %dma_start3A_2040 = tpu.memref_slice %arg4[%add3A_2031, %dma_start3A_2039] : memref<917504x128xf32, #tpu.memory_space<hbm>> -> memref<50x64xf32, #tpu.memory_space<hbm>>
      %dma_start3A_2041 = arith.constant 0 : i32
      %dma_start3A_2042 = arith.constant 0 : i32
      %dma_start3A_2043 = tpu.memref_slice %arg6[%dma_start3A_2032, %dma_start3A_2041, %dma_start3A_2042] : memref<8x100x128xf32, #tpu.memory_space<vmem>> -> memref<1x50x64xf32, #tpu.memory_space<vmem>>
      %dma_start3A_2044 = tpu.memref_squeeze %dma_start3A_2043 : memref<1x50x64xf32, #tpu.memory_space<vmem>> -> memref<50x64xf32, #tpu.memory_space<vmem>>
      tpu.enqueue_dma source(%dma_start3A_2044 : memref<50x64xf32, #tpu.memory_space<vmem>>) target(%dma_start3A_2040 : memref<50x64xf32, #tpu.memory_space<hbm>>) target_semaphore(%arg17 : memref<!tpu.dma_semaphore, #tpu.memory_space<semaphore_mem>>)
      %add3A_2045 = arith.constant 56 : i32
      %add3A_2046 = arith.addi %add3A_2031, %add3A_2045 : i32
      %dma_start3A_2047 = arith.constant 2 : i32
      %dma_start3A_2048 = arith.constant 50 : i32
      %dma_start3A_2049 = arith.constant 0 : i32
      %dma_start3A_2050 = tpu.memref_slice %arg6[%dma_start3A_2047, %dma_start3A_2048, %dma_start3A_2049] : memref<8x100x128xf32, #tpu.memory_space<vmem>> -> memref<1x50x64xf32, #tpu.memory_space<vmem>>
      %dma_start3A_2051 = tpu.memref_squeeze %dma_start3A_2050 : memref<1x50x64xf32, #tpu.memory_space<vmem>> -> memref<50x64xf32, #tpu.memory_space<vmem>>
      %dma_start3A_2052 = arith.constant 0 : i32
      %dma_start3A_2053 = tpu.memref_slice %arg4[%add3A_2046, %dma_start3A_2052] : memref<917504x128xf32, #tpu.memory_space<hbm>> -> memref<50x64xf32, #tpu.memory_space<hbm>>
      %dma_start3A_2054 = arith.constant 0 : i32
      %dma_start3A_2055 = tpu.memref_slice %arg4[%add3A_2046, %dma_start3A_2054] : memref<917504x128xf32, #tpu.memory_space<hbm>> -> memref<50x64xf32, #tpu.memory_space<hbm>>
      %dma_start3A_2056 = arith.constant 50 : i32
      %dma_start3A_2057 = arith.constant 0 : i32
      %dma_start3A_2058 = tpu.memref_slice %arg6[%dma_start3A_2047, %dma_start3A_2056, %dma_start3A_2057] : memref<8x100x128xf32, #tpu.memory_space<vmem>> -> memref<1x50x64xf32, #tpu.memory_space<vmem>>
      %dma_start3A_2059 = tpu.memref_squeeze %dma_start3A_2058 : memref<1x50x64xf32, #tpu.memory_space<vmem>> -> memref<50x64xf32, #tpu.memory_space<vmem>>
      tpu.enqueue_dma source(%dma_start3A_2059 : memref<50x64xf32, #tpu.memory_space<vmem>>) target(%dma_start3A_2055 : memref<50x64xf32, #tpu.memory_space<hbm>>) target_semaphore(%arg17 : memref<!tpu.dma_semaphore, #tpu.memory_space<semaphore_mem>>)
      %add3A_2060 = arith.constant 7 : i32
      %add3A_2061 = arith.addi %add3A_1408, %add3A_2060 : i32
      %dma_wait3A_2062 = arith.constant 7 : i32
      %dma_wait3A_2063 = arith.constant 0 : i32
      %dma_wait3A_2064 = arith.constant 0 : i32
      %dma_wait3A_2065 = tpu.memref_slice %arg6[%dma_wait3A_2062, %dma_wait3A_2063, %dma_wait3A_2064] : memref<8x100x128xf32, #tpu.memory_space<vmem>> -> memref<1x50x64xf32, #tpu.memory_space<vmem>>
      %dma_wait3A_2066 = tpu.memref_squeeze %dma_wait3A_2065 : memref<1x50x64xf32, #tpu.memory_space<vmem>> -> memref<50x64xf32, #tpu.memory_space<vmem>>
      %dma_wait3A_2067 = arith.constant 0 : i32
      %dma_wait3A_2068 = arith.constant 0 : i32
      %dma_wait3A_2069 = tpu.memref_slice %arg4[%dma_wait3A_2067, %dma_wait3A_2068] : memref<917504x128xf32, #tpu.memory_space<hbm>> -> memref<50x64xf32, #tpu.memory_space<hbm>>
      %dma_wait3A_2070 = arith.constant 0 : i32
      %dma_wait3A_2071 = arith.constant 0 : i32
      %dma_wait3A_2072 = tpu.memref_slice %arg4[%dma_wait3A_2070, %dma_wait3A_2071] : memref<917504x128xf32, #tpu.memory_space<hbm>> -> memref<50x64xf32, #tpu.memory_space<hbm>>
      %dma_wait3A_2073 = arith.constant 0 : i32
      %dma_wait3A_2074 = arith.constant 0 : i32
      %dma_wait3A_2075 = tpu.memref_slice %arg6[%dma_wait3A_2062, %dma_wait3A_2073, %dma_wait3A_2074] : memref<8x100x128xf32, #tpu.memory_space<vmem>> -> memref<1x50x64xf32, #tpu.memory_space<vmem>>
      %dma_wait3A_2076 = tpu.memref_squeeze %dma_wait3A_2075 : memref<1x50x64xf32, #tpu.memory_space<vmem>> -> memref<50x64xf32, #tpu.memory_space<vmem>>
      tpu.wait_dma2 semaphore(%arg22 : memref<!tpu.dma_semaphore, #tpu.memory_space<semaphore_mem>>) src(%dma_wait3A_2076 : memref<50x64xf32, #tpu.memory_space<vmem>>) dst(%dma_wait3A_2072 : memref<50x64xf32, #tpu.memory_space<hbm>>)
      %dma_wait3A_2077 = arith.constant 7 : i32
      %dma_wait3A_2078 = arith.constant 0 : i32
      %dma_wait3A_2079 = arith.constant 0 : i32
      %dma_wait3A_2080 = tpu.memref_slice %arg6[%dma_wait3A_2077, %dma_wait3A_2078, %dma_wait3A_2079] : memref<8x100x128xf32, #tpu.memory_space<vmem>> -> memref<1x50x64xf32, #tpu.memory_space<vmem>>
      %dma_wait3A_2081 = tpu.memref_squeeze %dma_wait3A_2080 : memref<1x50x64xf32, #tpu.memory_space<vmem>> -> memref<50x64xf32, #tpu.memory_space<vmem>>
      %dma_wait3A_2082 = arith.constant 0 : i32
      %dma_wait3A_2083 = arith.constant 0 : i32
      %dma_wait3A_2084 = tpu.memref_slice %arg4[%dma_wait3A_2082, %dma_wait3A_2083] : memref<917504x128xf32, #tpu.memory_space<hbm>> -> memref<50x64xf32, #tpu.memory_space<hbm>>
      %dma_wait3A_2085 = arith.constant 0 : i32
      %dma_wait3A_2086 = arith.constant 0 : i32
      %dma_wait3A_2087 = tpu.memref_slice %arg4[%dma_wait3A_2085, %dma_wait3A_2086] : memref<917504x128xf32, #tpu.memory_space<hbm>> -> memref<50x64xf32, #tpu.memory_space<hbm>>
      %dma_wait3A_2088 = arith.constant 0 : i32
      %dma_wait3A_2089 = arith.constant 0 : i32
      %dma_wait3A_2090 = tpu.memref_slice %arg6[%dma_wait3A_2077, %dma_wait3A_2088, %dma_wait3A_2089] : memref<8x100x128xf32, #tpu.memory_space<vmem>> -> memref<1x50x64xf32, #tpu.memory_space<vmem>>
      %dma_wait3A_2091 = tpu.memref_squeeze %dma_wait3A_2090 : memref<1x50x64xf32, #tpu.memory_space<vmem>> -> memref<50x64xf32, #tpu.memory_space<vmem>>
      tpu.wait_dma2 semaphore(%arg22 : memref<!tpu.dma_semaphore, #tpu.memory_space<semaphore_mem>>) src(%dma_wait3A_2091 : memref<50x64xf32, #tpu.memory_space<vmem>>) dst(%dma_wait3A_2087 : memref<50x64xf32, #tpu.memory_space<hbm>>)
      %add3A_2092 = arith.constant 4 : i32
      %add3A_2093 = arith.addi %add3A_2061, %add3A_2092 : i32
      %dma_start3A_2094 = arith.constant 7 : i32
      %dma_start3A_2095 = arith.constant 0 : i32
      %dma_start3A_2096 = arith.constant 0 : i32
      %dma_start3A_2097 = tpu.memref_slice %arg6[%dma_start3A_2094, %dma_start3A_2095, %dma_start3A_2096] : memref<8x100x128xf32, #tpu.memory_space<vmem>> -> memref<1x100x128xf32, #tpu.memory_space<vmem>>
      %dma_start3A_2098 = tpu.memref_squeeze %dma_start3A_2097 : memref<1x100x128xf32, #tpu.memory_space<vmem>> -> memref<100x128xf32, #tpu.memory_space<vmem>>
      %dma_start3A_2099 = arith.constant 0 : i32
      %dma_start3A_2100 = tpu.memref_slice %arg5[%add3A_2093, %dma_start3A_2099] : memref<128x100xi32, #tpu.memory_space<vmem>> -> memref<1x100xi32, #tpu.memory_space<vmem>>
      %dma_start3A_2101 = tpu.memref_squeeze %dma_start3A_2100 : memref<1x100xi32, #tpu.memory_space<vmem>> -> memref<100xi32, #tpu.memory_space<vmem>>
      %dma_start3A_2102 = arith.constant 0 : i32
      %dma_start3A_2103 = arith.constant 0 : i32
      %dma_start3A_2104 = tpu.memref_slice %arg3[%dma_start3A_2102, %dma_start3A_2103] : memref<1000000x128xf32, #tpu.memory_space<hbm>> -> memref<1000000x128xf32, #tpu.memory_space<hbm>>
      tpu.enqueue_indirect_dma source(%dma_start3A_2104 : memref<1000000x128xf32, #tpu.memory_space<hbm>>) target(%dma_start3A_2098 : memref<100x128xf32, #tpu.memory_space<vmem>>) offsets(%dma_start3A_2101 : memref<100xi32, #tpu.memory_space<vmem>>) semaphore(%arg14 : memref<!tpu.dma_semaphore, #tpu.memory_space<semaphore_mem>>)
      %dma_wait3A_2105 = arith.constant 3 : i32
      %dma_wait3A_2106 = arith.constant 0 : i32
      %dma_wait3A_2107 = arith.constant 0 : i32
      %dma_wait3A_2108 = tpu.memref_slice %arg6[%dma_wait3A_2105, %dma_wait3A_2106, %dma_wait3A_2107] : memref<8x100x128xf32, #tpu.memory_space<vmem>> -> memref<1x100x128xf32, #tpu.memory_space<vmem>>
      %dma_wait3A_2109 = tpu.memref_squeeze %dma_wait3A_2108 : memref<1x100x128xf32, #tpu.memory_space<vmem>> -> memref<100x128xf32, #tpu.memory_space<vmem>>
      %dma_wait3A_2110 = arith.constant 0 : i32
      %dma_wait3A_2111 = arith.constant 0 : i32
      %dma_wait3A_2112 = tpu.memref_slice %arg3[%dma_wait3A_2110, %dma_wait3A_2111] : memref<1000000x128xf32, #tpu.memory_space<hbm>> -> memref<100x128xf32, #tpu.memory_space<hbm>>
      %dma_wait3A_2113 = arith.constant 0 : i32
      %dma_wait3A_2114 = arith.constant 0 : i32
      %dma_wait3A_2115 = tpu.memref_slice %arg6[%dma_wait3A_2105, %dma_wait3A_2113, %dma_wait3A_2114] : memref<8x100x128xf32, #tpu.memory_space<vmem>> -> memref<1x100x128xf32, #tpu.memory_space<vmem>>
      %dma_wait3A_2116 = tpu.memref_squeeze %dma_wait3A_2115 : memref<1x100x128xf32, #tpu.memory_space<vmem>> -> memref<100x128xf32, #tpu.memory_space<vmem>>
      %dma_wait3A_2117 = arith.constant 0 : i32
      %dma_wait3A_2118 = arith.constant 0 : i32
      %dma_wait3A_2119 = tpu.memref_slice %arg3[%dma_wait3A_2117, %dma_wait3A_2118] : memref<1000000x128xf32, #tpu.memory_space<hbm>> -> memref<100x128xf32, #tpu.memory_space<hbm>>
      tpu.wait_dma2 semaphore(%arg10 : memref<!tpu.dma_semaphore, #tpu.memory_space<semaphore_mem>>) src(%dma_wait3A_2119 : memref<100x128xf32, #tpu.memory_space<hbm>>) dst(%dma_wait3A_2116 : memref<100x128xf32, #tpu.memory_space<vmem>>)
      %add3A_2120 = arith.constant 128 : i32
      %add3A_2121 = arith.addi %add3A_2120, %add3A_2061 : i32
      %mul3A_2122 = arith.constant 112 : i32
      %mul3A_2123 = arith.muli %add3A_2121, %mul3A_2122 : i32
      %add3A_2124 = arith.addi %mul3A_2, %mul3A_2123 : i32
      %dma_start3A_2125 = arith.constant 3 : i32
      %dma_start3A_2126 = arith.constant 0 : i32
      %dma_start3A_2127 = arith.constant 0 : i32
      %dma_start3A_2128 = tpu.memref_slice %arg6[%dma_start3A_2125, %dma_start3A_2126, %dma_start3A_2127] : memref<8x100x128xf32, #tpu.memory_space<vmem>> -> memref<1x50x64xf32, #tpu.memory_space<vmem>>
      %dma_start3A_2129 = tpu.memref_squeeze %dma_start3A_2128 : memref<1x50x64xf32, #tpu.memory_space<vmem>> -> memref<50x64xf32, #tpu.memory_space<vmem>>
      %dma_start3A_2130 = arith.constant 0 : i32
      %dma_start3A_2131 = tpu.memref_slice %arg4[%add3A_2124, %dma_start3A_2130] : memref<917504x128xf32, #tpu.memory_space<hbm>> -> memref<50x64xf32, #tpu.memory_space<hbm>>
      %dma_start3A_2132 = arith.constant 0 : i32
      %dma_start3A_2133 = tpu.memref_slice %arg4[%add3A_2124, %dma_start3A_2132] : memref<917504x128xf32, #tpu.memory_space<hbm>> -> memref<50x64xf32, #tpu.memory_space<hbm>>
      %dma_start3A_2134 = arith.constant 0 : i32
      %dma_start3A_2135 = arith.constant 0 : i32
      %dma_start3A_2136 = tpu.memref_slice %arg6[%dma_start3A_2125, %dma_start3A_2134, %dma_start3A_2135] : memref<8x100x128xf32, #tpu.memory_space<vmem>> -> memref<1x50x64xf32, #tpu.memory_space<vmem>>
      %dma_start3A_2137 = tpu.memref_squeeze %dma_start3A_2136 : memref<1x50x64xf32, #tpu.memory_space<vmem>> -> memref<50x64xf32, #tpu.memory_space<vmem>>
      tpu.enqueue_dma source(%dma_start3A_2137 : memref<50x64xf32, #tpu.memory_space<vmem>>) target(%dma_start3A_2133 : memref<50x64xf32, #tpu.memory_space<hbm>>) target_semaphore(%arg18 : memref<!tpu.dma_semaphore, #tpu.memory_space<semaphore_mem>>)
      %add3A_2138 = arith.constant 56 : i32
      %add3A_2139 = arith.addi %add3A_2124, %add3A_2138 : i32
      %dma_start3A_2140 = arith.constant 3 : i32
      %dma_start3A_2141 = arith.constant 50 : i32
      %dma_start3A_2142 = arith.constant 0 : i32
      %dma_start3A_2143 = tpu.memref_slice %arg6[%dma_start3A_2140, %dma_start3A_2141, %dma_start3A_2142] : memref<8x100x128xf32, #tpu.memory_space<vmem>> -> memref<1x50x64xf32, #tpu.memory_space<vmem>>
      %dma_start3A_2144 = tpu.memref_squeeze %dma_start3A_2143 : memref<1x50x64xf32, #tpu.memory_space<vmem>> -> memref<50x64xf32, #tpu.memory_space<vmem>>
      %dma_start3A_2145 = arith.constant 0 : i32
      %dma_start3A_2146 = tpu.memref_slice %arg4[%add3A_2139, %dma_start3A_2145] : memref<917504x128xf32, #tpu.memory_space<hbm>> -> memref<50x64xf32, #tpu.memory_space<hbm>>
      %dma_start3A_2147 = arith.constant 0 : i32
      %dma_start3A_2148 = tpu.memref_slice %arg4[%add3A_2139, %dma_start3A_2147] : memref<917504x128xf32, #tpu.memory_space<hbm>> -> memref<50x64xf32, #tpu.memory_space<hbm>>
      %dma_start3A_2149 = arith.constant 50 : i32
      %dma_start3A_2150 = arith.constant 0 : i32
      %dma_start3A_2151 = tpu.memref_slice %arg6[%dma_start3A_2140, %dma_start3A_2149, %dma_start3A_2150] : memref<8x100x128xf32, #tpu.memory_space<vmem>> -> memref<1x50x64xf32, #tpu.memory_space<vmem>>
      %dma_start3A_2152 = tpu.memref_squeeze %dma_start3A_2151 : memref<1x50x64xf32, #tpu.memory_space<vmem>> -> memref<50x64xf32, #tpu.memory_space<vmem>>
      tpu.enqueue_dma source(%dma_start3A_2152 : memref<50x64xf32, #tpu.memory_space<vmem>>) target(%dma_start3A_2148 : memref<50x64xf32, #tpu.memory_space<hbm>>) target_semaphore(%arg18 : memref<!tpu.dma_semaphore, #tpu.memory_space<semaphore_mem>>)
    }
    %scan3A_983 = arith.constant 15 : i32
    %dma_wait3A_984 = arith.constant 0 : i32
    %dma_wait3A_985 = arith.constant 0 : i32
    %dma_wait3A_986 = arith.constant 0 : i32
    %dma_wait3A_987 = tpu.memref_slice %arg6[%dma_wait3A_984, %dma_wait3A_985, %dma_wait3A_986] : memref<8x100x128xf32, #tpu.memory_space<vmem>> -> memref<1x50x64xf32, #tpu.memory_space<vmem>>
    %dma_wait3A_988 = tpu.memref_squeeze %dma_wait3A_987 : memref<1x50x64xf32, #tpu.memory_space<vmem>> -> memref<50x64xf32, #tpu.memory_space<vmem>>
    %dma_wait3A_989 = arith.constant 0 : i32
    %dma_wait3A_990 = arith.constant 0 : i32
    %dma_wait3A_991 = tpu.memref_slice %arg4[%dma_wait3A_989, %dma_wait3A_990] : memref<917504x128xf32, #tpu.memory_space<hbm>> -> memref<50x64xf32, #tpu.memory_space<hbm>>
    %dma_wait3A_992 = arith.constant 0 : i32
    %dma_wait3A_993 = arith.constant 0 : i32
    %dma_wait3A_994 = tpu.memref_slice %arg4[%dma_wait3A_992, %dma_wait3A_993] : memref<917504x128xf32, #tpu.memory_space<hbm>> -> memref<50x64xf32, #tpu.memory_space<hbm>>
    %dma_wait3A_995 = arith.constant 0 : i32
    %dma_wait3A_996 = arith.constant 0 : i32
    %dma_wait3A_997 = tpu.memref_slice %arg6[%dma_wait3A_984, %dma_wait3A_995, %dma_wait3A_996] : memref<8x100x128xf32, #tpu.memory_space<vmem>> -> memref<1x50x64xf32, #tpu.memory_space<vmem>>
    %dma_wait3A_998 = tpu.memref_squeeze %dma_wait3A_997 : memref<1x50x64xf32, #tpu.memory_space<vmem>> -> memref<50x64xf32, #tpu.memory_space<vmem>>
    tpu.wait_dma2 semaphore(%arg15 : memref<!tpu.dma_semaphore, #tpu.memory_space<semaphore_mem>>) src(%dma_wait3A_998 : memref<50x64xf32, #tpu.memory_space<vmem>>) dst(%dma_wait3A_994 : memref<50x64xf32, #tpu.memory_space<hbm>>)
    %dma_wait3A_999 = arith.constant 0 : i32
    %dma_wait3A_1000 = arith.constant 0 : i32
    %dma_wait3A_1001 = arith.constant 0 : i32
    %dma_wait3A_1002 = tpu.memref_slice %arg6[%dma_wait3A_999, %dma_wait3A_1000, %dma_wait3A_1001] : memref<8x100x128xf32, #tpu.memory_space<vmem>> -> memref<1x50x64xf32, #tpu.memory_space<vmem>>
    %dma_wait3A_1003 = tpu.memref_squeeze %dma_wait3A_1002 : memref<1x50x64xf32, #tpu.memory_space<vmem>> -> memref<50x64xf32, #tpu.memory_space<vmem>>
    %dma_wait3A_1004 = arith.constant 0 : i32
    %dma_wait3A_1005 = arith.constant 0 : i32
    %dma_wait3A_1006 = tpu.memref_slice %arg4[%dma_wait3A_1004, %dma_wait3A_1005] : memref<917504x128xf32, #tpu.memory_space<hbm>> -> memref<50x64xf32, #tpu.memory_space<hbm>>
    %dma_wait3A_1007 = arith.constant 0 : i32
    %dma_wait3A_1008 = arith.constant 0 : i32
    %dma_wait3A_1009 = tpu.memref_slice %arg4[%dma_wait3A_1007, %dma_wait3A_1008] : memref<917504x128xf32, #tpu.memory_space<hbm>> -> memref<50x64xf32, #tpu.memory_space<hbm>>
    %dma_wait3A_1010 = arith.constant 0 : i32
    %dma_wait3A_1011 = arith.constant 0 : i32
    %dma_wait3A_1012 = tpu.memref_slice %arg6[%dma_wait3A_999, %dma_wait3A_1010, %dma_wait3A_1011] : memref<8x100x128xf32, #tpu.memory_space<vmem>> -> memref<1x50x64xf32, #tpu.memory_space<vmem>>
    %dma_wait3A_1013 = tpu.memref_squeeze %dma_wait3A_1012 : memref<1x50x64xf32, #tpu.memory_space<vmem>> -> memref<50x64xf32, #tpu.memory_space<vmem>>
    tpu.wait_dma2 semaphore(%arg15 : memref<!tpu.dma_semaphore, #tpu.memory_space<semaphore_mem>>) src(%dma_wait3A_1013 : memref<50x64xf32, #tpu.memory_space<vmem>>) dst(%dma_wait3A_1009 : memref<50x64xf32, #tpu.memory_space<hbm>>)
    %dma_wait3A_1014 = arith.constant 4 : i32
    %dma_wait3A_1015 = arith.constant 0 : i32
    %dma_wait3A_1016 = arith.constant 0 : i32
    %dma_wait3A_1017 = tpu.memref_slice %arg6[%dma_wait3A_1014, %dma_wait3A_1015, %dma_wait3A_1016] : memref<8x100x128xf32, #tpu.memory_space<vmem>> -> memref<1x100x128xf32, #tpu.memory_space<vmem>>
    %dma_wait3A_1018 = tpu.memref_squeeze %dma_wait3A_1017 : memref<1x100x128xf32, #tpu.memory_space<vmem>> -> memref<100x128xf32, #tpu.memory_space<vmem>>
    %dma_wait3A_1019 = arith.constant 0 : i32
    %dma_wait3A_1020 = arith.constant 0 : i32
    %dma_wait3A_1021 = tpu.memref_slice %arg3[%dma_wait3A_1019, %dma_wait3A_1020] : memref<1000000x128xf32, #tpu.memory_space<hbm>> -> memref<100x128xf32, #tpu.memory_space<hbm>>
    %dma_wait3A_1022 = arith.constant 0 : i32
    %dma_wait3A_1023 = arith.constant 0 : i32
    %dma_wait3A_1024 = tpu.memref_slice %arg6[%dma_wait3A_1014, %dma_wait3A_1022, %dma_wait3A_1023] : memref<8x100x128xf32, #tpu.memory_space<vmem>> -> memref<1x100x128xf32, #tpu.memory_space<vmem>>
    %dma_wait3A_1025 = tpu.memref_squeeze %dma_wait3A_1024 : memref<1x100x128xf32, #tpu.memory_space<vmem>> -> memref<100x128xf32, #tpu.memory_space<vmem>>
    %dma_wait3A_1026 = arith.constant 0 : i32
    %dma_wait3A_1027 = arith.constant 0 : i32
    %dma_wait3A_1028 = tpu.memref_slice %arg3[%dma_wait3A_1026, %dma_wait3A_1027] : memref<1000000x128xf32, #tpu.memory_space<hbm>> -> memref<100x128xf32, #tpu.memory_space<hbm>>
    tpu.wait_dma2 semaphore(%arg11 : memref<!tpu.dma_semaphore, #tpu.memory_space<semaphore_mem>>) src(%dma_wait3A_1028 : memref<100x128xf32, #tpu.memory_space<hbm>>) dst(%dma_wait3A_1025 : memref<100x128xf32, #tpu.memory_space<vmem>>)
    %add3A_1029 = arith.constant 28224 : i32
    %add3A_1030 = arith.addi %mul3A_2, %add3A_1029 : i32
    %dma_start3A_1031 = arith.constant 4 : i32
    %dma_start3A_1032 = arith.constant 0 : i32
    %dma_start3A_1033 = arith.constant 0 : i32
    %dma_start3A_1034 = tpu.memref_slice %arg6[%dma_start3A_1031, %dma_start3A_1032, %dma_start3A_1033] : memref<8x100x128xf32, #tpu.memory_space<vmem>> -> memref<1x50x64xf32, #tpu.memory_space<vmem>>
    %dma_start3A_1035 = tpu.memref_squeeze %dma_start3A_1034 : memref<1x50x64xf32, #tpu.memory_space<vmem>> -> memref<50x64xf32, #tpu.memory_space<vmem>>
    %dma_start3A_1036 = arith.constant 0 : i32
    %dma_start3A_1037 = tpu.memref_slice %arg4[%add3A_1030, %dma_start3A_1036] : memref<917504x128xf32, #tpu.memory_space<hbm>> -> memref<50x64xf32, #tpu.memory_space<hbm>>
    %dma_start3A_1038 = arith.constant 0 : i32
    %dma_start3A_1039 = tpu.memref_slice %arg4[%add3A_1030, %dma_start3A_1038] : memref<917504x128xf32, #tpu.memory_space<hbm>> -> memref<50x64xf32, #tpu.memory_space<hbm>>
    %dma_start3A_1040 = arith.constant 0 : i32
    %dma_start3A_1041 = arith.constant 0 : i32
    %dma_start3A_1042 = tpu.memref_slice %arg6[%dma_start3A_1031, %dma_start3A_1040, %dma_start3A_1041] : memref<8x100x128xf32, #tpu.memory_space<vmem>> -> memref<1x50x64xf32, #tpu.memory_space<vmem>>
    %dma_start3A_1043 = tpu.memref_squeeze %dma_start3A_1042 : memref<1x50x64xf32, #tpu.memory_space<vmem>> -> memref<50x64xf32, #tpu.memory_space<vmem>>
    tpu.enqueue_dma source(%dma_start3A_1043 : memref<50x64xf32, #tpu.memory_space<vmem>>) target(%dma_start3A_1039 : memref<50x64xf32, #tpu.memory_space<hbm>>) target_semaphore(%arg19 : memref<!tpu.dma_semaphore, #tpu.memory_space<semaphore_mem>>)
    %add3A_1044 = arith.constant 56 : i32
    %add3A_1045 = arith.addi %add3A_1030, %add3A_1044 : i32
    %dma_start3A_1046 = arith.constant 4 : i32
    %dma_start3A_1047 = arith.constant 50 : i32
    %dma_start3A_1048 = arith.constant 0 : i32
    %dma_start3A_1049 = tpu.memref_slice %arg6[%dma_start3A_1046, %dma_start3A_1047, %dma_start3A_1048] : memref<8x100x128xf32, #tpu.memory_space<vmem>> -> memref<1x50x64xf32, #tpu.memory_space<vmem>>
    %dma_start3A_1050 = tpu.memref_squeeze %dma_start3A_1049 : memref<1x50x64xf32, #tpu.memory_space<vmem>> -> memref<50x64xf32, #tpu.memory_space<vmem>>
    %dma_start3A_1051 = arith.constant 0 : i32
    %dma_start3A_1052 = tpu.memref_slice %arg4[%add3A_1045, %dma_start3A_1051] : memref<917504x128xf32, #tpu.memory_space<hbm>> -> memref<50x64xf32, #tpu.memory_space<hbm>>
    %dma_start3A_1053 = arith.constant 0 : i32
    %dma_start3A_1054 = tpu.memref_slice %arg4[%add3A_1045, %dma_start3A_1053] : memref<917504x128xf32, #tpu.memory_space<hbm>> -> memref<50x64xf32, #tpu.memory_space<hbm>>
    %dma_start3A_1055 = arith.constant 50 : i32
    %dma_start3A_1056 = arith.constant 0 : i32
    %dma_start3A_1057 = tpu.memref_slice %arg6[%dma_start3A_1046, %dma_start3A_1055, %dma_start3A_1056] : memref<8x100x128xf32, #tpu.memory_space<vmem>> -> memref<1x50x64xf32, #tpu.memory_space<vmem>>
    %dma_start3A_1058 = tpu.memref_squeeze %dma_start3A_1057 : memref<1x50x64xf32, #tpu.memory_space<vmem>> -> memref<50x64xf32, #tpu.memory_space<vmem>>
    tpu.enqueue_dma source(%dma_start3A_1058 : memref<50x64xf32, #tpu.memory_space<vmem>>) target(%dma_start3A_1054 : memref<50x64xf32, #tpu.memory_space<hbm>>) target_semaphore(%arg19 : memref<!tpu.dma_semaphore, #tpu.memory_space<semaphore_mem>>)
    %dma_wait3A_1059 = arith.constant 1 : i32
    %dma_wait3A_1060 = arith.constant 0 : i32
    %dma_wait3A_1061 = arith.constant 0 : i32
    %dma_wait3A_1062 = tpu.memref_slice %arg6[%dma_wait3A_1059, %dma_wait3A_1060, %dma_wait3A_1061] : memref<8x100x128xf32, #tpu.memory_space<vmem>> -> memref<1x50x64xf32, #tpu.memory_space<vmem>>
    %dma_wait3A_1063 = tpu.memref_squeeze %dma_wait3A_1062 : memref<1x50x64xf32, #tpu.memory_space<vmem>> -> memref<50x64xf32, #tpu.memory_space<vmem>>
    %dma_wait3A_1064 = arith.constant 0 : i32
    %dma_wait3A_1065 = arith.constant 0 : i32
    %dma_wait3A_1066 = tpu.memref_slice %arg4[%dma_wait3A_1064, %dma_wait3A_1065] : memref<917504x128xf32, #tpu.memory_space<hbm>> -> memref<50x64xf32, #tpu.memory_space<hbm>>
    %dma_wait3A_1067 = arith.constant 0 : i32
    %dma_wait3A_1068 = arith.constant 0 : i32
    %dma_wait3A_1069 = tpu.memref_slice %arg4[%dma_wait3A_1067, %dma_wait3A_1068] : memref<917504x128xf32, #tpu.memory_space<hbm>> -> memref<50x64xf32, #tpu.memory_space<hbm>>
    %dma_wait3A_1070 = arith.constant 0 : i32
    %dma_wait3A_1071 = arith.constant 0 : i32
    %dma_wait3A_1072 = tpu.memref_slice %arg6[%dma_wait3A_1059, %dma_wait3A_1070, %dma_wait3A_1071] : memref<8x100x128xf32, #tpu.memory_space<vmem>> -> memref<1x50x64xf32, #tpu.memory_space<vmem>>
    %dma_wait3A_1073 = tpu.memref_squeeze %dma_wait3A_1072 : memref<1x50x64xf32, #tpu.memory_space<vmem>> -> memref<50x64xf32, #tpu.memory_space<vmem>>
    tpu.wait_dma2 semaphore(%arg16 : memref<!tpu.dma_semaphore, #tpu.memory_space<semaphore_mem>>) src(%dma_wait3A_1073 : memref<50x64xf32, #tpu.memory_space<vmem>>) dst(%dma_wait3A_1069 : memref<50x64xf32, #tpu.memory_space<hbm>>)
    %dma_wait3A_1074 = arith.constant 1 : i32
    %dma_wait3A_1075 = arith.constant 0 : i32
    %dma_wait3A_1076 = arith.constant 0 : i32
    %dma_wait3A_1077 = tpu.memref_slice %arg6[%dma_wait3A_1074, %dma_wait3A_1075, %dma_wait3A_1076] : memref<8x100x128xf32, #tpu.memory_space<vmem>> -> memref<1x50x64xf32, #tpu.memory_space<vmem>>
    %dma_wait3A_1078 = tpu.memref_squeeze %dma_wait3A_1077 : memref<1x50x64xf32, #tpu.memory_space<vmem>> -> memref<50x64xf32, #tpu.memory_space<vmem>>
    %dma_wait3A_1079 = arith.constant 0 : i32
    %dma_wait3A_1080 = arith.constant 0 : i32
    %dma_wait3A_1081 = tpu.memref_slice %arg4[%dma_wait3A_1079, %dma_wait3A_1080] : memref<917504x128xf32, #tpu.memory_space<hbm>> -> memref<50x64xf32, #tpu.memory_space<hbm>>
    %dma_wait3A_1082 = arith.constant 0 : i32
    %dma_wait3A_1083 = arith.constant 0 : i32
    %dma_wait3A_1084 = tpu.memref_slice %arg4[%dma_wait3A_1082, %dma_wait3A_1083] : memref<917504x128xf32, #tpu.memory_space<hbm>> -> memref<50x64xf32, #tpu.memory_space<hbm>>
    %dma_wait3A_1085 = arith.constant 0 : i32
    %dma_wait3A_1086 = arith.constant 0 : i32
    %dma_wait3A_1087 = tpu.memref_slice %arg6[%dma_wait3A_1074, %dma_wait3A_1085, %dma_wait3A_1086] : memref<8x100x128xf32, #tpu.memory_space<vmem>> -> memref<1x50x64xf32, #tpu.memory_space<vmem>>
    %dma_wait3A_1088 = tpu.memref_squeeze %dma_wait3A_1087 : memref<1x50x64xf32, #tpu.memory_space<vmem>> -> memref<50x64xf32, #tpu.memory_space<vmem>>
    tpu.wait_dma2 semaphore(%arg16 : memref<!tpu.dma_semaphore, #tpu.memory_space<semaphore_mem>>) src(%dma_wait3A_1088 : memref<50x64xf32, #tpu.memory_space<vmem>>) dst(%dma_wait3A_1084 : memref<50x64xf32, #tpu.memory_space<hbm>>)
    %dma_wait3A_1089 = arith.constant 5 : i32
    %dma_wait3A_1090 = arith.constant 0 : i32
    %dma_wait3A_1091 = arith.constant 0 : i32
    %dma_wait3A_1092 = tpu.memref_slice %arg6[%dma_wait3A_1089, %dma_wait3A_1090, %dma_wait3A_1091] : memref<8x100x128xf32, #tpu.memory_space<vmem>> -> memref<1x100x128xf32, #tpu.memory_space<vmem>>
    %dma_wait3A_1093 = tpu.memref_squeeze %dma_wait3A_1092 : memref<1x100x128xf32, #tpu.memory_space<vmem>> -> memref<100x128xf32, #tpu.memory_space<vmem>>
    %dma_wait3A_1094 = arith.constant 0 : i32
    %dma_wait3A_1095 = arith.constant 0 : i32
    %dma_wait3A_1096 = tpu.memref_slice %arg3[%dma_wait3A_1094, %dma_wait3A_1095] : memref<1000000x128xf32, #tpu.memory_space<hbm>> -> memref<100x128xf32, #tpu.memory_space<hbm>>
    %dma_wait3A_1097 = arith.constant 0 : i32
    %dma_wait3A_1098 = arith.constant 0 : i32
    %dma_wait3A_1099 = tpu.memref_slice %arg6[%dma_wait3A_1089, %dma_wait3A_1097, %dma_wait3A_1098] : memref<8x100x128xf32, #tpu.memory_space<vmem>> -> memref<1x100x128xf32, #tpu.memory_space<vmem>>
    %dma_wait3A_1100 = tpu.memref_squeeze %dma_wait3A_1099 : memref<1x100x128xf32, #tpu.memory_space<vmem>> -> memref<100x128xf32, #tpu.memory_space<vmem>>
    %dma_wait3A_1101 = arith.constant 0 : i32
    %dma_wait3A_1102 = arith.constant 0 : i32
    %dma_wait3A_1103 = tpu.memref_slice %arg3[%dma_wait3A_1101, %dma_wait3A_1102] : memref<1000000x128xf32, #tpu.memory_space<hbm>> -> memref<100x128xf32, #tpu.memory_space<hbm>>
    tpu.wait_dma2 semaphore(%arg12 : memref<!tpu.dma_semaphore, #tpu.memory_space<semaphore_mem>>) src(%dma_wait3A_1103 : memref<100x128xf32, #tpu.memory_space<hbm>>) dst(%dma_wait3A_1100 : memref<100x128xf32, #tpu.memory_space<vmem>>)
    %add3A_1104 = arith.constant 28336 : i32
    %add3A_1105 = arith.addi %mul3A_2, %add3A_1104 : i32
    %dma_start3A_1106 = arith.constant 5 : i32
    %dma_start3A_1107 = arith.constant 0 : i32
    %dma_start3A_1108 = arith.constant 0 : i32
    %dma_start3A_1109 = tpu.memref_slice %arg6[%dma_start3A_1106, %dma_start3A_1107, %dma_start3A_1108] : memref<8x100x128xf32, #tpu.memory_space<vmem>> -> memref<1x50x64xf32, #tpu.memory_space<vmem>>
    %dma_start3A_1110 = tpu.memref_squeeze %dma_start3A_1109 : memref<1x50x64xf32, #tpu.memory_space<vmem>> -> memref<50x64xf32, #tpu.memory_space<vmem>>
    %dma_start3A_1111 = arith.constant 0 : i32
    %dma_start3A_1112 = tpu.memref_slice %arg4[%add3A_1105, %dma_start3A_1111] : memref<917504x128xf32, #tpu.memory_space<hbm>> -> memref<50x64xf32, #tpu.memory_space<hbm>>
    %dma_start3A_1113 = arith.constant 0 : i32
    %dma_start3A_1114 = tpu.memref_slice %arg4[%add3A_1105, %dma_start3A_1113] : memref<917504x128xf32, #tpu.memory_space<hbm>> -> memref<50x64xf32, #tpu.memory_space<hbm>>
    %dma_start3A_1115 = arith.constant 0 : i32
    %dma_start3A_1116 = arith.constant 0 : i32
    %dma_start3A_1117 = tpu.memref_slice %arg6[%dma_start3A_1106, %dma_start3A_1115, %dma_start3A_1116] : memref<8x100x128xf32, #tpu.memory_space<vmem>> -> memref<1x50x64xf32, #tpu.memory_space<vmem>>
    %dma_start3A_1118 = tpu.memref_squeeze %dma_start3A_1117 : memref<1x50x64xf32, #tpu.memory_space<vmem>> -> memref<50x64xf32, #tpu.memory_space<vmem>>
    tpu.enqueue_dma source(%dma_start3A_1118 : memref<50x64xf32, #tpu.memory_space<vmem>>) target(%dma_start3A_1114 : memref<50x64xf32, #tpu.memory_space<hbm>>) target_semaphore(%arg20 : memref<!tpu.dma_semaphore, #tpu.memory_space<semaphore_mem>>)
    %add3A_1119 = arith.constant 56 : i32
    %add3A_1120 = arith.addi %add3A_1105, %add3A_1119 : i32
    %dma_start3A_1121 = arith.constant 5 : i32
    %dma_start3A_1122 = arith.constant 50 : i32
    %dma_start3A_1123 = arith.constant 0 : i32
    %dma_start3A_1124 = tpu.memref_slice %arg6[%dma_start3A_1121, %dma_start3A_1122, %dma_start3A_1123] : memref<8x100x128xf32, #tpu.memory_space<vmem>> -> memref<1x50x64xf32, #tpu.memory_space<vmem>>
    %dma_start3A_1125 = tpu.memref_squeeze %dma_start3A_1124 : memref<1x50x64xf32, #tpu.memory_space<vmem>> -> memref<50x64xf32, #tpu.memory_space<vmem>>
    %dma_start3A_1126 = arith.constant 0 : i32
    %dma_start3A_1127 = tpu.memref_slice %arg4[%add3A_1120, %dma_start3A_1126] : memref<917504x128xf32, #tpu.memory_space<hbm>> -> memref<50x64xf32, #tpu.memory_space<hbm>>
    %dma_start3A_1128 = arith.constant 0 : i32
    %dma_start3A_1129 = tpu.memref_slice %arg4[%add3A_1120, %dma_start3A_1128] : memref<917504x128xf32, #tpu.memory_space<hbm>> -> memref<50x64xf32, #tpu.memory_space<hbm>>
    %dma_start3A_1130 = arith.constant 50 : i32
    %dma_start3A_1131 = arith.constant 0 : i32
    %dma_start3A_1132 = tpu.memref_slice %arg6[%dma_start3A_1121, %dma_start3A_1130, %dma_start3A_1131] : memref<8x100x128xf32, #tpu.memory_space<vmem>> -> memref<1x50x64xf32, #tpu.memory_space<vmem>>
    %dma_start3A_1133 = tpu.memref_squeeze %dma_start3A_1132 : memref<1x50x64xf32, #tpu.memory_space<vmem>> -> memref<50x64xf32, #tpu.memory_space<vmem>>
    tpu.enqueue_dma source(%dma_start3A_1133 : memref<50x64xf32, #tpu.memory_space<vmem>>) target(%dma_start3A_1129 : memref<50x64xf32, #tpu.memory_space<hbm>>) target_semaphore(%arg20 : memref<!tpu.dma_semaphore, #tpu.memory_space<semaphore_mem>>)
    %dma_wait3A_1134 = arith.constant 2 : i32
    %dma_wait3A_1135 = arith.constant 0 : i32
    %dma_wait3A_1136 = arith.constant 0 : i32
    %dma_wait3A_1137 = tpu.memref_slice %arg6[%dma_wait3A_1134, %dma_wait3A_1135, %dma_wait3A_1136] : memref<8x100x128xf32, #tpu.memory_space<vmem>> -> memref<1x50x64xf32, #tpu.memory_space<vmem>>
    %dma_wait3A_1138 = tpu.memref_squeeze %dma_wait3A_1137 : memref<1x50x64xf32, #tpu.memory_space<vmem>> -> memref<50x64xf32, #tpu.memory_space<vmem>>
    %dma_wait3A_1139 = arith.constant 0 : i32
    %dma_wait3A_1140 = arith.constant 0 : i32
    %dma_wait3A_1141 = tpu.memref_slice %arg4[%dma_wait3A_1139, %dma_wait3A_1140] : memref<917504x128xf32, #tpu.memory_space<hbm>> -> memref<50x64xf32, #tpu.memory_space<hbm>>
    %dma_wait3A_1142 = arith.constant 0 : i32
    %dma_wait3A_1143 = arith.constant 0 : i32
    %dma_wait3A_1144 = tpu.memref_slice %arg4[%dma_wait3A_1142, %dma_wait3A_1143] : memref<917504x128xf32, #tpu.memory_space<hbm>> -> memref<50x64xf32, #tpu.memory_space<hbm>>
    %dma_wait3A_1145 = arith.constant 0 : i32
    %dma_wait3A_1146 = arith.constant 0 : i32
    %dma_wait3A_1147 = tpu.memref_slice %arg6[%dma_wait3A_1134, %dma_wait3A_1145, %dma_wait3A_1146] : memref<8x100x128xf32, #tpu.memory_space<vmem>> -> memref<1x50x64xf32, #tpu.memory_space<vmem>>
    %dma_wait3A_1148 = tpu.memref_squeeze %dma_wait3A_1147 : memref<1x50x64xf32, #tpu.memory_space<vmem>> -> memref<50x64xf32, #tpu.memory_space<vmem>>
    tpu.wait_dma2 semaphore(%arg17 : memref<!tpu.dma_semaphore, #tpu.memory_space<semaphore_mem>>) src(%dma_wait3A_1148 : memref<50x64xf32, #tpu.memory_space<vmem>>) dst(%dma_wait3A_1144 : memref<50x64xf32, #tpu.memory_space<hbm>>)
    %dma_wait3A_1149 = arith.constant 2 : i32
    %dma_wait3A_1150 = arith.constant 0 : i32
    %dma_wait3A_1151 = arith.constant 0 : i32
    %dma_wait3A_1152 = tpu.memref_slice %arg6[%dma_wait3A_1149, %dma_wait3A_1150, %dma_wait3A_1151] : memref<8x100x128xf32, #tpu.memory_space<vmem>> -> memref<1x50x64xf32, #tpu.memory_space<vmem>>
    %dma_wait3A_1153 = tpu.memref_squeeze %dma_wait3A_1152 : memref<1x50x64xf32, #tpu.memory_space<vmem>> -> memref<50x64xf32, #tpu.memory_space<vmem>>
    %dma_wait3A_1154 = arith.constant 0 : i32
    %dma_wait3A_1155 = arith.constant 0 : i32
    %dma_wait3A_1156 = tpu.memref_slice %arg4[%dma_wait3A_1154, %dma_wait3A_1155] : memref<917504x128xf32, #tpu.memory_space<hbm>> -> memref<50x64xf32, #tpu.memory_space<hbm>>
    %dma_wait3A_1157 = arith.constant 0 : i32
    %dma_wait3A_1158 = arith.constant 0 : i32
    %dma_wait3A_1159 = tpu.memref_slice %arg4[%dma_wait3A_1157, %dma_wait3A_1158] : memref<917504x128xf32, #tpu.memory_space<hbm>> -> memref<50x64xf32, #tpu.memory_space<hbm>>
    %dma_wait3A_1160 = arith.constant 0 : i32
    %dma_wait3A_1161 = arith.constant 0 : i32
    %dma_wait3A_1162 = tpu.memref_slice %arg6[%dma_wait3A_1149, %dma_wait3A_1160, %dma_wait3A_1161] : memref<8x100x128xf32, #tpu.memory_space<vmem>> -> memref<1x50x64xf32, #tpu.memory_space<vmem>>
    %dma_wait3A_1163 = tpu.memref_squeeze %dma_wait3A_1162 : memref<1x50x64xf32, #tpu.memory_space<vmem>> -> memref<50x64xf32, #tpu.memory_space<vmem>>
    tpu.wait_dma2 semaphore(%arg17 : memref<!tpu.dma_semaphore, #tpu.memory_space<semaphore_mem>>) src(%dma_wait3A_1163 : memref<50x64xf32, #tpu.memory_space<vmem>>) dst(%dma_wait3A_1159 : memref<50x64xf32, #tpu.memory_space<hbm>>)
    %dma_wait3A_1164 = arith.constant 6 : i32
    %dma_wait3A_1165 = arith.constant 0 : i32
    %dma_wait3A_1166 = arith.constant 0 : i32
    %dma_wait3A_1167 = tpu.memref_slice %arg6[%dma_wait3A_1164, %dma_wait3A_1165, %dma_wait3A_1166] : memref<8x100x128xf32, #tpu.memory_space<vmem>> -> memref<1x100x128xf32, #tpu.memory_space<vmem>>
    %dma_wait3A_1168 = tpu.memref_squeeze %dma_wait3A_1167 : memref<1x100x128xf32, #tpu.memory_space<vmem>> -> memref<100x128xf32, #tpu.memory_space<vmem>>
    %dma_wait3A_1169 = arith.constant 0 : i32
    %dma_wait3A_1170 = arith.constant 0 : i32
    %dma_wait3A_1171 = tpu.memref_slice %arg3[%dma_wait3A_1169, %dma_wait3A_1170] : memref<1000000x128xf32, #tpu.memory_space<hbm>> -> memref<100x128xf32, #tpu.memory_space<hbm>>
    %dma_wait3A_1172 = arith.constant 0 : i32
    %dma_wait3A_1173 = arith.constant 0 : i32
    %dma_wait3A_1174 = tpu.memref_slice %arg6[%dma_wait3A_1164, %dma_wait3A_1172, %dma_wait3A_1173] : memref<8x100x128xf32, #tpu.memory_space<vmem>> -> memref<1x100x128xf32, #tpu.memory_space<vmem>>
    %dma_wait3A_1175 = tpu.memref_squeeze %dma_wait3A_1174 : memref<1x100x128xf32, #tpu.memory_space<vmem>> -> memref<100x128xf32, #tpu.memory_space<vmem>>
    %dma_wait3A_1176 = arith.constant 0 : i32
    %dma_wait3A_1177 = arith.constant 0 : i32
    %dma_wait3A_1178 = tpu.memref_slice %arg3[%dma_wait3A_1176, %dma_wait3A_1177] : memref<1000000x128xf32, #tpu.memory_space<hbm>> -> memref<100x128xf32, #tpu.memory_space<hbm>>
    tpu.wait_dma2 semaphore(%arg13 : memref<!tpu.dma_semaphore, #tpu.memory_space<semaphore_mem>>) src(%dma_wait3A_1178 : memref<100x128xf32, #tpu.memory_space<hbm>>) dst(%dma_wait3A_1175 : memref<100x128xf32, #tpu.memory_space<vmem>>)
    %add3A_1179 = arith.constant 28448 : i32
    %add3A_1180 = arith.addi %mul3A_2, %add3A_1179 : i32
    %dma_start3A_1181 = arith.constant 6 : i32
    %dma_start3A_1182 = arith.constant 0 : i32
    %dma_start3A_1183 = arith.constant 0 : i32
    %dma_start3A_1184 = tpu.memref_slice %arg6[%dma_start3A_1181, %dma_start3A_1182, %dma_start3A_1183] : memref<8x100x128xf32, #tpu.memory_space<vmem>> -> memref<1x50x64xf32, #tpu.memory_space<vmem>>
    %dma_start3A_1185 = tpu.memref_squeeze %dma_start3A_1184 : memref<1x50x64xf32, #tpu.memory_space<vmem>> -> memref<50x64xf32, #tpu.memory_space<vmem>>
    %dma_start3A_1186 = arith.constant 0 : i32
    %dma_start3A_1187 = tpu.memref_slice %arg4[%add3A_1180, %dma_start3A_1186] : memref<917504x128xf32, #tpu.memory_space<hbm>> -> memref<50x64xf32, #tpu.memory_space<hbm>>
    %dma_start3A_1188 = arith.constant 0 : i32
    %dma_start3A_1189 = tpu.memref_slice %arg4[%add3A_1180, %dma_start3A_1188] : memref<917504x128xf32, #tpu.memory_space<hbm>> -> memref<50x64xf32, #tpu.memory_space<hbm>>
    %dma_start3A_1190 = arith.constant 0 : i32
    %dma_start3A_1191 = arith.constant 0 : i32
    %dma_start3A_1192 = tpu.memref_slice %arg6[%dma_start3A_1181, %dma_start3A_1190, %dma_start3A_1191] : memref<8x100x128xf32, #tpu.memory_space<vmem>> -> memref<1x50x64xf32, #tpu.memory_space<vmem>>
    %dma_start3A_1193 = tpu.memref_squeeze %dma_start3A_1192 : memref<1x50x64xf32, #tpu.memory_space<vmem>> -> memref<50x64xf32, #tpu.memory_space<vmem>>
    tpu.enqueue_dma source(%dma_start3A_1193 : memref<50x64xf32, #tpu.memory_space<vmem>>) target(%dma_start3A_1189 : memref<50x64xf32, #tpu.memory_space<hbm>>) target_semaphore(%arg21 : memref<!tpu.dma_semaphore, #tpu.memory_space<semaphore_mem>>)
    %add3A_1194 = arith.constant 56 : i32
    %add3A_1195 = arith.addi %add3A_1180, %add3A_1194 : i32
    %dma_start3A_1196 = arith.constant 6 : i32
    %dma_start3A_1197 = arith.constant 50 : i32
    %dma_start3A_1198 = arith.constant 0 : i32
    %dma_start3A_1199 = tpu.memref_slice %arg6[%dma_start3A_1196, %dma_start3A_1197, %dma_start3A_1198] : memref<8x100x128xf32, #tpu.memory_space<vmem>> -> memref<1x50x64xf32, #tpu.memory_space<vmem>>
    %dma_start3A_1200 = tpu.memref_squeeze %dma_start3A_1199 : memref<1x50x64xf32, #tpu.memory_space<vmem>> -> memref<50x64xf32, #tpu.memory_space<vmem>>
    %dma_start3A_1201 = arith.constant 0 : i32
    %dma_start3A_1202 = tpu.memref_slice %arg4[%add3A_1195, %dma_start3A_1201] : memref<917504x128xf32, #tpu.memory_space<hbm>> -> memref<50x64xf32, #tpu.memory_space<hbm>>
    %dma_start3A_1203 = arith.constant 0 : i32
    %dma_start3A_1204 = tpu.memref_slice %arg4[%add3A_1195, %dma_start3A_1203] : memref<917504x128xf32, #tpu.memory_space<hbm>> -> memref<50x64xf32, #tpu.memory_space<hbm>>
    %dma_start3A_1205 = arith.constant 50 : i32
    %dma_start3A_1206 = arith.constant 0 : i32
    %dma_start3A_1207 = tpu.memref_slice %arg6[%dma_start3A_1196, %dma_start3A_1205, %dma_start3A_1206] : memref<8x100x128xf32, #tpu.memory_space<vmem>> -> memref<1x50x64xf32, #tpu.memory_space<vmem>>
    %dma_start3A_1208 = tpu.memref_squeeze %dma_start3A_1207 : memref<1x50x64xf32, #tpu.memory_space<vmem>> -> memref<50x64xf32, #tpu.memory_space<vmem>>
    tpu.enqueue_dma source(%dma_start3A_1208 : memref<50x64xf32, #tpu.memory_space<vmem>>) target(%dma_start3A_1204 : memref<50x64xf32, #tpu.memory_space<hbm>>) target_semaphore(%arg21 : memref<!tpu.dma_semaphore, #tpu.memory_space<semaphore_mem>>)
    %dma_wait3A_1209 = arith.constant 3 : i32
    %dma_wait3A_1210 = arith.constant 0 : i32
    %dma_wait3A_1211 = arith.constant 0 : i32
    %dma_wait3A_1212 = tpu.memref_slice %arg6[%dma_wait3A_1209, %dma_wait3A_1210, %dma_wait3A_1211] : memref<8x100x128xf32, #tpu.memory_space<vmem>> -> memref<1x50x64xf32, #tpu.memory_space<vmem>>
    %dma_wait3A_1213 = tpu.memref_squeeze %dma_wait3A_1212 : memref<1x50x64xf32, #tpu.memory_space<vmem>> -> memref<50x64xf32, #tpu.memory_space<vmem>>
    %dma_wait3A_1214 = arith.constant 0 : i32
    %dma_wait3A_1215 = arith.constant 0 : i32
    %dma_wait3A_1216 = tpu.memref_slice %arg4[%dma_wait3A_1214, %dma_wait3A_1215] : memref<917504x128xf32, #tpu.memory_space<hbm>> -> memref<50x64xf32, #tpu.memory_space<hbm>>
    %dma_wait3A_1217 = arith.constant 0 : i32
    %dma_wait3A_1218 = arith.constant 0 : i32
    %dma_wait3A_1219 = tpu.memref_slice %arg4[%dma_wait3A_1217, %dma_wait3A_1218] : memref<917504x128xf32, #tpu.memory_space<hbm>> -> memref<50x64xf32, #tpu.memory_space<hbm>>
    %dma_wait3A_1220 = arith.constant 0 : i32
    %dma_wait3A_1221 = arith.constant 0 : i32
    %dma_wait3A_1222 = tpu.memref_slice %arg6[%dma_wait3A_1209, %dma_wait3A_1220, %dma_wait3A_1221] : memref<8x100x128xf32, #tpu.memory_space<vmem>> -> memref<1x50x64xf32, #tpu.memory_space<vmem>>
    %dma_wait3A_1223 = tpu.memref_squeeze %dma_wait3A_1222 : memref<1x50x64xf32, #tpu.memory_space<vmem>> -> memref<50x64xf32, #tpu.memory_space<vmem>>
    tpu.wait_dma2 semaphore(%arg18 : memref<!tpu.dma_semaphore, #tpu.memory_space<semaphore_mem>>) src(%dma_wait3A_1223 : memref<50x64xf32, #tpu.memory_space<vmem>>) dst(%dma_wait3A_1219 : memref<50x64xf32, #tpu.memory_space<hbm>>)
    %dma_wait3A_1224 = arith.constant 3 : i32
    %dma_wait3A_1225 = arith.constant 0 : i32
    %dma_wait3A_1226 = arith.constant 0 : i32
    %dma_wait3A_1227 = tpu.memref_slice %arg6[%dma_wait3A_1224, %dma_wait3A_1225, %dma_wait3A_1226] : memref<8x100x128xf32, #tpu.memory_space<vmem>> -> memref<1x50x64xf32, #tpu.memory_space<vmem>>
    %dma_wait3A_1228 = tpu.memref_squeeze %dma_wait3A_1227 : memref<1x50x64xf32, #tpu.memory_space<vmem>> -> memref<50x64xf32, #tpu.memory_space<vmem>>
    %dma_wait3A_1229 = arith.constant 0 : i32
    %dma_wait3A_1230 = arith.constant 0 : i32
    %dma_wait3A_1231 = tpu.memref_slice %arg4[%dma_wait3A_1229, %dma_wait3A_1230] : memref<917504x128xf32, #tpu.memory_space<hbm>> -> memref<50x64xf32, #tpu.memory_space<hbm>>
    %dma_wait3A_1232 = arith.constant 0 : i32
    %dma_wait3A_1233 = arith.constant 0 : i32
    %dma_wait3A_1234 = tpu.memref_slice %arg4[%dma_wait3A_1232, %dma_wait3A_1233] : memref<917504x128xf32, #tpu.memory_space<hbm>> -> memref<50x64xf32, #tpu.memory_space<hbm>>
    %dma_wait3A_1235 = arith.constant 0 : i32
    %dma_wait3A_1236 = arith.constant 0 : i32
    %dma_wait3A_1237 = tpu.memref_slice %arg6[%dma_wait3A_1224, %dma_wait3A_1235, %dma_wait3A_1236] : memref<8x100x128xf32, #tpu.memory_space<vmem>> -> memref<1x50x64xf32, #tpu.memory_space<vmem>>
    %dma_wait3A_1238 = tpu.memref_squeeze %dma_wait3A_1237 : memref<1x50x64xf32, #tpu.memory_space<vmem>> -> memref<50x64xf32, #tpu.memory_space<vmem>>
    tpu.wait_dma2 semaphore(%arg18 : memref<!tpu.dma_semaphore, #tpu.memory_space<semaphore_mem>>) src(%dma_wait3A_1238 : memref<50x64xf32, #tpu.memory_space<vmem>>) dst(%dma_wait3A_1234 : memref<50x64xf32, #tpu.memory_space<hbm>>)
    %dma_wait3A_1239 = arith.constant 7 : i32
    %dma_wait3A_1240 = arith.constant 0 : i32
    %dma_wait3A_1241 = arith.constant 0 : i32
    %dma_wait3A_1242 = tpu.memref_slice %arg6[%dma_wait3A_1239, %dma_wait3A_1240, %dma_wait3A_1241] : memref<8x100x128xf32, #tpu.memory_space<vmem>> -> memref<1x100x128xf32, #tpu.memory_space<vmem>>
    %dma_wait3A_1243 = tpu.memref_squeeze %dma_wait3A_1242 : memref<1x100x128xf32, #tpu.memory_space<vmem>> -> memref<100x128xf32, #tpu.memory_space<vmem>>
    %dma_wait3A_1244 = arith.constant 0 : i32
    %dma_wait3A_1245 = arith.constant 0 : i32
    %dma_wait3A_1246 = tpu.memref_slice %arg3[%dma_wait3A_1244, %dma_wait3A_1245] : memref<1000000x128xf32, #tpu.memory_space<hbm>> -> memref<100x128xf32, #tpu.memory_space<hbm>>
    %dma_wait3A_1247 = arith.constant 0 : i32
    %dma_wait3A_1248 = arith.constant 0 : i32
    %dma_wait3A_1249 = tpu.memref_slice %arg6[%dma_wait3A_1239, %dma_wait3A_1247, %dma_wait3A_1248] : memref<8x100x128xf32, #tpu.memory_space<vmem>> -> memref<1x100x128xf32, #tpu.memory_space<vmem>>
    %dma_wait3A_1250 = tpu.memref_squeeze %dma_wait3A_1249 : memref<1x100x128xf32, #tpu.memory_space<vmem>> -> memref<100x128xf32, #tpu.memory_space<vmem>>
    %dma_wait3A_1251 = arith.constant 0 : i32
    %dma_wait3A_1252 = arith.constant 0 : i32
    %dma_wait3A_1253 = tpu.memref_slice %arg3[%dma_wait3A_1251, %dma_wait3A_1252] : memref<1000000x128xf32, #tpu.memory_space<hbm>> -> memref<100x128xf32, #tpu.memory_space<hbm>>
    tpu.wait_dma2 semaphore(%arg14 : memref<!tpu.dma_semaphore, #tpu.memory_space<semaphore_mem>>) src(%dma_wait3A_1253 : memref<100x128xf32, #tpu.memory_space<hbm>>) dst(%dma_wait3A_1250 : memref<100x128xf32, #tpu.memory_space<vmem>>)
    %add3A_1254 = arith.constant 28560 : i32
    %add3A_1255 = arith.addi %mul3A_2, %add3A_1254 : i32
    %dma_start3A_1256 = arith.constant 7 : i32
    %dma_start3A_1257 = arith.constant 0 : i32
    %dma_start3A_1258 = arith.constant 0 : i32
    %dma_start3A_1259 = tpu.memref_slice %arg6[%dma_start3A_1256, %dma_start3A_1257, %dma_start3A_1258] : memref<8x100x128xf32, #tpu.memory_space<vmem>> -> memref<1x50x64xf32, #tpu.memory_space<vmem>>
    %dma_start3A_1260 = tpu.memref_squeeze %dma_start3A_1259 : memref<1x50x64xf32, #tpu.memory_space<vmem>> -> memref<50x64xf32, #tpu.memory_space<vmem>>
    %dma_start3A_1261 = arith.constant 0 : i32
    %dma_start3A_1262 = tpu.memref_slice %arg4[%add3A_1255, %dma_start3A_1261] : memref<917504x128xf32, #tpu.memory_space<hbm>> -> memref<50x64xf32, #tpu.memory_space<hbm>>
    %dma_start3A_1263 = arith.constant 0 : i32
    %dma_start3A_1264 = tpu.memref_slice %arg4[%add3A_1255, %dma_start3A_1263] : memref<917504x128xf32, #tpu.memory_space<hbm>> -> memref<50x64xf32, #tpu.memory_space<hbm>>
    %dma_start3A_1265 = arith.constant 0 : i32
    %dma_start3A_1266 = arith.constant 0 : i32
    %dma_start3A_1267 = tpu.memref_slice %arg6[%dma_start3A_1256, %dma_start3A_1265, %dma_start3A_1266] : memref<8x100x128xf32, #tpu.memory_space<vmem>> -> memref<1x50x64xf32, #tpu.memory_space<vmem>>
    %dma_start3A_1268 = tpu.memref_squeeze %dma_start3A_1267 : memref<1x50x64xf32, #tpu.memory_space<vmem>> -> memref<50x64xf32, #tpu.memory_space<vmem>>
    tpu.enqueue_dma source(%dma_start3A_1268 : memref<50x64xf32, #tpu.memory_space<vmem>>) target(%dma_start3A_1264 : memref<50x64xf32, #tpu.memory_space<hbm>>) target_semaphore(%arg22 : memref<!tpu.dma_semaphore, #tpu.memory_space<semaphore_mem>>)
    %add3A_1269 = arith.constant 56 : i32
    %add3A_1270 = arith.addi %add3A_1255, %add3A_1269 : i32
    %dma_start3A_1271 = arith.constant 7 : i32
    %dma_start3A_1272 = arith.constant 50 : i32
    %dma_start3A_1273 = arith.constant 0 : i32
    %dma_start3A_1274 = tpu.memref_slice %arg6[%dma_start3A_1271, %dma_start3A_1272, %dma_start3A_1273] : memref<8x100x128xf32, #tpu.memory_space<vmem>> -> memref<1x50x64xf32, #tpu.memory_space<vmem>>
    %dma_start3A_1275 = tpu.memref_squeeze %dma_start3A_1274 : memref<1x50x64xf32, #tpu.memory_space<vmem>> -> memref<50x64xf32, #tpu.memory_space<vmem>>
    %dma_start3A_1276 = arith.constant 0 : i32
    %dma_start3A_1277 = tpu.memref_slice %arg4[%add3A_1270, %dma_start3A_1276] : memref<917504x128xf32, #tpu.memory_space<hbm>> -> memref<50x64xf32, #tpu.memory_space<hbm>>
    %dma_start3A_1278 = arith.constant 0 : i32
    %dma_start3A_1279 = tpu.memref_slice %arg4[%add3A_1270, %dma_start3A_1278] : memref<917504x128xf32, #tpu.memory_space<hbm>> -> memref<50x64xf32, #tpu.memory_space<hbm>>
    %dma_start3A_1280 = arith.constant 50 : i32
    %dma_start3A_1281 = arith.constant 0 : i32
    %dma_start3A_1282 = tpu.memref_slice %arg6[%dma_start3A_1271, %dma_start3A_1280, %dma_start3A_1281] : memref<8x100x128xf32, #tpu.memory_space<vmem>> -> memref<1x50x64xf32, #tpu.memory_space<vmem>>
    %dma_start3A_1283 = tpu.memref_squeeze %dma_start3A_1282 : memref<1x50x64xf32, #tpu.memory_space<vmem>> -> memref<50x64xf32, #tpu.memory_space<vmem>>
    tpu.enqueue_dma source(%dma_start3A_1283 : memref<50x64xf32, #tpu.memory_space<vmem>>) target(%dma_start3A_1279 : memref<50x64xf32, #tpu.memory_space<hbm>>) target_semaphore(%arg22 : memref<!tpu.dma_semaphore, #tpu.memory_space<semaphore_mem>>)
    %dma_wait3A_1284 = arith.constant 4 : i32
    %dma_wait3A_1285 = arith.constant 0 : i32
    %dma_wait3A_1286 = arith.constant 0 : i32
    %dma_wait3A_1287 = tpu.memref_slice %arg6[%dma_wait3A_1284, %dma_wait3A_1285, %dma_wait3A_1286] : memref<8x100x128xf32, #tpu.memory_space<vmem>> -> memref<1x50x64xf32, #tpu.memory_space<vmem>>
    %dma_wait3A_1288 = tpu.memref_squeeze %dma_wait3A_1287 : memref<1x50x64xf32, #tpu.memory_space<vmem>> -> memref<50x64xf32, #tpu.memory_space<vmem>>
    %dma_wait3A_1289 = arith.constant 0 : i32
    %dma_wait3A_1290 = arith.constant 0 : i32
    %dma_wait3A_1291 = tpu.memref_slice %arg4[%dma_wait3A_1289, %dma_wait3A_1290] : memref<917504x128xf32, #tpu.memory_space<hbm>> -> memref<50x64xf32, #tpu.memory_space<hbm>>
    %dma_wait3A_1292 = arith.constant 0 : i32
    %dma_wait3A_1293 = arith.constant 0 : i32
    %dma_wait3A_1294 = tpu.memref_slice %arg4[%dma_wait3A_1292, %dma_wait3A_1293] : memref<917504x128xf32, #tpu.memory_space<hbm>> -> memref<50x64xf32, #tpu.memory_space<hbm>>
    %dma_wait3A_1295 = arith.constant 0 : i32
    %dma_wait3A_1296 = arith.constant 0 : i32
    %dma_wait3A_1297 = tpu.memref_slice %arg6[%dma_wait3A_1284, %dma_wait3A_1295, %dma_wait3A_1296] : memref<8x100x128xf32, #tpu.memory_space<vmem>> -> memref<1x50x64xf32, #tpu.memory_space<vmem>>
    %dma_wait3A_1298 = tpu.memref_squeeze %dma_wait3A_1297 : memref<1x50x64xf32, #tpu.memory_space<vmem>> -> memref<50x64xf32, #tpu.memory_space<vmem>>
    tpu.wait_dma2 semaphore(%arg19 : memref<!tpu.dma_semaphore, #tpu.memory_space<semaphore_mem>>) src(%dma_wait3A_1298 : memref<50x64xf32, #tpu.memory_space<vmem>>) dst(%dma_wait3A_1294 : memref<50x64xf32, #tpu.memory_space<hbm>>)
    %dma_wait3A_1299 = arith.constant 4 : i32
    %dma_wait3A_1300 = arith.constant 0 : i32
    %dma_wait3A_1301 = arith.constant 0 : i32
    %dma_wait3A_1302 = tpu.memref_slice %arg6[%dma_wait3A_1299, %dma_wait3A_1300, %dma_wait3A_1301] : memref<8x100x128xf32, #tpu.memory_space<vmem>> -> memref<1x50x64xf32, #tpu.memory_space<vmem>>
    %dma_wait3A_1303 = tpu.memref_squeeze %dma_wait3A_1302 : memref<1x50x64xf32, #tpu.memory_space<vmem>> -> memref<50x64xf32, #tpu.memory_space<vmem>>
    %dma_wait3A_1304 = arith.constant 0 : i32
    %dma_wait3A_1305 = arith.constant 0 : i32
    %dma_wait3A_1306 = tpu.memref_slice %arg4[%dma_wait3A_1304, %dma_wait3A_1305] : memref<917504x128xf32, #tpu.memory_space<hbm>> -> memref<50x64xf32, #tpu.memory_space<hbm>>
    %dma_wait3A_1307 = arith.constant 0 : i32
    %dma_wait3A_1308 = arith.constant 0 : i32
    %dma_wait3A_1309 = tpu.memref_slice %arg4[%dma_wait3A_1307, %dma_wait3A_1308] : memref<917504x128xf32, #tpu.memory_space<hbm>> -> memref<50x64xf32, #tpu.memory_space<hbm>>
    %dma_wait3A_1310 = arith.constant 0 : i32
    %dma_wait3A_1311 = arith.constant 0 : i32
    %dma_wait3A_1312 = tpu.memref_slice %arg6[%dma_wait3A_1299, %dma_wait3A_1310, %dma_wait3A_1311] : memref<8x100x128xf32, #tpu.memory_space<vmem>> -> memref<1x50x64xf32, #tpu.memory_space<vmem>>
    %dma_wait3A_1313 = tpu.memref_squeeze %dma_wait3A_1312 : memref<1x50x64xf32, #tpu.memory_space<vmem>> -> memref<50x64xf32, #tpu.memory_space<vmem>>
    tpu.wait_dma2 semaphore(%arg19 : memref<!tpu.dma_semaphore, #tpu.memory_space<semaphore_mem>>) src(%dma_wait3A_1313 : memref<50x64xf32, #tpu.memory_space<vmem>>) dst(%dma_wait3A_1309 : memref<50x64xf32, #tpu.memory_space<hbm>>)
    %dma_wait3A_1314 = arith.constant 5 : i32
    %dma_wait3A_1315 = arith.constant 0 : i32
    %dma_wait3A_1316 = arith.constant 0 : i32
    %dma_wait3A_1317 = tpu.memref_slice %arg6[%dma_wait3A_1314, %dma_wait3A_1315, %dma_wait3A_1316] : memref<8x100x128xf32, #tpu.memory_space<vmem>> -> memref<1x50x64xf32, #tpu.memory_space<vmem>>
    %dma_wait3A_1318 = tpu.memref_squeeze %dma_wait3A_1317 : memref<1x50x64xf32, #tpu.memory_space<vmem>> -> memref<50x64xf32, #tpu.memory_space<vmem>>
    %dma_wait3A_1319 = arith.constant 0 : i32
    %dma_wait3A_1320 = arith.constant 0 : i32
    %dma_wait3A_1321 = tpu.memref_slice %arg4[%dma_wait3A_1319, %dma_wait3A_1320] : memref<917504x128xf32, #tpu.memory_space<hbm>> -> memref<50x64xf32, #tpu.memory_space<hbm>>
    %dma_wait3A_1322 = arith.constant 0 : i32
    %dma_wait3A_1323 = arith.constant 0 : i32
    %dma_wait3A_1324 = tpu.memref_slice %arg4[%dma_wait3A_1322, %dma_wait3A_1323] : memref<917504x128xf32, #tpu.memory_space<hbm>> -> memref<50x64xf32, #tpu.memory_space<hbm>>
    %dma_wait3A_1325 = arith.constant 0 : i32
    %dma_wait3A_1326 = arith.constant 0 : i32
    %dma_wait3A_1327 = tpu.memref_slice %arg6[%dma_wait3A_1314, %dma_wait3A_1325, %dma_wait3A_1326] : memref<8x100x128xf32, #tpu.memory_space<vmem>> -> memref<1x50x64xf32, #tpu.memory_space<vmem>>
    %dma_wait3A_1328 = tpu.memref_squeeze %dma_wait3A_1327 : memref<1x50x64xf32, #tpu.memory_space<vmem>> -> memref<50x64xf32, #tpu.memory_space<vmem>>
    tpu.wait_dma2 semaphore(%arg20 : memref<!tpu.dma_semaphore, #tpu.memory_space<semaphore_mem>>) src(%dma_wait3A_1328 : memref<50x64xf32, #tpu.memory_space<vmem>>) dst(%dma_wait3A_1324 : memref<50x64xf32, #tpu.memory_space<hbm>>)
    %dma_wait3A_1329 = arith.constant 5 : i32
    %dma_wait3A_1330 = arith.constant 0 : i32
    %dma_wait3A_1331 = arith.constant 0 : i32
    %dma_wait3A_1332 = tpu.memref_slice %arg6[%dma_wait3A_1329, %dma_wait3A_1330, %dma_wait3A_1331] : memref<8x100x128xf32, #tpu.memory_space<vmem>> -> memref<1x50x64xf32, #tpu.memory_space<vmem>>
    %dma_wait3A_1333 = tpu.memref_squeeze %dma_wait3A_1332 : memref<1x50x64xf32, #tpu.memory_space<vmem>> -> memref<50x64xf32, #tpu.memory_space<vmem>>
    %dma_wait3A_1334 = arith.constant 0 : i32
    %dma_wait3A_1335 = arith.constant 0 : i32
    %dma_wait3A_1336 = tpu.memref_slice %arg4[%dma_wait3A_1334, %dma_wait3A_1335] : memref<917504x128xf32, #tpu.memory_space<hbm>> -> memref<50x64xf32, #tpu.memory_space<hbm>>
    %dma_wait3A_1337 = arith.constant 0 : i32
    %dma_wait3A_1338 = arith.constant 0 : i32
    %dma_wait3A_1339 = tpu.memref_slice %arg4[%dma_wait3A_1337, %dma_wait3A_1338] : memref<917504x128xf32, #tpu.memory_space<hbm>> -> memref<50x64xf32, #tpu.memory_space<hbm>>
    %dma_wait3A_1340 = arith.constant 0 : i32
    %dma_wait3A_1341 = arith.constant 0 : i32
    %dma_wait3A_1342 = tpu.memref_slice %arg6[%dma_wait3A_1329, %dma_wait3A_1340, %dma_wait3A_1341] : memref<8x100x128xf32, #tpu.memory_space<vmem>> -> memref<1x50x64xf32, #tpu.memory_space<vmem>>
    %dma_wait3A_1343 = tpu.memref_squeeze %dma_wait3A_1342 : memref<1x50x64xf32, #tpu.memory_space<vmem>> -> memref<50x64xf32, #tpu.memory_space<vmem>>
    tpu.wait_dma2 semaphore(%arg20 : memref<!tpu.dma_semaphore, #tpu.memory_space<semaphore_mem>>) src(%dma_wait3A_1343 : memref<50x64xf32, #tpu.memory_space<vmem>>) dst(%dma_wait3A_1339 : memref<50x64xf32, #tpu.memory_space<hbm>>)
    %dma_wait3A_1344 = arith.constant 6 : i32
    %dma_wait3A_1345 = arith.constant 0 : i32
    %dma_wait3A_1346 = arith.constant 0 : i32
    %dma_wait3A_1347 = tpu.memref_slice %arg6[%dma_wait3A_1344, %dma_wait3A_1345, %dma_wait3A_1346] : memref<8x100x128xf32, #tpu.memory_space<vmem>> -> memref<1x50x64xf32, #tpu.memory_space<vmem>>
    %dma_wait3A_1348 = tpu.memref_squeeze %dma_wait3A_1347 : memref<1x50x64xf32, #tpu.memory_space<vmem>> -> memref<50x64xf32, #tpu.memory_space<vmem>>
    %dma_wait3A_1349 = arith.constant 0 : i32
    %dma_wait3A_1350 = arith.constant 0 : i32
    %dma_wait3A_1351 = tpu.memref_slice %arg4[%dma_wait3A_1349, %dma_wait3A_1350] : memref<917504x128xf32, #tpu.memory_space<hbm>> -> memref<50x64xf32, #tpu.memory_space<hbm>>
    %dma_wait3A_1352 = arith.constant 0 : i32
    %dma_wait3A_1353 = arith.constant 0 : i32
    %dma_wait3A_1354 = tpu.memref_slice %arg4[%dma_wait3A_1352, %dma_wait3A_1353] : memref<917504x128xf32, #tpu.memory_space<hbm>> -> memref<50x64xf32, #tpu.memory_space<hbm>>
    %dma_wait3A_1355 = arith.constant 0 : i32
    %dma_wait3A_1356 = arith.constant 0 : i32
    %dma_wait3A_1357 = tpu.memref_slice %arg6[%dma_wait3A_1344, %dma_wait3A_1355, %dma_wait3A_1356] : memref<8x100x128xf32, #tpu.memory_space<vmem>> -> memref<1x50x64xf32, #tpu.memory_space<vmem>>
    %dma_wait3A_1358 = tpu.memref_squeeze %dma_wait3A_1357 : memref<1x50x64xf32, #tpu.memory_space<vmem>> -> memref<50x64xf32, #tpu.memory_space<vmem>>
    tpu.wait_dma2 semaphore(%arg21 : memref<!tpu.dma_semaphore, #tpu.memory_space<semaphore_mem>>) src(%dma_wait3A_1358 : memref<50x64xf32, #tpu.memory_space<vmem>>) dst(%dma_wait3A_1354 : memref<50x64xf32, #tpu.memory_space<hbm>>)
    %dma_wait3A_1359 = arith.constant 6 : i32
    %dma_wait3A_1360 = arith.constant 0 : i32
    %dma_wait3A_1361 = arith.constant 0 : i32
    %dma_wait3A_1362 = tpu.memref_slice %arg6[%dma_wait3A_1359, %dma_wait3A_1360, %dma_wait3A_1361] : memref<8x100x128xf32, #tpu.memory_space<vmem>> -> memref<1x50x64xf32, #tpu.memory_space<vmem>>
    %dma_wait3A_1363 = tpu.memref_squeeze %dma_wait3A_1362 : memref<1x50x64xf32, #tpu.memory_space<vmem>> -> memref<50x64xf32, #tpu.memory_space<vmem>>
    %dma_wait3A_1364 = arith.constant 0 : i32
    %dma_wait3A_1365 = arith.constant 0 : i32
    %dma_wait3A_1366 = tpu.memref_slice %arg4[%dma_wait3A_1364, %dma_wait3A_1365] : memref<917504x128xf32, #tpu.memory_space<hbm>> -> memref<50x64xf32, #tpu.memory_space<hbm>>
    %dma_wait3A_1367 = arith.constant 0 : i32
    %dma_wait3A_1368 = arith.constant 0 : i32
    %dma_wait3A_1369 = tpu.memref_slice %arg4[%dma_wait3A_1367, %dma_wait3A_1368] : memref<917504x128xf32, #tpu.memory_space<hbm>> -> memref<50x64xf32, #tpu.memory_space<hbm>>
    %dma_wait3A_1370 = arith.constant 0 : i32
    %dma_wait3A_1371 = arith.constant 0 : i32
    %dma_wait3A_1372 = tpu.memref_slice %arg6[%dma_wait3A_1359, %dma_wait3A_1370, %dma_wait3A_1371] : memref<8x100x128xf32, #tpu.memory_space<vmem>> -> memref<1x50x64xf32, #tpu.memory_space<vmem>>
    %dma_wait3A_1373 = tpu.memref_squeeze %dma_wait3A_1372 : memref<1x50x64xf32, #tpu.memory_space<vmem>> -> memref<50x64xf32, #tpu.memory_space<vmem>>
    tpu.wait_dma2 semaphore(%arg21 : memref<!tpu.dma_semaphore, #tpu.memory_space<semaphore_mem>>) src(%dma_wait3A_1373 : memref<50x64xf32, #tpu.memory_space<vmem>>) dst(%dma_wait3A_1369 : memref<50x64xf32, #tpu.memory_space<hbm>>)
    %dma_wait3A_1374 = arith.constant 7 : i32
    %dma_wait3A_1375 = arith.constant 0 : i32
    %dma_wait3A_1376 = arith.constant 0 : i32
    %dma_wait3A_1377 = tpu.memref_slice %arg6[%dma_wait3A_1374, %dma_wait3A_1375, %dma_wait3A_1376] : memref<8x100x128xf32, #tpu.memory_space<vmem>> -> memref<1x50x64xf32, #tpu.memory_space<vmem>>
    %dma_wait3A_1378 = tpu.memref_squeeze %dma_wait3A_1377 : memref<1x50x64xf32, #tpu.memory_space<vmem>> -> memref<50x64xf32, #tpu.memory_space<vmem>>
    %dma_wait3A_1379 = arith.constant 0 : i32
    %dma_wait3A_1380 = arith.constant 0 : i32
    %dma_wait3A_1381 = tpu.memref_slice %arg4[%dma_wait3A_1379, %dma_wait3A_1380] : memref<917504x128xf32, #tpu.memory_space<hbm>> -> memref<50x64xf32, #tpu.memory_space<hbm>>
    %dma_wait3A_1382 = arith.constant 0 : i32
    %dma_wait3A_1383 = arith.constant 0 : i32
    %dma_wait3A_1384 = tpu.memref_slice %arg4[%dma_wait3A_1382, %dma_wait3A_1383] : memref<917504x128xf32, #tpu.memory_space<hbm>> -> memref<50x64xf32, #tpu.memory_space<hbm>>
    %dma_wait3A_1385 = arith.constant 0 : i32
    %dma_wait3A_1386 = arith.constant 0 : i32
    %dma_wait3A_1387 = tpu.memref_slice %arg6[%dma_wait3A_1374, %dma_wait3A_1385, %dma_wait3A_1386] : memref<8x100x128xf32, #tpu.memory_space<vmem>> -> memref<1x50x64xf32, #tpu.memory_space<vmem>>
    %dma_wait3A_1388 = tpu.memref_squeeze %dma_wait3A_1387 : memref<1x50x64xf32, #tpu.memory_space<vmem>> -> memref<50x64xf32, #tpu.memory_space<vmem>>
    tpu.wait_dma2 semaphore(%arg22 : memref<!tpu.dma_semaphore, #tpu.memory_space<semaphore_mem>>) src(%dma_wait3A_1388 : memref<50x64xf32, #tpu.memory_space<vmem>>) dst(%dma_wait3A_1384 : memref<50x64xf32, #tpu.memory_space<hbm>>)
    %dma_wait3A_1389 = arith.constant 7 : i32
    %dma_wait3A_1390 = arith.constant 0 : i32
    %dma_wait3A_1391 = arith.constant 0 : i32
    %dma_wait3A_1392 = tpu.memref_slice %arg6[%dma_wait3A_1389, %dma_wait3A_1390, %dma_wait3A_1391] : memref<8x100x128xf32, #tpu.memory_space<vmem>> -> memref<1x50x64xf32, #tpu.memory_space<vmem>>
    %dma_wait3A_1393 = tpu.memref_squeeze %dma_wait3A_1392 : memref<1x50x64xf32, #tpu.memory_space<vmem>> -> memref<50x64xf32, #tpu.memory_space<vmem>>
    %dma_wait3A_1394 = arith.constant 0 : i32
    %dma_wait3A_1395 = arith.constant 0 : i32
    %dma_wait3A_1396 = tpu.memref_slice %arg4[%dma_wait3A_1394, %dma_wait3A_1395] : memref<917504x128xf32, #tpu.memory_space<hbm>> -> memref<50x64xf32, #tpu.memory_space<hbm>>
    %dma_wait3A_1397 = arith.constant 0 : i32
    %dma_wait3A_1398 = arith.constant 0 : i32
    %dma_wait3A_1399 = tpu.memref_slice %arg4[%dma_wait3A_1397, %dma_wait3A_1398] : memref<917504x128xf32, #tpu.memory_space<hbm>> -> memref<50x64xf32, #tpu.memory_space<hbm>>
    %dma_wait3A_1400 = arith.constant 0 : i32
    %dma_wait3A_1401 = arith.constant 0 : i32
    %dma_wait3A_1402 = tpu.memref_slice %arg6[%dma_wait3A_1389, %dma_wait3A_1400, %dma_wait3A_1401] : memref<8x100x128xf32, #tpu.memory_space<vmem>> -> memref<1x50x64xf32, #tpu.memory_space<vmem>>
    %dma_wait3A_1403 = tpu.memref_squeeze %dma_wait3A_1402 : memref<1x50x64xf32, #tpu.memory_space<vmem>> -> memref<50x64xf32, #tpu.memory_space<vmem>>
    tpu.wait_dma2 semaphore(%arg22 : memref<!tpu.dma_semaphore, #tpu.memory_space<semaphore_mem>>) src(%dma_wait3A_1403 : memref<50x64xf32, #tpu.memory_space<vmem>>) dst(%dma_wait3A_1399 : memref<50x64xf32, #tpu.memory_space<hbm>>)
    return
  }
}

</mosaic_0001>

<sc_bundles>
// kernel: _emb_lookup.3.cloned.1.call-start
scs
__scs_entry_jumppad:
0x0: {  	(pc) =	sbr.rel $0x88, $3  }
0x1: {  	(tag) =	ssettag $0x0;
	lr =	simm.s32 $0x1  }
0x2: {  	[smem:$0x3F9F] =	sst lr;
	_ =	strace $0xD0000000  }
0x3: {  	_ = 	snop  }
0x4: {  	_ = 	snop  }
0x5: {  	_ = 	snop  }
0x6: {  	_ = 	snop  }
0x7: {  	_ = 	snop  }
__scs_overlays_trampoline_lowered:
0x8: {  	[smem:$0x3FAE] =	sst s0  }
0x9: {  	[smem:$0x3FAF] =	sst s1  }
0xa: {  	[smem:$0x3FB0] =	sst s2  }
0xb: {  	[smem:$0x3FB1] =	sst s3  }
0xc: {  	[smem:$0x3FB2] =	sst s4  }
0xd: {  	[smem:$0x3FB3] =	sst s5  }
0xe: {  	[smem:$0x3FB4] =	sst s6  }
0xf: {  	[smem:$0x3FB5] =	sst s7  }
0x10: {  	[smem:$0x3FB6] =	sst s8  }
0x11: {  	[smem:$0x3FB7] =	sst s9;
	s0 =	simm.s32 @!p0 $0x0  }
0x12: {  	s1 =	sld [smem:$0x3F9D];
	s0 =	simm.s32 @p0 $0x1  }
0x13: {  	[smem:$0x3FB8] =	sst s0;
	s0 =	simm.s32 @!p1 $0x0  }
0x14: {  	s2 =	sld [smem:$0x3F9C];
	s0 =	simm.s32 @p1 $0x1  }
0x15: {  	[smem:$0x3FB9] =	sst s0;
	s0 =	simm.s32 @!p2 $0x0  }
0x16: {  	s3 =	sld [smem:$0x3FDB];
	s0 =	simm.s32 @p2 $0x1  }
0x17: {  	s4 =	simm.s32 $0x1BF5;
	[smem:$0x3FBB] =	sst s0  }
0x18: {  	s0 =	sld [smem:$0x3F9E];
	_ =	swait.ge [sflag:s4], $0x0  }
0x19: {  	s7 =	sld [smem:$0x3F9F]  }
0x1a: {  	s8 =	sadd.s32 $0xFFFFE003, lr  }
0x1b: {  	s9 =	sadd.s32 $0xFFFFFEF7, lr;
	s5 =	simm.s32 $0xFFFFFFFF;
	p2 =	slt.u32 s8, $0xFFFFF086  }
0x1c: {  	p1 =	slt.u32 s9, $0xF7A;
	s5 =	simm.s32 @!p2 $0x0  }
0x1d: {  	s5 =	simm.s32 @p1 $0x1;
	p0 =	seq.s32 s7, s2  }
0x1e: {  	s7 =	smul.u32 @!p0 $0xF7A, s2;
	p2 =	seq.s32 @!p0 s5, $0x0  }
0x1f: {  	s9 =	smul.u32 $0xF7A, s1;
	s8 =	simm.s32 @!p0 $0x1BF5;
	p2 =	por !p2, p0  }
0x20: {  	[sflag:s8] =	ssyncset.s32 @!p0 $0xFFFFF086;
	s6 =	sadd.s32 @!p0 s3, s7;
	s7 =	simm.s32 @!p0 $0x108  }
0x21: {  	s3 =	sadd.s32 s3, s9;
	s6 =	sadd.s32 @!p0 $0x88, s6;
	s7 =	simm.s32 @p2 $0x1082  }
0x22: {  	[simem:s7], [sflag:s8] =	dma.local @!p0 [hbm:s6], $0xF7A  }
0x23: {  	s9 =	sor.u32 $0xD0000000, s2;
	s6 =	simm.s32 $0x108;
	_ =	swait.ge @!p0 [sflag:s8], $0x0  }
0x24: {  	s3 =	sadd.s32 $0x88, s3;
	s6 =	simm.s32 @!p1 $0x1082;
	[sflag:s4] =	ssyncset.s32 $0xFFFFF086  }
0x25: {  	[simem:s6], [sflag:s4] =	dma.local [hbm:s3], $0xF7A  }
0x26: {  	[smem:$0x3F9F] =	sst s1;
	(tag) =	ssettag s2;
	_ =	strace s9  }
0x27: {  	s1 =	sld [smem:$0x3FAF]  }
0x28: {  	s2 =	sld [smem:$0x3FB0]  }
0x29: {  	s4 =	sld [smem:$0x3FB2]  }
0x2a: {  	p0 =	seq.s32 s5, $0x0;
	s5 =	sld [smem:$0x3FB3]  }
0x2b: {  	s6 =	sld [smem:$0x3FB4]  }
0x2c: {  	s7 =	sld [smem:$0x3FB5]  }
0x2d: {  	s3 =	simm.s32 $0x108;
	s8 =	sld [smem:$0x3FB6]  }
0x2e: {  	s3 =	simm.s32 @!p0 $0x1082;
	s9 =	sld [smem:$0x3FB7]  }
0x2f: {  	lr =	sadd.s32 s0, s3;
	s0 =	sld [smem:$0x3FAE]  }
0x30: {  	s3 =	sld [smem:$0x3FB1]  }
0x31: {  	[smem:$0x3FBA] =	sst s10  }
0x32: {  	s10 =	sld [smem:$0x3FB8];
	_ =	sdelay $0x3  }
0x33: {  	p0 =	seq.s32 s10, $0x1;
	s10 =	sld [smem:$0x3FBA];
	_ =	sdelay $0x3  }
0x34: {  	[smem:$0x3FBA] =	sst s10  }
0x35: {  	s10 =	sld [smem:$0x3FB9];
	_ =	sdelay $0x3  }
0x36: {  	p1 =	seq.s32 s10, $0x1;
	s10 =	sld [smem:$0x3FBA];
	_ =	sdelay $0x3  }
0x37: {  	[smem:$0x3FBA] =	sst s10  }
0x38: {  	s10 =	sld [smem:$0x3FBB]  }
0x39: {  	_ = 	snop;
	(pc) =	sbr.ind lr, $3  }
0x3a: {  	_ = 	snop  }
0x3b: {  	_ = 	snop  }
0x3c: {  	p2 =	seq.s32 s10, $0x1;
	s10 =	sld [smem:$0x3FBA]  }
0x3d: {  	_ =	shalt  }
0x3e: {  	_ =	shalt  }
0x3f: {  	_ =	shalt  }
0x40: {  	_ =	shalt  }
0x41: {  	_ =	shalt  }
0x42: {  	_ =	shalt  }
0x43: {  	_ =	shalt  }
0x44: {  	_ =	shalt  }
0x45: {  	_ =	shalt  }
0x46: {  	_ =	shalt  }
0x47: {  	_ =	shalt  }
0x48: {  	_ =	shalt  }
0x49: {  	_ =	shalt  }
0x4a: {  	_ =	shalt  }
0x4b: {  	_ =	shalt  }
0x4c: {  	_ =	shalt  }
0x4d: {  	_ =	shalt  }
0x4e: {  	_ =	shalt  }
0x4f: {  	_ =	shalt  }
0x50: {  	_ =	shalt  }
0x51: {  	_ =	shalt  }
0x52: {  	_ =	shalt  }
0x53: {  	_ =	shalt  }
0x54: {  	_ =	shalt  }
0x55: {  	_ =	shalt  }
0x56: {  	_ =	shalt  }
0x57: {  	_ =	shalt  }
0x58: {  	_ =	shalt  }
0x59: {  	_ =	shalt  }
0x5a: {  	_ =	shalt  }
0x5b: {  	_ =	shalt  }
0x5c: {  	_ =	shalt  }
0x5d: {  	_ =	shalt  }
0x5e: {  	_ =	shalt  }
0x5f: {  	_ =	shalt  }
0x60: {  	_ =	shalt  }
0x61: {  	_ =	shalt  }
0x62: {  	_ =	shalt  }
0x63: {  	_ =	shalt  }
0x64: {  	_ =	shalt  }
0x65: {  	_ =	shalt  }
0x66: {  	_ =	shalt  }
0x67: {  	_ =	shalt  }
0x68: {  	_ =	shalt  }
0x69: {  	_ =	shalt  }
0x6a: {  	_ =	shalt  }
0x6b: {  	_ =	shalt  }
0x6c: {  	_ =	shalt  }
0x6d: {  	_ =	shalt  }
0x6e: {  	_ =	shalt  }
0x6f: {  	_ =	shalt  }
0x70: {  	_ =	shalt  }
0x71: {  	_ =	shalt  }
0x72: {  	_ =	shalt  }
0x73: {  	_ =	shalt  }
0x74: {  	_ =	shalt  }
0x75: {  	_ =	shalt  }
0x76: {  	_ =	shalt  }
0x77: {  	_ =	shalt  }
0x78: {  	_ =	shalt  }
0x79: {  	_ =	shalt  }
0x7a: {  	_ =	shalt  }
0x7b: {  	_ =	shalt  }
0x7c: {  	_ =	shalt  }
0x7d: {  	_ =	shalt  }
0x7e: {  	_ =	shalt  }
0x7f: {  	_ =	shalt  }
0x80: {  	_ =	shalt  }
0x81: {  	_ =	shalt  }
0x82: {  	_ =	shalt  }
0x83: {  	_ =	shalt  }
0x84: {  	_ =	shalt  }
0x85: {  	_ =	shalt  }
0x86: {  	_ =	shalt  }
0x87: {  	_ =	shalt  }
.Lfunc_end0:
.L_simem_size_0:
called_computation.1_lowered:
.L_overlay_start_0:
0x88: {  	s2 =	sld [smem:$0x3FD9]  }
0x89: {  	s3 =	sld [smem:$0x3FFE];
	_ =	sdelay $0x1  }
0x8a: {  	s1 =	srdreg.scid  }
0x8b: {  	s0 =	sand.u32 $0x1, s1  }
0x8c: {  	s17 =	sshll.u32 s0, $0xA;
	s2 =	sadd.s32 s3, s2  }
0x8d: {  	s2 =	sadd.s32 s2, s17  }
0x8e: {  	[smem:$0x3FC6] =	sst s2  }
0x8f: {  	_ = 	snop  }
0x90: {  	s2 =	sld [smem:$0x3FD0];
	(tm) =	ssettm $0x1  }
0x91: {  	s18 =	sld [smem:$0x3FFB];
	_ =	sdelay $0x3  }
0x92: {  	_ =	strace s18  }
0x93: {  	s3 =	sld [smem:$0x3FFC];
	_ =	sdelay $0x3  }
0x94: {  	_ =	strace s3  }
0x95: {  	s3 =	sld [smem:$0x3FFD];
	_ =	sdelay $0x3  }
0x96: {  	_ =	strace s3  }
0x97: {  	_ =	strace $0x8FFFFFFF  }
0x98: {  	s19 =	sld [smem:$0x3FDB];
	_ =	sdelay $0x1  }
0x99: {  	s4 =	simm.s32 $_scs_section_size  }
0x9a: {  	s5 =	simm.s32 $_size__tile_overlayer_lowered;
	s6 =	simm.s32 $_tile_overlayer_lowered  }
0x9b: {  	s22 =	simm.s32 $0x1BFF;
	s21 =	sshll.u32 s6, $0x1;
	s3 =	sadd.s32 s4, s19  }
0x9c: {  	s7 =	simm.s32 $0x0;
	s20 =	sshll.u32 s5, $0x1;
	s5 =	sadd.s32 s21, s3  }
0x9d: {  	[timem:s7], [sflag:s22] =	dma.local [hbm:s5], s20  }
0x9e: {  	_ =	swait.ge [sflag:s22], s20  }
0x9f: {  	s4 =	ssub.s32 $0x0, s20;
	[sflag:s22] =	ssyncset.done $0x0  }
0xa0: {  	[sflag:s22] =	ssyncadd.s32 s4;
	_ =	sdelay $0x1  }
0xa1: {  	s23 =	simm.s32 $0x1B8B  }
0xa2: {  	_ =	swait.ge [sflag:s23], $0x1  }
0xa3: {  	[sflag:s23] =	ssyncset.done $0x0  }
0xa4: {  	s25 =	simm.s32 $0x1B8E;
	s24 =	sld [smem:$0x3FFE];
	[sflag:s23] =	ssyncadd.s32 $0xFFFFFFFF  }
0xa5: {  	s26 =	simm.s32 $execute0_lowered;
	[smem:$0x3FD2] =	sst s25  }
0xa6: {  	s5 =	sshll.u32 s26, $0x1;
	_ =	strace $0x80000046;
	[dreg:$0x1] =	wrdreg $0xFFFFFFFF  }
0xa7: {  	s28 =	simm.s32 $_size_execute0_lowered;
	s3 =	sadd.s32 s3, s5;
	[dreg:$0x0] =	wrdreg $0x0  }
0xa8: {  	s5 =	sshll.u32 s28, $0x1;
	[dreg:$0x2] =	wrdreg s3  }
0xa9: {  	[dreg:$0x3] =	wrdreg s5  }
0xaa: {  	[dreg:$0x4] =	wrdreg $0xC0  }
0xab: {  	_ =	task [dreg:s7], $0x5FFFF  }
0xac: {  	[dreg:$0x1] =	wrdreg $0xFFFFFFFF  }
0xad: {  	[dreg:$0x0] =	wrdreg $0x60  }
0xae: {  	[dreg:$0x2] =	wrdreg s2  }
0xaf: {  	[dreg:$0x3] =	wrdreg s24  }
0xb0: {  	[dreg:$0x4] =	wrdreg $0x9  }
0xb1: {  	_ =	task.clear_ibuf [dreg:s7], $0x5FFFF;
	_ =	strace $0x90000046  }
0xb2: {  	s29 =	simm.s32 $0x9;
	_ =	strace $0x80000048  }
0xb3: {  	_ =	swait.ge [sflag:s29], $0x1  }
0xb4: {  	[sflag:s29] =	ssyncadd.s32 $0xFFFFFFFF  }
0xb5: {  	_ =	strace $0x90000048  }
0xb6: {  	_ =	sfence  }
0xb7: {  	s30 =	sld [smem:$0x0];
	_ =	sdelay $0x2  }
0xb8: {  	s31 =	sshll.u32 s1, $0xD;
	s1 =	sshrl.u32 s1, $0x2  }
0xb9: {  	s3 =	sand.u32 $0x4000, s31;
	s1 =	sadd.s32 s1, s30  }
0xba: {  	s0 =	sor.u32 s3, s0;
	s1 =	sshll.u32 s1, $0x11  }
0xbb: {  	s0 =	sor.u32 s1, s0  }
0xbc: {  	s0 =	sadd.s32 $0x8F2B, s0  }
0xbd: {  	[sflag:s0] =	ssyncadd.remote.s32 $0x1  }
0xbe: {  	_ =	sfence.sel $0xFFFF  }
0xbf: {  	[dreg:$0x0] =	wrdreg $0xFFFFFFFF;
	(pc) =	sbr.abs _section_cstart, $3  }
0xc0: {  	[dreg:$0x1] =	wrdreg $0xFFFFFFFF  }
0xc1: {  	_ =	task.clear_ibuf [dreg:s7], $0x2FFFF;
	_ =	strace $0x9FFFFFFF  }
0xc2: {  	(tm) =	ssettm $0x7FFFFFFF  }
0xc3: {  	_ =	shalt  }
tec
execute0_lowered:
.L_overlay_start_1:
0x0: {  	(tag) =	ssettag $0x1  }
0x1: {  	s0 =	rddreg [dreg:$0x0]  }
0x2: {  	s1 =	rddreg [dreg:$0x1]  }
0x3: {  	s3 =	srdreg.scid;
	s4 =	stileid.u32  }
0x4: {  	s2 =	simm.s32 $0x0;
	s3 =	sand.u32 $0x1, s3;
	s4 =	sshll.u32 s4, $0x1  }
0x5: {  	[smem:$0x7FF] =	sst s2;
	s5 =	sadd.s32 $0xF42E00, s1;
	s8 =	sadd.s32 $0xA00, s1  }
0x6: {  	s1 =	sadd.s32 $0xD80, s1;
	s4 =	sor.u32 s3, s4;
	_ =	strace $0x80000047  }
0x7: {  	[dreg:$0x4] =	wrdreg s5;
	s3 =	ssub.s32 $0x2, s3;
	s10 =	smul.u32 $0x7000, s4  }
0x8: {  	[dreg:$0x7] =	wrdreg s1;
	s25 =	smul.u32 $0x6800, s4;
	s6 =	sshrl.u32 s3, $0x1  }
0x9: {  	[dreg:$0x5] =	wrdreg s8;
	s7 =	smul.u32 $0x380000, s4;
	s3 =	ssub.s32 s3, s6  }
0xa: {  	s4 =	smul.u32 $0x70000, s4;
	s3 =	smax.u32 s3, $0x1;
	[dreg:$0x3] =	wrdreg s10  }
0xb: {  	s18 =	sor.u32 $0x230, s10;
	[dreg:$0x13] =	wrdreg s3  }
0xc: {  	s14 =	sadd.s32 s8, s4;
	[dreg:$0x15] =	wrdreg s18  }
0xd: {  	s5 =	sshrl.u32 s25, $0x3;
	s15 =	sadd.s32 s4, s1;
	[dreg:$0x8] =	wrdreg s14  }
0xe: {  	s26 =	sshrl.u32 s7, $0x3;
	s11 =	sadd.s32 s0, s5;
	[dreg:$0x9] =	wrdreg s15  }
0xf: {  	s5 =	sadd.s32 s8, s26;
	s18 =	sadd.s32 $0x3A30, s10;
	[dreg:$0x6] =	wrdreg s11  }
0x10: {  	s3 =	sadd.s32 $0x700, s14;
	s0 =	sadd.s32 $0x36400, s5;
	[dreg:$0x1a] =	wrdreg s18  }
0x11: {  	s4 =	sadd.s32 $0x1180, s14;
	s6 =	sadd.s32 $0x36780, s5;
	[dreg:$0xa] =	wrdreg s0  }
0x12: {  	s7 =	sadd.s32 $0x36B00, s5;
	s8 =	sadd.s32 $0x36E80, s5;
	[dreg:$0xb] =	wrdreg s6  }
0x13: {  	s9 =	sadd.s32 $0x37200, s5;
	s12 =	sadd.s32 $0x37580, s5;
	[dreg:$0xc] =	wrdreg s7  }
0x14: {  	s13 =	sadd.s32 $0x37900, s5;
	s16 =	sadd.s32 $0x37C80, s5;
	[dreg:$0xd] =	wrdreg s8  }
0x15: {  	s17 =	sadd.s32 $0x38000, s5;
	s19 =	sadd.s32 $0x38380, s5;
	[dreg:$0xe] =	wrdreg s9  }
0x16: {  	s20 =	sadd.s32 $0x38700, s5;
	s21 =	sadd.s32 $0x38A80, s5;
	[dreg:$0xf] =	wrdreg s12  }
0x17: {  	s22 =	sadd.s32 $0x38E00, s5;
	s23 =	sadd.s32 $0x39180, s5;
	[dreg:$0x10] =	wrdreg s13  }
0x18: {  	s24 =	sadd.s32 $0x39500, s5;
	s25 =	sadd.s32 $0x39880, s5;
	[dreg:$0x11] =	wrdreg s16  }
0x19: {  	s26 =	sadd.s32 $0x6E400, s5;
	s11 =	sadd.s32 $0x680, s11;
	[dreg:$0x12] =	wrdreg s17  }
0x1a: {  	s28 =	sadd.s32 $0x6E780, s5;
	s18 =	sadd.s32 $0x3C60, s10;
	[dreg:$0x18] =	wrdreg s11  }
0x1b: {  	s29 =	sadd.s32 $0x6EB00, s5;
	s12 =	sor.u32 $0x1C0, s10;
	[dreg:$0x1f] =	wrdreg s18  }
0x1c: {  	s30 =	sadd.s32 $0x6EE80, s5;
	s13 =	sor.u32 $0x2A0, s10;
	[dreg:$0x14] =	wrdreg s12  }
0x1d: {  	s31 =	sadd.s32 $0x6F200, s5;
	s16 =	sor.u32 $0x310, s10;
	[dreg:$0x16] =	wrdreg s13  }
0x1e: {  	s1 =	sadd.s32 $0x6F900, s5;
	s17 =	sadd.s32 $0x39C0, s10;
	[dreg:$0x17] =	wrdreg s16  }
0x1f: {  	s0 =	sadd.s32 $0x6F580, s5;
	[dreg:$0x19] =	wrdreg s17;
	s12 =	sadd.s32 $0x3AA0, s10  }
0x20: {  	s6 =	sadd.s32 $0x6FC80, s5;
	s13 =	sadd.s32 $0x3B10, s10;
	[dreg:$0x1b] =	wrdreg s12  }
0x21: {  	s5 =	sadd.s32 $0xA80, s14;
	s16 =	sadd.s32 $0x3B80, s10;
	[dreg:$0x1c] =	wrdreg s13  }
0x22: {  	s7 =	sadd.s32 $0xE00, s14;
	s17 =	sadd.s32 $0x3BF0, s10;
	[dreg:$0x1d] =	wrdreg s16  }
0x23: {  	s8 =	sadd.s32 $0x1500, s14;
	s10 =	sadd.s32 $0x3CD0, s10;
	[dreg:$0x1e] =	wrdreg s17  }
0x24: {  	s9 =	sadd.s32 $0x1880, s14;
	[smem:$0x7FD] =	sst s10;
	s12 =	simm.s32 $0x0  }
.LBB2_1:
0x25: {  	[smem:$0x7FC] =	sst s12  }
0x26: {  	s10 =	rddreg [dreg:$0x6];
	s16 =	simm.s32 $0x11  }
0x27: {  	[tilespmem:s2], [sflag:$0x11] =	stream.linear.gather [hbm4b:s10+s2], $0x3400, $0x38;
	[tilespmem:$0x1C400] =	vst v63  }
0x28: {  	_ =	swait.ge [sflag:s16], $0x3400  }
0x29: {  	s11 =	simm.s32 $0x64;
	[sflag:s16] =	ssyncset.done $0x0  }
0x2a: {  	s17 =	simm.s32 $0x3400;
	s10 =	rddreg [dreg:$0x4];
	[sflag:s16] =	ssyncadd.s32 $0xFFFFCC00  }
0x2b: {  	[tilespmem:s17], [sflag:$0x1] =	stream.indirect.gather [hbm4b:s10+s11], $0x80, s2, s11, $0xb8;
	[tilespmem:$0x1C400] =	vst v63  }
0x2c: {  	s18 =	simm.s32 $0x68;
	s13 =	simm.s32 $0x6600  }
0x2d: {  	[tilespmem:s13], [sflag:$0x2] =	stream.indirect.gather [hbm4b:s10+s11], $0x80, s18, s11, $0xb8;
	[tilespmem:$0x1C400] =	vst v63  }
0x2e: {  	s16 =	simm.s32 $0x9800;
	s13 =	simm.s32 $0xD0  }
0x2f: {  	[tilespmem:s16], [sflag:$0x3] =	stream.indirect.gather [hbm4b:s10+s11], $0x80, s13, s11, $0xb8;
	[tilespmem:$0x1C400] =	vst v63  }
0x30: {  	s17 =	simm.s32 $0x138;
	s18 =	simm.s32 $0xCA00  }
0x31: {  	[tilespmem:s18], [sflag:$0x4] =	stream.indirect.gather [hbm4b:s10+s11], $0x80, s17, s11, $0xb8;
	[tilespmem:$0x1C400] =	vst v63  }
0x32: {  	s16 =	simm.s32 $0x1A0;
	s17 =	simm.s32 $0xFC00;
	s18 =	simm.s32 $0x1  }
0x33: {  	[tilespmem:s17], [sflag:$0x5] =	stream.indirect.gather [hbm4b:s10+s11], $0x80, s16, s11, $0xb8;
	[tilespmem:$0x1C400] =	vst v63  }
0x34: {  	_ =	swait.ge [sflag:s18], $0x3200  }
0x35: {  	s12 =	simm.s32 $0x3400;
	s13 =	sadd.s32 $0x0, s14;
	[sflag:s18] =	ssyncset.done $0x0  }
0x36: {  	s10 =	simm.s32 $0x10;
	s11 =	simm.s32 $0x3480;
	[sflag:s18] =	ssyncadd.s32 $0xFFFFCE00  }
.LBB2_2:
0x37: {  	[hbm4b:s13+s2] =	stream.linear.scatter [tilespmem:s12], [sflag:$0x9], $0x40, $0x38;
	[tilespmem:$0x1C400] =	vst v63  }
0x38: {  	s13 =	smov.u32 s10;
	s12 =	smov.u32 s11;
	p0 =	sne.s32 s10, $0x310  }
.Ltmp0:
0x39: {  	s10 =	sadd.s32 $0x10, s10;
	(pc) =	sbr.rel @p0 .LBB2_2-.Ltmp0, $2  }
0x3a: {  	_ =	sdelay $0x2  }
0x3b: {  	s11 =	sadd.s32 $0x80, s11;
	s13 =	sadd.s32 s13, s14  }
0x3c: {  	[hbm4b:s13+s2] =	stream.linear.scatter [tilespmem:s12], [sflag:$0x9], $0x40, $0x38;
	[tilespmem:$0x1C400] =	vst v63  }
0x3d: {  	s10 =	simm.s32 $0x4D00  }
0x3e: {  	s11 =	simm.s32 $0x10;
	s13 =	sadd.s32 $0x0, s15;
	s12 =	simm.s32 $0x4D80  }
.LBB2_4:
0x3f: {  	[hbm4b:s13+s2] =	stream.linear.scatter [tilespmem:s10], [sflag:$0x9], $0x40, $0x38;
	[tilespmem:$0x1C400] =	vst v63  }
0x40: {  	s13 =	smov.u32 s11;
	s10 =	smov.u32 s12;
	p0 =	sne.s32 s11, $0x310  }
.Ltmp1:
0x41: {  	s11 =	sadd.s32 $0x10, s11;
	(pc) =	sbr.rel @p0 .LBB2_4-.Ltmp1, $2  }
0x42: {  	_ =	sdelay $0x2  }
0x43: {  	s12 =	sadd.s32 $0x80, s12;
	s13 =	sadd.s32 s13, s15  }
0x44: {  	[hbm4b:s13+s2] =	stream.linear.scatter [tilespmem:s10], [sflag:$0x9], $0x40, $0x38;
	[tilespmem:$0x1C400] =	vst v63  }
0x45: {  	s16 =	rddreg [dreg:$0x4];
	s11 =	simm.s32 $0x64  }
0x46: {  	s12 =	simm.s32 $0x208;
	s17 =	simm.s32 $0x12E00;
	s18 =	simm.s32 $0x2  }
0x47: {  	[tilespmem:s17], [sflag:$0x6] =	stream.indirect.gather [hbm4b:s16+s11], $0x80, s12, s11, $0xb8;
	[tilespmem:$0x1C400] =	vst v63  }
0x48: {  	_ =	swait.ge [sflag:s18], $0x3200  }
0x49: {  	s10 =	simm.s32 $0x6600;
	s13 =	sadd.s32 $0x0, s3;
	[sflag:s18] =	ssyncset.done $0x0  }
0x4a: {  	s11 =	simm.s32 $0x10;
	s12 =	simm.s32 $0x6680;
	[sflag:s18] =	ssyncadd.s32 $0xFFFFCE00  }
.LBB2_6:
0x4b: {  	[hbm4b:s13+s2] =	stream.linear.scatter [tilespmem:s10], [sflag:$0xA], $0x40, $0x38;
	[tilespmem:$0x1C400] =	vst v63  }
0x4c: {  	s13 =	smov.u32 s11;
	s10 =	smov.u32 s12;
	p0 =	sne.s32 s11, $0x310  }
.Ltmp2:
0x4d: {  	s11 =	sadd.s32 $0x10, s11;
	(pc) =	sbr.rel @p0 .LBB2_6-.Ltmp2, $2  }
0x4e: {  	_ =	sdelay $0x2  }
0x4f: {  	s12 =	sadd.s32 $0x80, s12;
	s13 =	sadd.s32 s13, s3  }
0x50: {  	[hbm4b:s13+s2] =	stream.linear.scatter [tilespmem:s10], [sflag:$0xA], $0x40, $0x38;
	[tilespmem:$0x1C400] =	vst v63  }
0x51: {  	s10 =	simm.s32 $0x7F00  }
0x52: {  	s11 =	simm.s32 $0x10;
	s13 =	sadd.s32 $0x0, s5;
	s12 =	simm.s32 $0x7F80  }
.LBB2_8:
0x53: {  	[hbm4b:s13+s2] =	stream.linear.scatter [tilespmem:s10], [sflag:$0xA], $0x40, $0x38;
	[tilespmem:$0x1C400] =	vst v63  }
0x54: {  	s13 =	smov.u32 s11;
	s10 =	smov.u32 s12;
	p0 =	sne.s32 s11, $0x310  }
.Ltmp3:
0x55: {  	s11 =	sadd.s32 $0x10, s11;
	(pc) =	sbr.rel @p0 .LBB2_8-.Ltmp3, $2  }
0x56: {  	_ =	sdelay $0x2  }
0x57: {  	s12 =	sadd.s32 $0x80, s12;
	s13 =	sadd.s32 s13, s5  }
0x58: {  	[hbm4b:s13+s2] =	stream.linear.scatter [tilespmem:s10], [sflag:$0xA], $0x40, $0x38;
	[tilespmem:$0x1C400] =	vst v63  }
0x59: {  	s16 =	rddreg [dreg:$0x4];
	s11 =	simm.s32 $0x64  }
0x5a: {  	s12 =	simm.s32 $0x270;
	s17 =	simm.s32 $0x16000;
	s18 =	simm.s32 $0x3  }
0x5b: {  	[tilespmem:s17], [sflag:$0x7] =	stream.indirect.gather [hbm4b:s16+s11], $0x80, s12, s11, $0xb8;
	[tilespmem:$0x1C400] =	vst v63  }
0x5c: {  	_ =	swait.ge [sflag:s18], $0x3200  }
0x5d: {  	s10 =	simm.s32 $0x9800;
	s13 =	sadd.s32 $0x0, s7;
	[sflag:s18] =	ssyncset.done $0x0  }
0x5e: {  	s11 =	simm.s32 $0x10;
	s12 =	simm.s32 $0x9880;
	[sflag:s18] =	ssyncadd.s32 $0xFFFFCE00  }
.LBB2_10:
0x5f: {  	[hbm4b:s13+s2] =	stream.linear.scatter [tilespmem:s10], [sflag:$0xB], $0x40, $0x38;
	[tilespmem:$0x1C400] =	vst v63  }
0x60: {  	s13 =	smov.u32 s11;
	s10 =	smov.u32 s12;
	p0 =	sne.s32 s11, $0x310  }
.Ltmp4:
0x61: {  	s11 =	sadd.s32 $0x10, s11;
	(pc) =	sbr.rel @p0 .LBB2_10-.Ltmp4, $2  }
0x62: {  	_ =	sdelay $0x2  }
0x63: {  	s12 =	sadd.s32 $0x80, s12;
	s13 =	sadd.s32 s13, s7  }
0x64: {  	[hbm4b:s13+s2] =	stream.linear.scatter [tilespmem:s10], [sflag:$0xB], $0x40, $0x38;
	[tilespmem:$0x1C400] =	vst v63  }
0x65: {  	s10 =	simm.s32 $0xB100  }
0x66: {  	s11 =	simm.s32 $0x10;
	s13 =	sadd.s32 $0x0, s4;
	s12 =	simm.s32 $0xB180  }
.LBB2_12:
0x67: {  	[hbm4b:s13+s2] =	stream.linear.scatter [tilespmem:s10], [sflag:$0xB], $0x40, $0x38;
	[tilespmem:$0x1C400] =	vst v63  }
0x68: {  	s13 =	smov.u32 s11;
	s10 =	smov.u32 s12;
	p0 =	sne.s32 s11, $0x310  }
.Ltmp5:
0x69: {  	s11 =	sadd.s32 $0x10, s11;
	(pc) =	sbr.rel @p0 .LBB2_12-.Ltmp5, $2  }
0x6a: {  	_ =	sdelay $0x2  }
0x6b: {  	s12 =	sadd.s32 $0x80, s12;
	s13 =	sadd.s32 s13, s4  }
0x6c: {  	[hbm4b:s13+s2] =	stream.linear.scatter [tilespmem:s10], [sflag:$0xB], $0x40, $0x38;
	[tilespmem:$0x1C400] =	vst v63  }
0x6d: {  	s16 =	rddreg [dreg:$0x4];
	s11 =	simm.s32 $0x64  }
0x6e: {  	s12 =	simm.s32 $0x2D8;
	s17 =	simm.s32 $0x19200;
	s18 =	simm.s32 $0x4  }
0x6f: {  	[tilespmem:s17], [sflag:$0x8] =	stream.indirect.gather [hbm4b:s16+s11], $0x80, s12, s11, $0xb8;
	[tilespmem:$0x1C400] =	vst v63  }
0x70: {  	_ =	swait.ge [sflag:s18], $0x3200  }
0x71: {  	s10 =	simm.s32 $0xCA00;
	s13 =	sadd.s32 $0x0, s8;
	[sflag:s18] =	ssyncset.done $0x0  }
0x72: {  	s11 =	simm.s32 $0x10;
	s12 =	simm.s32 $0xCA80;
	[sflag:s18] =	ssyncadd.s32 $0xFFFFCE00  }
.LBB2_14:
0x73: {  	[hbm4b:s13+s2] =	stream.linear.scatter [tilespmem:s10], [sflag:$0xC], $0x40, $0x38;
	[tilespmem:$0x1C400] =	vst v63  }
0x74: {  	s13 =	smov.u32 s11;
	s10 =	smov.u32 s12;
	p0 =	sne.s32 s11, $0x310  }
.Ltmp6:
0x75: {  	s11 =	sadd.s32 $0x10, s11;
	(pc) =	sbr.rel @p0 .LBB2_14-.Ltmp6, $2  }
0x76: {  	_ =	sdelay $0x2  }
0x77: {  	s12 =	sadd.s32 $0x80, s12;
	s13 =	sadd.s32 s13, s8  }
0x78: {  	[hbm4b:s13+s2] =	stream.linear.scatter [tilespmem:s10], [sflag:$0xC], $0x40, $0x38;
	[tilespmem:$0x1C400] =	vst v63  }
0x79: {  	s10 =	simm.s32 $0x0;
	s11 =	simm.s32 $0xE300  }
0x7a: {  	s12 =	simm.s32 $0x10;
	s14 =	sadd.s32 $0x0, s9;
	s13 =	simm.s32 $0xE380  }
.LBB2_16:
0x7b: {  	[hbm4b:s14+s10] =	stream.linear.scatter [tilespmem:s11], [sflag:$0xC], $0x40, $0x38;
	[tilespmem:$0x1C400] =	vst v63  }
0x7c: {  	s14 =	smov.u32 s12;
	s11 =	smov.u32 s13;
	p0 =	sne.s32 s12, $0x310  }
.Ltmp7:
0x7d: {  	s12 =	sadd.s32 $0x10, s12;
	(pc) =	sbr.rel @p0 .LBB2_16-.Ltmp7, $2  }
0x7e: {  	_ =	sdelay $0x2  }
0x7f: {  	s13 =	sadd.s32 $0x80, s13;
	s14 =	sadd.s32 s14, s9  }
0x80: {  	[hbm4b:s14+s10] =	stream.linear.scatter [tilespmem:s11], [sflag:$0xC], $0x40, $0x38;
	[tilespmem:$0x1C400] =	vst v63  }
.LBB2_18:
0x81: {  	s13 =	simm.s32 $0x9  }
0x82: {  	_ =	swait.ge [sflag:s13], $0xC80  }
0x83: {  	[sflag:s13] =	ssyncset.done $0x0  }
0x84: {  	s12 =	sshll.u32 s10, $0x3;
	[sflag:s13] =	ssyncadd.s32 $0xFFFFF380  }
0x85: {  	s11 =	sadd.s32 $0x8, s12;
	_ =	swait.ge [sflag:s13], $0xC80  }
0x86: {  	s15 =	simm.s32 $0x64;
	[smem:$0x7FB] =	sst s11;
	s11 =	smul.u32 $0x1A0, s11  }
0x87: {  	s16 =	simm.s32 $0x3400;
	[sflag:s13] =	ssyncset.done $0x0;
	s14 =	rddreg [dreg:$0x4]  }
0x88: {  	[sflag:s13] =	ssyncadd.s32 $0xFFFFF380;
	s18 =	sshra.s32 s11, $0x2;
	s11 =	smul.u32 $0x380, s10  }
0x89: {  	[tilespmem:s16], [sflag:$0x1] =	stream.indirect.gather [hbm4b:s14+s15], $0x80, s18, s15, $0xb8;
	[tilespmem:$0x1C400] =	vst v63  }
0x8a: {  	s16 =	rddreg [dreg:$0x14]  }
0x8b: {  	s17 =	simm.s32 $0x5;
	s13 =	sadd.s32 s11, s16  }
0x8c: {  	_ =	swait.ge [sflag:s17], $0x3200;
	s13 =	sshll.u32 s13, $0x4  }
0x8d: {  	s15 =	simm.s32 $0xFC00;
	s18 =	rddreg [dreg:$0x5];
	s13 =	sand.u32 $0x1FFFFC00, s13  }
0x8e: {  	s16 =	simm.s32 $0x10;
	[sflag:s17] =	ssyncset.done $0x0;
	s14 =	sadd.s32 s18, s13  }
0x8f: {  	[sflag:s17] =	ssyncadd.s32 $0xFFFFCE00;
	s17 =	simm.s32 $0xFC80;
	s18 =	sadd.s32 $0x0, s14  }
.LBB2_19:
0x90: {  	[hbm4b:s18+s2] =	stream.linear.scatter [tilespmem:s15], [sflag:$0xD], $0x40, $0x38;
	[tilespmem:$0x1C400] =	vst v63  }
0x91: {  	s18 =	smov.u32 s16;
	s15 =	smov.u32 s17;
	p0 =	sne.s32 s16, $0x310  }
.Ltmp8:
0x92: {  	s16 =	sadd.s32 $0x10, s16;
	(pc) =	sbr.rel @p0 .LBB2_19-.Ltmp8, $2  }
0x93: {  	_ =	sdelay $0x2  }
0x94: {  	s17 =	sadd.s32 $0x80, s17;
	s18 =	sadd.s32 s18, s14  }
0x95: {  	[hbm4b:s18+s2] =	stream.linear.scatter [tilespmem:s15], [sflag:$0xD], $0x40, $0x38;
	[tilespmem:$0x1C400] =	vst v63  }
0x96: {  	s14 =	rddreg [dreg:$0x7]  }
0x97: {  	s15 =	simm.s32 $0x10;
	s13 =	sadd.s32 s13, s14  }
0x98: {  	s16 =	simm.s32 $0x11580;
	s14 =	simm.s32 $0x11500;
	s17 =	sadd.s32 $0x0, s13  }
.LBB2_21:
0x99: {  	[hbm4b:s17+s2] =	stream.linear.scatter [tilespmem:s14], [sflag:$0xD], $0x40, $0x38;
	[tilespmem:$0x1C400] =	vst v63  }
0x9a: {  	s17 =	smov.u32 s15;
	s14 =	smov.u32 s16;
	p0 =	sne.s32 s15, $0x310  }
.Ltmp9:
0x9b: {  	s15 =	sadd.s32 $0x10, s15;
	(pc) =	sbr.rel @p0 .LBB2_21-.Ltmp9, $2  }
0x9c: {  	_ =	sdelay $0x2  }
0x9d: {  	s16 =	sadd.s32 $0x80, s16;
	s17 =	sadd.s32 s17, s13  }
0x9e: {  	[hbm4b:s17+s2] =	stream.linear.scatter [tilespmem:s14], [sflag:$0xD], $0x40, $0x38;
	[tilespmem:$0x1C400] =	vst v63  }
0x9f: {  	s17 =	simm.s32 $0xA  }
0xa0: {  	_ =	swait.ge [sflag:s17], $0xC80  }
0xa1: {  	[sflag:s17] =	ssyncset.done $0x0  }
0xa2: {  	[sflag:s17] =	ssyncadd.s32 $0xFFFFF380  }
0xa3: {  	s13 =	sadd.s32 $0x9, s12;
	_ =	swait.ge [sflag:s17], $0xC80  }
0xa4: {  	[smem:$0x7FA] =	sst s13;
	s13 =	smul.u32 $0x1A0, s13  }
0xa5: {  	s15 =	simm.s32 $0x64;
	s16 =	simm.s32 $0x6600;
	[sflag:s17] =	ssyncset.done $0x0  }
0xa6: {  	s18 =	rddreg [dreg:$0x4];
	[sflag:s17] =	ssyncadd.s32 $0xFFFFF380;
	s13 =	sshra.s32 s13, $0x2  }
0xa7: {  	[tilespmem:s16], [sflag:$0x2] =	stream.indirect.gather [hbm4b:s18+s15], $0x80, s13, s15, $0xb8;
	[tilespmem:$0x1C400] =	vst v63  }
0xa8: {  	s15 =	rddreg [dreg:$0x15]  }
0xa9: {  	s16 =	simm.s32 $0x6;
	s13 =	sadd.s32 s11, s15  }
0xaa: {  	_ =	swait.ge [sflag:s16], $0x3200;
	s13 =	sshll.u32 s13, $0x4  }
0xab: {  	[sflag:s16] =	ssyncset.done $0x0;
	s18 =	rddreg [dreg:$0x5];
	s17 =	sand.u32 $0x1FFFFB00, s13  }
0xac: {  	s15 =	simm.s32 $0x12E00;
	[sflag:s16] =	ssyncadd.s32 $0xFFFFCE00;
	s14 =	sadd.s32 s18, s17  }
0xad: {  	s16 =	simm.s32 $0x10;
	s17 =	simm.s32 $0x12E80;
	s18 =	sadd.s32 $0x0, s14  }
.LBB2_23:
0xae: {  	[hbm4b:s18+s2] =	stream.linear.scatter [tilespmem:s15], [sflag:$0xE], $0x40, $0x38;
	[tilespmem:$0x1C400] =	vst v63  }
0xaf: {  	s18 =	smov.u32 s16;
	s15 =	smov.u32 s17;
	p0 =	sne.s32 s16, $0x310  }
.Ltmp10:
0xb0: {  	s16 =	sadd.s32 $0x10, s16;
	(pc) =	sbr.rel @p0 .LBB2_23-.Ltmp10, $2  }
0xb1: {  	_ =	sdelay $0x2  }
0xb2: {  	s17 =	sadd.s32 $0x80, s17;
	s18 =	sadd.s32 s18, s14  }
0xb3: {  	[hbm4b:s18+s2] =	stream.linear.scatter [tilespmem:s15], [sflag:$0xE], $0x40, $0x38;
	[tilespmem:$0x1C400] =	vst v63  }
0xb4: {  	s14 =	rddreg [dreg:$0x7]  }
0xb5: {  	s15 =	simm.s32 $0x10;
	s13 =	sadd.s32 s13, s14  }
0xb6: {  	s16 =	simm.s32 $0x14780;
	s14 =	simm.s32 $0x14700;
	s17 =	sadd.s32 $0x0, s13  }
.LBB2_25:
0xb7: {  	[hbm4b:s17+s2] =	stream.linear.scatter [tilespmem:s14], [sflag:$0xE], $0x40, $0x38;
	[tilespmem:$0x1C400] =	vst v63  }
0xb8: {  	s17 =	smov.u32 s15;
	s14 =	smov.u32 s16;
	p0 =	sne.s32 s15, $0x310  }
.Ltmp11:
0xb9: {  	s15 =	sadd.s32 $0x10, s15;
	(pc) =	sbr.rel @p0 .LBB2_25-.Ltmp11, $2  }
0xba: {  	_ =	sdelay $0x2  }
0xbb: {  	s16 =	sadd.s32 $0x80, s16;
	s17 =	sadd.s32 s17, s13  }
0xbc: {  	[hbm4b:s17+s2] =	stream.linear.scatter [tilespmem:s14], [sflag:$0xE], $0x40, $0x38;
	[tilespmem:$0x1C400] =	vst v63  }
0xbd: {  	s17 =	simm.s32 $0xB  }
0xbe: {  	_ =	swait.ge [sflag:s17], $0xC80  }
0xbf: {  	[sflag:s17] =	ssyncset.done $0x0  }
0xc0: {  	[sflag:s17] =	ssyncadd.s32 $0xFFFFF380  }
0xc1: {  	s13 =	sadd.s32 $0xA, s12;
	_ =	swait.ge [sflag:s17], $0xC80  }
0xc2: {  	[smem:$0x7F9] =	sst s13;
	s13 =	smul.u32 $0x1A0, s13  }
0xc3: {  	s15 =	simm.s32 $0x64;
	s16 =	simm.s32 $0x9800;
	[sflag:s17] =	ssyncset.done $0x0  }
0xc4: {  	s18 =	rddreg [dreg:$0x4];
	[sflag:s17] =	ssyncadd.s32 $0xFFFFF380;
	s13 =	sshra.s32 s13, $0x2  }
0xc5: {  	[tilespmem:s16], [sflag:$0x3] =	stream.indirect.gather [hbm4b:s18+s15], $0x80, s13, s15, $0xb8;
	[tilespmem:$0x1C400] =	vst v63  }
0xc6: {  	s15 =	rddreg [dreg:$0x16]  }
0xc7: {  	s16 =	simm.s32 $0x7;
	s13 =	sadd.s32 s11, s15  }
0xc8: {  	_ =	swait.ge [sflag:s16], $0x3200;
	s13 =	sshll.u32 s13, $0x4  }
0xc9: {  	[sflag:s16] =	ssyncset.done $0x0;
	s18 =	rddreg [dreg:$0x5];
	s17 =	sand.u32 $0x1FFFFA00, s13  }
0xca: {  	s15 =	simm.s32 $0x16000;
	[sflag:s16] =	ssyncadd.s32 $0xFFFFCE00;
	s14 =	sadd.s32 s18, s17  }
0xcb: {  	s16 =	simm.s32 $0x10;
	s17 =	simm.s32 $0x16080;
	s18 =	sadd.s32 $0x0, s14  }
.LBB2_27:
0xcc: {  	[hbm4b:s18+s2] =	stream.linear.scatter [tilespmem:s15], [sflag:$0xF], $0x40, $0x38;
	[tilespmem:$0x1C400] =	vst v63  }
0xcd: {  	s18 =	smov.u32 s16;
	s15 =	smov.u32 s17;
	p0 =	sne.s32 s16, $0x310  }
.Ltmp12:
0xce: {  	s16 =	sadd.s32 $0x10, s16;
	(pc) =	sbr.rel @p0 .LBB2_27-.Ltmp12, $2  }
0xcf: {  	_ =	sdelay $0x2  }
0xd0: {  	s17 =	sadd.s32 $0x80, s17;
	s18 =	sadd.s32 s18, s14  }
0xd1: {  	[hbm4b:s18+s2] =	stream.linear.scatter [tilespmem:s15], [sflag:$0xF], $0x40, $0x38;
	[tilespmem:$0x1C400] =	vst v63  }
0xd2: {  	s14 =	rddreg [dreg:$0x7]  }
0xd3: {  	s15 =	simm.s32 $0x10;
	s13 =	sadd.s32 s13, s14  }
0xd4: {  	s16 =	simm.s32 $0x17980;
	s14 =	simm.s32 $0x17900;
	s17 =	sadd.s32 $0x0, s13  }
.LBB2_29:
0xd5: {  	[hbm4b:s17+s2] =	stream.linear.scatter [tilespmem:s14], [sflag:$0xF], $0x40, $0x38;
	[tilespmem:$0x1C400] =	vst v63  }
0xd6: {  	s17 =	smov.u32 s15;
	s14 =	smov.u32 s16;
	p0 =	sne.s32 s15, $0x310  }
.Ltmp13:
0xd7: {  	s15 =	sadd.s32 $0x10, s15;
	(pc) =	sbr.rel @p0 .LBB2_29-.Ltmp13, $2  }
0xd8: {  	_ =	sdelay $0x2  }
0xd9: {  	s16 =	sadd.s32 $0x80, s16;
	s17 =	sadd.s32 s17, s13  }
0xda: {  	[hbm4b:s17+s2] =	stream.linear.scatter [tilespmem:s14], [sflag:$0xF], $0x40, $0x38;
	[tilespmem:$0x1C400] =	vst v63  }
0xdb: {  	s17 =	simm.s32 $0xC  }
0xdc: {  	_ =	swait.ge [sflag:s17], $0xC80  }
0xdd: {  	[sflag:s17] =	ssyncset.done $0x0  }
0xde: {  	s12 =	sadd.s32 $0xB, s12;
	[sflag:s17] =	ssyncadd.s32 $0xFFFFF380  }
0xdf: {  	s13 =	smul.u32 $0x1A0, s12;
	_ =	swait.ge [sflag:s17], $0xC80  }
0xe0: {  	s15 =	simm.s32 $0x64;
	s16 =	simm.s32 $0xCA00;
	[sflag:s17] =	ssyncset.done $0x0  }
0xe1: {  	s13 =	sshra.s32 s13, $0x2;
	s18 =	rddreg [dreg:$0x4];
	[sflag:s17] =	ssyncadd.s32 $0xFFFFF380  }
0xe2: {  	[tilespmem:s16], [sflag:$0x4] =	stream.indirect.gather [hbm4b:s18+s15], $0x80, s13, s15, $0xb8;
	[tilespmem:$0x1C400] =	vst v63  }
0xe3: {  	s15 =	rddreg [dreg:$0x17]  }
0xe4: {  	s16 =	simm.s32 $0x8;
	s11 =	sadd.s32 s11, s15  }
0xe5: {  	_ =	swait.ge [sflag:s16], $0x3200;
	s11 =	sshll.u32 s11, $0x4  }
0xe6: {  	s14 =	simm.s32 $0x19200;
	s18 =	rddreg [dreg:$0x5];
	s17 =	sand.u32 $0x1FFFF900, s11  }
0xe7: {  	s15 =	simm.s32 $0x10;
	[sflag:s16] =	ssyncset.done $0x0;
	s13 =	sadd.s32 s18, s17  }
0xe8: {  	[sflag:s16] =	ssyncadd.s32 $0xFFFFCE00;
	s16 =	simm.s32 $0x19280;
	s17 =	sadd.s32 $0x0, s13  }
.LBB2_31:
0xe9: {  	[hbm4b:s17+s2] =	stream.linear.scatter [tilespmem:s14], [sflag:$0x10], $0x40, $0x38;
	[tilespmem:$0x1C400] =	vst v63  }
0xea: {  	s17 =	smov.u32 s15;
	s14 =	smov.u32 s16;
	p0 =	sne.s32 s15, $0x310  }
.Ltmp14:
0xeb: {  	s15 =	sadd.s32 $0x10, s15;
	(pc) =	sbr.rel @p0 .LBB2_31-.Ltmp14, $2  }
0xec: {  	_ =	sdelay $0x2  }
0xed: {  	s16 =	sadd.s32 $0x80, s16;
	s17 =	sadd.s32 s17, s13  }
0xee: {  	[hbm4b:s17+s2] =	stream.linear.scatter [tilespmem:s14], [sflag:$0x10], $0x40, $0x38;
	[tilespmem:$0x1C400] =	vst v63  }
0xef: {  	s13 =	rddreg [dreg:$0x7]  }
0xf0: {  	s14 =	simm.s32 $0x10;
	s11 =	sadd.s32 s11, s13  }
0xf1: {  	s15 =	simm.s32 $0x1AB80;
	s13 =	simm.s32 $0x1AB00;
	s16 =	sadd.s32 $0x0, s11  }
.LBB2_33:
0xf2: {  	[hbm4b:s16+s2] =	stream.linear.scatter [tilespmem:s13], [sflag:$0x10], $0x40, $0x38;
	[tilespmem:$0x1C400] =	vst v63  }
0xf3: {  	s16 =	smov.u32 s14;
	s13 =	smov.u32 s15;
	p0 =	sne.s32 s14, $0x310  }
.Ltmp15:
0xf4: {  	s14 =	sadd.s32 $0x10, s14;
	(pc) =	sbr.rel @p0 .LBB2_33-.Ltmp15, $2  }
0xf5: {  	_ =	sdelay $0x2  }
0xf6: {  	s15 =	sadd.s32 $0x80, s15;
	s16 =	sadd.s32 s16, s11  }
0xf7: {  	[hbm4b:s16+s2] =	stream.linear.scatter [tilespmem:s13], [sflag:$0x10], $0x40, $0x38;
	[tilespmem:$0x1C400] =	vst v63  }
0xf8: {  	s15 =	simm.s32 $0xD  }
0xf9: {  	_ =	swait.ge [sflag:s15], $0xC80  }
0xfa: {  	[sflag:s15] =	ssyncset.done $0x0  }
0xfb: {  	s11 =	smul.u32 $0xD00, s10;
	[sflag:s15] =	ssyncadd.s32 $0xFFFFF380  }
0xfc: {  	s18 =	simm.s32 $0x64;
	s17 =	simm.s32 $0xFC00;
	_ =	swait.ge [sflag:s15], $0xC80  }
0xfd: {  	s11 =	sshra.s32 s11, $0x2;
	[sflag:s15] =	ssyncset.done $0x0;
	s14 =	sld [smem:$0x7FB]  }
0xfe: {  	s16 =	sadd.s32 $0x4E0, s11;
	[sflag:s15] =	ssyncadd.s32 $0xFFFFF380;
	s15 =	rddreg [dreg:$0x4]  }
0xff: {  	[tilespmem:s17], [sflag:$0x5] =	stream.indirect.gather [hbm4b:s15+s18], $0x80, s16, s18, $0xb8;
	[tilespmem:$0x1C400] =	vst v63  }
0x100: {  	s14 =	smul.u32 $0x70, s14  }
0x101: {  	s16 =	rddreg [dreg:$0x3]  }
0x102: {  	s17 =	simm.s32 $0x1;
	s13 =	sadd.s32 s16, s14  }
0x103: {  	_ =	swait.ge [sflag:s17], $0x3200;
	s13 =	sshll.u32 s13, $0x4  }
0x104: {  	[sflag:s17] =	ssyncset.done $0x0;
	s18 =	rddreg [dreg:$0x5];
	s13 =	sand.u32 $0x1FFFF800, s13  }
0x105: {  	s15 =	simm.s32 $0x3400;
	[sflag:s17] =	ssyncadd.s32 $0xFFFFCE00;
	s14 =	sadd.s32 s18, s13  }
0x106: {  	s16 =	simm.s32 $0x10;
	s17 =	simm.s32 $0x3480;
	s18 =	sadd.s32 $0x0, s14  }
.LBB2_35:
0x107: {  	[hbm4b:s18+s2] =	stream.linear.scatter [tilespmem:s15], [sflag:$0x9], $0x40, $0x38;
	[tilespmem:$0x1C400] =	vst v63  }
0x108: {  	s18 =	smov.u32 s16;
	s15 =	smov.u32 s17;
	p0 =	sne.s32 s16, $0x310  }
.Ltmp16:
0x109: {  	s16 =	sadd.s32 $0x10, s16;
	(pc) =	sbr.rel @p0 .LBB2_35-.Ltmp16, $2  }
0x10a: {  	_ =	sdelay $0x2  }
0x10b: {  	s17 =	sadd.s32 $0x80, s17;
	s18 =	sadd.s32 s18, s14  }
0x10c: {  	[hbm4b:s18+s2] =	stream.linear.scatter [tilespmem:s15], [sflag:$0x9], $0x40, $0x38;
	[tilespmem:$0x1C400] =	vst v63  }
0x10d: {  	s14 =	rddreg [dreg:$0x7]  }
0x10e: {  	s15 =	simm.s32 $0x10;
	s13 =	sadd.s32 s13, s14  }
0x10f: {  	s16 =	simm.s32 $0x4D80;
	s14 =	simm.s32 $0x4D00;
	s17 =	sadd.s32 $0x0, s13  }
.LBB2_37:
0x110: {  	[hbm4b:s17+s2] =	stream.linear.scatter [tilespmem:s14], [sflag:$0x9], $0x40, $0x38;
	[tilespmem:$0x1C400] =	vst v63  }
0x111: {  	s17 =	smov.u32 s15;
	s14 =	smov.u32 s16;
	p0 =	sne.s32 s15, $0x310  }
.Ltmp17:
0x112: {  	s15 =	sadd.s32 $0x10, s15;
	(pc) =	sbr.rel @p0 .LBB2_37-.Ltmp17, $2  }
0x113: {  	_ =	sdelay $0x2  }
0x114: {  	s16 =	sadd.s32 $0x80, s16;
	s17 =	sadd.s32 s17, s13  }
0x115: {  	[hbm4b:s17+s2] =	stream.linear.scatter [tilespmem:s14], [sflag:$0x9], $0x40, $0x38;
	[tilespmem:$0x1C400] =	vst v63  }
0x116: {  	s13 =	simm.s32 $0xE  }
0x117: {  	_ =	swait.ge [sflag:s13], $0xC80  }
0x118: {  	[sflag:s13] =	ssyncset.done $0x0  }
0x119: {  	[sflag:s13] =	ssyncadd.s32 $0xFFFFF380  }
0x11a: {  	s16 =	simm.s32 $0x64;
	_ =	swait.ge [sflag:s13], $0xC80  }
0x11b: {  	s18 =	simm.s32 $0x12E00;
	[sflag:s13] =	ssyncset.done $0x0;
	s17 =	sld [smem:$0x7FA]  }
0x11c: {  	s15 =	rddreg [dreg:$0x4];
	[sflag:s13] =	ssyncadd.s32 $0xFFFFF380;
	s13 =	sadd.s32 $0x548, s11  }
0x11d: {  	[tilespmem:s18], [sflag:$0x6] =	stream.indirect.gather [hbm4b:s15+s16], $0x80, s13, s16, $0xb8;
	[tilespmem:$0x1C400] =	vst v63  }
0x11e: {  	s14 =	smul.u32 $0x70, s17  }
0x11f: {  	s15 =	rddreg [dreg:$0x3]  }
0x120: {  	s16 =	simm.s32 $0x2;
	s13 =	sadd.s32 s15, s14  }
0x121: {  	_ =	swait.ge [sflag:s16], $0x3200;
	s13 =	sshll.u32 s13, $0x4  }
0x122: {  	[sflag:s16] =	ssyncset.done $0x0;
	s18 =	rddreg [dreg:$0x5];
	s17 =	sand.u32 $0x1FFFFF00, s13  }
0x123: {  	[sflag:s16] =	ssyncadd.s32 $0xFFFFCE00;
	s15 =	simm.s32 $0x6600;
	s14 =	sadd.s32 s18, s17  }
0x124: {  	s16 =	simm.s32 $0x10;
	s17 =	simm.s32 $0x6680;
	s18 =	sadd.s32 $0x0, s14  }
.LBB2_39:
0x125: {  	[hbm4b:s18+s2] =	stream.linear.scatter [tilespmem:s15], [sflag:$0xA], $0x40, $0x38;
	[tilespmem:$0x1C400] =	vst v63  }
0x126: {  	s18 =	smov.u32 s16;
	s15 =	smov.u32 s17;
	p0 =	sne.s32 s16, $0x310  }
.Ltmp18:
0x127: {  	s16 =	sadd.s32 $0x10, s16;
	(pc) =	sbr.rel @p0 .LBB2_39-.Ltmp18, $2  }
0x128: {  	_ =	sdelay $0x2  }
0x129: {  	s17 =	sadd.s32 $0x80, s17;
	s18 =	sadd.s32 s18, s14  }
0x12a: {  	[hbm4b:s18+s2] =	stream.linear.scatter [tilespmem:s15], [sflag:$0xA], $0x40, $0x38;
	[tilespmem:$0x1C400] =	vst v63  }
0x12b: {  	s14 =	rddreg [dreg:$0x7]  }
0x12c: {  	s15 =	simm.s32 $0x10;
	s13 =	sadd.s32 s13, s14  }
0x12d: {  	s16 =	simm.s32 $0x7F80;
	s14 =	simm.s32 $0x7F00;
	s17 =	sadd.s32 $0x0, s13  }
.LBB2_41:
0x12e: {  	[hbm4b:s17+s2] =	stream.linear.scatter [tilespmem:s14], [sflag:$0xA], $0x40, $0x38;
	[tilespmem:$0x1C400] =	vst v63  }
0x12f: {  	s17 =	smov.u32 s15;
	s14 =	smov.u32 s16;
	p0 =	sne.s32 s15, $0x310  }
.Ltmp19:
0x130: {  	s15 =	sadd.s32 $0x10, s15;
	(pc) =	sbr.rel @p0 .LBB2_41-.Ltmp19, $2  }
0x131: {  	_ =	sdelay $0x2  }
0x132: {  	s16 =	sadd.s32 $0x80, s16;
	s17 =	sadd.s32 s17, s13  }
0x133: {  	[hbm4b:s17+s2] =	stream.linear.scatter [tilespmem:s14], [sflag:$0xA], $0x40, $0x38;
	[tilespmem:$0x1C400] =	vst v63  }
0x134: {  	s13 =	simm.s32 $0xF  }
0x135: {  	_ =	swait.ge [sflag:s13], $0xC80  }
0x136: {  	[sflag:s13] =	ssyncset.done $0x0  }
0x137: {  	[sflag:s13] =	ssyncadd.s32 $0xFFFFF380  }
0x138: {  	s16 =	simm.s32 $0x64;
	_ =	swait.ge [sflag:s13], $0xC80  }
0x139: {  	s18 =	simm.s32 $0x16000;
	[sflag:s13] =	ssyncset.done $0x0;
	s17 =	sld [smem:$0x7F9]  }
0x13a: {  	s15 =	rddreg [dreg:$0x4];
	[sflag:s13] =	ssyncadd.s32 $0xFFFFF380;
	s13 =	sadd.s32 $0x5B0, s11  }
0x13b: {  	[tilespmem:s18], [sflag:$0x7] =	stream.indirect.gather [hbm4b:s15+s16], $0x80, s13, s16, $0xb8;
	[tilespmem:$0x1C400] =	vst v63  }
0x13c: {  	s14 =	smul.u32 $0x70, s17  }
0x13d: {  	s15 =	rddreg [dreg:$0x3]  }
0x13e: {  	s16 =	simm.s32 $0x3;
	s13 =	sadd.s32 s15, s14  }
0x13f: {  	_ =	swait.ge [sflag:s16], $0x3200;
	s13 =	sshll.u32 s13, $0x4  }
0x140: {  	[sflag:s16] =	ssyncset.done $0x0;
	s18 =	rddreg [dreg:$0x5];
	s17 =	sand.u32 $0x1FFFFE00, s13  }
0x141: {  	[sflag:s16] =	ssyncadd.s32 $0xFFFFCE00;
	s15 =	simm.s32 $0x9800;
	s14 =	sadd.s32 s18, s17  }
0x142: {  	s16 =	simm.s32 $0x10;
	s17 =	simm.s32 $0x9880;
	s18 =	sadd.s32 $0x0, s14  }
.LBB2_43:
0x143: {  	[hbm4b:s18+s2] =	stream.linear.scatter [tilespmem:s15], [sflag:$0xB], $0x40, $0x38;
	[tilespmem:$0x1C400] =	vst v63  }
0x144: {  	s18 =	smov.u32 s16;
	s15 =	smov.u32 s17;
	p0 =	sne.s32 s16, $0x310  }
.Ltmp20:
0x145: {  	s16 =	sadd.s32 $0x10, s16;
	(pc) =	sbr.rel @p0 .LBB2_43-.Ltmp20, $2  }
0x146: {  	_ =	sdelay $0x2  }
0x147: {  	s17 =	sadd.s32 $0x80, s17;
	s18 =	sadd.s32 s18, s14  }
0x148: {  	[hbm4b:s18+s2] =	stream.linear.scatter [tilespmem:s15], [sflag:$0xB], $0x40, $0x38;
	[tilespmem:$0x1C400] =	vst v63  }
0x149: {  	s14 =	rddreg [dreg:$0x7]  }
0x14a: {  	s15 =	simm.s32 $0x10;
	s13 =	sadd.s32 s13, s14  }
0x14b: {  	s16 =	simm.s32 $0xB180;
	s14 =	simm.s32 $0xB100;
	s17 =	sadd.s32 $0x0, s13  }
.LBB2_45:
0x14c: {  	[hbm4b:s17+s2] =	stream.linear.scatter [tilespmem:s14], [sflag:$0xB], $0x40, $0x38;
	[tilespmem:$0x1C400] =	vst v63  }
0x14d: {  	s17 =	smov.u32 s15;
	s14 =	smov.u32 s16;
	p0 =	sne.s32 s15, $0x310  }
.Ltmp21:
0x14e: {  	s15 =	sadd.s32 $0x10, s15;
	(pc) =	sbr.rel @p0 .LBB2_45-.Ltmp21, $2  }
0x14f: {  	_ =	sdelay $0x2  }
0x150: {  	s16 =	sadd.s32 $0x80, s16;
	s17 =	sadd.s32 s17, s13  }
0x151: {  	[hbm4b:s17+s2] =	stream.linear.scatter [tilespmem:s14], [sflag:$0xB], $0x40, $0x38;
	[tilespmem:$0x1C400] =	vst v63  }
0x152: {  	s13 =	simm.s32 $0x10  }
0x153: {  	_ =	swait.ge [sflag:s13], $0xC80  }
0x154: {  	[sflag:s13] =	ssyncset.done $0x0  }
0x155: {  	[sflag:s13] =	ssyncadd.s32 $0xFFFFF380  }
0x156: {  	s11 =	sadd.s32 $0x618, s11;
	_ =	swait.ge [sflag:s13], $0xC80  }
0x157: {  	s12 =	smul.u32 $0x70, s12;
	s18 =	simm.s32 $0x64;
	[sflag:s13] =	ssyncset.done $0x0  }
0x158: {  	s15 =	simm.s32 $0x19200;
	s17 =	rddreg [dreg:$0x4];
	[sflag:s13] =	ssyncadd.s32 $0xFFFFF380  }
0x159: {  	[tilespmem:s15], [sflag:$0x8] =	stream.indirect.gather [hbm4b:s17+s18], $0x80, s11, s18, $0xb8;
	[tilespmem:$0x1C400] =	vst v63  }
0x15a: {  	s15 =	rddreg [dreg:$0x3]  }
0x15b: {  	s16 =	simm.s32 $0x4;
	s11 =	sadd.s32 s15, s12  }
0x15c: {  	_ =	swait.ge [sflag:s16], $0x3200;
	s11 =	sshll.u32 s11, $0x4  }
0x15d: {  	s14 =	simm.s32 $0x10;
	s18 =	rddreg [dreg:$0x5];
	s17 =	sand.u32 $0x1FFFFD00, s11  }
0x15e: {  	s13 =	simm.s32 $0xCA00;
	[sflag:s16] =	ssyncset.done $0x0;
	s12 =	sadd.s32 s18, s17  }
0x15f: {  	s15 =	simm.s32 $0xCA80;
	[sflag:s16] =	ssyncadd.s32 $0xFFFFCE00;
	s16 =	sadd.s32 $0x0, s12  }
.LBB2_47:
0x160: {  	[hbm4b:s16+s2] =	stream.linear.scatter [tilespmem:s13], [sflag:$0xC], $0x40, $0x38;
	[tilespmem:$0x1C400] =	vst v63  }
0x161: {  	s16 =	smov.u32 s14;
	s13 =	smov.u32 s15;
	p0 =	sne.s32 s14, $0x310  }
.Ltmp22:
0x162: {  	s14 =	sadd.s32 $0x10, s14;
	(pc) =	sbr.rel @p0 .LBB2_47-.Ltmp22, $2  }
0x163: {  	_ =	sdelay $0x2  }
0x164: {  	s15 =	sadd.s32 $0x80, s15;
	s16 =	sadd.s32 s16, s12  }
0x165: {  	[hbm4b:s16+s2] =	stream.linear.scatter [tilespmem:s13], [sflag:$0xC], $0x40, $0x38;
	[tilespmem:$0x1C400] =	vst v63  }
0x166: {  	s12 =	rddreg [dreg:$0x7]  }
0x167: {  	s13 =	simm.s32 $0x10;
	s11 =	sadd.s32 s11, s12  }
0x168: {  	s14 =	simm.s32 $0xE380;
	s12 =	simm.s32 $0xE300;
	s15 =	sadd.s32 $0x0, s11  }
.LBB2_49:
0x169: {  	[hbm4b:s15+s2] =	stream.linear.scatter [tilespmem:s12], [sflag:$0xC], $0x40, $0x38;
	[tilespmem:$0x1C400] =	vst v63  }
0x16a: {  	s15 =	smov.u32 s13;
	s12 =	smov.u32 s14;
	p0 =	sne.s32 s13, $0x310  }
.Ltmp23:
0x16b: {  	s13 =	sadd.s32 $0x10, s13;
	(pc) =	sbr.rel @p0 .LBB2_49-.Ltmp23, $2  }
0x16c: {  	_ =	sdelay $0x2  }
0x16d: {  	s14 =	sadd.s32 $0x80, s14;
	s15 =	sadd.s32 s15, s11  }
0x16e: {  	s10 =	sadd.s32 $0x1, s10  }
0x16f: {  	p0 =	sne.s32 s10, $0xF  }
.Ltmp24:
0x170: {  	_ = 	snop;
	(pc) =	sbr.rel @p0 .LBB2_18-.Ltmp24, $2  }
0x171: {  	_ =	sdelay $0x2  }
0x172: {  	[hbm4b:s15+s2] =	stream.linear.scatter [tilespmem:s12], [sflag:$0xC], $0x40, $0x38;
	[tilespmem:$0x1C400] =	vst v63  }
0x173: {  	s10 =	simm.s32 $0x9  }
0x174: {  	_ =	swait.ge [sflag:s10], $0xC80  }
0x175: {  	[sflag:s10] =	ssyncset.done $0x0  }
0x176: {  	[sflag:s10] =	ssyncadd.s32 $0xFFFFF380  }
0x177: {  	_ =	swait.ge [sflag:s10], $0xC80  }
0x178: {  	[sflag:s10] =	ssyncset.done $0x0  }
0x179: {  	s18 =	simm.s32 $0x5;
	[sflag:s10] =	ssyncadd.s32 $0xFFFFF380  }
0x17a: {  	s11 =	simm.s32 $0x10;
	_ =	swait.ge [sflag:s18], $0x3200  }
0x17b: {  	s12 =	simm.s32 $0xFC80;
	[sflag:s18] =	ssyncset.done $0x0;
	s14 =	rddreg [dreg:$0xa]  }
0x17c: {  	s10 =	simm.s32 $0xFC00;
	[sflag:s18] =	ssyncadd.s32 $0xFFFFCE00;
	s13 =	sadd.s32 $0x0, s14  }
.LBB2_52:
0x17d: {  	[hbm4b:s13+s2] =	stream.linear.scatter [tilespmem:s10], [sflag:$0xD], $0x40, $0x38;
	[tilespmem:$0x1C400] =	vst v63  }
0x17e: {  	s13 =	smov.u32 s11;
	s10 =	smov.u32 s12;
	p0 =	sne.s32 s11, $0x310  }
.Ltmp25:
0x17f: {  	s11 =	sadd.s32 $0x10, s11;
	(pc) =	sbr.rel @p0 .LBB2_52-.Ltmp25, $2  }
0x180: {  	_ =	sdelay $0x2  }
0x181: {  	s12 =	sadd.s32 $0x80, s12;
	s13 =	sadd.s32 s13, s14  }
0x182: {  	[hbm4b:s13+s2] =	stream.linear.scatter [tilespmem:s10], [sflag:$0xD], $0x40, $0x38;
	[tilespmem:$0x1C400] =	vst v63  }
0x183: {  	s10 =	simm.s32 $0x11500;
	s14 =	rddreg [dreg:$0xb]  }
0x184: {  	s11 =	simm.s32 $0x10;
	s12 =	simm.s32 $0x11580;
	s13 =	sadd.s32 $0x0, s14  }
.LBB2_54:
0x185: {  	[hbm4b:s13+s2] =	stream.linear.scatter [tilespmem:s10], [sflag:$0xD], $0x40, $0x38;
	[tilespmem:$0x1C400] =	vst v63  }
0x186: {  	s13 =	smov.u32 s11;
	s10 =	smov.u32 s12;
	p0 =	sne.s32 s11, $0x310  }
.Ltmp26:
0x187: {  	s11 =	sadd.s32 $0x10, s11;
	(pc) =	sbr.rel @p0 .LBB2_54-.Ltmp26, $2  }
0x188: {  	_ =	sdelay $0x2  }
0x189: {  	s12 =	sadd.s32 $0x80, s12;
	s13 =	sadd.s32 s13, s14  }
0x18a: {  	[hbm4b:s13+s2] =	stream.linear.scatter [tilespmem:s10], [sflag:$0xD], $0x40, $0x38;
	[tilespmem:$0x1C400] =	vst v63  }
0x18b: {  	s17 =	simm.s32 $0xA  }
0x18c: {  	_ =	swait.ge [sflag:s17], $0xC80  }
0x18d: {  	[sflag:s17] =	ssyncset.done $0x0  }
0x18e: {  	[sflag:s17] =	ssyncadd.s32 $0xFFFFF380  }
0x18f: {  	_ =	swait.ge [sflag:s17], $0xC80  }
0x190: {  	[sflag:s17] =	ssyncset.done $0x0  }
0x191: {  	s18 =	simm.s32 $0x6;
	[sflag:s17] =	ssyncadd.s32 $0xFFFFF380  }
0x192: {  	s10 =	simm.s32 $0x12E00;
	_ =	swait.ge [sflag:s18], $0x3200  }
0x193: {  	s11 =	simm.s32 $0x10;
	[sflag:s18] =	ssyncset.done $0x0;
	s14 =	rddreg [dreg:$0xc]  }
0x194: {  	s12 =	simm.s32 $0x12E80;
	[sflag:s18] =	ssyncadd.s32 $0xFFFFCE00;
	s13 =	sadd.s32 $0x0, s14  }
.LBB2_56:
0x195: {  	[hbm4b:s13+s2] =	stream.linear.scatter [tilespmem:s10], [sflag:$0xE], $0x40, $0x38;
	[tilespmem:$0x1C400] =	vst v63  }
0x196: {  	s13 =	smov.u32 s11;
	s10 =	smov.u32 s12;
	p0 =	sne.s32 s11, $0x310  }
.Ltmp27:
0x197: {  	s11 =	sadd.s32 $0x10, s11;
	(pc) =	sbr.rel @p0 .LBB2_56-.Ltmp27, $2  }
0x198: {  	_ =	sdelay $0x2  }
0x199: {  	s12 =	sadd.s32 $0x80, s12;
	s13 =	sadd.s32 s13, s14  }
0x19a: {  	[hbm4b:s13+s2] =	stream.linear.scatter [tilespmem:s10], [sflag:$0xE], $0x40, $0x38;
	[tilespmem:$0x1C400] =	vst v63  }
0x19b: {  	s10 =	simm.s32 $0x14700;
	s14 =	rddreg [dreg:$0xd]  }
0x19c: {  	s11 =	simm.s32 $0x10;
	s12 =	simm.s32 $0x14780;
	s13 =	sadd.s32 $0x0, s14  }
.LBB2_58:
0x19d: {  	[hbm4b:s13+s2] =	stream.linear.scatter [tilespmem:s10], [sflag:$0xE], $0x40, $0x38;
	[tilespmem:$0x1C400] =	vst v63  }
0x19e: {  	s13 =	smov.u32 s11;
	s10 =	smov.u32 s12;
	p0 =	sne.s32 s11, $0x310  }
.Ltmp28:
0x19f: {  	s11 =	sadd.s32 $0x10, s11;
	(pc) =	sbr.rel @p0 .LBB2_58-.Ltmp28, $2  }
0x1a0: {  	_ =	sdelay $0x2  }
0x1a1: {  	s12 =	sadd.s32 $0x80, s12;
	s13 =	sadd.s32 s13, s14  }
0x1a2: {  	[hbm4b:s13+s2] =	stream.linear.scatter [tilespmem:s10], [sflag:$0xE], $0x40, $0x38;
	[tilespmem:$0x1C400] =	vst v63  }
0x1a3: {  	s17 =	simm.s32 $0xB  }
0x1a4: {  	_ =	swait.ge [sflag:s17], $0xC80  }
0x1a5: {  	[sflag:s17] =	ssyncset.done $0x0  }
0x1a6: {  	[sflag:s17] =	ssyncadd.s32 $0xFFFFF380  }
0x1a7: {  	_ =	swait.ge [sflag:s17], $0xC80  }
0x1a8: {  	[sflag:s17] =	ssyncset.done $0x0  }
0x1a9: {  	s18 =	simm.s32 $0x7;
	[sflag:s17] =	ssyncadd.s32 $0xFFFFF380  }
0x1aa: {  	s10 =	simm.s32 $0x16000;
	_ =	swait.ge [sflag:s18], $0x3200  }
0x1ab: {  	s11 =	simm.s32 $0x10;
	[sflag:s18] =	ssyncset.done $0x0;
	s14 =	rddreg [dreg:$0xe]  }
0x1ac: {  	s12 =	simm.s32 $0x16080;
	[sflag:s18] =	ssyncadd.s32 $0xFFFFCE00;
	s13 =	sadd.s32 $0x0, s14  }
.LBB2_60:
0x1ad: {  	[hbm4b:s13+s2] =	stream.linear.scatter [tilespmem:s10], [sflag:$0xF], $0x40, $0x38;
	[tilespmem:$0x1C400] =	vst v63  }
0x1ae: {  	s13 =	smov.u32 s11;
	s10 =	smov.u32 s12;
	p0 =	sne.s32 s11, $0x310  }
.Ltmp29:
0x1af: {  	s11 =	sadd.s32 $0x10, s11;
	(pc) =	sbr.rel @p0 .LBB2_60-.Ltmp29, $2  }
0x1b0: {  	_ =	sdelay $0x2  }
0x1b1: {  	s12 =	sadd.s32 $0x80, s12;
	s13 =	sadd.s32 s13, s14  }
0x1b2: {  	[hbm4b:s13+s2] =	stream.linear.scatter [tilespmem:s10], [sflag:$0xF], $0x40, $0x38;
	[tilespmem:$0x1C400] =	vst v63  }
0x1b3: {  	s10 =	simm.s32 $0x17900;
	s14 =	rddreg [dreg:$0xf]  }
0x1b4: {  	s11 =	simm.s32 $0x10;
	s12 =	simm.s32 $0x17980;
	s13 =	sadd.s32 $0x0, s14  }
.LBB2_62:
0x1b5: {  	[hbm4b:s13+s2] =	stream.linear.scatter [tilespmem:s10], [sflag:$0xF], $0x40, $0x38;
	[tilespmem:$0x1C400] =	vst v63  }
0x1b6: {  	s13 =	smov.u32 s11;
	s10 =	smov.u32 s12;
	p0 =	sne.s32 s11, $0x310  }
.Ltmp30:
0x1b7: {  	s11 =	sadd.s32 $0x10, s11;
	(pc) =	sbr.rel @p0 .LBB2_62-.Ltmp30, $2  }
0x1b8: {  	_ =	sdelay $0x2  }
0x1b9: {  	s12 =	sadd.s32 $0x80, s12;
	s13 =	sadd.s32 s13, s14  }
0x1ba: {  	[hbm4b:s13+s2] =	stream.linear.scatter [tilespmem:s10], [sflag:$0xF], $0x40, $0x38;
	[tilespmem:$0x1C400] =	vst v63  }
0x1bb: {  	s17 =	simm.s32 $0xC  }
0x1bc: {  	_ =	swait.ge [sflag:s17], $0xC80  }
0x1bd: {  	[sflag:s17] =	ssyncset.done $0x0  }
0x1be: {  	[sflag:s17] =	ssyncadd.s32 $0xFFFFF380  }
0x1bf: {  	_ =	swait.ge [sflag:s17], $0xC80  }
0x1c0: {  	[sflag:s17] =	ssyncset.done $0x0  }
0x1c1: {  	s18 =	simm.s32 $0x8;
	[sflag:s17] =	ssyncadd.s32 $0xFFFFF380  }
0x1c2: {  	s10 =	simm.s32 $0x19200;
	_ =	swait.ge [sflag:s18], $0x3200  }
0x1c3: {  	s11 =	simm.s32 $0x10;
	[sflag:s18] =	ssyncset.done $0x0;
	s14 =	rddreg [dreg:$0x10]  }
0x1c4: {  	s12 =	simm.s32 $0x19280;
	[sflag:s18] =	ssyncadd.s32 $0xFFFFCE00;
	s13 =	sadd.s32 $0x0, s14  }
.LBB2_64:
0x1c5: {  	[hbm4b:s13+s2] =	stream.linear.scatter [tilespmem:s10], [sflag:$0x10], $0x40, $0x38;
	[tilespmem:$0x1C400] =	vst v63  }
0x1c6: {  	s13 =	smov.u32 s11;
	s10 =	smov.u32 s12;
	p0 =	sne.s32 s11, $0x310  }
.Ltmp31:
0x1c7: {  	s11 =	sadd.s32 $0x10, s11;
	(pc) =	sbr.rel @p0 .LBB2_64-.Ltmp31, $2  }
0x1c8: {  	_ =	sdelay $0x2  }
0x1c9: {  	s12 =	sadd.s32 $0x80, s12;
	s13 =	sadd.s32 s13, s14  }
0x1ca: {  	[hbm4b:s13+s2] =	stream.linear.scatter [tilespmem:s10], [sflag:$0x10], $0x40, $0x38;
	[tilespmem:$0x1C400] =	vst v63  }
0x1cb: {  	s10 =	simm.s32 $0x1AB00;
	s14 =	rddreg [dreg:$0x11]  }
0x1cc: {  	s11 =	simm.s32 $0x10;
	s12 =	simm.s32 $0x1AB80;
	s13 =	sadd.s32 $0x0, s14  }
.LBB2_66:
0x1cd: {  	[hbm4b:s13+s2] =	stream.linear.scatter [tilespmem:s10], [sflag:$0x10], $0x40, $0x38;
	[tilespmem:$0x1C400] =	vst v63  }
0x1ce: {  	s13 =	smov.u32 s11;
	s10 =	smov.u32 s12;
	p0 =	sne.s32 s11, $0x310  }
.Ltmp32:
0x1cf: {  	s11 =	sadd.s32 $0x10, s11;
	(pc) =	sbr.rel @p0 .LBB2_66-.Ltmp32, $2  }
0x1d0: {  	_ =	sdelay $0x2  }
0x1d1: {  	s12 =	sadd.s32 $0x80, s12;
	s13 =	sadd.s32 s13, s14  }
0x1d2: {  	[hbm4b:s13+s2] =	stream.linear.scatter [tilespmem:s10], [sflag:$0x10], $0x40, $0x38;
	[tilespmem:$0x1C400] =	vst v63  }
0x1d3: {  	s18 =	simm.s32 $0xD  }
0x1d4: {  	_ =	swait.ge [sflag:s18], $0xC80  }
0x1d5: {  	[sflag:s18] =	ssyncset.done $0x0  }
0x1d6: {  	[sflag:s18] =	ssyncadd.s32 $0xFFFFF380  }
0x1d7: {  	_ =	swait.ge [sflag:s18], $0xC80  }
0x1d8: {  	[sflag:s18] =	ssyncset.done $0x0  }
0x1d9: {  	s11 =	simm.s32 $0xE;
	[sflag:s18] =	ssyncadd.s32 $0xFFFFF380  }
0x1da: {  	_ =	swait.ge [sflag:s11], $0xC80  }
0x1db: {  	[sflag:s11] =	ssyncset.done $0x0  }
0x1dc: {  	[sflag:s11] =	ssyncadd.s32 $0xFFFFF380  }
0x1dd: {  	_ =	swait.ge [sflag:s11], $0xC80  }
0x1de: {  	[sflag:s11] =	ssyncset.done $0x0  }
0x1df: {  	s12 =	simm.s32 $0xF;
	[sflag:s11] =	ssyncadd.s32 $0xFFFFF380  }
0x1e0: {  	_ =	swait.ge [sflag:s12], $0xC80  }
0x1e1: {  	[sflag:s12] =	ssyncset.done $0x0  }
0x1e2: {  	[sflag:s12] =	ssyncadd.s32 $0xFFFFF380  }
0x1e3: {  	_ =	swait.ge [sflag:s12], $0xC80  }
0x1e4: {  	[sflag:s12] =	ssyncset.done $0x0  }
0x1e5: {  	s13 =	simm.s32 $0x10;
	[sflag:s12] =	ssyncadd.s32 $0xFFFFF380  }
0x1e6: {  	_ =	swait.ge [sflag:s13], $0xC80  }
0x1e7: {  	[sflag:s13] =	ssyncset.done $0x0  }
0x1e8: {  	[sflag:s13] =	ssyncadd.s32 $0xFFFFF380  }
0x1e9: {  	_ =	swait.ge [sflag:s13], $0xC80  }
0x1ea: {  	s15 =	simm.s32 $0x11;
	[sflag:s13] =	ssyncset.done $0x0  }
0x1eb: {  	s11 =	simm.s32 $0x0;
	s14 =	rddreg [dreg:$0x18];
	[sflag:s13] =	ssyncadd.s32 $0xFFFFF380  }
0x1ec: {  	[tilespmem:s11], [sflag:$0x11] =	stream.linear.gather [hbm4b:s14+s11], $0x3400, $0x38;
	[tilespmem:$0x1C400] =	vst v63  }
0x1ed: {  	_ =	swait.ge [sflag:s15], $0x3400  }
0x1ee: {  	s10 =	simm.s32 $0x3400;
	[sflag:s15] =	ssyncset.done $0x0  }
0x1ef: {  	s13 =	simm.s32 $0x64;
	s12 =	rddreg [dreg:$0x4];
	[sflag:s15] =	ssyncadd.s32 $0xFFFFCC00  }
0x1f0: {  	[tilespmem:s10], [sflag:$0x1] =	stream.indirect.gather [hbm4b:s12+s13], $0x80, s11, s13, $0xb8;
	[tilespmem:$0x1C400] =	vst v63  }
0x1f1: {  	s16 =	simm.s32 $0x68;
	s14 =	simm.s32 $0x6600  }
0x1f2: {  	[tilespmem:s14], [sflag:$0x2] =	stream.indirect.gather [hbm4b:s12+s13], $0x80, s16, s13, $0xb8;
	[tilespmem:$0x1C400] =	vst v63  }
0x1f3: {  	s17 =	simm.s32 $0xD0;
	s18 =	simm.s32 $0x9800  }
0x1f4: {  	[tilespmem:s18], [sflag:$0x3] =	stream.indirect.gather [hbm4b:s12+s13], $0x80, s17, s13, $0xb8;
	[tilespmem:$0x1C400] =	vst v63  }
0x1f5: {  	s15 =	simm.s32 $0xCA00;
	s14 =	simm.s32 $0x138  }
0x1f6: {  	[tilespmem:s15], [sflag:$0x4] =	stream.indirect.gather [hbm4b:s12+s13], $0x80, s14, s13, $0xb8;
	[tilespmem:$0x1C400] =	vst v63  }
0x1f7: {  	s16 =	simm.s32 $0x1A0;
	s17 =	simm.s32 $0xFC00;
	s18 =	simm.s32 $0x1  }
0x1f8: {  	[tilespmem:s17], [sflag:$0x5] =	stream.indirect.gather [hbm4b:s12+s13], $0x80, s16, s13, $0xb8;
	[tilespmem:$0x1C400] =	vst v63  }
0x1f9: {  	_ =	swait.ge [sflag:s18], $0x3200  }
0x1fa: {  	s11 =	simm.s32 $0x10;
	[sflag:s18] =	ssyncset.done $0x0;
	s14 =	rddreg [dreg:$0x12]  }
0x1fb: {  	s12 =	simm.s32 $0x3480;
	[sflag:s18] =	ssyncadd.s32 $0xFFFFCE00;
	s13 =	sadd.s32 $0x0, s14  }
.LBB2_68:
0x1fc: {  	[hbm4b:s13+s2] =	stream.linear.scatter [tilespmem:s10], [sflag:$0x9], $0x40, $0x38;
	[tilespmem:$0x1C400] =	vst v63  }
0x1fd: {  	s13 =	smov.u32 s11;
	s10 =	smov.u32 s12;
	p0 =	sne.s32 s11, $0x310  }
.Ltmp33:
0x1fe: {  	s11 =	sadd.s32 $0x10, s11;
	(pc) =	sbr.rel @p0 .LBB2_68-.Ltmp33, $2  }
0x1ff: {  	_ =	sdelay $0x2  }
0x200: {  	s12 =	sadd.s32 $0x80, s12;
	s13 =	sadd.s32 s13, s14  }
0x201: {  	[hbm4b:s13+s2] =	stream.linear.scatter [tilespmem:s10], [sflag:$0x9], $0x40, $0x38;
	[tilespmem:$0x1C400] =	vst v63  }
0x202: {  	s10 =	simm.s32 $0x4D00  }
0x203: {  	s11 =	simm.s32 $0x10;
	s13 =	sadd.s32 $0x0, s19;
	s12 =	simm.s32 $0x4D80  }
.LBB2_70:
0x204: {  	[hbm4b:s13+s2] =	stream.linear.scatter [tilespmem:s10], [sflag:$0x9], $0x40, $0x38;
	[tilespmem:$0x1C400] =	vst v63  }
0x205: {  	s13 =	smov.u32 s11;
	s10 =	smov.u32 s12;
	p0 =	sne.s32 s11, $0x310  }
.Ltmp34:
0x206: {  	s11 =	sadd.s32 $0x10, s11;
	(pc) =	sbr.rel @p0 .LBB2_70-.Ltmp34, $2  }
0x207: {  	_ =	sdelay $0x2  }
0x208: {  	s12 =	sadd.s32 $0x80, s12;
	s13 =	sadd.s32 s13, s19  }
0x209: {  	[hbm4b:s13+s2] =	stream.linear.scatter [tilespmem:s10], [sflag:$0x9], $0x40, $0x38;
	[tilespmem:$0x1C400] =	vst v63  }
0x20a: {  	s16 =	rddreg [dreg:$0x4];
	s11 =	simm.s32 $0x64  }
0x20b: {  	s12 =	simm.s32 $0x208;
	s17 =	simm.s32 $0x12E00;
	s18 =	simm.s32 $0x2  }
0x20c: {  	[tilespmem:s17], [sflag:$0x6] =	stream.indirect.gather [hbm4b:s16+s11], $0x80, s12, s11, $0xb8;
	[tilespmem:$0x1C400] =	vst v63  }
0x20d: {  	_ =	swait.ge [sflag:s18], $0x3200  }
0x20e: {  	s10 =	simm.s32 $0x6600;
	s13 =	sadd.s32 $0x0, s20;
	[sflag:s18] =	ssyncset.done $0x0  }
0x20f: {  	s11 =	simm.s32 $0x10;
	s12 =	simm.s32 $0x6680;
	[sflag:s18] =	ssyncadd.s32 $0xFFFFCE00  }
.LBB2_72:
0x210: {  	[hbm4b:s13+s2] =	stream.linear.scatter [tilespmem:s10], [sflag:$0xA], $0x40, $0x38;
	[tilespmem:$0x1C400] =	vst v63  }
0x211: {  	s13 =	smov.u32 s11;
	s10 =	smov.u32 s12;
	p0 =	sne.s32 s11, $0x310  }
.Ltmp35:
0x212: {  	s11 =	sadd.s32 $0x10, s11;
	(pc) =	sbr.rel @p0 .LBB2_72-.Ltmp35, $2  }
0x213: {  	_ =	sdelay $0x2  }
0x214: {  	s12 =	sadd.s32 $0x80, s12;
	s13 =	sadd.s32 s13, s20  }
0x215: {  	[hbm4b:s13+s2] =	stream.linear.scatter [tilespmem:s10], [sflag:$0xA], $0x40, $0x38;
	[tilespmem:$0x1C400] =	vst v63  }
0x216: {  	s10 =	simm.s32 $0x7F00  }
0x217: {  	s11 =	simm.s32 $0x10;
	s13 =	sadd.s32 $0x0, s21;
	s12 =	simm.s32 $0x7F80  }
.LBB2_74:
0x218: {  	[hbm4b:s13+s2] =	stream.linear.scatter [tilespmem:s10], [sflag:$0xA], $0x40, $0x38;
	[tilespmem:$0x1C400] =	vst v63  }
0x219: {  	s13 =	smov.u32 s11;
	s10 =	smov.u32 s12;
	p0 =	sne.s32 s11, $0x310  }
.Ltmp36:
0x21a: {  	s11 =	sadd.s32 $0x10, s11;
	(pc) =	sbr.rel @p0 .LBB2_74-.Ltmp36, $2  }
0x21b: {  	_ =	sdelay $0x2  }
0x21c: {  	s12 =	sadd.s32 $0x80, s12;
	s13 =	sadd.s32 s13, s21  }
0x21d: {  	[hbm4b:s13+s2] =	stream.linear.scatter [tilespmem:s10], [sflag:$0xA], $0x40, $0x38;
	[tilespmem:$0x1C400] =	vst v63  }
0x21e: {  	s16 =	rddreg [dreg:$0x4];
	s11 =	simm.s32 $0x64  }
0x21f: {  	s12 =	simm.s32 $0x270;
	s17 =	simm.s32 $0x16000;
	s18 =	simm.s32 $0x3  }
0x220: {  	[tilespmem:s17], [sflag:$0x7] =	stream.indirect.gather [hbm4b:s16+s11], $0x80, s12, s11, $0xb8;
	[tilespmem:$0x1C400] =	vst v63  }
0x221: {  	_ =	swait.ge [sflag:s18], $0x3200  }
0x222: {  	s10 =	simm.s32 $0x9800;
	s13 =	sadd.s32 $0x0, s22;
	[sflag:s18] =	ssyncset.done $0x0  }
0x223: {  	s11 =	simm.s32 $0x10;
	s12 =	simm.s32 $0x9880;
	[sflag:s18] =	ssyncadd.s32 $0xFFFFCE00  }
.LBB2_76:
0x224: {  	[hbm4b:s13+s2] =	stream.linear.scatter [tilespmem:s10], [sflag:$0xB], $0x40, $0x38;
	[tilespmem:$0x1C400] =	vst v63  }
0x225: {  	s13 =	smov.u32 s11;
	s10 =	smov.u32 s12;
	p0 =	sne.s32 s11, $0x310  }
.Ltmp37:
0x226: {  	s11 =	sadd.s32 $0x10, s11;
	(pc) =	sbr.rel @p0 .LBB2_76-.Ltmp37, $2  }
0x227: {  	_ =	sdelay $0x2  }
0x228: {  	s12 =	sadd.s32 $0x80, s12;
	s13 =	sadd.s32 s13, s22  }
0x229: {  	[hbm4b:s13+s2] =	stream.linear.scatter [tilespmem:s10], [sflag:$0xB], $0x40, $0x38;
	[tilespmem:$0x1C400] =	vst v63  }
0x22a: {  	s10 =	simm.s32 $0xB100  }
0x22b: {  	s11 =	simm.s32 $0x10;
	s13 =	sadd.s32 $0x0, s23;
	s12 =	simm.s32 $0xB180  }
.LBB2_78:
0x22c: {  	[hbm4b:s13+s2] =	stream.linear.scatter [tilespmem:s10], [sflag:$0xB], $0x40, $0x38;
	[tilespmem:$0x1C400] =	vst v63  }
0x22d: {  	s13 =	smov.u32 s11;
	s10 =	smov.u32 s12;
	p0 =	sne.s32 s11, $0x310  }
.Ltmp38:
0x22e: {  	s11 =	sadd.s32 $0x10, s11;
	(pc) =	sbr.rel @p0 .LBB2_78-.Ltmp38, $2  }
0x22f: {  	_ =	sdelay $0x2  }
0x230: {  	s12 =	sadd.s32 $0x80, s12;
	s13 =	sadd.s32 s13, s23  }
0x231: {  	[hbm4b:s13+s2] =	stream.linear.scatter [tilespmem:s10], [sflag:$0xB], $0x40, $0x38;
	[tilespmem:$0x1C400] =	vst v63  }
0x232: {  	s16 =	rddreg [dreg:$0x4];
	s11 =	simm.s32 $0x64  }
0x233: {  	s12 =	simm.s32 $0x2D8;
	s17 =	simm.s32 $0x19200;
	s18 =	simm.s32 $0x4  }
0x234: {  	[tilespmem:s17], [sflag:$0x8] =	stream.indirect.gather [hbm4b:s16+s11], $0x80, s12, s11, $0xb8;
	[tilespmem:$0x1C400] =	vst v63  }
0x235: {  	_ =	swait.ge [sflag:s18], $0x3200  }
0x236: {  	s10 =	simm.s32 $0xCA00;
	s13 =	sadd.s32 $0x0, s24;
	[sflag:s18] =	ssyncset.done $0x0  }
0x237: {  	s11 =	simm.s32 $0x10;
	s12 =	simm.s32 $0xCA80;
	[sflag:s18] =	ssyncadd.s32 $0xFFFFCE00  }
.LBB2_80:
0x238: {  	[hbm4b:s13+s2] =	stream.linear.scatter [tilespmem:s10], [sflag:$0xC], $0x40, $0x38;
	[tilespmem:$0x1C400] =	vst v63  }
0x239: {  	s13 =	smov.u32 s11;
	s10 =	smov.u32 s12;
	p0 =	sne.s32 s11, $0x310  }
.Ltmp39:
0x23a: {  	s11 =	sadd.s32 $0x10, s11;
	(pc) =	sbr.rel @p0 .LBB2_80-.Ltmp39, $2  }
0x23b: {  	_ =	sdelay $0x2  }
0x23c: {  	s12 =	sadd.s32 $0x80, s12;
	s13 =	sadd.s32 s13, s24  }
0x23d: {  	[hbm4b:s13+s2] =	stream.linear.scatter [tilespmem:s10], [sflag:$0xC], $0x40, $0x38;
	[tilespmem:$0x1C400] =	vst v63  }
0x23e: {  	s10 =	simm.s32 $0x0;
	s11 =	simm.s32 $0xE300  }
0x23f: {  	s12 =	simm.s32 $0x10;
	s14 =	sadd.s32 $0x0, s25;
	s13 =	simm.s32 $0xE380  }
.LBB2_82:
0x240: {  	[hbm4b:s14+s10] =	stream.linear.scatter [tilespmem:s11], [sflag:$0xC], $0x40, $0x38;
	[tilespmem:$0x1C400] =	vst v63  }
0x241: {  	s14 =	smov.u32 s12;
	s11 =	smov.u32 s13;
	p0 =	sne.s32 s12, $0x310  }
.Ltmp40:
0x242: {  	s12 =	sadd.s32 $0x10, s12;
	(pc) =	sbr.rel @p0 .LBB2_82-.Ltmp40, $2  }
0x243: {  	_ =	sdelay $0x2  }
0x244: {  	s13 =	sadd.s32 $0x80, s13;
	s14 =	sadd.s32 s14, s25  }
0x245: {  	[hbm4b:s14+s10] =	stream.linear.scatter [tilespmem:s11], [sflag:$0xC], $0x40, $0x38;
	[tilespmem:$0x1C400] =	vst v63  }
.LBB2_84:
0x246: {  	s12 =	simm.s32 $0x9  }
0x247: {  	_ =	swait.ge [sflag:s12], $0xC80  }
0x248: {  	s11 =	smul.u32 $0xD00, s10;
	[sflag:s12] =	ssyncset.done $0x0  }
0x249: {  	[sflag:s12] =	ssyncadd.s32 $0xFFFFF380  }
0x24a: {  	s15 =	simm.s32 $0x64;
	s11 =	sshra.s32 s11, $0x2;
	_ =	swait.ge [sflag:s12], $0xC80  }
0x24b: {  	s16 =	simm.s32 $0x3400;
	s13 =	sadd.s32 $0x340, s11;
	[sflag:s12] =	ssyncset.done $0x0  }
0x24c: {  	s14 =	rddreg [dreg:$0x4];
	[sflag:s12] =	ssyncadd.s32 $0xFFFFF380;
	s12 =	smul.u32 $0x380, s10  }
0x24d: {  	[tilespmem:s16], [sflag:$0x1] =	stream.indirect.gather [hbm4b:s14+s15], $0x80, s13, s15, $0xb8;
	[tilespmem:$0x1C400] =	vst v63  }
0x24e: {  	s16 =	rddreg [dreg:$0x19]  }
0x24f: {  	s17 =	simm.s32 $0x5;
	s13 =	sadd.s32 s12, s16  }
0x250: {  	_ =	swait.ge [sflag:s17], $0x3200;
	s13 =	sshll.u32 s13, $0x4  }
0x251: {  	s15 =	simm.s32 $0xFC00;
	s18 =	rddreg [dreg:$0x5];
	s13 =	sand.u32 $0x1FFFFC00, s13  }
0x252: {  	s16 =	simm.s32 $0x10;
	[sflag:s17] =	ssyncset.done $0x0;
	s14 =	sadd.s32 s18, s13  }
0x253: {  	[sflag:s17] =	ssyncadd.s32 $0xFFFFCE00;
	s17 =	simm.s32 $0xFC80;
	s18 =	sadd.s32 $0x0, s14  }
.LBB2_85:
0x254: {  	[hbm4b:s18+s2] =	stream.linear.scatter [tilespmem:s15], [sflag:$0xD], $0x40, $0x38;
	[tilespmem:$0x1C400] =	vst v63  }
0x255: {  	s18 =	smov.u32 s16;
	s15 =	smov.u32 s17;
	p0 =	sne.s32 s16, $0x310  }
.Ltmp41:
0x256: {  	s16 =	sadd.s32 $0x10, s16;
	(pc) =	sbr.rel @p0 .LBB2_85-.Ltmp41, $2  }
0x257: {  	_ =	sdelay $0x2  }
0x258: {  	s17 =	sadd.s32 $0x80, s17;
	s18 =	sadd.s32 s18, s14  }
0x259: {  	[hbm4b:s18+s2] =	stream.linear.scatter [tilespmem:s15], [sflag:$0xD], $0x40, $0x38;
	[tilespmem:$0x1C400] =	vst v63  }
0x25a: {  	s14 =	rddreg [dreg:$0x7]  }
0x25b: {  	s15 =	simm.s32 $0x10;
	s13 =	sadd.s32 s13, s14  }
0x25c: {  	s16 =	simm.s32 $0x11580;
	s14 =	simm.s32 $0x11500;
	s17 =	sadd.s32 $0x0, s13  }
.LBB2_87:
0x25d: {  	[hbm4b:s17+s2] =	stream.linear.scatter [tilespmem:s14], [sflag:$0xD], $0x40, $0x38;
	[tilespmem:$0x1C400] =	vst v63  }
0x25e: {  	s17 =	smov.u32 s15;
	s14 =	smov.u32 s16;
	p0 =	sne.s32 s15, $0x310  }
.Ltmp42:
0x25f: {  	s15 =	sadd.s32 $0x10, s15;
	(pc) =	sbr.rel @p0 .LBB2_87-.Ltmp42, $2  }
0x260: {  	_ =	sdelay $0x2  }
0x261: {  	s16 =	sadd.s32 $0x80, s16;
	s17 =	sadd.s32 s17, s13  }
0x262: {  	[hbm4b:s17+s2] =	stream.linear.scatter [tilespmem:s14], [sflag:$0xD], $0x40, $0x38;
	[tilespmem:$0x1C400] =	vst v63  }
0x263: {  	s13 =	simm.s32 $0xA  }
0x264: {  	_ =	swait.ge [sflag:s13], $0xC80  }
0x265: {  	[sflag:s13] =	ssyncset.done $0x0  }
0x266: {  	[sflag:s13] =	ssyncadd.s32 $0xFFFFF380  }
0x267: {  	_ =	swait.ge [sflag:s13], $0xC80  }
0x268: {  	s17 =	sadd.s32 $0x3A8, s11;
	s15 =	simm.s32 $0x64;
	[sflag:s13] =	ssyncset.done $0x0  }
0x269: {  	s16 =	simm.s32 $0x6600;
	s18 =	rddreg [dreg:$0x4];
	[sflag:s13] =	ssyncadd.s32 $0xFFFFF380  }
0x26a: {  	[tilespmem:s16], [sflag:$0x2] =	stream.indirect.gather [hbm4b:s18+s15], $0x80, s17, s15, $0xb8;
	[tilespmem:$0x1C400] =	vst v63  }
0x26b: {  	s15 =	rddreg [dreg:$0x1a]  }
0x26c: {  	s16 =	simm.s32 $0x6;
	s13 =	sadd.s32 s12, s15  }
0x26d: {  	_ =	swait.ge [sflag:s16], $0x3200;
	s13 =	sshll.u32 s13, $0x4  }
0x26e: {  	[sflag:s16] =	ssyncset.done $0x0;
	s18 =	rddreg [dreg:$0x5];
	s17 =	sand.u32 $0x1FFFFB00, s13  }
0x26f: {  	s15 =	simm.s32 $0x12E00;
	[sflag:s16] =	ssyncadd.s32 $0xFFFFCE00;
	s14 =	sadd.s32 s18, s17  }
0x270: {  	s16 =	simm.s32 $0x10;
	s17 =	simm.s32 $0x12E80;
	s18 =	sadd.s32 $0x0, s14  }
.LBB2_89:
0x271: {  	[hbm4b:s18+s2] =	stream.linear.scatter [tilespmem:s15], [sflag:$0xE], $0x40, $0x38;
	[tilespmem:$0x1C400] =	vst v63  }
0x272: {  	s18 =	smov.u32 s16;
	s15 =	smov.u32 s17;
	p0 =	sne.s32 s16, $0x310  }
.Ltmp43:
0x273: {  	s16 =	sadd.s32 $0x10, s16;
	(pc) =	sbr.rel @p0 .LBB2_89-.Ltmp43, $2  }
0x274: {  	_ =	sdelay $0x2  }
0x275: {  	s17 =	sadd.s32 $0x80, s17;
	s18 =	sadd.s32 s18, s14  }
0x276: {  	[hbm4b:s18+s2] =	stream.linear.scatter [tilespmem:s15], [sflag:$0xE], $0x40, $0x38;
	[tilespmem:$0x1C400] =	vst v63  }
0x277: {  	s14 =	rddreg [dreg:$0x7]  }
0x278: {  	s15 =	simm.s32 $0x10;
	s13 =	sadd.s32 s13, s14  }
0x279: {  	s16 =	simm.s32 $0x14780;
	s14 =	simm.s32 $0x14700;
	s17 =	sadd.s32 $0x0, s13  }
.LBB2_91:
0x27a: {  	[hbm4b:s17+s2] =	stream.linear.scatter [tilespmem:s14], [sflag:$0xE], $0x40, $0x38;
	[tilespmem:$0x1C400] =	vst v63  }
0x27b: {  	s17 =	smov.u32 s15;
	s14 =	smov.u32 s16;
	p0 =	sne.s32 s15, $0x310  }
.Ltmp44:
0x27c: {  	s15 =	sadd.s32 $0x10, s15;
	(pc) =	sbr.rel @p0 .LBB2_91-.Ltmp44, $2  }
0x27d: {  	_ =	sdelay $0x2  }
0x27e: {  	s16 =	sadd.s32 $0x80, s16;
	s17 =	sadd.s32 s17, s13  }
0x27f: {  	[hbm4b:s17+s2] =	stream.linear.scatter [tilespmem:s14], [sflag:$0xE], $0x40, $0x38;
	[tilespmem:$0x1C400] =	vst v63  }
0x280: {  	s13 =	simm.s32 $0xB  }
0x281: {  	_ =	swait.ge [sflag:s13], $0xC80  }
0x282: {  	[sflag:s13] =	ssyncset.done $0x0  }
0x283: {  	[sflag:s13] =	ssyncadd.s32 $0xFFFFF380  }
0x284: {  	_ =	swait.ge [sflag:s13], $0xC80  }
0x285: {  	s17 =	sadd.s32 $0x410, s11;
	s15 =	simm.s32 $0x64;
	[sflag:s13] =	ssyncset.done $0x0  }
0x286: {  	s16 =	simm.s32 $0x9800;
	s18 =	rddreg [dreg:$0x4];
	[sflag:s13] =	ssyncadd.s32 $0xFFFFF380  }
0x287: {  	[tilespmem:s16], [sflag:$0x3] =	stream.indirect.gather [hbm4b:s18+s15], $0x80, s17, s15, $0xb8;
	[tilespmem:$0x1C400] =	vst v63  }
0x288: {  	s15 =	rddreg [dreg:$0x1b]  }
0x289: {  	s16 =	simm.s32 $0x7;
	s13 =	sadd.s32 s12, s15  }
0x28a: {  	_ =	swait.ge [sflag:s16], $0x3200;
	s13 =	sshll.u32 s13, $0x4  }
0x28b: {  	[sflag:s16] =	ssyncset.done $0x0;
	s18 =	rddreg [dreg:$0x5];
	s17 =	sand.u32 $0x1FFFFA00, s13  }
0x28c: {  	s15 =	simm.s32 $0x16000;
	[sflag:s16] =	ssyncadd.s32 $0xFFFFCE00;
	s14 =	sadd.s32 s18, s17  }
0x28d: {  	s16 =	simm.s32 $0x10;
	s17 =	simm.s32 $0x16080;
	s18 =	sadd.s32 $0x0, s14  }
.LBB2_93:
0x28e: {  	[hbm4b:s18+s2] =	stream.linear.scatter [tilespmem:s15], [sflag:$0xF], $0x40, $0x38;
	[tilespmem:$0x1C400] =	vst v63  }
0x28f: {  	s18 =	smov.u32 s16;
	s15 =	smov.u32 s17;
	p0 =	sne.s32 s16, $0x310  }
.Ltmp45:
0x290: {  	s16 =	sadd.s32 $0x10, s16;
	(pc) =	sbr.rel @p0 .LBB2_93-.Ltmp45, $2  }
0x291: {  	_ =	sdelay $0x2  }
0x292: {  	s17 =	sadd.s32 $0x80, s17;
	s18 =	sadd.s32 s18, s14  }
0x293: {  	[hbm4b:s18+s2] =	stream.linear.scatter [tilespmem:s15], [sflag:$0xF], $0x40, $0x38;
	[tilespmem:$0x1C400] =	vst v63  }
0x294: {  	s14 =	rddreg [dreg:$0x7]  }
0x295: {  	s15 =	simm.s32 $0x10;
	s13 =	sadd.s32 s13, s14  }
0x296: {  	s16 =	simm.s32 $0x17980;
	s14 =	simm.s32 $0x17900;
	s17 =	sadd.s32 $0x0, s13  }
.LBB2_95:
0x297: {  	[hbm4b:s17+s2] =	stream.linear.scatter [tilespmem:s14], [sflag:$0xF], $0x40, $0x38;
	[tilespmem:$0x1C400] =	vst v63  }
0x298: {  	s17 =	smov.u32 s15;
	s14 =	smov.u32 s16;
	p0 =	sne.s32 s15, $0x310  }
.Ltmp46:
0x299: {  	s15 =	sadd.s32 $0x10, s15;
	(pc) =	sbr.rel @p0 .LBB2_95-.Ltmp46, $2  }
0x29a: {  	_ =	sdelay $0x2  }
0x29b: {  	s16 =	sadd.s32 $0x80, s16;
	s17 =	sadd.s32 s17, s13  }
0x29c: {  	[hbm4b:s17+s2] =	stream.linear.scatter [tilespmem:s14], [sflag:$0xF], $0x40, $0x38;
	[tilespmem:$0x1C400] =	vst v63  }
0x29d: {  	s13 =	simm.s32 $0xC  }
0x29e: {  	_ =	swait.ge [sflag:s13], $0xC80  }
0x29f: {  	[sflag:s13] =	ssyncset.done $0x0  }
0x2a0: {  	[sflag:s13] =	ssyncadd.s32 $0xFFFFF380  }
0x2a1: {  	_ =	swait.ge [sflag:s13], $0xC80  }
0x2a2: {  	s17 =	sadd.s32 $0x478, s11;
	s15 =	simm.s32 $0x64;
	[sflag:s13] =	ssyncset.done $0x0  }
0x2a3: {  	s16 =	simm.s32 $0xCA00;
	s18 =	rddreg [dreg:$0x4];
	[sflag:s13] =	ssyncadd.s32 $0xFFFFF380  }
0x2a4: {  	[tilespmem:s16], [sflag:$0x4] =	stream.indirect.gather [hbm4b:s18+s15], $0x80, s17, s15, $0xb8;
	[tilespmem:$0x1C400] =	vst v63  }
0x2a5: {  	s15 =	rddreg [dreg:$0x1c]  }
0x2a6: {  	s16 =	simm.s32 $0x8;
	s13 =	sadd.s32 s12, s15  }
0x2a7: {  	_ =	swait.ge [sflag:s16], $0x3200;
	s13 =	sshll.u32 s13, $0x4  }
0x2a8: {  	[sflag:s16] =	ssyncset.done $0x0;
	s18 =	rddreg [dreg:$0x5];
	s17 =	sand.u32 $0x1FFFF900, s13  }
0x2a9: {  	s15 =	simm.s32 $0x19200;
	[sflag:s16] =	ssyncadd.s32 $0xFFFFCE00;
	s14 =	sadd.s32 s18, s17  }
0x2aa: {  	s16 =	simm.s32 $0x10;
	s17 =	simm.s32 $0x19280;
	s18 =	sadd.s32 $0x0, s14  }
.LBB2_97:
0x2ab: {  	[hbm4b:s18+s2] =	stream.linear.scatter [tilespmem:s15], [sflag:$0x10], $0x40, $0x38;
	[tilespmem:$0x1C400] =	vst v63  }
0x2ac: {  	s18 =	smov.u32 s16;
	s15 =	smov.u32 s17;
	p0 =	sne.s32 s16, $0x310  }
.Ltmp47:
0x2ad: {  	s16 =	sadd.s32 $0x10, s16;
	(pc) =	sbr.rel @p0 .LBB2_97-.Ltmp47, $2  }
0x2ae: {  	_ =	sdelay $0x2  }
0x2af: {  	s17 =	sadd.s32 $0x80, s17;
	s18 =	sadd.s32 s18, s14  }
0x2b0: {  	[hbm4b:s18+s2] =	stream.linear.scatter [tilespmem:s15], [sflag:$0x10], $0x40, $0x38;
	[tilespmem:$0x1C400] =	vst v63  }
0x2b1: {  	s14 =	rddreg [dreg:$0x7]  }
0x2b2: {  	s15 =	simm.s32 $0x10;
	s13 =	sadd.s32 s13, s14  }
0x2b3: {  	s16 =	simm.s32 $0x1AB80;
	s14 =	simm.s32 $0x1AB00;
	s17 =	sadd.s32 $0x0, s13  }
.LBB2_99:
0x2b4: {  	[hbm4b:s17+s2] =	stream.linear.scatter [tilespmem:s14], [sflag:$0x10], $0x40, $0x38;
	[tilespmem:$0x1C400] =	vst v63  }
0x2b5: {  	s17 =	smov.u32 s15;
	s14 =	smov.u32 s16;
	p0 =	sne.s32 s15, $0x310  }
.Ltmp48:
0x2b6: {  	s15 =	sadd.s32 $0x10, s15;
	(pc) =	sbr.rel @p0 .LBB2_99-.Ltmp48, $2  }
0x2b7: {  	_ =	sdelay $0x2  }
0x2b8: {  	s16 =	sadd.s32 $0x80, s16;
	s17 =	sadd.s32 s17, s13  }
0x2b9: {  	[hbm4b:s17+s2] =	stream.linear.scatter [tilespmem:s14], [sflag:$0x10], $0x40, $0x38;
	[tilespmem:$0x1C400] =	vst v63  }
0x2ba: {  	s13 =	simm.s32 $0xD  }
0x2bb: {  	_ =	swait.ge [sflag:s13], $0xC80  }
0x2bc: {  	[sflag:s13] =	ssyncset.done $0x0  }
0x2bd: {  	[sflag:s13] =	ssyncadd.s32 $0xFFFFF380  }
0x2be: {  	_ =	swait.ge [sflag:s13], $0xC80  }
0x2bf: {  	s17 =	sadd.s32 $0x4E0, s11;
	s15 =	simm.s32 $0x64;
	[sflag:s13] =	ssyncset.done $0x0  }
0x2c0: {  	s16 =	simm.s32 $0xFC00;
	s18 =	rddreg [dreg:$0x4];
	[sflag:s13] =	ssyncadd.s32 $0xFFFFF380  }
0x2c1: {  	[tilespmem:s16], [sflag:$0x5] =	stream.indirect.gather [hbm4b:s18+s15], $0x80, s17, s15, $0xb8;
	[tilespmem:$0x1C400] =	vst v63  }
0x2c2: {  	s16 =	rddreg [dreg:$0x1d]  }
0x2c3: {  	s17 =	simm.s32 $0x1;
	s13 =	sadd.s32 s12, s16  }
0x2c4: {  	_ =	swait.ge [sflag:s17], $0x3200;
	s13 =	sshll.u32 s13, $0x4  }
0x2c5: {  	s15 =	simm.s32 $0x3400;
	s18 =	rddreg [dreg:$0x5];
	s13 =	sand.u32 $0x1FFFF800, s13  }
0x2c6: {  	s16 =	simm.s32 $0x10;
	[sflag:s17] =	ssyncset.done $0x0;
	s14 =	sadd.s32 s18, s13  }
0x2c7: {  	[sflag:s17] =	ssyncadd.s32 $0xFFFFCE00;
	s17 =	simm.s32 $0x3480;
	s18 =	sadd.s32 $0x0, s14  }
.LBB2_101:
0x2c8: {  	[hbm4b:s18+s2] =	stream.linear.scatter [tilespmem:s15], [sflag:$0x9], $0x40, $0x38;
	[tilespmem:$0x1C400] =	vst v63  }
0x2c9: {  	s18 =	smov.u32 s16;
	s15 =	smov.u32 s17;
	p0 =	sne.s32 s16, $0x310  }
.Ltmp49:
0x2ca: {  	s16 =	sadd.s32 $0x10, s16;
	(pc) =	sbr.rel @p0 .LBB2_101-.Ltmp49, $2  }
0x2cb: {  	_ =	sdelay $0x2  }
0x2cc: {  	s17 =	sadd.s32 $0x80, s17;
	s18 =	sadd.s32 s18, s14  }
0x2cd: {  	[hbm4b:s18+s2] =	stream.linear.scatter [tilespmem:s15], [sflag:$0x9], $0x40, $0x38;
	[tilespmem:$0x1C400] =	vst v63  }
0x2ce: {  	s14 =	rddreg [dreg:$0x7]  }
0x2cf: {  	s15 =	simm.s32 $0x10;
	s13 =	sadd.s32 s13, s14  }
0x2d0: {  	s16 =	simm.s32 $0x4D80;
	s14 =	simm.s32 $0x4D00;
	s17 =	sadd.s32 $0x0, s13  }
.LBB2_103:
0x2d1: {  	[hbm4b:s17+s2] =	stream.linear.scatter [tilespmem:s14], [sflag:$0x9], $0x40, $0x38;
	[tilespmem:$0x1C400] =	vst v63  }
0x2d2: {  	s17 =	smov.u32 s15;
	s14 =	smov.u32 s16;
	p0 =	sne.s32 s15, $0x310  }
.Ltmp50:
0x2d3: {  	s15 =	sadd.s32 $0x10, s15;
	(pc) =	sbr.rel @p0 .LBB2_103-.Ltmp50, $2  }
0x2d4: {  	_ =	sdelay $0x2  }
0x2d5: {  	s16 =	sadd.s32 $0x80, s16;
	s17 =	sadd.s32 s17, s13  }
0x2d6: {  	[hbm4b:s17+s2] =	stream.linear.scatter [tilespmem:s14], [sflag:$0x9], $0x40, $0x38;
	[tilespmem:$0x1C400] =	vst v63  }
0x2d7: {  	s13 =	simm.s32 $0xE  }
0x2d8: {  	_ =	swait.ge [sflag:s13], $0xC80  }
0x2d9: {  	[sflag:s13] =	ssyncset.done $0x0  }
0x2da: {  	[sflag:s13] =	ssyncadd.s32 $0xFFFFF380  }
0x2db: {  	_ =	swait.ge [sflag:s13], $0xC80  }
0x2dc: {  	s17 =	sadd.s32 $0x548, s11;
	s15 =	simm.s32 $0x64;
	[sflag:s13] =	ssyncset.done $0x0  }
0x2dd: {  	s16 =	simm.s32 $0x12E00;
	s18 =	rddreg [dreg:$0x4];
	[sflag:s13] =	ssyncadd.s32 $0xFFFFF380  }
0x2de: {  	[tilespmem:s16], [sflag:$0x6] =	stream.indirect.gather [hbm4b:s18+s15], $0x80, s17, s15, $0xb8;
	[tilespmem:$0x1C400] =	vst v63  }
0x2df: {  	s15 =	rddreg [dreg:$0x1e]  }
0x2e0: {  	s16 =	simm.s32 $0x2;
	s13 =	sadd.s32 s12, s15  }
0x2e1: {  	_ =	swait.ge [sflag:s16], $0x3200;
	s13 =	sshll.u32 s13, $0x4  }
0x2e2: {  	[sflag:s16] =	ssyncset.done $0x0;
	s18 =	rddreg [dreg:$0x5];
	s17 =	sand.u32 $0x1FFFFF00, s13  }
0x2e3: {  	s15 =	simm.s32 $0x6600;
	[sflag:s16] =	ssyncadd.s32 $0xFFFFCE00;
	s14 =	sadd.s32 s18, s17  }
0x2e4: {  	s16 =	simm.s32 $0x10;
	s17 =	simm.s32 $0x6680;
	s18 =	sadd.s32 $0x0, s14  }
.LBB2_105:
0x2e5: {  	[hbm4b:s18+s2] =	stream.linear.scatter [tilespmem:s15], [sflag:$0xA], $0x40, $0x38;
	[tilespmem:$0x1C400] =	vst v63  }
0x2e6: {  	s18 =	smov.u32 s16;
	s15 =	smov.u32 s17;
	p0 =	sne.s32 s16, $0x310  }
.Ltmp51:
0x2e7: {  	s16 =	sadd.s32 $0x10, s16;
	(pc) =	sbr.rel @p0 .LBB2_105-.Ltmp51, $2  }
0x2e8: {  	_ =	sdelay $0x2  }
0x2e9: {  	s17 =	sadd.s32 $0x80, s17;
	s18 =	sadd.s32 s18, s14  }
0x2ea: {  	[hbm4b:s18+s2] =	stream.linear.scatter [tilespmem:s15], [sflag:$0xA], $0x40, $0x38;
	[tilespmem:$0x1C400] =	vst v63  }
0x2eb: {  	s14 =	rddreg [dreg:$0x7]  }
0x2ec: {  	s15 =	simm.s32 $0x10;
	s13 =	sadd.s32 s13, s14  }
0x2ed: {  	s16 =	simm.s32 $0x7F80;
	s14 =	simm.s32 $0x7F00;
	s17 =	sadd.s32 $0x0, s13  }
.LBB2_107:
0x2ee: {  	[hbm4b:s17+s2] =	stream.linear.scatter [tilespmem:s14], [sflag:$0xA], $0x40, $0x38;
	[tilespmem:$0x1C400] =	vst v63  }
0x2ef: {  	s17 =	smov.u32 s15;
	s14 =	smov.u32 s16;
	p0 =	sne.s32 s15, $0x310  }
.Ltmp52:
0x2f0: {  	s15 =	sadd.s32 $0x10, s15;
	(pc) =	sbr.rel @p0 .LBB2_107-.Ltmp52, $2  }
0x2f1: {  	_ =	sdelay $0x2  }
0x2f2: {  	s16 =	sadd.s32 $0x80, s16;
	s17 =	sadd.s32 s17, s13  }
0x2f3: {  	[hbm4b:s17+s2] =	stream.linear.scatter [tilespmem:s14], [sflag:$0xA], $0x40, $0x38;
	[tilespmem:$0x1C400] =	vst v63  }
0x2f4: {  	s13 =	simm.s32 $0xF  }
0x2f5: {  	_ =	swait.ge [sflag:s13], $0xC80  }
0x2f6: {  	[sflag:s13] =	ssyncset.done $0x0  }
0x2f7: {  	[sflag:s13] =	ssyncadd.s32 $0xFFFFF380  }
0x2f8: {  	_ =	swait.ge [sflag:s13], $0xC80  }
0x2f9: {  	s17 =	sadd.s32 $0x5B0, s11;
	s15 =	simm.s32 $0x64;
	[sflag:s13] =	ssyncset.done $0x0  }
0x2fa: {  	s16 =	simm.s32 $0x16000;
	s18 =	rddreg [dreg:$0x4];
	[sflag:s13] =	ssyncadd.s32 $0xFFFFF380  }
0x2fb: {  	[tilespmem:s16], [sflag:$0x7] =	stream.indirect.gather [hbm4b:s18+s15], $0x80, s17, s15, $0xb8;
	[tilespmem:$0x1C400] =	vst v63  }
0x2fc: {  	s15 =	rddreg [dreg:$0x1f]  }
0x2fd: {  	s16 =	simm.s32 $0x3;
	s13 =	sadd.s32 s12, s15  }
0x2fe: {  	_ =	swait.ge [sflag:s16], $0x3200;
	s13 =	sshll.u32 s13, $0x4  }
0x2ff: {  	[sflag:s16] =	ssyncset.done $0x0;
	s18 =	rddreg [dreg:$0x5];
	s17 =	sand.u32 $0x1FFFFE00, s13  }
0x300: {  	s15 =	simm.s32 $0x9800;
	[sflag:s16] =	ssyncadd.s32 $0xFFFFCE00;
	s14 =	sadd.s32 s18, s17  }
0x301: {  	s16 =	simm.s32 $0x10;
	s17 =	simm.s32 $0x9880;
	s18 =	sadd.s32 $0x0, s14  }
.LBB2_109:
0x302: {  	[hbm4b:s18+s2] =	stream.linear.scatter [tilespmem:s15], [sflag:$0xB], $0x40, $0x38;
	[tilespmem:$0x1C400] =	vst v63  }
0x303: {  	s18 =	smov.u32 s16;
	s15 =	smov.u32 s17;
	p0 =	sne.s32 s16, $0x310  }
.Ltmp53:
0x304: {  	s16 =	sadd.s32 $0x10, s16;
	(pc) =	sbr.rel @p0 .LBB2_109-.Ltmp53, $2  }
0x305: {  	_ =	sdelay $0x2  }
0x306: {  	s17 =	sadd.s32 $0x80, s17;
	s18 =	sadd.s32 s18, s14  }
0x307: {  	[hbm4b:s18+s2] =	stream.linear.scatter [tilespmem:s15], [sflag:$0xB], $0x40, $0x38;
	[tilespmem:$0x1C400] =	vst v63  }
0x308: {  	s14 =	rddreg [dreg:$0x7]  }
0x309: {  	s15 =	simm.s32 $0x10;
	s13 =	sadd.s32 s13, s14  }
0x30a: {  	s16 =	simm.s32 $0xB180;
	s14 =	simm.s32 $0xB100;
	s17 =	sadd.s32 $0x0, s13  }
.LBB2_111:
0x30b: {  	[hbm4b:s17+s2] =	stream.linear.scatter [tilespmem:s14], [sflag:$0xB], $0x40, $0x38;
	[tilespmem:$0x1C400] =	vst v63  }
0x30c: {  	s17 =	smov.u32 s15;
	s14 =	smov.u32 s16;
	p0 =	sne.s32 s15, $0x310  }
.Ltmp54:
0x30d: {  	s15 =	sadd.s32 $0x10, s15;
	(pc) =	sbr.rel @p0 .LBB2_111-.Ltmp54, $2  }
0x30e: {  	_ =	sdelay $0x2  }
0x30f: {  	s16 =	sadd.s32 $0x80, s16;
	s17 =	sadd.s32 s17, s13  }
0x310: {  	[hbm4b:s17+s2] =	stream.linear.scatter [tilespmem:s14], [sflag:$0xB], $0x40, $0x38;
	[tilespmem:$0x1C400] =	vst v63  }
0x311: {  	s13 =	simm.s32 $0x10  }
0x312: {  	_ =	swait.ge [sflag:s13], $0xC80  }
0x313: {  	[sflag:s13] =	ssyncset.done $0x0  }
0x314: {  	[sflag:s13] =	ssyncadd.s32 $0xFFFFF380  }
0x315: {  	_ =	swait.ge [sflag:s13], $0xC80  }
0x316: {  	s11 =	sadd.s32 $0x618, s11;
	s18 =	simm.s32 $0x64;
	[sflag:s13] =	ssyncset.done $0x0  }
0x317: {  	s15 =	simm.s32 $0x19200;
	s17 =	rddreg [dreg:$0x4];
	[sflag:s13] =	ssyncadd.s32 $0xFFFFF380  }
0x318: {  	[tilespmem:s15], [sflag:$0x8] =	stream.indirect.gather [hbm4b:s17+s18], $0x80, s11, s18, $0xb8;
	[tilespmem:$0x1C400] =	vst v63  }
0x319: {  	s15 =	sld [smem:$0x7FD];
	_ =	sdelay $0x2  }
0x31a: {  	s16 =	simm.s32 $0x4;
	s11 =	sadd.s32 s12, s15  }
0x31b: {  	_ =	swait.ge [sflag:s16], $0x3200;
	s11 =	sshll.u32 s11, $0x4  }
0x31c: {  	s14 =	simm.s32 $0x10;
	s18 =	rddreg [dreg:$0x5];
	s17 =	sand.u32 $0x1FFFFD00, s11  }
0x31d: {  	s13 =	simm.s32 $0xCA00;
	[sflag:s16] =	ssyncset.done $0x0;
	s12 =	sadd.s32 s18, s17  }
0x31e: {  	[sflag:s16] =	ssyncadd.s32 $0xFFFFCE00;
	s15 =	simm.s32 $0xCA80;
	s16 =	sadd.s32 $0x0, s12  }
.LBB2_113:
0x31f: {  	[hbm4b:s16+s2] =	stream.linear.scatter [tilespmem:s13], [sflag:$0xC], $0x40, $0x38;
	[tilespmem:$0x1C400] =	vst v63  }
0x320: {  	s16 =	smov.u32 s14;
	s13 =	smov.u32 s15;
	p0 =	sne.s32 s14, $0x310  }
.Ltmp55:
0x321: {  	s14 =	sadd.s32 $0x10, s14;
	(pc) =	sbr.rel @p0 .LBB2_113-.Ltmp55, $2  }
0x322: {  	_ =	sdelay $0x2  }
0x323: {  	s15 =	sadd.s32 $0x80, s15;
	s16 =	sadd.s32 s16, s12  }
0x324: {  	[hbm4b:s16+s2] =	stream.linear.scatter [tilespmem:s13], [sflag:$0xC], $0x40, $0x38;
	[tilespmem:$0x1C400] =	vst v63  }
0x325: {  	s12 =	rddreg [dreg:$0x7]  }
0x326: {  	s13 =	simm.s32 $0x10;
	s11 =	sadd.s32 s11, s12  }
0x327: {  	s14 =	simm.s32 $0xE380;
	s12 =	simm.s32 $0xE300;
	s15 =	sadd.s32 $0x0, s11  }
.LBB2_115:
0x328: {  	[hbm4b:s15+s2] =	stream.linear.scatter [tilespmem:s12], [sflag:$0xC], $0x40, $0x38;
	[tilespmem:$0x1C400] =	vst v63  }
0x329: {  	s15 =	smov.u32 s13;
	s12 =	smov.u32 s14;
	p0 =	sne.s32 s13, $0x310  }
.Ltmp56:
0x32a: {  	s13 =	sadd.s32 $0x10, s13;
	(pc) =	sbr.rel @p0 .LBB2_115-.Ltmp56, $2  }
0x32b: {  	_ =	sdelay $0x2  }
0x32c: {  	s14 =	sadd.s32 $0x80, s14;
	s15 =	sadd.s32 s15, s11  }
0x32d: {  	s10 =	sadd.s32 $0x1, s10  }
0x32e: {  	p0 =	sne.s32 s10, $0xF  }
.Ltmp57:
0x32f: {  	_ = 	snop;
	(pc) =	sbr.rel @p0 .LBB2_84-.Ltmp57, $2  }
0x330: {  	_ =	sdelay $0x2  }
0x331: {  	[hbm4b:s15+s2] =	stream.linear.scatter [tilespmem:s12], [sflag:$0xC], $0x40, $0x38;
	[tilespmem:$0x1C400] =	vst v63  }
0x332: {  	s10 =	simm.s32 $0x9  }
0x333: {  	_ =	swait.ge [sflag:s10], $0xC80  }
0x334: {  	[sflag:s10] =	ssyncset.done $0x0  }
0x335: {  	[sflag:s10] =	ssyncadd.s32 $0xFFFFF380  }
0x336: {  	_ =	swait.ge [sflag:s10], $0xC80  }
0x337: {  	[sflag:s10] =	ssyncset.done $0x0  }
0x338: {  	s18 =	simm.s32 $0x5;
	[sflag:s10] =	ssyncadd.s32 $0xFFFFF380  }
0x339: {  	s11 =	simm.s32 $0x10;
	_ =	swait.ge [sflag:s18], $0x3200  }
0x33a: {  	s13 =	sadd.s32 $0x0, s26;
	s12 =	simm.s32 $0xFC80;
	[sflag:s18] =	ssyncset.done $0x0  }
0x33b: {  	s10 =	simm.s32 $0xFC00;
	s14 =	rddreg [dreg:$0x8];
	[sflag:s18] =	ssyncadd.s32 $0xFFFFCE00  }
.LBB2_118:
0x33c: {  	[hbm4b:s13+s2] =	stream.linear.scatter [tilespmem:s10], [sflag:$0xD], $0x40, $0x38;
	[tilespmem:$0x1C400] =	vst v63  }
0x33d: {  	s13 =	smov.u32 s11;
	s10 =	smov.u32 s12;
	p0 =	sne.s32 s11, $0x310  }
.Ltmp58:
0x33e: {  	s11 =	sadd.s32 $0x10, s11;
	(pc) =	sbr.rel @p0 .LBB2_118-.Ltmp58, $2  }
0x33f: {  	_ =	sdelay $0x2  }
0x340: {  	s12 =	sadd.s32 $0x80, s12;
	s13 =	sadd.s32 s13, s26  }
0x341: {  	[hbm4b:s13+s2] =	stream.linear.scatter [tilespmem:s10], [sflag:$0xD], $0x40, $0x38;
	[tilespmem:$0x1C400] =	vst v63  }
0x342: {  	s10 =	simm.s32 $0x11500;
	s11 =	simm.s32 $0x10  }
0x343: {  	s13 =	sadd.s32 $0x0, s28;
	s12 =	simm.s32 $0x11580;
	s15 =	rddreg [dreg:$0x9]  }
.LBB2_120:
0x344: {  	[hbm4b:s13+s2] =	stream.linear.scatter [tilespmem:s10], [sflag:$0xD], $0x40, $0x38;
	[tilespmem:$0x1C400] =	vst v63  }
0x345: {  	s13 =	smov.u32 s11;
	s10 =	smov.u32 s12;
	p0 =	sne.s32 s11, $0x310  }
.Ltmp59:
0x346: {  	s11 =	sadd.s32 $0x10, s11;
	(pc) =	sbr.rel @p0 .LBB2_120-.Ltmp59, $2  }
0x347: {  	_ =	sdelay $0x2  }
0x348: {  	s12 =	sadd.s32 $0x80, s12;
	s13 =	sadd.s32 s13, s28  }
0x349: {  	[hbm4b:s13+s2] =	stream.linear.scatter [tilespmem:s10], [sflag:$0xD], $0x40, $0x38;
	[tilespmem:$0x1C400] =	vst v63  }
0x34a: {  	s17 =	simm.s32 $0xA  }
0x34b: {  	_ =	swait.ge [sflag:s17], $0xC80  }
0x34c: {  	[sflag:s17] =	ssyncset.done $0x0  }
0x34d: {  	[sflag:s17] =	ssyncadd.s32 $0xFFFFF380  }
0x34e: {  	_ =	swait.ge [sflag:s17], $0xC80  }
0x34f: {  	[sflag:s17] =	ssyncset.done $0x0  }
0x350: {  	s18 =	simm.s32 $0x6;
	[sflag:s17] =	ssyncadd.s32 $0xFFFFF380  }
0x351: {  	_ =	swait.ge [sflag:s18], $0x3200  }
0x352: {  	s10 =	simm.s32 $0x12E00;
	s11 =	simm.s32 $0x10;
	[sflag:s18] =	ssyncset.done $0x0  }
0x353: {  	s13 =	sadd.s32 $0x0, s29;
	s12 =	simm.s32 $0x12E80;
	[sflag:s18] =	ssyncadd.s32 $0xFFFFCE00  }
.LBB2_122:
0x354: {  	[hbm4b:s13+s2] =	stream.linear.scatter [tilespmem:s10], [sflag:$0xE], $0x40, $0x38;
	[tilespmem:$0x1C400] =	vst v63  }
0x355: {  	s13 =	smov.u32 s11;
	s10 =	smov.u32 s12;
	p0 =	sne.s32 s11, $0x310  }
.Ltmp60:
0x356: {  	s11 =	sadd.s32 $0x10, s11;
	(pc) =	sbr.rel @p0 .LBB2_122-.Ltmp60, $2  }
0x357: {  	_ =	sdelay $0x2  }
0x358: {  	s12 =	sadd.s32 $0x80, s12;
	s13 =	sadd.s32 s13, s29  }
0x359: {  	[hbm4b:s13+s2] =	stream.linear.scatter [tilespmem:s10], [sflag:$0xE], $0x40, $0x38;
	[tilespmem:$0x1C400] =	vst v63  }
0x35a: {  	s10 =	simm.s32 $0x14700  }
0x35b: {  	s11 =	simm.s32 $0x10;
	s13 =	sadd.s32 $0x0, s30;
	s12 =	simm.s32 $0x14780  }
.LBB2_124:
0x35c: {  	[hbm4b:s13+s2] =	stream.linear.scatter [tilespmem:s10], [sflag:$0xE], $0x40, $0x38;
	[tilespmem:$0x1C400] =	vst v63  }
0x35d: {  	s13 =	smov.u32 s11;
	s10 =	smov.u32 s12;
	p0 =	sne.s32 s11, $0x310  }
.Ltmp61:
0x35e: {  	s11 =	sadd.s32 $0x10, s11;
	(pc) =	sbr.rel @p0 .LBB2_124-.Ltmp61, $2  }
0x35f: {  	_ =	sdelay $0x2  }
0x360: {  	s12 =	sadd.s32 $0x80, s12;
	s13 =	sadd.s32 s13, s30  }
0x361: {  	[hbm4b:s13+s2] =	stream.linear.scatter [tilespmem:s10], [sflag:$0xE], $0x40, $0x38;
	[tilespmem:$0x1C400] =	vst v63  }
0x362: {  	s17 =	simm.s32 $0xB  }
0x363: {  	_ =	swait.ge [sflag:s17], $0xC80  }
0x364: {  	[sflag:s17] =	ssyncset.done $0x0  }
0x365: {  	[sflag:s17] =	ssyncadd.s32 $0xFFFFF380  }
0x366: {  	_ =	swait.ge [sflag:s17], $0xC80  }
0x367: {  	[sflag:s17] =	ssyncset.done $0x0  }
0x368: {  	s18 =	simm.s32 $0x7;
	[sflag:s17] =	ssyncadd.s32 $0xFFFFF380  }
0x369: {  	_ =	swait.ge [sflag:s18], $0x3200  }
0x36a: {  	s10 =	simm.s32 $0x16000;
	s11 =	simm.s32 $0x10;
	[sflag:s18] =	ssyncset.done $0x0  }
0x36b: {  	s13 =	sadd.s32 $0x0, s31;
	s12 =	simm.s32 $0x16080;
	[sflag:s18] =	ssyncadd.s32 $0xFFFFCE00  }
.LBB2_126:
0x36c: {  	[hbm4b:s13+s2] =	stream.linear.scatter [tilespmem:s10], [sflag:$0xF], $0x40, $0x38;
	[tilespmem:$0x1C400] =	vst v63  }
0x36d: {  	s13 =	smov.u32 s11;
	s10 =	smov.u32 s12;
	p0 =	sne.s32 s11, $0x310  }
.Ltmp62:
0x36e: {  	s11 =	sadd.s32 $0x10, s11;
	(pc) =	sbr.rel @p0 .LBB2_126-.Ltmp62, $2  }
0x36f: {  	_ =	sdelay $0x2  }
0x370: {  	s12 =	sadd.s32 $0x80, s12;
	s13 =	sadd.s32 s13, s31  }
0x371: {  	[hbm4b:s13+s2] =	stream.linear.scatter [tilespmem:s10], [sflag:$0xF], $0x40, $0x38;
	[tilespmem:$0x1C400] =	vst v63  }
0x372: {  	s10 =	simm.s32 $0x17900  }
0x373: {  	s11 =	simm.s32 $0x10;
	s13 =	sadd.s32 $0x0, s0;
	s12 =	simm.s32 $0x17980  }
.LBB2_128:
0x374: {  	[hbm4b:s13+s2] =	stream.linear.scatter [tilespmem:s10], [sflag:$0xF], $0x40, $0x38;
	[tilespmem:$0x1C400] =	vst v63  }
0x375: {  	s13 =	smov.u32 s11;
	s10 =	smov.u32 s12;
	p0 =	sne.s32 s11, $0x310  }
.Ltmp63:
0x376: {  	s11 =	sadd.s32 $0x10, s11;
	(pc) =	sbr.rel @p0 .LBB2_128-.Ltmp63, $2  }
0x377: {  	_ =	sdelay $0x2  }
0x378: {  	s12 =	sadd.s32 $0x80, s12;
	s13 =	sadd.s32 s13, s0  }
0x379: {  	[hbm4b:s13+s2] =	stream.linear.scatter [tilespmem:s10], [sflag:$0xF], $0x40, $0x38;
	[tilespmem:$0x1C400] =	vst v63  }
0x37a: {  	s17 =	simm.s32 $0xC  }
0x37b: {  	_ =	swait.ge [sflag:s17], $0xC80  }
0x37c: {  	[sflag:s17] =	ssyncset.done $0x0  }
0x37d: {  	[sflag:s17] =	ssyncadd.s32 $0xFFFFF380  }
0x37e: {  	_ =	swait.ge [sflag:s17], $0xC80  }
0x37f: {  	[sflag:s17] =	ssyncset.done $0x0  }
0x380: {  	s18 =	simm.s32 $0x8;
	[sflag:s17] =	ssyncadd.s32 $0xFFFFF380  }
0x381: {  	_ =	swait.ge [sflag:s18], $0x3200  }
0x382: {  	s10 =	simm.s32 $0x19200;
	s11 =	simm.s32 $0x10;
	[sflag:s18] =	ssyncset.done $0x0  }
0x383: {  	s13 =	sadd.s32 $0x0, s1;
	s12 =	simm.s32 $0x19280;
	[sflag:s18] =	ssyncadd.s32 $0xFFFFCE00  }
.LBB2_130:
0x384: {  	[hbm4b:s13+s2] =	stream.linear.scatter [tilespmem:s10], [sflag:$0x10], $0x40, $0x38;
	[tilespmem:$0x1C400] =	vst v63  }
0x385: {  	s13 =	smov.u32 s11;
	s10 =	smov.u32 s12;
	p0 =	sne.s32 s11, $0x310  }
.Ltmp64:
0x386: {  	s11 =	sadd.s32 $0x10, s11;
	(pc) =	sbr.rel @p0 .LBB2_130-.Ltmp64, $2  }
0x387: {  	_ =	sdelay $0x2  }
0x388: {  	s12 =	sadd.s32 $0x80, s12;
	s13 =	sadd.s32 s13, s1  }
0x389: {  	[hbm4b:s13+s2] =	stream.linear.scatter [tilespmem:s10], [sflag:$0x10], $0x40, $0x38;
	[tilespmem:$0x1C400] =	vst v63  }
0x38a: {  	s10 =	simm.s32 $0x1AB00  }
0x38b: {  	s11 =	simm.s32 $0x10;
	s13 =	sadd.s32 $0x0, s6;
	s12 =	simm.s32 $0x1AB80  }
.LBB2_132:
0x38c: {  	[hbm4b:s13+s2] =	stream.linear.scatter [tilespmem:s10], [sflag:$0x10], $0x40, $0x38;
	[tilespmem:$0x1C400] =	vst v63  }
0x38d: {  	s13 =	smov.u32 s11;
	s10 =	smov.u32 s12;
	p0 =	sne.s32 s11, $0x310  }
.Ltmp65:
0x38e: {  	s11 =	sadd.s32 $0x10, s11;
	(pc) =	sbr.rel @p0 .LBB2_132-.Ltmp65, $2  }
0x38f: {  	_ =	sdelay $0x2  }
0x390: {  	s12 =	sadd.s32 $0x80, s12;
	s13 =	sadd.s32 s13, s6  }
0x391: {  	[hbm4b:s13+s2] =	stream.linear.scatter [tilespmem:s10], [sflag:$0x10], $0x40, $0x38;
	[tilespmem:$0x1C400] =	vst v63  }
0x392: {  	s13 =	simm.s32 $0xD  }
0x393: {  	_ =	swait.ge [sflag:s13], $0xC80  }
0x394: {  	[sflag:s13] =	ssyncset.done $0x0  }
0x395: {  	[sflag:s13] =	ssyncadd.s32 $0xFFFFF380  }
0x396: {  	_ =	swait.ge [sflag:s13], $0xC80  }
0x397: {  	[sflag:s13] =	ssyncset.done $0x0  }
0x398: {  	s16 =	simm.s32 $0xE;
	[sflag:s13] =	ssyncadd.s32 $0xFFFFF380  }
0x399: {  	_ =	swait.ge [sflag:s16], $0xC80  }
0x39a: {  	[sflag:s16] =	ssyncset.done $0x0  }
0x39b: {  	[sflag:s16] =	ssyncadd.s32 $0xFFFFF380  }
0x39c: {  	_ =	swait.ge [sflag:s16], $0xC80  }
0x39d: {  	[sflag:s16] =	ssyncset.done $0x0  }
0x39e: {  	s17 =	simm.s32 $0xF;
	[sflag:s16] =	ssyncadd.s32 $0xFFFFF380  }
0x39f: {  	_ =	swait.ge [sflag:s17], $0xC80  }
0x3a0: {  	[sflag:s17] =	ssyncset.done $0x0  }
0x3a1: {  	[sflag:s17] =	ssyncadd.s32 $0xFFFFF380  }
0x3a2: {  	_ =	swait.ge [sflag:s17], $0xC80  }
0x3a3: {  	[sflag:s17] =	ssyncset.done $0x0  }
0x3a4: {  	s11 =	simm.s32 $0x10;
	[sflag:s17] =	ssyncadd.s32 $0xFFFFF380  }
0x3a5: {  	_ =	swait.ge [sflag:s11], $0xC80  }
0x3a6: {  	[sflag:s11] =	ssyncset.done $0x0  }
0x3a7: {  	[sflag:s11] =	ssyncadd.s32 $0xFFFFF380  }
0x3a8: {  	_ =	swait.ge [sflag:s11], $0xC80  }
0x3a9: {  	s12 =	sld [smem:$0x7FC];
	_ =	sdelay $0x2  }
0x3aa: {  	s18 =	rddreg [dreg:$0x13];
	s12 =	sadd.s32 $0x1, s12  }
0x3ab: {  	p0 =	sne.s32 s12, s18  }
.Ltmp66:
0x3ac: {  	_ = 	snop;
	(pc) =	sbr.rel @p0 .LBB2_1-.Ltmp66, $3  }
0x3ad: {  	_ =	sdelay $0x1  }
0x3ae: {  	[sflag:s11] =	ssyncset.done $0x0  }
0x3af: {  	[sflag:s11] =	ssyncadd.s32 $0xFFFFF380  }
0x3b0: {  	_ =	sfence.sel $0x180000  }
0x3b1: {  	[bflag:$0x0] =	sbarrier.arrive $0xFFFF  }
0x3b2: {  	_ =	strace $0x90000047  }
0x3b3: {  	s0 =	stileid.u32;
	[bflag:$0x2] =	sbarrier.arrive $0xFFFF  }
0x3b4: {  	p0 =	sne.s32 s0, $0x0;
	s0 =	rddreg [dreg:$0x2]  }
0x3b5: {  	s0 =	sadd.s32 @!p0 $0x100000, s0  }
0x3b6: {  	[sflag:s0] =	ssyncadd.tile.s32 @!p0 $0x1;
	_ =	shalt  }
.Lfunc_end2:
_tile_overlayer_lowered:
.L_overlay_start_2:
0x3b7: {  	(tag) =	ssettag $0x2  }
0x3b8: {  	s0 =	rddreg [dreg:$0x0];
	s2 =	stileid.u32  }
0x3b9: {  	s1 =	rddreg [dreg:$0x1];
	p0 =	sne.s32 s2, $0x0  }
0x3ba: {  	s3 =	rddreg [dreg:$0x2];
	[bflag:$0x3] =	sbarrier.arrive $0xFFFF;
	s2 =	simm.s32 @!p0 $0x1C11  }
0x3bb: {  	[timem:s3], [sflag:s2] =	dma.local @!p0 [hbm:s0], s1  }
0x3bc: {  	s0 =	simm.s32 @!p0 $0x11  }
0x3bd: {  	_ =	swait.ge @!p0 [sflag:s0], s1  }
0x3be: {  	s1 =	ssub.s32 @!p0 $0x0, s1;
	[sflag:s0] =	ssyncset.done @!p0 $0x0  }
0x3bf: {  	[sflag:s0] =	ssyncadd.s32 @!p0 s1  }
0x3c0: {  	[bflag:$0x3] =	sbarrier.arrive $0xFFFF  }
0x3c1: {  	_ =	shalt  }

// kernel: sparse-core-data-format-call.cloned.1.call-start
scs
called_computation_lowered:
.L_overlay_start_0:
0x0: {  	s2 =	sld [smem:$0x3FD9]  }
0x1: {  	s3 =	sld [smem:$0x3FFE];
	_ =	sdelay $0x1  }
0x2: {  	s1 =	srdreg.scid  }
0x3: {  	s0 =	sand.u32 $0x1, s1  }
0x4: {  	s18 =	sshll.u32 s0, $0xA;
	s2 =	sadd.s32 s3, s2  }
0x5: {  	s2 =	sadd.s32 s2, s18  }
0x6: {  	[smem:$0x3FC6] =	sst s2  }
0x7: {  	_ = 	snop  }
0x8: {  	s2 =	sld [smem:$0x3FD0];
	(tm) =	ssettm $0x1  }
0x9: {  	s19 =	sld [smem:$0x3FFB];
	_ =	sdelay $0x3  }
0xa: {  	_ =	strace s19  }
0xb: {  	s3 =	sld [smem:$0x3FFC];
	_ =	sdelay $0x3  }
0xc: {  	_ =	strace s3  }
0xd: {  	s3 =	sld [smem:$0x3FFD];
	_ =	sdelay $0x3  }
0xe: {  	_ =	strace s3  }
0xf: {  	_ =	strace $0x8FFFFFFF  }
0x10: {  	s20 =	sld [smem:$0x3FDB];
	_ =	sdelay $0x1  }
0x11: {  	s4 =	simm.s32 $_scs_section_size  }
0x12: {  	s5 =	simm.s32 $_size__tile_overlayer_lowered;
	s6 =	simm.s32 $_tile_overlayer_lowered  }
0x13: {  	s23 =	simm.s32 $0x1BFF;
	s22 =	sshll.u32 s6, $0x1;
	s3 =	sadd.s32 s4, s20  }
0x14: {  	s7 =	simm.s32 $0x0;
	s21 =	sshll.u32 s5, $0x1;
	s5 =	sadd.s32 s22, s3  }
0x15: {  	[timem:s7], [sflag:s23] =	dma.local [hbm:s5], s21  }
0x16: {  	_ =	swait.ge [sflag:s23], s21  }
0x17: {  	s4 =	ssub.s32 $0x0, s21;
	[sflag:s23] =	ssyncset.done $0x0  }
0x18: {  	[sflag:s23] =	ssyncadd.s32 s4;
	_ =	sdelay $0x1  }
0x19: {  	s24 =	simm.s32 $0x1B8B  }
0x1a: {  	_ =	swait.ge [sflag:s24], $0x1  }
0x1b: {  	[sflag:s24] =	ssyncset.done $0x0  }
0x1c: {  	s26 =	simm.s32 $0x1B8E;
	s25 =	sld [smem:$0x3FFE];
	[sflag:s24] =	ssyncadd.s32 $0xFFFFFFFF  }
0x1d: {  	s27 =	simm.s32 $execute0_lowered;
	[smem:$0x3FD2] =	sst s26  }
0x1e: {  	s5 =	sshll.u32 s27, $0x1;
	_ =	strace $0x80000049;
	[dreg:$0x1] =	wrdreg $0xFFFFFFFF  }
0x1f: {  	s28 =	simm.s32 $_size_execute0_lowered;
	s3 =	sadd.s32 s3, s5;
	[dreg:$0x0] =	wrdreg $0x0  }
0x20: {  	s5 =	sshll.u32 s28, $0x1;
	[dreg:$0x2] =	wrdreg s3  }
0x21: {  	[dreg:$0x3] =	wrdreg s5  }
0x22: {  	[dreg:$0x4] =	wrdreg $0xC0  }
0x23: {  	_ =	task [dreg:s7], $0x5FFFF  }
0x24: {  	[dreg:$0x1] =	wrdreg $0xFFFFFFFF  }
0x25: {  	[dreg:$0x0] =	wrdreg $0x60  }
0x26: {  	[dreg:$0x2] =	wrdreg s25  }
0x27: {  	[dreg:$0x3] =	wrdreg s2  }
0x28: {  	[dreg:$0x4] =	wrdreg $0x9  }
0x29: {  	_ =	task.clear_ibuf [dreg:s7], $0x5FFFF;
	_ =	strace $0x90000049  }
0x2a: {  	s29 =	simm.s32 $0x9;
	_ =	strace $0x8000004B  }
0x2b: {  	_ =	swait.ge [sflag:s29], $0x1  }
0x2c: {  	[sflag:s29] =	ssyncadd.s32 $0xFFFFFFFF  }
0x2d: {  	_ =	strace $0x9000004B  }
0x2e: {  	_ =	sfence  }
0x2f: {  	s30 =	sld [smem:$0x0];
	_ =	sdelay $0x2  }
0x30: {  	s31 =	sshll.u32 s1, $0xD;
	s1 =	sshrl.u32 s1, $0x2  }
0x31: {  	s3 =	sand.u32 $0x4000, s31;
	s1 =	sadd.s32 s1, s30  }
0x32: {  	s0 =	sor.u32 s3, s0;
	s1 =	sshll.u32 s1, $0x11  }
0x33: {  	s0 =	sor.u32 s1, s0  }
0x34: {  	s0 =	sadd.s32 $0x8F2B, s0  }
0x35: {  	[sflag:s0] =	ssyncadd.remote.s32 $0x1  }
0x36: {  	_ =	sfence.sel $0xFFFF  }
0x37: {  	[dreg:$0x0] =	wrdreg $0xFFFFFFFF;
	(pc) =	sbr.abs _section_cstart, $3  }
0x38: {  	[dreg:$0x1] =	wrdreg $0xFFFFFFFF  }
0x39: {  	_ =	task.clear_ibuf [dreg:s7], $0x2FFFF;
	_ =	strace $0x9FFFFFFF  }
0x3a: {  	(tm) =	ssettm $0x7FFFFFFF  }
0x3b: {  	_ =	shalt  }
tec
execute0_lowered:
.L_overlay_start_1:
0x0: {  	(tag) =	ssettag $0x1  }
0x1: {  	s0 =	srdreg.scid  }
0x2: {  	s1 =	sshll.u32 s0, $0x4  }
0x3: {  	s0 =	stileid.u32;
	s1 =	sand.u32 $0x10, s1  }
0x4: {  	s1 =	sor.u32 s0, s1  }
0x5: {  	s6 =	rddreg [dreg:$0x0];
	s4 =	simm.s32 $0x1;
	s2 =	sshll.u32 s1, $0x7  }
0x6: {  	s7 =	simm.s32 $0x2;
	s12 =	simm.s32 $0x0;
	s1 =	ssub.s32 $0x4000, s2  }
0x7: {  	s8 =	simm.s32 $0x20000;
	s13 =	simm.s32 $0x0;
	s3 =	sand.u32 $0xF80, s1  }
0x8: {  	s9 =	simm.s32 $0x0;
	s5 =	sshrl.u32 s1, $0xC;
	p0 =	sne.s32 s3, $0x0  }
.Ltmp0:
0x9: {  	s1 =	rddreg [dreg:$0x2];
	s4 =	simm.s32 @!p0 $0x0;
	(pc) =	sbr.rel .LBB1_1-.Ltmp0, $4  }
0xa: {  	s11 =	simm.s32 $0x0;
	s3 =	rddreg [dreg:$0x1];
	s5 =	sadd.s32 s4, s5  }
0xb: {  	_ =	strace $0x8000004A;
	s4 =	simm.s32 $0x1;
	s5 =	smul.u32 $0x32, s5  }
0xc: {  	s6 =	sadd.s32 $0xA00, s6;
	s10 =	smov.u32 s2;
	[sflag:s4] =	ssyncpa.u1 $0x0  }
0xd: {  	p0 =	por $0x0, $0x0;
	[sflag:s7] =	ssyncpa.u1 $0x0;
	s7 =	sor.u32 $0x1, s5  }
.LBB1_4:
0xe: {  	s16 =	sshll.u32 s13, $0x3;
	s17 =	sand.u32 $0x78, s13  }
0xf: {  	s30 =	sand.u32 $0x1F800, s13;
	s12 =	sshll.u32 s12, $0x11;
	s16 =	sand.u32 $0x3C00, s16  }
0x10: {  	[tilespmem:s15+$0x810 ss:$0x81] =	vst.msk $0xffff, v2;
	s31 =	sand.u32 $0x7, s13;
	s16 =	sor.u32 s17, s16;
	s17 =	sadd.s32 s3, s30  }
0x11: {  	[tilespmem:s15+$0x1020 ss:$0x81] =	vst.msk $0xffff, v0;
	s13 =	sshll.u32 s31, $0x12;
	s12 =	sadd.s32 s12, s17;
	s16 =	sshrl.u32 s16, $0x3  }
0x12: {  	[tilespmem:s15+$0x0 ss:$0x81] =	vst.msk $0xffff, v1;
	s13 =	sor.u32 $0x400, s13;
	s12 =	sadd.s32 s16, s12  }
0x13: {  	[hbm4b:s12+s13] =	stream.strided.scatter [tilespmem:s14], [sflag:$0x2], $0x2000, s8, s13, $0x20;
	[tilespmem:$0x8080] =	vst v63  }
.LBB1_5:
0x14: {  	s14 =	sadd.s32 $0x1, s9  }
0x15: {  	s12 =	sadd.s32 $0x1000, s10;
	s16 =	smov.u32 s10;
	p2 =	sgt.s32 s14, $0x31  }
0x16: {  	s16 =	smov.u32 @p2 s12  }
0x17: {  	s14 =	simm.s32 @p2 $0x0;
	p2 =	sgt.s32 s16, $0x3FFF  }
0x18: {  	s16 =	smov.u32 @p2 s2;
	p2 =	sne.s32 s11, s7  }
.Ltmp1:
0x19: {  	p1 =	slt.u32 s11, $0x2;
	(pc) =	sbr.rel @!p2 .LBB1_6-.Ltmp1, $4  }
0x1a: {  	s15 =	simm.s32 @!p1 $0x2  }
0x1b: {  	s13 =	smov.u32 s10;
	p0 =	por !p0, !p0;
	_ =	swait.ge @!p1 [sflag:s15], $0x2000  }
0x1c: {  	s12 =	smov.u32 s9;
	[sflag:s15] =	ssyncset.done @!p1 $0x0;
	s9 =	smov.u32 s14  }
0x1d: {  	s11 =	sadd.s32 $0x1, s11;
	[sflag:s15] =	ssyncadd.s32 @!p1 $0xFFFFE000;
	s10 =	smov.u32 s16  }
.LBB1_1:
0x1e: {  	p1 =	sge.u32 s11, s5  }
0x1f: {  	s14 =	sand.u32 @!p1 $0x1FFFFFF, s9  }
0x20: {  	s15 =	smulhi.u32 @!p1 $0x4924925, s14;
	_ =	sdelay $0x1  }
0x21: {  	s15 =	smul.u32 @!p1 $0x38, s15  }
0x22: {  	s16 =	sxor.u32 @!p1 $0xFFFFFFFF, s11;
	s17 =	smul.u32 @!p1 $0x380, s10  }
0x23: {  	s31 =	sadd.s32 $0xFFFFFFFF, s11;
	s16 =	sshll.u32 @!p1 s16, $0xD;
	s14 =	ssub.s32 @!p1 s14, s15  }
0x24: {  	s15 =	sand.u32 @!p1 $0x2000, s16;
	s16 =	sadd.s32 @!p1 s6, s17;
	s14 =	sshll.u32 @!p1 s14, $0x4  }
0x25: {  	s17 =	simm.s32 @!p1 $0x1C00;
	s14 =	sadd.s32 @!p1 s14, s16;
	s16 =	simm.s32 @!p1 $0x40  }
0x26: {  	[tilespmem:s15], [sflag:$0x1] =	stream.strided.gather @!p1 [hbm4b:s14+s16], $0x2000, s17, s16, $0x38;
	[tilespmem:$0x8080] =	vst v63  }
0x27: {  	p1 =	sge.u32 s31, s5  }
.Ltmp2:
0x28: {  	_ = 	snop;
	(pc) =	sbr.rel @p1 .LBB1_5-.Ltmp2, $1  }
0x29: {  	_ =	sdelay $0x3  }
0x2a: {  	s14 =	simm.s32 $0x1  }
0x2b: {  	_ =	swait.ge [sflag:s4], $0x2000;
	s14 =	simm.s32 @!p0 $0x0  }
0x2c: {  	[sflag:s4] =	ssyncset.done $0x0;
	s15 =	sshll.u32 s14, $0xD  }
0x2d: {  	[sflag:s4] =	ssyncadd.s32 $0xFFFFE000;
	s18 =	sor.u32 $0x20, s15  }
0x2e: {  	s14 =	smul.u32 $0x8100, s14;
	v3 =	vld [tilespmem:s18+$0x10]  }
0x2f: {  	s30 =	sand.u32 $0x1, s11;
	v2 =	vld [tilespmem:s18+$0xFFFFFFF0]  }
0x30: {  	s15 =	smul.u32 $0x8100, s30;
	s14 =	sshrl.u32 s14, $0x2;
	v0 =	vld [tilespmem:s18+$0x0]  }
0x31: {  	v1 =	vld [tilespmem:s18+$0xFFFFFFE0];
	s16 =	sor.u32 $0x4000, s14  }
0x32: {  	s31 =	sshrl.u32 s15, $0x2;
	s15 =	sadd.s32 $0x0, s16  }
0x33: {  	s17 =	simm.s32 $0x4;
	s18 =	sadd.s32 $0x40, s18;
	s14 =	sor.u32 $0x4000, s31;
	[tilespmem:s15+$0x1830 ss:$0x81] =	vst.msk $0xffff, v3  }
.LBB1_3:
0x34: {  	v3 =	vld [tilespmem:s18+$0x10];
	p1 =	sne.s32 s17, $0x1FC;
	[tilespmem:s15+$0x810 ss:$0x81] =	vst.msk $0xffff, v2;
	s19 =	smov.u32 s17;
	s17 =	sadd.s32 $0x4, s17  }
.Ltmp3:
0x35: {  	v2 =	vld [tilespmem:s18+$0xFFFFFFF0];
	[tilespmem:s15+$0x1020 ss:$0x81] =	vst.msk $0xffff, v0;
	(pc) =	sbr.rel @p1 .LBB1_3-.Ltmp3, $4  }
0x36: {  	v0 =	vld [tilespmem:s18+$0x0];
	[tilespmem:s15+$0x0 ss:$0x81] =	vst.msk $0xffff, v1  }
0x37: {  	s15 =	sshra.s32 s19, $0x2;
	v1 =	vld [tilespmem:s18+$0xFFFFFFE0]  }
0x38: {  	s15 =	sadd.s32 s15, s16  }
0x39: {  	s18 =	sadd.s32 $0x40, s18;
	[tilespmem:s15+$0x1830 ss:$0x81] =	vst.msk $0xffff, v3  }
.Ltmp4:
0x3a: {  	_ = 	snop;
	(pc) =	sbr.rel .LBB1_4-.Ltmp4, $1  }
0x3b: {  	_ =	sdelay $0x3  }
.LBB1_6:
0x3c: {  	_ =	sfence.sel $0x180000  }
0x3d: {  	s2 =	simm.s32 $0x1;
	[bflag:$0x0] =	sbarrier.arrive $0xFFFF  }
0x3e: {  	s31 =	simm.s32 $0x2;
	[sflag:s2] =	ssyncpa.u1 $0x1  }
0x3f: {  	[sflag:s31] =	ssyncpa.u1 $0x1  }
0x40: {  	p0 =	sne.s32 s0, $0x0;
	_ =	strace $0x9000004A  }
0x41: {  	s0 =	sadd.s32 @!p0 $0x100000, s1;
	[bflag:$0x2] =	sbarrier.arrive $0xFFFF  }
0x42: {  	[sflag:s0] =	ssyncadd.tile.s32 @!p0 $0x1;
	_ =	shalt  }
.Lfunc_end1:
_tile_overlayer_lowered:
.L_overlay_start_2:
0x43: {  	(tag) =	ssettag $0x2  }
0x44: {  	s0 =	rddreg [dreg:$0x0];
	s2 =	stileid.u32  }
0x45: {  	s1 =	rddreg [dreg:$0x1];
	p0 =	sne.s32 s2, $0x0  }
0x46: {  	s3 =	rddreg [dreg:$0x2];
	[bflag:$0x3] =	sbarrier.arrive $0xFFFF;
	s2 =	simm.s32 @!p0 $0x1C01  }
0x47: {  	[timem:s3], [sflag:s2] =	dma.local @!p0 [hbm:s0], s1  }
0x48: {  	s0 =	simm.s32 @!p0 $0x1  }
0x49: {  	_ =	swait.ge @!p0 [sflag:s0], s1  }
0x4a: {  	s1 =	ssub.s32 @!p0 $0x0, s1;
	[sflag:s0] =	ssyncset.done @!p0 $0x0  }
0x4b: {  	[sflag:s0] =	ssyncadd.s32 @!p0 s1  }
0x4c: {  	[bflag:$0x3] =	sbarrier.arrive $0xFFFF  }
0x4d: {  	_ =	shalt  }

</sc_bundles>
